<compile_context>
chip_gen: v7x
topology: tpu7x:2x2x1
jax: 0.10.2.dev20260603
libtpu: 0.0.44.dev20260713+nightly
codegen_flags: <defaults>
</compile_context>

<pallas_src>
import functools

import jax
import jax.numpy as jnp
from jax import lax
from jax.experimental import pallas as pl
from jax.experimental.pallas import tpu as pltpu
from jax.experimental.pallas import tpu_sc as plsc

_NC = 2
_NS = 16
_NW = _NC * _NS
_LANES = 16
_VPAD = 1 << 20


def _sc_hist(text2d, n_bags):
    n_tok = text2d.shape[0] * 128
    total_rows = (n_tok - n_bags) // 128
    hrows = ((total_rows + _NW - 1) // _NW + 7) // 8 * 8
    nact = total_rows // hrows
    zslice = _VPAD // _NS
    assert (n_tok - n_bags) % 128 == 0 and n_bags % 128 == 0
    assert nact * hrows == total_rows and nact <= _NW

    mesh = plsc.VectorSubcoreMesh(core_axis_name="c", subcore_axis_name="s")

    @functools.partial(
        pl.kernel,
        mesh=mesh,
        out_type=jax.ShapeDtypeStruct((2 * _VPAD,), jnp.float32),
        scratch_types=[
            pltpu.VMEM((hrows, 128), jnp.int32),
            pltpu.VMEM((128,), jnp.float32),
            pltpu.VMEM((16384,), jnp.float32),
            pltpu.VMEM_SHARED((_VPAD,), jnp.float32),
            pltpu.SemaphoreType.DMA,
            pltpu.SemaphoreType.DMA,
        ],
        compiler_params=pltpu.CompilerParams(needs_layout_passes=False),
    )
    def k(text_hbm, counts_hbm, hidx, ones, zbuf, csp, semi, semsc):
        cid = lax.axis_index("c")
        sid = lax.axis_index("s")
        wid = sid * _NC + cid

        row0 = n_bags // 128 + wid * hrows
        idxcp = pltpu.make_async_copy(
            text_hbm.at[pl.ds(row0, hrows), :], hidx, semi)
        @pl.when(wid < nact)
        def _():
            idxcp.start()

        zeros16 = jnp.zeros((_LANES,), jnp.float32)
        def zinit(i, _):
            zbuf[pl.ds(i * _LANES, _LANES)] = zeros16
            return 0
        lax.fori_loop(0, 16384 // _LANES, zinit, 0)
        def zcp(i, _):
            pltpu.sync_copy(
                zbuf, csp.at[pl.ds(sid * zslice + i * 16384, 16384)])
            return 0
        lax.fori_loop(0, zslice // 16384, zcp, 0)
        def onesinit(i, _):
            ones[pl.ds(i * _LANES, _LANES)] = jnp.full((_LANES,), 1.0, jnp.float32)
            return 0
        lax.fori_loop(0, 128 // _LANES, onesinit, 0)
        plsc.subcore_barrier()

        @pl.when(wid < nact)
        def _():
            idxcp.wait()

            def hrow(j, _):
                pltpu.async_copy(ones, csp.at[hidx.at[j]], semsc, add=True)

                @pl.when(j >= 8)
                def _():
                    pltpu.make_async_copy(ones, csp.at[hidx.at[0]], semsc).wait()
                return 0
            lax.fori_loop(0, hrows, hrow, 0)

            def hdrain(j, _):
                pltpu.make_async_copy(ones, csp.at[hidx.at[0]], semsc).wait()
                return 0
            lax.fori_loop(0, min(8, hrows), hdrain, 0)

        plsc.subcore_barrier()
        pltpu.sync_copy(
            csp.at[pl.ds(sid * zslice, zslice)],
            counts_hbm.at[pl.ds(cid * _VPAD + sid * zslice, zslice)],
        )

    return k(text2d)


def _sc_gather(text, embT, n_bags):
    embed = embT.shape[0]
    egrp = embed // _LANES
    bpw = n_bags // _NW
    ngrp = bpw // _LANES
    assert n_bags % (_NW * _LANES) == 0

    mesh = plsc.VectorSubcoreMesh(core_axis_name="c", subcore_axis_name="s")

    @functools.partial(
        pl.kernel,
        mesh=mesh,
        out_type=jax.ShapeDtypeStruct((n_bags, embed), jnp.float32),
        scratch_types=[
            pltpu.VMEM((bpw,), jnp.int32),
            pltpu.VMEM((embed, 128), jnp.float32),
            pltpu.VMEM((embed, 128), jnp.float32),
            pltpu.VMEM((embed, 128), jnp.float32),
            pltpu.VMEM((embed, 128), jnp.float32),
            pltpu.VMEM((bpw, embed), jnp.float32),
            pltpu.SemaphoreType.DMA,
            pltpu.SemaphoreType.DMA,
            pltpu.SemaphoreType.DMA,
            pltpu.SemaphoreType.DMA,
        ],
        compiler_params=pltpu.CompilerParams(needs_layout_passes=False),
    )
    def k(text_hbm, embT_hbm, gath_hbm,
          idxa, blk0, blk1, blk2, blk3, rows, sem0, sem1, sem2, sem3):
        cid = lax.axis_index("c")
        sid = lax.axis_index("s")
        wid = sid * _NC + cid
        basea = wid * bpw
        pltpu.sync_copy(text_hbm.at[pl.ds(basea, bpw)], idxa)
        lane = lax.iota(jnp.int32, _LANES)
        bufs = (blk0, blk1, blk2, blk3)
        sems = (sem0, sem1, sem2, sem3)

        def issue(v, i):
            off = pl.multiple_of((v // 128) * 128, 128)
            pltpu.async_copy(embT_hbm.at[:, pl.ds(off, 128)], bufs[i], sems[i])

        def drain(i):
            pltpu.make_async_copy(
                embT_hbm.at[:, pl.ds(0, 128)], bufs[i], sems[i]
            ).wait()

        def extract(t, v, buf):
            colv = jnp.full((_LANES,), v % 128, jnp.int32)
            for c in range(egrp):
                vvec = plsc.load_gather(buf, [c * _LANES + lane, colv])
                rows[t, pl.ds(c * _LANES, _LANES)] = vvec

        first = idxa[pl.ds(0, _LANES)]
        for j in range(3):
            issue(first[j], j)

        def grp(g, carry):
            idxs16 = idxa[pl.ds(g * _LANES, _LANES)]
            nxt = idxa[pl.ds((g + 1) * _LANES, _LANES)]
            for rr in range(_LANES):
                vnext = idxs16[rr + 3] if rr + 3 < _LANES else nxt[rr + 3 - _LANES]
                issue(vnext, (rr + 3) % 4)
                drain(rr % 4)
                extract(g * _LANES + rr, idxs16[rr], bufs[rr % 4])
            return carry

        lax.fori_loop(0, ngrp - 1, grp, jnp.int32(0))
        glast = ngrp - 1
        lastv = idxa[pl.ds(glast * _LANES, _LANES)]
        for rr in range(_LANES):
            if rr + 3 < _LANES:
                issue(lastv[rr + 3], (rr + 3) % 4)
            drain(rr % 4)
            extract(glast * _LANES + rr, lastv[rr], bufs[rr % 4])
        pltpu.sync_copy(rows, gath_hbm.at[pl.ds(basea, bpw)])

    return k(text, embT)


def _tc_rowsum(embT, counts):
    embed, vocab = embT.shape
    vb = 32768
    nblk = (vocab + vb - 1) // vb
    dn = (((1,), (1,)), ((), ()))

    def mv(embT_ref, c0_ref, c1_ref, o_ref):
        i = pl.program_id(0)

        @pl.when(i == 0)
        def _():
            o_ref[...] = jnp.zeros_like(o_ref)

        c = c0_ref[...] + c1_ref[...]

        @pl.when(i < nblk - 1)
        def _():
            o_ref[...] += lax.dot_general(
                c, embT_ref[...], dn, preferred_element_type=jnp.float32)

        @pl.when(i == nblk - 1)
        def _():
            colid = i * vb + lax.broadcasted_iota(jnp.int32, (embed, vb), 1)
            e = jnp.where(colid < vocab, embT_ref[...], 0.0)
            o_ref[...] += lax.dot_general(
                c, e, dn, preferred_element_type=jnp.float32)

    cflat = counts.reshape(1, 2 * _VPAD)
    return pl.pallas_call(
        mv,
        grid=(nblk,),
        in_specs=[
            pl.BlockSpec((embed, vb), lambda i: (0, i)),
            pl.BlockSpec((1, vb), lambda i: (0, i)),
            pl.BlockSpec((1, vb), lambda i: (0, _VPAD // vb + i)),
        ],
        out_specs=pl.BlockSpec((1, embed), lambda i: (0, 0)),
        out_shape=jax.ShapeDtypeStruct((1, embed), jnp.float32),
    )(embT, cflat, cflat)


def _tc_mlp(gath, rowsum, W1, b1, W2, b2, Wf, bf, inv_count):
    n_bags, embed = gath.shape
    h1 = W1.shape[1]
    h2 = W2.shape[1]
    out = Wf.shape[1]
    last = n_bags - 1

    def mlp(g_ref, rs_ref, w1_ref, b1_ref, w2_ref, b2_ref, wf_ref, bf_ref, o_ref):
        x = g_ref[...]
        mean_row = (x[last:last + 1, :] + rs_ref[...]) * inv_count
        rows = lax.broadcasted_iota(jnp.int32, (n_bags, 1), 0)
        x = jnp.where(rows == last, mean_row, x)
        h = jnp.maximum(jnp.dot(x, w1_ref[...], preferred_element_type=jnp.float32) + b1_ref[...], 0.0)
        h = jnp.maximum(jnp.dot(h, w2_ref[...], preferred_element_type=jnp.float32) + b2_ref[...], 0.0)
        y = lax.dot_general(
            h, wf_ref[...], (((1,), (1,)), ((), ())),
            preferred_element_type=jnp.float32) + bf_ref[...]
        o_ref[...] = y.T

    full = lambda shape: pl.BlockSpec(shape, lambda: (0, 0))
    outT = pl.pallas_call(
        mlp,
        in_specs=[
            full((n_bags, embed)),
            full((1, embed)),
            full((embed, h1)),
            full((1, h1)),
            full((h1, h2)),
            full((1, h2)),
            full((out, h2)),
            full((1, out)),
        ],
        out_specs=full((out, n_bags)),
        out_shape=jax.ShapeDtypeStruct((out, n_bags), jnp.float32),
    )(gath, rowsum, W1, b1, W2, b2, Wf.T, bf)
    return outT.T


def kernel(text, offsets, emb, W1, b1, W2, b2, Wf, bf):
    n_bags = offsets.shape[0]
    embT = emb.T
    text2d = text.reshape(-1, 128)
    counts = _sc_hist(text2d, n_bags)
    gath = _sc_gather(text, embT, n_bags)
    rowsum = _tc_rowsum(embT, counts)
    inv_count = 1.0 / float(max(text.shape[0] - n_bags + 1, 1))
    return _tc_mlp(
        gath, rowsum, W1, b1.reshape(1, -1), W2, b2.reshape(1, -1),
        Wf, bf.reshape(1, -1), inv_count,
    )

# --- scband reference (transcript-rebuilt; emitter-appended) ---
"""Pipeline reference for scband-text-classification-model-70033736729187 (READ-ONLY COPY).

The authoritative reference and input builder live on the scoring server;
editing this copy changes nothing except your own understanding.
"""

import jax, jax.numpy as jnp
import numpy as np

VOCAB = 1000000
EMBED = 64
HID1 = 512
HID2 = 256
OUT = 16
B = 4096
T = 204800


def setup_inputs(seed: int = 0) -> dict:
    key = jax.random.key(seed)
    ks = jax.random.split(key, 8)
    text = jax.random.randint(ks[0], (T,), 0, VOCAB, dtype=jnp.int32)
    offsets = jnp.arange(B, dtype=jnp.int32)
    emb = jax.random.normal(ks[1], (VOCAB, EMBED), dtype=jnp.float32) * 0.02
    W1 = jax.random.normal(ks[2], (EMBED, HID1), dtype=jnp.float32) * 0.05
    b1 = jnp.zeros((HID1,), dtype=jnp.float32)
    W2 = jax.random.normal(ks[3], (HID1, HID2), dtype=jnp.float32) * 0.05
    b2 = jnp.zeros((HID2,), dtype=jnp.float32)
    Wf = jax.random.normal(ks[4], (HID2, OUT), dtype=jnp.float32) * 0.05
    bf = jnp.zeros((OUT,), dtype=jnp.float32)
    return {"text": text, "offsets": offsets, "emb": emb, "W1": W1, "b1": b1, "W2": W2, "b2": b2, "Wf": Wf, "bf": bf}


def reference(text, offsets, emb, W1, b1, W2, b2, Wf, bf):
    # nn.EmbeddingBag default mode='mean' with offsets: bag i = text[offsets[i]:offsets[i+1]]
    n_tok = text.shape[0]
    n_bags = offsets.shape[0]
    seg = jnp.searchsorted(offsets, jnp.arange(n_tok, dtype=offsets.dtype), side="right") - 1
    gathered = jnp.take(emb, text, axis=0)
    sums = jax.ops.segment_sum(gathered, seg, num_segments=n_bags)
    counts = jax.ops.segment_sum(jnp.ones((n_tok,), dtype=jnp.float32), seg, num_segments=n_bags)
    x = sums / jnp.maximum(counts, 1.0)[:, None]
    x = jax.nn.relu(x @ W1 + b1)
    x = jax.nn.relu(x @ W2 + b2)
    x = x @ Wf + bf
    return x

if __name__ == "__main__":
    import jax
    _d = setup_inputs()
    print(jax.jit(kernel)(*tuple(_d.values())))

</pallas_src>

<mosaic_0001>
#map = affine_map<(d0, d1) -> (0)>
#map1 = affine_map<(d0, d1) -> (0, 0)>
module attributes {stable_mosaic.version = 14 : i64} {
  func.func @k(%arg0: i32, %arg1: i32, %arg2: memref<204800xi32, #tpu.memory_space<hbm>>, %arg3: memref<64x1000000xf32, #tpu.memory_space<hbm>>, %arg4: memref<4096x64xf32, #tpu.memory_space<hbm>>, %arg5: memref<128xi32, #tpu.memory_space<vmem>>, %arg6: memref<64x128xf32, #tpu.memory_space<vmem>>, %arg7: memref<64x128xf32, #tpu.memory_space<vmem>>, %arg8: memref<64x128xf32, #tpu.memory_space<vmem>>, %arg9: memref<64x128xf32, #tpu.memory_space<vmem>>, %arg10: memref<128x64xf32, #tpu.memory_space<vmem>>, %arg11: memref<!tpu.dma_semaphore, #tpu.memory_space<semaphore_mem>>, %arg12: memref<!tpu.dma_semaphore, #tpu.memory_space<semaphore_mem>>, %arg13: memref<!tpu.dma_semaphore, #tpu.memory_space<semaphore_mem>>, %arg14: memref<!tpu.dma_semaphore, #tpu.memory_space<semaphore_mem>>) attributes {dimension_semantics = [#tpu.dimension_semantics<core_parallel>, #tpu.dimension_semantics<subcore_parallel>], iteration_bounds = array<i64: 2, 16>, scalar_prefetch = 0 : i64, scratch_operands = 10 : i64, tpu.core_type = #tpu.core_type<sc_vector_subcore>, window_params = [{transform_indices = #map}, {transform_indices = #map1}, {transform_indices = #map1}]} {
    %mul3A = arith.constant 2 : i32
    %mul3A_0 = arith.muli %arg1, %mul3A : i32
    %add3A = arith.addi %mul3A_0, %arg0 : i32
    %mul3A_1 = arith.constant 128 : i32
    %mul3A_2 = arith.muli %add3A, %mul3A_1 : i32
    "tpu.region"() ({
      %run_scoped3A = tpu.sem_alloc : memref<!tpu.dma_semaphore, #tpu.memory_space<semaphore_mem>>
      %dma_start3A_1433 = tpu.memref_slice %arg2[%mul3A_2] : memref<204800xi32, #tpu.memory_space<hbm>> -> memref<128xi32, #tpu.memory_space<hbm>>
      %dma_start3A_1434 = tpu.memref_slice %arg2[%mul3A_2] : memref<204800xi32, #tpu.memory_space<hbm>> -> memref<128xi32, #tpu.memory_space<hbm>>
      tpu.enqueue_dma source(%dma_start3A_1434 : memref<128xi32, #tpu.memory_space<hbm>>) target(%arg5 : memref<128xi32, #tpu.memory_space<vmem>>) target_semaphore(%run_scoped3A : memref<!tpu.dma_semaphore, #tpu.memory_space<semaphore_mem>>)
      %dma_wait3A_1435 = tpu.memref_slice %arg2[%mul3A_2] : memref<204800xi32, #tpu.memory_space<hbm>> -> memref<128xi32, #tpu.memory_space<hbm>>
      %dma_wait3A_1436 = tpu.memref_slice %arg2[%mul3A_2] : memref<204800xi32, #tpu.memory_space<hbm>> -> memref<128xi32, #tpu.memory_space<hbm>>
      tpu.wait_dma2 semaphore(%run_scoped3A : memref<!tpu.dma_semaphore, #tpu.memory_space<semaphore_mem>>) src(%dma_wait3A_1436 : memref<128xi32, #tpu.memory_space<hbm>>) dst(%arg5 : memref<128xi32, #tpu.memory_space<vmem>>)
      tpu.yield
    }) : () -> ()
    %iota3A = tpu.iota {dimensions = array<i32: 0>} : vector<16xi32>
    %get3A = arith.constant 0 : index
    %get3A_3 = tpu.vector_load %arg5[%get3A] {strides = array<i32>} : memref<128xi32, #tpu.memory_space<vmem>>, vector<16xi32>,
    %slice3A = vector.extract_strided_slice %get3A_3 {offsets = [0], sizes = [1], strides = [1]} : vector<16xi32> to vector<1xi32>
    %squeeze3A = vector.extract %slice3A[0] : i32 from vector<1xi32>
    %jit3A = arith.constant 128 : i32
    %div3A = arith.divsi %squeeze3A, %jit3A : i32
    %sign3A = arith.constant 0 : i32
    %sign3A_4 = arith.cmpi sgt, %squeeze3A, %sign3A : i32
    %sign3A_5 = arith.extui %sign3A_4 : i1 to i32
    %sign3A_6 = arith.constant 0 : i32
    %sign3A_7 = arith.cmpi slt, %squeeze3A, %sign3A_6 : i32
    %sign3A_8 = arith.extui %sign3A_7 : i1 to i32
    %sign3A_9 = arith.subi %sign3A_5, %sign3A_8 : i32
    %sign3A_10 = arith.constant 0 : i32
    %sign3A_11 = arith.cmpi sgt, %jit3A, %sign3A_10 : i32
    %sign3A_12 = arith.extui %sign3A_11 : i1 to i32
    %sign3A_13 = arith.constant 0 : i32
    %sign3A_14 = arith.cmpi slt, %jit3A, %sign3A_13 : i32
    %sign3A_15 = arith.extui %sign3A_14 : i1 to i32
    %sign3A_16 = arith.subi %sign3A_12, %sign3A_15 : i32
    %ne3A = arith.cmpi ne, %sign3A_9, %sign3A_16 : i32
    %rem3A = arith.remsi %squeeze3A, %jit3A : i32
    %ne3A_17 = arith.constant 0 : i32
    %ne3A_18 = arith.cmpi ne, %rem3A, %ne3A_17 : i32
    %and3A = arith.andi %ne3A, %ne3A_18 : i1
    %sub3A = arith.constant 1 : i32
    %sub3A_19 = arith.subi %div3A, %sub3A : i32
    %select_n3A = arith.select %and3A, %sub3A_19, %div3A : i32
    %mul3A_20 = arith.constant 128 : i32
    %mul3A_21 = arith.muli %select_n3A, %mul3A_20 : i32
    %multiple_of3A = tpu.assume_multiple %mul3A_21, 128 : i32
    %dma_start3A = arith.constant 0 : i32
    %dma_start3A_22 = tpu.memref_slice %arg3[%dma_start3A, %multiple_of3A] : memref<64x1000000xf32, #tpu.memory_space<hbm>> -> memref<64x128xf32, #tpu.memory_space<hbm>>
    %dma_start3A_23 = arith.constant 0 : i32
    %dma_start3A_24 = tpu.memref_slice %arg3[%dma_start3A_23, %multiple_of3A] : memref<64x1000000xf32, #tpu.memory_space<hbm>> -> memref<64x128xf32, #tpu.memory_space<hbm>>
    tpu.enqueue_dma source(%dma_start3A_24 : memref<64x128xf32, #tpu.memory_space<hbm>>) target(%arg6 : memref<64x128xf32, #tpu.memory_space<vmem>>) target_semaphore(%arg11 : memref<!tpu.dma_semaphore, #tpu.memory_space<semaphore_mem>>)
    %slice3A_25 = vector.extract_strided_slice %get3A_3 {offsets = [1], sizes = [1], strides = [1]} : vector<16xi32> to vector<1xi32>
    %squeeze3A_26 = vector.extract %slice3A_25[0] : i32 from vector<1xi32>
    %jit3A_27 = arith.constant 128 : i32
    %div3A_28 = arith.divsi %squeeze3A_26, %jit3A_27 : i32
    %sign3A_29 = arith.constant 0 : i32
    %sign3A_30 = arith.cmpi sgt, %squeeze3A_26, %sign3A_29 : i32
    %sign3A_31 = arith.extui %sign3A_30 : i1 to i32
    %sign3A_32 = arith.constant 0 : i32
    %sign3A_33 = arith.cmpi slt, %squeeze3A_26, %sign3A_32 : i32
    %sign3A_34 = arith.extui %sign3A_33 : i1 to i32
    %sign3A_35 = arith.subi %sign3A_31, %sign3A_34 : i32
    %sign3A_36 = arith.constant 0 : i32
    %sign3A_37 = arith.cmpi sgt, %jit3A_27, %sign3A_36 : i32
    %sign3A_38 = arith.extui %sign3A_37 : i1 to i32
    %sign3A_39 = arith.constant 0 : i32
    %sign3A_40 = arith.cmpi slt, %jit3A_27, %sign3A_39 : i32
    %sign3A_41 = arith.extui %sign3A_40 : i1 to i32
    %sign3A_42 = arith.subi %sign3A_38, %sign3A_41 : i32
    %ne3A_43 = arith.cmpi ne, %sign3A_35, %sign3A_42 : i32
    %rem3A_44 = arith.remsi %squeeze3A_26, %jit3A_27 : i32
    %ne3A_45 = arith.constant 0 : i32
    %ne3A_46 = arith.cmpi ne, %rem3A_44, %ne3A_45 : i32
    %and3A_47 = arith.andi %ne3A_43, %ne3A_46 : i1
    %sub3A_48 = arith.constant 1 : i32
    %sub3A_49 = arith.subi %div3A_28, %sub3A_48 : i32
    %select_n3A_50 = arith.select %and3A_47, %sub3A_49, %div3A_28 : i32
    %mul3A_51 = arith.constant 128 : i32
    %mul3A_52 = arith.muli %select_n3A_50, %mul3A_51 : i32
    %multiple_of3A_53 = tpu.assume_multiple %mul3A_52, 128 : i32
    %dma_start3A_54 = arith.constant 0 : i32
    %dma_start3A_55 = tpu.memref_slice %arg3[%dma_start3A_54, %multiple_of3A_53] : memref<64x1000000xf32, #tpu.memory_space<hbm>> -> memref<64x128xf32, #tpu.memory_space<hbm>>
    %dma_start3A_56 = arith.constant 0 : i32
    %dma_start3A_57 = tpu.memref_slice %arg3[%dma_start3A_56, %multiple_of3A_53] : memref<64x1000000xf32, #tpu.memory_space<hbm>> -> memref<64x128xf32, #tpu.memory_space<hbm>>
    tpu.enqueue_dma source(%dma_start3A_57 : memref<64x128xf32, #tpu.memory_space<hbm>>) target(%arg7 : memref<64x128xf32, #tpu.memory_space<vmem>>) target_semaphore(%arg12 : memref<!tpu.dma_semaphore, #tpu.memory_space<semaphore_mem>>)
    %slice3A_58 = vector.extract_strided_slice %get3A_3 {offsets = [2], sizes = [1], strides = [1]} : vector<16xi32> to vector<1xi32>
    %squeeze3A_59 = vector.extract %slice3A_58[0] : i32 from vector<1xi32>
    %jit3A_60 = arith.constant 128 : i32
    %div3A_61 = arith.divsi %squeeze3A_59, %jit3A_60 : i32
    %sign3A_62 = arith.constant 0 : i32
    %sign3A_63 = arith.cmpi sgt, %squeeze3A_59, %sign3A_62 : i32
    %sign3A_64 = arith.extui %sign3A_63 : i1 to i32
    %sign3A_65 = arith.constant 0 : i32
    %sign3A_66 = arith.cmpi slt, %squeeze3A_59, %sign3A_65 : i32
    %sign3A_67 = arith.extui %sign3A_66 : i1 to i32
    %sign3A_68 = arith.subi %sign3A_64, %sign3A_67 : i32
    %sign3A_69 = arith.constant 0 : i32
    %sign3A_70 = arith.cmpi sgt, %jit3A_60, %sign3A_69 : i32
    %sign3A_71 = arith.extui %sign3A_70 : i1 to i32
    %sign3A_72 = arith.constant 0 : i32
    %sign3A_73 = arith.cmpi slt, %jit3A_60, %sign3A_72 : i32
    %sign3A_74 = arith.extui %sign3A_73 : i1 to i32
    %sign3A_75 = arith.subi %sign3A_71, %sign3A_74 : i32
    %ne3A_76 = arith.cmpi ne, %sign3A_68, %sign3A_75 : i32
    %rem3A_77 = arith.remsi %squeeze3A_59, %jit3A_60 : i32
    %ne3A_78 = arith.constant 0 : i32
    %ne3A_79 = arith.cmpi ne, %rem3A_77, %ne3A_78 : i32
    %and3A_80 = arith.andi %ne3A_76, %ne3A_79 : i1
    %sub3A_81 = arith.constant 1 : i32
    %sub3A_82 = arith.subi %div3A_61, %sub3A_81 : i32
    %select_n3A_83 = arith.select %and3A_80, %sub3A_82, %div3A_61 : i32
    %mul3A_84 = arith.constant 128 : i32
    %mul3A_85 = arith.muli %select_n3A_83, %mul3A_84 : i32
    %multiple_of3A_86 = tpu.assume_multiple %mul3A_85, 128 : i32
    %dma_start3A_87 = arith.constant 0 : i32
    %dma_start3A_88 = tpu.memref_slice %arg3[%dma_start3A_87, %multiple_of3A_86] : memref<64x1000000xf32, #tpu.memory_space<hbm>> -> memref<64x128xf32, #tpu.memory_space<hbm>>
    %dma_start3A_89 = arith.constant 0 : i32
    %dma_start3A_90 = tpu.memref_slice %arg3[%dma_start3A_89, %multiple_of3A_86] : memref<64x1000000xf32, #tpu.memory_space<hbm>> -> memref<64x128xf32, #tpu.memory_space<hbm>>
    tpu.enqueue_dma source(%dma_start3A_90 : memref<64x128xf32, #tpu.memory_space<hbm>>) target(%arg8 : memref<64x128xf32, #tpu.memory_space<vmem>>) target_semaphore(%arg13 : memref<!tpu.dma_semaphore, #tpu.memory_space<semaphore_mem>>)
    %scan3A = arith.constant 0 : i32
    %scan3A_91 = arith.constant 0 : i32
    %scan3A_92 = arith.constant 7 : i32
    %scan3A_93 = arith.addi %scan3A_91, %scan3A_92 : i32
    %scan3A_94 = arith.constant 1 : i32
    scf.for %scan3A_1433 = %scan3A_91 to %scan3A_93 step %scan3A_94  : i32 {
      %mul3A_1434 = arith.constant 16 : i32
      %mul3A_1435 = arith.muli %scan3A_1433, %mul3A_1434 : i32
      %get3A_1436 = arith.index_cast %mul3A_1435 : i32 to index
      %get3A_1437 = tpu.vector_load %arg5[%get3A_1436] {strides = array<i32>} : memref<128xi32, #tpu.memory_space<vmem>>, vector<16xi32>,
      %add3A_1438 = arith.constant 1 : i32
      %add3A_1439 = arith.addi %scan3A_1433, %add3A_1438 : i32
      %mul3A_1440 = arith.constant 16 : i32
      %mul3A_1441 = arith.muli %add3A_1439, %mul3A_1440 : i32
      %get3A_1442 = arith.index_cast %mul3A_1441 : i32 to index
      %get3A_1443 = tpu.vector_load %arg5[%get3A_1442] {strides = array<i32>} : memref<128xi32, #tpu.memory_space<vmem>>, vector<16xi32>,
      %slice3A_1444 = vector.extract_strided_slice %get3A_1437 {offsets = [3], sizes = [1], strides = [1]} : vector<16xi32> to vector<1xi32>
      %squeeze3A_1445 = vector.extract %slice3A_1444[0] : i32 from vector<1xi32>
      %jit3A_1446 = arith.constant 128 : i32
      %div3A_1447 = arith.divsi %squeeze3A_1445, %jit3A_1446 : i32
      %sign3A_1448 = arith.constant 0 : i32
      %sign3A_1449 = arith.cmpi sgt, %squeeze3A_1445, %sign3A_1448 : i32
      %sign3A_1450 = arith.extui %sign3A_1449 : i1 to i32
      %sign3A_1451 = arith.constant 0 : i32
      %sign3A_1452 = arith.cmpi slt, %squeeze3A_1445, %sign3A_1451 : i32
      %sign3A_1453 = arith.extui %sign3A_1452 : i1 to i32
      %sign3A_1454 = arith.subi %sign3A_1450, %sign3A_1453 : i32
      %sign3A_1455 = arith.constant 0 : i32
      %sign3A_1456 = arith.cmpi sgt, %jit3A_1446, %sign3A_1455 : i32
      %sign3A_1457 = arith.extui %sign3A_1456 : i1 to i32
      %sign3A_1458 = arith.constant 0 : i32
      %sign3A_1459 = arith.cmpi slt, %jit3A_1446, %sign3A_1458 : i32
      %sign3A_1460 = arith.extui %sign3A_1459 : i1 to i32
      %sign3A_1461 = arith.subi %sign3A_1457, %sign3A_1460 : i32
      %ne3A_1462 = arith.cmpi ne, %sign3A_1454, %sign3A_1461 : i32
      %rem3A_1463 = arith.remsi %squeeze3A_1445, %jit3A_1446 : i32
      %ne3A_1464 = arith.constant 0 : i32
      %ne3A_1465 = arith.cmpi ne, %rem3A_1463, %ne3A_1464 : i32
      %and3A_1466 = arith.andi %ne3A_1462, %ne3A_1465 : i1
      %sub3A_1467 = arith.constant 1 : i32
      %sub3A_1468 = arith.subi %div3A_1447, %sub3A_1467 : i32
      %select_n3A_1469 = arith.select %and3A_1466, %sub3A_1468, %div3A_1447 : i32
      %mul3A_1470 = arith.constant 128 : i32
      %mul3A_1471 = arith.muli %select_n3A_1469, %mul3A_1470 : i32
      %multiple_of3A_1472 = tpu.assume_multiple %mul3A_1471, 128 : i32
      %dma_start3A_1473 = arith.constant 0 : i32
      %dma_start3A_1474 = tpu.memref_slice %arg3[%dma_start3A_1473, %multiple_of3A_1472] : memref<64x1000000xf32, #tpu.memory_space<hbm>> -> memref<64x128xf32, #tpu.memory_space<hbm>>
      %dma_start3A_1475 = arith.constant 0 : i32
      %dma_start3A_1476 = tpu.memref_slice %arg3[%dma_start3A_1475, %multiple_of3A_1472] : memref<64x1000000xf32, #tpu.memory_space<hbm>> -> memref<64x128xf32, #tpu.memory_space<hbm>>
      tpu.enqueue_dma source(%dma_start3A_1476 : memref<64x128xf32, #tpu.memory_space<hbm>>) target(%arg9 : memref<64x128xf32, #tpu.memory_space<vmem>>) target_semaphore(%arg14 : memref<!tpu.dma_semaphore, #tpu.memory_space<semaphore_mem>>)
      %dma_wait3A_1477 = arith.constant 0 : i32
      %dma_wait3A_1478 = arith.constant 0 : i32
      %dma_wait3A_1479 = tpu.memref_slice %arg3[%dma_wait3A_1477, %dma_wait3A_1478] : memref<64x1000000xf32, #tpu.memory_space<hbm>> -> memref<64x128xf32, #tpu.memory_space<hbm>>
      %dma_wait3A_1480 = arith.constant 0 : i32
      %dma_wait3A_1481 = arith.constant 0 : i32
      %dma_wait3A_1482 = tpu.memref_slice %arg3[%dma_wait3A_1480, %dma_wait3A_1481] : memref<64x1000000xf32, #tpu.memory_space<hbm>> -> memref<64x128xf32, #tpu.memory_space<hbm>>
      tpu.wait_dma2 semaphore(%arg11 : memref<!tpu.dma_semaphore, #tpu.memory_space<semaphore_mem>>) src(%dma_wait3A_1482 : memref<64x128xf32, #tpu.memory_space<hbm>>) dst(%arg6 : memref<64x128xf32, #tpu.memory_space<vmem>>)
      %mul3A_1483 = arith.constant 16 : i32
      %mul3A_1484 = arith.muli %scan3A_1433, %mul3A_1483 : i32
      %add3A_1485 = arith.constant 0 : i32
      %add3A_1486 = arith.addi %mul3A_1484, %add3A_1485 : i32
      %slice3A_1487 = vector.extract_strided_slice %get3A_1437 {offsets = [0], sizes = [1], strides = [1]} : vector<16xi32> to vector<1xi32>
      %squeeze3A_1488 = vector.extract %slice3A_1487[0] : i32 from vector<1xi32>
      %jit3A_1489 = arith.constant 128 : i32
      %eq3A_1490 = arith.constant 0 : i32
      %eq3A_1491 = arith.cmpi eq, %jit3A_1489, %eq3A_1490 : i32
      %jit3A_1492 = arith.constant 1 : i32
      %select_n3A_1493 = arith.select %eq3A_1491, %jit3A_1492, %jit3A_1489 : i32
      %rem3A_1494 = arith.remsi %squeeze3A_1488, %select_n3A_1493 : i32
      %ne3A_1495 = arith.constant 0 : i32
      %ne3A_1496 = arith.cmpi ne, %rem3A_1494, %ne3A_1495 : i32
      %lt3A_1497 = arith.constant 0 : i32
      %lt3A_1498 = arith.cmpi slt, %rem3A_1494, %lt3A_1497 : i32
      %lt3A_1499 = arith.constant 0 : i32
      %lt3A_1500 = arith.cmpi slt, %select_n3A_1493, %lt3A_1499 : i32
      %ne3A_1501 = arith.xori %lt3A_1498, %lt3A_1500 : i1
      %and3A_1502 = arith.andi %ne3A_1501, %ne3A_1496 : i1
      %add3A_1503 = arith.addi %rem3A_1494, %select_n3A_1493 : i32
      %select_n3A_1504 = arith.select %and3A_1502, %add3A_1503, %rem3A_1494 : i32
      %broadcast_in_dim3A_1505 = vector.broadcast %select_n3A_1504 : i32 to vector<16xi32>
      %add3A_1506 = arith.constant 0 : i32
      %add3A_1507 = vector.broadcast %add3A_1506 : i32 to vector<16xi32>
      %add3A_1508 = arith.addi %add3A_1507, %iota3A : vector<16xi32>
      %gather3A_1509 = tpu.vector_load_idx %arg6[%add3A_1508, %broadcast_in_dim3A_1505] : memref<64x128xf32, #tpu.memory_space<vmem>>[vector<16xi32>, vector<16xi32>], vector<16xf32>,
      %swap3A_1510 = arith.index_cast %add3A_1486 : i32 to index
      %swap3A_1511 = arith.constant 0 : index
      %swap3A_1512 = tpu.vector_load %arg10[%swap3A_1510, %swap3A_1511] {strides = array<i32>} : memref<128x64xf32, #tpu.memory_space<vmem>>, vector<16xf32>,
      tpu.vector_store %arg10[%swap3A_1510, %swap3A_1511], %gather3A_1509 {strides = array<i32>} : memref<128x64xf32, #tpu.memory_space<vmem>>, vector<16xf32>,
      %add3A_1513 = arith.constant 16 : i32
      %add3A_1514 = vector.broadcast %add3A_1513 : i32 to vector<16xi32>
      %add3A_1515 = arith.addi %add3A_1514, %iota3A : vector<16xi32>
      %gather3A_1516 = tpu.vector_load_idx %arg6[%add3A_1515, %broadcast_in_dim3A_1505] : memref<64x128xf32, #tpu.memory_space<vmem>>[vector<16xi32>, vector<16xi32>], vector<16xf32>,
      %swap3A_1517 = arith.index_cast %add3A_1486 : i32 to index
      %swap3A_1518 = arith.constant 16 : index
      %swap3A_1519 = tpu.vector_load %arg10[%swap3A_1517, %swap3A_1518] {strides = array<i32>} : memref<128x64xf32, #tpu.memory_space<vmem>>, vector<16xf32>,
      tpu.vector_store %arg10[%swap3A_1517, %swap3A_1518], %gather3A_1516 {strides = array<i32>} : memref<128x64xf32, #tpu.memory_space<vmem>>, vector<16xf32>,
      %add3A_1520 = arith.constant 32 : i32
      %add3A_1521 = vector.broadcast %add3A_1520 : i32 to vector<16xi32>
      %add3A_1522 = arith.addi %add3A_1521, %iota3A : vector<16xi32>
      %gather3A_1523 = tpu.vector_load_idx %arg6[%add3A_1522, %broadcast_in_dim3A_1505] : memref<64x128xf32, #tpu.memory_space<vmem>>[vector<16xi32>, vector<16xi32>], vector<16xf32>,
      %swap3A_1524 = arith.index_cast %add3A_1486 : i32 to index
      %swap3A_1525 = arith.constant 32 : index
      %swap3A_1526 = tpu.vector_load %arg10[%swap3A_1524, %swap3A_1525] {strides = array<i32>} : memref<128x64xf32, #tpu.memory_space<vmem>>, vector<16xf32>,
      tpu.vector_store %arg10[%swap3A_1524, %swap3A_1525], %gather3A_1523 {strides = array<i32>} : memref<128x64xf32, #tpu.memory_space<vmem>>, vector<16xf32>,
      %add3A_1527 = arith.constant 48 : i32
      %add3A_1528 = vector.broadcast %add3A_1527 : i32 to vector<16xi32>
      %add3A_1529 = arith.addi %add3A_1528, %iota3A : vector<16xi32>
      %gather3A_1530 = tpu.vector_load_idx %arg6[%add3A_1529, %broadcast_in_dim3A_1505] : memref<64x128xf32, #tpu.memory_space<vmem>>[vector<16xi32>, vector<16xi32>], vector<16xf32>,
      %swap3A_1531 = arith.index_cast %add3A_1486 : i32 to index
      %swap3A_1532 = arith.constant 48 : index
      %swap3A_1533 = tpu.vector_load %arg10[%swap3A_1531, %swap3A_1532] {strides = array<i32>} : memref<128x64xf32, #tpu.memory_space<vmem>>, vector<16xf32>,
      tpu.vector_store %arg10[%swap3A_1531, %swap3A_1532], %gather3A_1530 {strides = array<i32>} : memref<128x64xf32, #tpu.memory_space<vmem>>, vector<16xf32>,
      %slice3A_1534 = vector.extract_strided_slice %get3A_1437 {offsets = [4], sizes = [1], strides = [1]} : vector<16xi32> to vector<1xi32>
      %squeeze3A_1535 = vector.extract %slice3A_1534[0] : i32 from vector<1xi32>
      %jit3A_1536 = arith.constant 128 : i32
      %div3A_1537 = arith.divsi %squeeze3A_1535, %jit3A_1536 : i32
      %sign3A_1538 = arith.constant 0 : i32
      %sign3A_1539 = arith.cmpi sgt, %squeeze3A_1535, %sign3A_1538 : i32
      %sign3A_1540 = arith.extui %sign3A_1539 : i1 to i32
      %sign3A_1541 = arith.constant 0 : i32
      %sign3A_1542 = arith.cmpi slt, %squeeze3A_1535, %sign3A_1541 : i32
      %sign3A_1543 = arith.extui %sign3A_1542 : i1 to i32
      %sign3A_1544 = arith.subi %sign3A_1540, %sign3A_1543 : i32
      %sign3A_1545 = arith.constant 0 : i32
      %sign3A_1546 = arith.cmpi sgt, %jit3A_1536, %sign3A_1545 : i32
      %sign3A_1547 = arith.extui %sign3A_1546 : i1 to i32
      %sign3A_1548 = arith.constant 0 : i32
      %sign3A_1549 = arith.cmpi slt, %jit3A_1536, %sign3A_1548 : i32
      %sign3A_1550 = arith.extui %sign3A_1549 : i1 to i32
      %sign3A_1551 = arith.subi %sign3A_1547, %sign3A_1550 : i32
      %ne3A_1552 = arith.cmpi ne, %sign3A_1544, %sign3A_1551 : i32
      %rem3A_1553 = arith.remsi %squeeze3A_1535, %jit3A_1536 : i32
      %ne3A_1554 = arith.constant 0 : i32
      %ne3A_1555 = arith.cmpi ne, %rem3A_1553, %ne3A_1554 : i32
      %and3A_1556 = arith.andi %ne3A_1552, %ne3A_1555 : i1
      %sub3A_1557 = arith.constant 1 : i32
      %sub3A_1558 = arith.subi %div3A_1537, %sub3A_1557 : i32
      %select_n3A_1559 = arith.select %and3A_1556, %sub3A_1558, %div3A_1537 : i32
      %mul3A_1560 = arith.constant 128 : i32
      %mul3A_1561 = arith.muli %select_n3A_1559, %mul3A_1560 : i32
      %multiple_of3A_1562 = tpu.assume_multiple %mul3A_1561, 128 : i32
      %dma_start3A_1563 = arith.constant 0 : i32
      %dma_start3A_1564 = tpu.memref_slice %arg3[%dma_start3A_1563, %multiple_of3A_1562] : memref<64x1000000xf32, #tpu.memory_space<hbm>> -> memref<64x128xf32, #tpu.memory_space<hbm>>
      %dma_start3A_1565 = arith.constant 0 : i32
      %dma_start3A_1566 = tpu.memref_slice %arg3[%dma_start3A_1565, %multiple_of3A_1562] : memref<64x1000000xf32, #tpu.memory_space<hbm>> -> memref<64x128xf32, #tpu.memory_space<hbm>>
      tpu.enqueue_dma source(%dma_start3A_1566 : memref<64x128xf32, #tpu.memory_space<hbm>>) target(%arg6 : memref<64x128xf32, #tpu.memory_space<vmem>>) target_semaphore(%arg11 : memref<!tpu.dma_semaphore, #tpu.memory_space<semaphore_mem>>)
      %dma_wait3A_1567 = arith.constant 0 : i32
      %dma_wait3A_1568 = arith.constant 0 : i32
      %dma_wait3A_1569 = tpu.memref_slice %arg3[%dma_wait3A_1567, %dma_wait3A_1568] : memref<64x1000000xf32, #tpu.memory_space<hbm>> -> memref<64x128xf32, #tpu.memory_space<hbm>>
      %dma_wait3A_1570 = arith.constant 0 : i32
      %dma_wait3A_1571 = arith.constant 0 : i32
      %dma_wait3A_1572 = tpu.memref_slice %arg3[%dma_wait3A_1570, %dma_wait3A_1571] : memref<64x1000000xf32, #tpu.memory_space<hbm>> -> memref<64x128xf32, #tpu.memory_space<hbm>>
      tpu.wait_dma2 semaphore(%arg12 : memref<!tpu.dma_semaphore, #tpu.memory_space<semaphore_mem>>) src(%dma_wait3A_1572 : memref<64x128xf32, #tpu.memory_space<hbm>>) dst(%arg7 : memref<64x128xf32, #tpu.memory_space<vmem>>)
      %mul3A_1573 = arith.constant 16 : i32
      %mul3A_1574 = arith.muli %scan3A_1433, %mul3A_1573 : i32
      %add3A_1575 = arith.constant 1 : i32
      %add3A_1576 = arith.addi %mul3A_1574, %add3A_1575 : i32
      %slice3A_1577 = vector.extract_strided_slice %get3A_1437 {offsets = [1], sizes = [1], strides = [1]} : vector<16xi32> to vector<1xi32>
      %squeeze3A_1578 = vector.extract %slice3A_1577[0] : i32 from vector<1xi32>
      %jit3A_1579 = arith.constant 128 : i32
      %eq3A_1580 = arith.constant 0 : i32
      %eq3A_1581 = arith.cmpi eq, %jit3A_1579, %eq3A_1580 : i32
      %jit3A_1582 = arith.constant 1 : i32
      %select_n3A_1583 = arith.select %eq3A_1581, %jit3A_1582, %jit3A_1579 : i32
      %rem3A_1584 = arith.remsi %squeeze3A_1578, %select_n3A_1583 : i32
      %ne3A_1585 = arith.constant 0 : i32
      %ne3A_1586 = arith.cmpi ne, %rem3A_1584, %ne3A_1585 : i32
      %lt3A_1587 = arith.constant 0 : i32
      %lt3A_1588 = arith.cmpi slt, %rem3A_1584, %lt3A_1587 : i32
      %lt3A_1589 = arith.constant 0 : i32
      %lt3A_1590 = arith.cmpi slt, %select_n3A_1583, %lt3A_1589 : i32
      %ne3A_1591 = arith.xori %lt3A_1588, %lt3A_1590 : i1
      %and3A_1592 = arith.andi %ne3A_1591, %ne3A_1586 : i1
      %add3A_1593 = arith.addi %rem3A_1584, %select_n3A_1583 : i32
      %select_n3A_1594 = arith.select %and3A_1592, %add3A_1593, %rem3A_1584 : i32
      %broadcast_in_dim3A_1595 = vector.broadcast %select_n3A_1594 : i32 to vector<16xi32>
      %add3A_1596 = arith.constant 0 : i32
      %add3A_1597 = vector.broadcast %add3A_1596 : i32 to vector<16xi32>
      %add3A_1598 = arith.addi %add3A_1597, %iota3A : vector<16xi32>
      %gather3A_1599 = tpu.vector_load_idx %arg7[%add3A_1598, %broadcast_in_dim3A_1595] : memref<64x128xf32, #tpu.memory_space<vmem>>[vector<16xi32>, vector<16xi32>], vector<16xf32>,
      %swap3A_1600 = arith.index_cast %add3A_1576 : i32 to index
      %swap3A_1601 = arith.constant 0 : index
      %swap3A_1602 = tpu.vector_load %arg10[%swap3A_1600, %swap3A_1601] {strides = array<i32>} : memref<128x64xf32, #tpu.memory_space<vmem>>, vector<16xf32>,
      tpu.vector_store %arg10[%swap3A_1600, %swap3A_1601], %gather3A_1599 {strides = array<i32>} : memref<128x64xf32, #tpu.memory_space<vmem>>, vector<16xf32>,
      %add3A_1603 = arith.constant 16 : i32
      %add3A_1604 = vector.broadcast %add3A_1603 : i32 to vector<16xi32>
      %add3A_1605 = arith.addi %add3A_1604, %iota3A : vector<16xi32>
      %gather3A_1606 = tpu.vector_load_idx %arg7[%add3A_1605, %broadcast_in_dim3A_1595] : memref<64x128xf32, #tpu.memory_space<vmem>>[vector<16xi32>, vector<16xi32>], vector<16xf32>,
      %swap3A_1607 = arith.index_cast %add3A_1576 : i32 to index
      %swap3A_1608 = arith.constant 16 : index
      %swap3A_1609 = tpu.vector_load %arg10[%swap3A_1607, %swap3A_1608] {strides = array<i32>} : memref<128x64xf32, #tpu.memory_space<vmem>>, vector<16xf32>,
      tpu.vector_store %arg10[%swap3A_1607, %swap3A_1608], %gather3A_1606 {strides = array<i32>} : memref<128x64xf32, #tpu.memory_space<vmem>>, vector<16xf32>,
      %add3A_1610 = arith.constant 32 : i32
      %add3A_1611 = vector.broadcast %add3A_1610 : i32 to vector<16xi32>
      %add3A_1612 = arith.addi %add3A_1611, %iota3A : vector<16xi32>
      %gather3A_1613 = tpu.vector_load_idx %arg7[%add3A_1612, %broadcast_in_dim3A_1595] : memref<64x128xf32, #tpu.memory_space<vmem>>[vector<16xi32>, vector<16xi32>], vector<16xf32>,
      %swap3A_1614 = arith.index_cast %add3A_1576 : i32 to index
      %swap3A_1615 = arith.constant 32 : index
      %swap3A_1616 = tpu.vector_load %arg10[%swap3A_1614, %swap3A_1615] {strides = array<i32>} : memref<128x64xf32, #tpu.memory_space<vmem>>, vector<16xf32>,
      tpu.vector_store %arg10[%swap3A_1614, %swap3A_1615], %gather3A_1613 {strides = array<i32>} : memref<128x64xf32, #tpu.memory_space<vmem>>, vector<16xf32>,
      %add3A_1617 = arith.constant 48 : i32
      %add3A_1618 = vector.broadcast %add3A_1617 : i32 to vector<16xi32>
      %add3A_1619 = arith.addi %add3A_1618, %iota3A : vector<16xi32>
      %gather3A_1620 = tpu.vector_load_idx %arg7[%add3A_1619, %broadcast_in_dim3A_1595] : memref<64x128xf32, #tpu.memory_space<vmem>>[vector<16xi32>, vector<16xi32>], vector<16xf32>,
      %swap3A_1621 = arith.index_cast %add3A_1576 : i32 to index
      %swap3A_1622 = arith.constant 48 : index
      %swap3A_1623 = tpu.vector_load %arg10[%swap3A_1621, %swap3A_1622] {strides = array<i32>} : memref<128x64xf32, #tpu.memory_space<vmem>>, vector<16xf32>,
      tpu.vector_store %arg10[%swap3A_1621, %swap3A_1622], %gather3A_1620 {strides = array<i32>} : memref<128x64xf32, #tpu.memory_space<vmem>>, vector<16xf32>,
      %slice3A_1624 = vector.extract_strided_slice %get3A_1437 {offsets = [5], sizes = [1], strides = [1]} : vector<16xi32> to vector<1xi32>
      %squeeze3A_1625 = vector.extract %slice3A_1624[0] : i32 from vector<1xi32>
      %jit3A_1626 = arith.constant 128 : i32
      %div3A_1627 = arith.divsi %squeeze3A_1625, %jit3A_1626 : i32
      %sign3A_1628 = arith.constant 0 : i32
      %sign3A_1629 = arith.cmpi sgt, %squeeze3A_1625, %sign3A_1628 : i32
      %sign3A_1630 = arith.extui %sign3A_1629 : i1 to i32
      %sign3A_1631 = arith.constant 0 : i32
      %sign3A_1632 = arith.cmpi slt, %squeeze3A_1625, %sign3A_1631 : i32
      %sign3A_1633 = arith.extui %sign3A_1632 : i1 to i32
      %sign3A_1634 = arith.subi %sign3A_1630, %sign3A_1633 : i32
      %sign3A_1635 = arith.constant 0 : i32
      %sign3A_1636 = arith.cmpi sgt, %jit3A_1626, %sign3A_1635 : i32
      %sign3A_1637 = arith.extui %sign3A_1636 : i1 to i32
      %sign3A_1638 = arith.constant 0 : i32
      %sign3A_1639 = arith.cmpi slt, %jit3A_1626, %sign3A_1638 : i32
      %sign3A_1640 = arith.extui %sign3A_1639 : i1 to i32
      %sign3A_1641 = arith.subi %sign3A_1637, %sign3A_1640 : i32
      %ne3A_1642 = arith.cmpi ne, %sign3A_1634, %sign3A_1641 : i32
      %rem3A_1643 = arith.remsi %squeeze3A_1625, %jit3A_1626 : i32
      %ne3A_1644 = arith.constant 0 : i32
      %ne3A_1645 = arith.cmpi ne, %rem3A_1643, %ne3A_1644 : i32
      %and3A_1646 = arith.andi %ne3A_1642, %ne3A_1645 : i1
      %sub3A_1647 = arith.constant 1 : i32
      %sub3A_1648 = arith.subi %div3A_1627, %sub3A_1647 : i32
      %select_n3A_1649 = arith.select %and3A_1646, %sub3A_1648, %div3A_1627 : i32
      %mul3A_1650 = arith.constant 128 : i32
      %mul3A_1651 = arith.muli %select_n3A_1649, %mul3A_1650 : i32
      %multiple_of3A_1652 = tpu.assume_multiple %mul3A_1651, 128 : i32
      %dma_start3A_1653 = arith.constant 0 : i32
      %dma_start3A_1654 = tpu.memref_slice %arg3[%dma_start3A_1653, %multiple_of3A_1652] : memref<64x1000000xf32, #tpu.memory_space<hbm>> -> memref<64x128xf32, #tpu.memory_space<hbm>>
      %dma_start3A_1655 = arith.constant 0 : i32
      %dma_start3A_1656 = tpu.memref_slice %arg3[%dma_start3A_1655, %multiple_of3A_1652] : memref<64x1000000xf32, #tpu.memory_space<hbm>> -> memref<64x128xf32, #tpu.memory_space<hbm>>
      tpu.enqueue_dma source(%dma_start3A_1656 : memref<64x128xf32, #tpu.memory_space<hbm>>) target(%arg7 : memref<64x128xf32, #tpu.memory_space<vmem>>) target_semaphore(%arg12 : memref<!tpu.dma_semaphore, #tpu.memory_space<semaphore_mem>>)
      %dma_wait3A_1657 = arith.constant 0 : i32
      %dma_wait3A_1658 = arith.constant 0 : i32
      %dma_wait3A_1659 = tpu.memref_slice %arg3[%dma_wait3A_1657, %dma_wait3A_1658] : memref<64x1000000xf32, #tpu.memory_space<hbm>> -> memref<64x128xf32, #tpu.memory_space<hbm>>
      %dma_wait3A_1660 = arith.constant 0 : i32
      %dma_wait3A_1661 = arith.constant 0 : i32
      %dma_wait3A_1662 = tpu.memref_slice %arg3[%dma_wait3A_1660, %dma_wait3A_1661] : memref<64x1000000xf32, #tpu.memory_space<hbm>> -> memref<64x128xf32, #tpu.memory_space<hbm>>
      tpu.wait_dma2 semaphore(%arg13 : memref<!tpu.dma_semaphore, #tpu.memory_space<semaphore_mem>>) src(%dma_wait3A_1662 : memref<64x128xf32, #tpu.memory_space<hbm>>) dst(%arg8 : memref<64x128xf32, #tpu.memory_space<vmem>>)
      %mul3A_1663 = arith.constant 16 : i32
      %mul3A_1664 = arith.muli %scan3A_1433, %mul3A_1663 : i32
      %add3A_1665 = arith.constant 2 : i32
      %add3A_1666 = arith.addi %mul3A_1664, %add3A_1665 : i32
      %slice3A_1667 = vector.extract_strided_slice %get3A_1437 {offsets = [2], sizes = [1], strides = [1]} : vector<16xi32> to vector<1xi32>
      %squeeze3A_1668 = vector.extract %slice3A_1667[0] : i32 from vector<1xi32>
      %jit3A_1669 = arith.constant 128 : i32
      %eq3A_1670 = arith.constant 0 : i32
      %eq3A_1671 = arith.cmpi eq, %jit3A_1669, %eq3A_1670 : i32
      %jit3A_1672 = arith.constant 1 : i32
      %select_n3A_1673 = arith.select %eq3A_1671, %jit3A_1672, %jit3A_1669 : i32
      %rem3A_1674 = arith.remsi %squeeze3A_1668, %select_n3A_1673 : i32
      %ne3A_1675 = arith.constant 0 : i32
      %ne3A_1676 = arith.cmpi ne, %rem3A_1674, %ne3A_1675 : i32
      %lt3A_1677 = arith.constant 0 : i32
      %lt3A_1678 = arith.cmpi slt, %rem3A_1674, %lt3A_1677 : i32
      %lt3A_1679 = arith.constant 0 : i32
      %lt3A_1680 = arith.cmpi slt, %select_n3A_1673, %lt3A_1679 : i32
      %ne3A_1681 = arith.xori %lt3A_1678, %lt3A_1680 : i1
      %and3A_1682 = arith.andi %ne3A_1681, %ne3A_1676 : i1
      %add3A_1683 = arith.addi %rem3A_1674, %select_n3A_1673 : i32
      %select_n3A_1684 = arith.select %and3A_1682, %add3A_1683, %rem3A_1674 : i32
      %broadcast_in_dim3A_1685 = vector.broadcast %select_n3A_1684 : i32 to vector<16xi32>
      %add3A_1686 = arith.constant 0 : i32
      %add3A_1687 = vector.broadcast %add3A_1686 : i32 to vector<16xi32>
      %add3A_1688 = arith.addi %add3A_1687, %iota3A : vector<16xi32>
      %gather3A_1689 = tpu.vector_load_idx %arg8[%add3A_1688, %broadcast_in_dim3A_1685] : memref<64x128xf32, #tpu.memory_space<vmem>>[vector<16xi32>, vector<16xi32>], vector<16xf32>,
      %swap3A_1690 = arith.index_cast %add3A_1666 : i32 to index
      %swap3A_1691 = arith.constant 0 : index
      %swap3A_1692 = tpu.vector_load %arg10[%swap3A_1690, %swap3A_1691] {strides = array<i32>} : memref<128x64xf32, #tpu.memory_space<vmem>>, vector<16xf32>,
      tpu.vector_store %arg10[%swap3A_1690, %swap3A_1691], %gather3A_1689 {strides = array<i32>} : memref<128x64xf32, #tpu.memory_space<vmem>>, vector<16xf32>,
      %add3A_1693 = arith.constant 16 : i32
      %add3A_1694 = vector.broadcast %add3A_1693 : i32 to vector<16xi32>
      %add3A_1695 = arith.addi %add3A_1694, %iota3A : vector<16xi32>
      %gather3A_1696 = tpu.vector_load_idx %arg8[%add3A_1695, %broadcast_in_dim3A_1685] : memref<64x128xf32, #tpu.memory_space<vmem>>[vector<16xi32>, vector<16xi32>], vector<16xf32>,
      %swap3A_1697 = arith.index_cast %add3A_1666 : i32 to index
      %swap3A_1698 = arith.constant 16 : index
      %swap3A_1699 = tpu.vector_load %arg10[%swap3A_1697, %swap3A_1698] {strides = array<i32>} : memref<128x64xf32, #tpu.memory_space<vmem>>, vector<16xf32>,
      tpu.vector_store %arg10[%swap3A_1697, %swap3A_1698], %gather3A_1696 {strides = array<i32>} : memref<128x64xf32, #tpu.memory_space<vmem>>, vector<16xf32>,
      %add3A_1700 = arith.constant 32 : i32
      %add3A_1701 = vector.broadcast %add3A_1700 : i32 to vector<16xi32>
      %add3A_1702 = arith.addi %add3A_1701, %iota3A : vector<16xi32>
      %gather3A_1703 = tpu.vector_load_idx %arg8[%add3A_1702, %broadcast_in_dim3A_1685] : memref<64x128xf32, #tpu.memory_space<vmem>>[vector<16xi32>, vector<16xi32>], vector<16xf32>,
      %swap3A_1704 = arith.index_cast %add3A_1666 : i32 to index
      %swap3A_1705 = arith.constant 32 : index
      %swap3A_1706 = tpu.vector_load %arg10[%swap3A_1704, %swap3A_1705] {strides = array<i32>} : memref<128x64xf32, #tpu.memory_space<vmem>>, vector<16xf32>,
      tpu.vector_store %arg10[%swap3A_1704, %swap3A_1705], %gather3A_1703 {strides = array<i32>} : memref<128x64xf32, #tpu.memory_space<vmem>>, vector<16xf32>,
      %add3A_1707 = arith.constant 48 : i32
      %add3A_1708 = vector.broadcast %add3A_1707 : i32 to vector<16xi32>
      %add3A_1709 = arith.addi %add3A_1708, %iota3A : vector<16xi32>
      %gather3A_1710 = tpu.vector_load_idx %arg8[%add3A_1709, %broadcast_in_dim3A_1685] : memref<64x128xf32, #tpu.memory_space<vmem>>[vector<16xi32>, vector<16xi32>], vector<16xf32>,
      %swap3A_1711 = arith.index_cast %add3A_1666 : i32 to index
      %swap3A_1712 = arith.constant 48 : index
      %swap3A_1713 = tpu.vector_load %arg10[%swap3A_1711, %swap3A_1712] {strides = array<i32>} : memref<128x64xf32, #tpu.memory_space<vmem>>, vector<16xf32>,
      tpu.vector_store %arg10[%swap3A_1711, %swap3A_1712], %gather3A_1710 {strides = array<i32>} : memref<128x64xf32, #tpu.memory_space<vmem>>, vector<16xf32>,
      %slice3A_1714 = vector.extract_strided_slice %get3A_1437 {offsets = [6], sizes = [1], strides = [1]} : vector<16xi32> to vector<1xi32>
      %squeeze3A_1715 = vector.extract %slice3A_1714[0] : i32 from vector<1xi32>
      %jit3A_1716 = arith.constant 128 : i32
      %div3A_1717 = arith.divsi %squeeze3A_1715, %jit3A_1716 : i32
      %sign3A_1718 = arith.constant 0 : i32
      %sign3A_1719 = arith.cmpi sgt, %squeeze3A_1715, %sign3A_1718 : i32
      %sign3A_1720 = arith.extui %sign3A_1719 : i1 to i32
      %sign3A_1721 = arith.constant 0 : i32
      %sign3A_1722 = arith.cmpi slt, %squeeze3A_1715, %sign3A_1721 : i32
      %sign3A_1723 = arith.extui %sign3A_1722 : i1 to i32
      %sign3A_1724 = arith.subi %sign3A_1720, %sign3A_1723 : i32
      %sign3A_1725 = arith.constant 0 : i32
      %sign3A_1726 = arith.cmpi sgt, %jit3A_1716, %sign3A_1725 : i32
      %sign3A_1727 = arith.extui %sign3A_1726 : i1 to i32
      %sign3A_1728 = arith.constant 0 : i32
      %sign3A_1729 = arith.cmpi slt, %jit3A_1716, %sign3A_1728 : i32
      %sign3A_1730 = arith.extui %sign3A_1729 : i1 to i32
      %sign3A_1731 = arith.subi %sign3A_1727, %sign3A_1730 : i32
      %ne3A_1732 = arith.cmpi ne, %sign3A_1724, %sign3A_1731 : i32
      %rem3A_1733 = arith.remsi %squeeze3A_1715, %jit3A_1716 : i32
      %ne3A_1734 = arith.constant 0 : i32
      %ne3A_1735 = arith.cmpi ne, %rem3A_1733, %ne3A_1734 : i32
      %and3A_1736 = arith.andi %ne3A_1732, %ne3A_1735 : i1
      %sub3A_1737 = arith.constant 1 : i32
      %sub3A_1738 = arith.subi %div3A_1717, %sub3A_1737 : i32
      %select_n3A_1739 = arith.select %and3A_1736, %sub3A_1738, %div3A_1717 : i32
      %mul3A_1740 = arith.constant 128 : i32
      %mul3A_1741 = arith.muli %select_n3A_1739, %mul3A_1740 : i32
      %multiple_of3A_1742 = tpu.assume_multiple %mul3A_1741, 128 : i32
      %dma_start3A_1743 = arith.constant 0 : i32
      %dma_start3A_1744 = tpu.memref_slice %arg3[%dma_start3A_1743, %multiple_of3A_1742] : memref<64x1000000xf32, #tpu.memory_space<hbm>> -> memref<64x128xf32, #tpu.memory_space<hbm>>
      %dma_start3A_1745 = arith.constant 0 : i32
      %dma_start3A_1746 = tpu.memref_slice %arg3[%dma_start3A_1745, %multiple_of3A_1742] : memref<64x1000000xf32, #tpu.memory_space<hbm>> -> memref<64x128xf32, #tpu.memory_space<hbm>>
      tpu.enqueue_dma source(%dma_start3A_1746 : memref<64x128xf32, #tpu.memory_space<hbm>>) target(%arg8 : memref<64x128xf32, #tpu.memory_space<vmem>>) target_semaphore(%arg13 : memref<!tpu.dma_semaphore, #tpu.memory_space<semaphore_mem>>)
      %dma_wait3A_1747 = arith.constant 0 : i32
      %dma_wait3A_1748 = arith.constant 0 : i32
      %dma_wait3A_1749 = tpu.memref_slice %arg3[%dma_wait3A_1747, %dma_wait3A_1748] : memref<64x1000000xf32, #tpu.memory_space<hbm>> -> memref<64x128xf32, #tpu.memory_space<hbm>>
      %dma_wait3A_1750 = arith.constant 0 : i32
      %dma_wait3A_1751 = arith.constant 0 : i32
      %dma_wait3A_1752 = tpu.memref_slice %arg3[%dma_wait3A_1750, %dma_wait3A_1751] : memref<64x1000000xf32, #tpu.memory_space<hbm>> -> memref<64x128xf32, #tpu.memory_space<hbm>>
      tpu.wait_dma2 semaphore(%arg14 : memref<!tpu.dma_semaphore, #tpu.memory_space<semaphore_mem>>) src(%dma_wait3A_1752 : memref<64x128xf32, #tpu.memory_space<hbm>>) dst(%arg9 : memref<64x128xf32, #tpu.memory_space<vmem>>)
      %mul3A_1753 = arith.constant 16 : i32
      %mul3A_1754 = arith.muli %scan3A_1433, %mul3A_1753 : i32
      %add3A_1755 = arith.constant 3 : i32
      %add3A_1756 = arith.addi %mul3A_1754, %add3A_1755 : i32
      %slice3A_1757 = vector.extract_strided_slice %get3A_1437 {offsets = [3], sizes = [1], strides = [1]} : vector<16xi32> to vector<1xi32>
      %squeeze3A_1758 = vector.extract %slice3A_1757[0] : i32 from vector<1xi32>
      %jit3A_1759 = arith.constant 128 : i32
      %eq3A_1760 = arith.constant 0 : i32
      %eq3A_1761 = arith.cmpi eq, %jit3A_1759, %eq3A_1760 : i32
      %jit3A_1762 = arith.constant 1 : i32
      %select_n3A_1763 = arith.select %eq3A_1761, %jit3A_1762, %jit3A_1759 : i32
      %rem3A_1764 = arith.remsi %squeeze3A_1758, %select_n3A_1763 : i32
      %ne3A_1765 = arith.constant 0 : i32
      %ne3A_1766 = arith.cmpi ne, %rem3A_1764, %ne3A_1765 : i32
      %lt3A_1767 = arith.constant 0 : i32
      %lt3A_1768 = arith.cmpi slt, %rem3A_1764, %lt3A_1767 : i32
      %lt3A_1769 = arith.constant 0 : i32
      %lt3A_1770 = arith.cmpi slt, %select_n3A_1763, %lt3A_1769 : i32
      %ne3A_1771 = arith.xori %lt3A_1768, %lt3A_1770 : i1
      %and3A_1772 = arith.andi %ne3A_1771, %ne3A_1766 : i1
      %add3A_1773 = arith.addi %rem3A_1764, %select_n3A_1763 : i32
      %select_n3A_1774 = arith.select %and3A_1772, %add3A_1773, %rem3A_1764 : i32
      %broadcast_in_dim3A_1775 = vector.broadcast %select_n3A_1774 : i32 to vector<16xi32>
      %add3A_1776 = arith.constant 0 : i32
      %add3A_1777 = vector.broadcast %add3A_1776 : i32 to vector<16xi32>
      %add3A_1778 = arith.addi %add3A_1777, %iota3A : vector<16xi32>
      %gather3A_1779 = tpu.vector_load_idx %arg9[%add3A_1778, %broadcast_in_dim3A_1775] : memref<64x128xf32, #tpu.memory_space<vmem>>[vector<16xi32>, vector<16xi32>], vector<16xf32>,
      %swap3A_1780 = arith.index_cast %add3A_1756 : i32 to index
      %swap3A_1781 = arith.constant 0 : index
      %swap3A_1782 = tpu.vector_load %arg10[%swap3A_1780, %swap3A_1781] {strides = array<i32>} : memref<128x64xf32, #tpu.memory_space<vmem>>, vector<16xf32>,
      tpu.vector_store %arg10[%swap3A_1780, %swap3A_1781], %gather3A_1779 {strides = array<i32>} : memref<128x64xf32, #tpu.memory_space<vmem>>, vector<16xf32>,
      %add3A_1783 = arith.constant 16 : i32
      %add3A_1784 = vector.broadcast %add3A_1783 : i32 to vector<16xi32>
      %add3A_1785 = arith.addi %add3A_1784, %iota3A : vector<16xi32>
      %gather3A_1786 = tpu.vector_load_idx %arg9[%add3A_1785, %broadcast_in_dim3A_1775] : memref<64x128xf32, #tpu.memory_space<vmem>>[vector<16xi32>, vector<16xi32>], vector<16xf32>,
      %swap3A_1787 = arith.index_cast %add3A_1756 : i32 to index
      %swap3A_1788 = arith.constant 16 : index
      %swap3A_1789 = tpu.vector_load %arg10[%swap3A_1787, %swap3A_1788] {strides = array<i32>} : memref<128x64xf32, #tpu.memory_space<vmem>>, vector<16xf32>,
      tpu.vector_store %arg10[%swap3A_1787, %swap3A_1788], %gather3A_1786 {strides = array<i32>} : memref<128x64xf32, #tpu.memory_space<vmem>>, vector<16xf32>,
      %add3A_1790 = arith.constant 32 : i32
      %add3A_1791 = vector.broadcast %add3A_1790 : i32 to vector<16xi32>
      %add3A_1792 = arith.addi %add3A_1791, %iota3A : vector<16xi32>
      %gather3A_1793 = tpu.vector_load_idx %arg9[%add3A_1792, %broadcast_in_dim3A_1775] : memref<64x128xf32, #tpu.memory_space<vmem>>[vector<16xi32>, vector<16xi32>], vector<16xf32>,
      %swap3A_1794 = arith.index_cast %add3A_1756 : i32 to index
      %swap3A_1795 = arith.constant 32 : index
      %swap3A_1796 = tpu.vector_load %arg10[%swap3A_1794, %swap3A_1795] {strides = array<i32>} : memref<128x64xf32, #tpu.memory_space<vmem>>, vector<16xf32>,
      tpu.vector_store %arg10[%swap3A_1794, %swap3A_1795], %gather3A_1793 {strides = array<i32>} : memref<128x64xf32, #tpu.memory_space<vmem>>, vector<16xf32>,
      %add3A_1797 = arith.constant 48 : i32
      %add3A_1798 = vector.broadcast %add3A_1797 : i32 to vector<16xi32>
      %add3A_1799 = arith.addi %add3A_1798, %iota3A : vector<16xi32>
      %gather3A_1800 = tpu.vector_load_idx %arg9[%add3A_1799, %broadcast_in_dim3A_1775] : memref<64x128xf32, #tpu.memory_space<vmem>>[vector<16xi32>, vector<16xi32>], vector<16xf32>,
      %swap3A_1801 = arith.index_cast %add3A_1756 : i32 to index
      %swap3A_1802 = arith.constant 48 : index
      %swap3A_1803 = tpu.vector_load %arg10[%swap3A_1801, %swap3A_1802] {strides = array<i32>} : memref<128x64xf32, #tpu.memory_space<vmem>>, vector<16xf32>,
      tpu.vector_store %arg10[%swap3A_1801, %swap3A_1802], %gather3A_1800 {strides = array<i32>} : memref<128x64xf32, #tpu.memory_space<vmem>>, vector<16xf32>,
      %slice3A_1804 = vector.extract_strided_slice %get3A_1437 {offsets = [7], sizes = [1], strides = [1]} : vector<16xi32> to vector<1xi32>
      %squeeze3A_1805 = vector.extract %slice3A_1804[0] : i32 from vector<1xi32>
      %jit3A_1806 = arith.constant 128 : i32
      %div3A_1807 = arith.divsi %squeeze3A_1805, %jit3A_1806 : i32
      %sign3A_1808 = arith.constant 0 : i32
      %sign3A_1809 = arith.cmpi sgt, %squeeze3A_1805, %sign3A_1808 : i32
      %sign3A_1810 = arith.extui %sign3A_1809 : i1 to i32
      %sign3A_1811 = arith.constant 0 : i32
      %sign3A_1812 = arith.cmpi slt, %squeeze3A_1805, %sign3A_1811 : i32
      %sign3A_1813 = arith.extui %sign3A_1812 : i1 to i32
      %sign3A_1814 = arith.subi %sign3A_1810, %sign3A_1813 : i32
      %sign3A_1815 = arith.constant 0 : i32
      %sign3A_1816 = arith.cmpi sgt, %jit3A_1806, %sign3A_1815 : i32
      %sign3A_1817 = arith.extui %sign3A_1816 : i1 to i32
      %sign3A_1818 = arith.constant 0 : i32
      %sign3A_1819 = arith.cmpi slt, %jit3A_1806, %sign3A_1818 : i32
      %sign3A_1820 = arith.extui %sign3A_1819 : i1 to i32
      %sign3A_1821 = arith.subi %sign3A_1817, %sign3A_1820 : i32
      %ne3A_1822 = arith.cmpi ne, %sign3A_1814, %sign3A_1821 : i32
      %rem3A_1823 = arith.remsi %squeeze3A_1805, %jit3A_1806 : i32
      %ne3A_1824 = arith.constant 0 : i32
      %ne3A_1825 = arith.cmpi ne, %rem3A_1823, %ne3A_1824 : i32
      %and3A_1826 = arith.andi %ne3A_1822, %ne3A_1825 : i1
      %sub3A_1827 = arith.constant 1 : i32
      %sub3A_1828 = arith.subi %div3A_1807, %sub3A_1827 : i32
      %select_n3A_1829 = arith.select %and3A_1826, %sub3A_1828, %div3A_1807 : i32
      %mul3A_1830 = arith.constant 128 : i32
      %mul3A_1831 = arith.muli %select_n3A_1829, %mul3A_1830 : i32
      %multiple_of3A_1832 = tpu.assume_multiple %mul3A_1831, 128 : i32
      %dma_start3A_1833 = arith.constant 0 : i32
      %dma_start3A_1834 = tpu.memref_slice %arg3[%dma_start3A_1833, %multiple_of3A_1832] : memref<64x1000000xf32, #tpu.memory_space<hbm>> -> memref<64x128xf32, #tpu.memory_space<hbm>>
      %dma_start3A_1835 = arith.constant 0 : i32
      %dma_start3A_1836 = tpu.memref_slice %arg3[%dma_start3A_1835, %multiple_of3A_1832] : memref<64x1000000xf32, #tpu.memory_space<hbm>> -> memref<64x128xf32, #tpu.memory_space<hbm>>
      tpu.enqueue_dma source(%dma_start3A_1836 : memref<64x128xf32, #tpu.memory_space<hbm>>) target(%arg9 : memref<64x128xf32, #tpu.memory_space<vmem>>) target_semaphore(%arg14 : memref<!tpu.dma_semaphore, #tpu.memory_space<semaphore_mem>>)
      %dma_wait3A_1837 = arith.constant 0 : i32
      %dma_wait3A_1838 = arith.constant 0 : i32
      %dma_wait3A_1839 = tpu.memref_slice %arg3[%dma_wait3A_1837, %dma_wait3A_1838] : memref<64x1000000xf32, #tpu.memory_space<hbm>> -> memref<64x128xf32, #tpu.memory_space<hbm>>
      %dma_wait3A_1840 = arith.constant 0 : i32
      %dma_wait3A_1841 = arith.constant 0 : i32
      %dma_wait3A_1842 = tpu.memref_slice %arg3[%dma_wait3A_1840, %dma_wait3A_1841] : memref<64x1000000xf32, #tpu.memory_space<hbm>> -> memref<64x128xf32, #tpu.memory_space<hbm>>
      tpu.wait_dma2 semaphore(%arg11 : memref<!tpu.dma_semaphore, #tpu.memory_space<semaphore_mem>>) src(%dma_wait3A_1842 : memref<64x128xf32, #tpu.memory_space<hbm>>) dst(%arg6 : memref<64x128xf32, #tpu.memory_space<vmem>>)
      %mul3A_1843 = arith.constant 16 : i32
      %mul3A_1844 = arith.muli %scan3A_1433, %mul3A_1843 : i32
      %add3A_1845 = arith.constant 4 : i32
      %add3A_1846 = arith.addi %mul3A_1844, %add3A_1845 : i32
      %slice3A_1847 = vector.extract_strided_slice %get3A_1437 {offsets = [4], sizes = [1], strides = [1]} : vector<16xi32> to vector<1xi32>
      %squeeze3A_1848 = vector.extract %slice3A_1847[0] : i32 from vector<1xi32>
      %jit3A_1849 = arith.constant 128 : i32
      %eq3A_1850 = arith.constant 0 : i32
      %eq3A_1851 = arith.cmpi eq, %jit3A_1849, %eq3A_1850 : i32
      %jit3A_1852 = arith.constant 1 : i32
      %select_n3A_1853 = arith.select %eq3A_1851, %jit3A_1852, %jit3A_1849 : i32
      %rem3A_1854 = arith.remsi %squeeze3A_1848, %select_n3A_1853 : i32
      %ne3A_1855 = arith.constant 0 : i32
      %ne3A_1856 = arith.cmpi ne, %rem3A_1854, %ne3A_1855 : i32
      %lt3A_1857 = arith.constant 0 : i32
      %lt3A_1858 = arith.cmpi slt, %rem3A_1854, %lt3A_1857 : i32
      %lt3A_1859 = arith.constant 0 : i32
      %lt3A_1860 = arith.cmpi slt, %select_n3A_1853, %lt3A_1859 : i32
      %ne3A_1861 = arith.xori %lt3A_1858, %lt3A_1860 : i1
      %and3A_1862 = arith.andi %ne3A_1861, %ne3A_1856 : i1
      %add3A_1863 = arith.addi %rem3A_1854, %select_n3A_1853 : i32
      %select_n3A_1864 = arith.select %and3A_1862, %add3A_1863, %rem3A_1854 : i32
      %broadcast_in_dim3A_1865 = vector.broadcast %select_n3A_1864 : i32 to vector<16xi32>
      %add3A_1866 = arith.constant 0 : i32
      %add3A_1867 = vector.broadcast %add3A_1866 : i32 to vector<16xi32>
      %add3A_1868 = arith.addi %add3A_1867, %iota3A : vector<16xi32>
      %gather3A_1869 = tpu.vector_load_idx %arg6[%add3A_1868, %broadcast_in_dim3A_1865] : memref<64x128xf32, #tpu.memory_space<vmem>>[vector<16xi32>, vector<16xi32>], vector<16xf32>,
      %swap3A_1870 = arith.index_cast %add3A_1846 : i32 to index
      %swap3A_1871 = arith.constant 0 : index
      %swap3A_1872 = tpu.vector_load %arg10[%swap3A_1870, %swap3A_1871] {strides = array<i32>} : memref<128x64xf32, #tpu.memory_space<vmem>>, vector<16xf32>,
      tpu.vector_store %arg10[%swap3A_1870, %swap3A_1871], %gather3A_1869 {strides = array<i32>} : memref<128x64xf32, #tpu.memory_space<vmem>>, vector<16xf32>,
      %add3A_1873 = arith.constant 16 : i32
      %add3A_1874 = vector.broadcast %add3A_1873 : i32 to vector<16xi32>
      %add3A_1875 = arith.addi %add3A_1874, %iota3A : vector<16xi32>
      %gather3A_1876 = tpu.vector_load_idx %arg6[%add3A_1875, %broadcast_in_dim3A_1865] : memref<64x128xf32, #tpu.memory_space<vmem>>[vector<16xi32>, vector<16xi32>], vector<16xf32>,
      %swap3A_1877 = arith.index_cast %add3A_1846 : i32 to index
      %swap3A_1878 = arith.constant 16 : index
      %swap3A_1879 = tpu.vector_load %arg10[%swap3A_1877, %swap3A_1878] {strides = array<i32>} : memref<128x64xf32, #tpu.memory_space<vmem>>, vector<16xf32>,
      tpu.vector_store %arg10[%swap3A_1877, %swap3A_1878], %gather3A_1876 {strides = array<i32>} : memref<128x64xf32, #tpu.memory_space<vmem>>, vector<16xf32>,
      %add3A_1880 = arith.constant 32 : i32
      %add3A_1881 = vector.broadcast %add3A_1880 : i32 to vector<16xi32>
      %add3A_1882 = arith.addi %add3A_1881, %iota3A : vector<16xi32>
      %gather3A_1883 = tpu.vector_load_idx %arg6[%add3A_1882, %broadcast_in_dim3A_1865] : memref<64x128xf32, #tpu.memory_space<vmem>>[vector<16xi32>, vector<16xi32>], vector<16xf32>,
      %swap3A_1884 = arith.index_cast %add3A_1846 : i32 to index
      %swap3A_1885 = arith.constant 32 : index
      %swap3A_1886 = tpu.vector_load %arg10[%swap3A_1884, %swap3A_1885] {strides = array<i32>} : memref<128x64xf32, #tpu.memory_space<vmem>>, vector<16xf32>,
      tpu.vector_store %arg10[%swap3A_1884, %swap3A_1885], %gather3A_1883 {strides = array<i32>} : memref<128x64xf32, #tpu.memory_space<vmem>>, vector<16xf32>,
      %add3A_1887 = arith.constant 48 : i32
      %add3A_1888 = vector.broadcast %add3A_1887 : i32 to vector<16xi32>
      %add3A_1889 = arith.addi %add3A_1888, %iota3A : vector<16xi32>
      %gather3A_1890 = tpu.vector_load_idx %arg6[%add3A_1889, %broadcast_in_dim3A_1865] : memref<64x128xf32, #tpu.memory_space<vmem>>[vector<16xi32>, vector<16xi32>], vector<16xf32>,
      %swap3A_1891 = arith.index_cast %add3A_1846 : i32 to index
      %swap3A_1892 = arith.constant 48 : index
      %swap3A_1893 = tpu.vector_load %arg10[%swap3A_1891, %swap3A_1892] {strides = array<i32>} : memref<128x64xf32, #tpu.memory_space<vmem>>, vector<16xf32>,
      tpu.vector_store %arg10[%swap3A_1891, %swap3A_1892], %gather3A_1890 {strides = array<i32>} : memref<128x64xf32, #tpu.memory_space<vmem>>, vector<16xf32>,
      %slice3A_1894 = vector.extract_strided_slice %get3A_1437 {offsets = [8], sizes = [1], strides = [1]} : vector<16xi32> to vector<1xi32>
      %squeeze3A_1895 = vector.extract %slice3A_1894[0] : i32 from vector<1xi32>
      %jit3A_1896 = arith.constant 128 : i32
      %div3A_1897 = arith.divsi %squeeze3A_1895, %jit3A_1896 : i32
      %sign3A_1898 = arith.constant 0 : i32
      %sign3A_1899 = arith.cmpi sgt, %squeeze3A_1895, %sign3A_1898 : i32
      %sign3A_1900 = arith.extui %sign3A_1899 : i1 to i32
      %sign3A_1901 = arith.constant 0 : i32
      %sign3A_1902 = arith.cmpi slt, %squeeze3A_1895, %sign3A_1901 : i32
      %sign3A_1903 = arith.extui %sign3A_1902 : i1 to i32
      %sign3A_1904 = arith.subi %sign3A_1900, %sign3A_1903 : i32
      %sign3A_1905 = arith.constant 0 : i32
      %sign3A_1906 = arith.cmpi sgt, %jit3A_1896, %sign3A_1905 : i32
      %sign3A_1907 = arith.extui %sign3A_1906 : i1 to i32
      %sign3A_1908 = arith.constant 0 : i32
      %sign3A_1909 = arith.cmpi slt, %jit3A_1896, %sign3A_1908 : i32
      %sign3A_1910 = arith.extui %sign3A_1909 : i1 to i32
      %sign3A_1911 = arith.subi %sign3A_1907, %sign3A_1910 : i32
      %ne3A_1912 = arith.cmpi ne, %sign3A_1904, %sign3A_1911 : i32
      %rem3A_1913 = arith.remsi %squeeze3A_1895, %jit3A_1896 : i32
      %ne3A_1914 = arith.constant 0 : i32
      %ne3A_1915 = arith.cmpi ne, %rem3A_1913, %ne3A_1914 : i32
      %and3A_1916 = arith.andi %ne3A_1912, %ne3A_1915 : i1
      %sub3A_1917 = arith.constant 1 : i32
      %sub3A_1918 = arith.subi %div3A_1897, %sub3A_1917 : i32
      %select_n3A_1919 = arith.select %and3A_1916, %sub3A_1918, %div3A_1897 : i32
      %mul3A_1920 = arith.constant 128 : i32
      %mul3A_1921 = arith.muli %select_n3A_1919, %mul3A_1920 : i32
      %multiple_of3A_1922 = tpu.assume_multiple %mul3A_1921, 128 : i32
      %dma_start3A_1923 = arith.constant 0 : i32
      %dma_start3A_1924 = tpu.memref_slice %arg3[%dma_start3A_1923, %multiple_of3A_1922] : memref<64x1000000xf32, #tpu.memory_space<hbm>> -> memref<64x128xf32, #tpu.memory_space<hbm>>
      %dma_start3A_1925 = arith.constant 0 : i32
      %dma_start3A_1926 = tpu.memref_slice %arg3[%dma_start3A_1925, %multiple_of3A_1922] : memref<64x1000000xf32, #tpu.memory_space<hbm>> -> memref<64x128xf32, #tpu.memory_space<hbm>>
      tpu.enqueue_dma source(%dma_start3A_1926 : memref<64x128xf32, #tpu.memory_space<hbm>>) target(%arg6 : memref<64x128xf32, #tpu.memory_space<vmem>>) target_semaphore(%arg11 : memref<!tpu.dma_semaphore, #tpu.memory_space<semaphore_mem>>)
      %dma_wait3A_1927 = arith.constant 0 : i32
      %dma_wait3A_1928 = arith.constant 0 : i32
      %dma_wait3A_1929 = tpu.memref_slice %arg3[%dma_wait3A_1927, %dma_wait3A_1928] : memref<64x1000000xf32, #tpu.memory_space<hbm>> -> memref<64x128xf32, #tpu.memory_space<hbm>>
      %dma_wait3A_1930 = arith.constant 0 : i32
      %dma_wait3A_1931 = arith.constant 0 : i32
      %dma_wait3A_1932 = tpu.memref_slice %arg3[%dma_wait3A_1930, %dma_wait3A_1931] : memref<64x1000000xf32, #tpu.memory_space<hbm>> -> memref<64x128xf32, #tpu.memory_space<hbm>>
      tpu.wait_dma2 semaphore(%arg12 : memref<!tpu.dma_semaphore, #tpu.memory_space<semaphore_mem>>) src(%dma_wait3A_1932 : memref<64x128xf32, #tpu.memory_space<hbm>>) dst(%arg7 : memref<64x128xf32, #tpu.memory_space<vmem>>)
      %mul3A_1933 = arith.constant 16 : i32
      %mul3A_1934 = arith.muli %scan3A_1433, %mul3A_1933 : i32
      %add3A_1935 = arith.constant 5 : i32
      %add3A_1936 = arith.addi %mul3A_1934, %add3A_1935 : i32
      %slice3A_1937 = vector.extract_strided_slice %get3A_1437 {offsets = [5], sizes = [1], strides = [1]} : vector<16xi32> to vector<1xi32>
      %squeeze3A_1938 = vector.extract %slice3A_1937[0] : i32 from vector<1xi32>
      %jit3A_1939 = arith.constant 128 : i32
      %eq3A_1940 = arith.constant 0 : i32
      %eq3A_1941 = arith.cmpi eq, %jit3A_1939, %eq3A_1940 : i32
      %jit3A_1942 = arith.constant 1 : i32
      %select_n3A_1943 = arith.select %eq3A_1941, %jit3A_1942, %jit3A_1939 : i32
      %rem3A_1944 = arith.remsi %squeeze3A_1938, %select_n3A_1943 : i32
      %ne3A_1945 = arith.constant 0 : i32
      %ne3A_1946 = arith.cmpi ne, %rem3A_1944, %ne3A_1945 : i32
      %lt3A_1947 = arith.constant 0 : i32
      %lt3A_1948 = arith.cmpi slt, %rem3A_1944, %lt3A_1947 : i32
      %lt3A_1949 = arith.constant 0 : i32
      %lt3A_1950 = arith.cmpi slt, %select_n3A_1943, %lt3A_1949 : i32
      %ne3A_1951 = arith.xori %lt3A_1948, %lt3A_1950 : i1
      %and3A_1952 = arith.andi %ne3A_1951, %ne3A_1946 : i1
      %add3A_1953 = arith.addi %rem3A_1944, %select_n3A_1943 : i32
      %select_n3A_1954 = arith.select %and3A_1952, %add3A_1953, %rem3A_1944 : i32
      %broadcast_in_dim3A_1955 = vector.broadcast %select_n3A_1954 : i32 to vector<16xi32>
      %add3A_1956 = arith.constant 0 : i32
      %add3A_1957 = vector.broadcast %add3A_1956 : i32 to vector<16xi32>
      %add3A_1958 = arith.addi %add3A_1957, %iota3A : vector<16xi32>
      %gather3A_1959 = tpu.vector_load_idx %arg7[%add3A_1958, %broadcast_in_dim3A_1955] : memref<64x128xf32, #tpu.memory_space<vmem>>[vector<16xi32>, vector<16xi32>], vector<16xf32>,
      %swap3A_1960 = arith.index_cast %add3A_1936 : i32 to index
      %swap3A_1961 = arith.constant 0 : index
      %swap3A_1962 = tpu.vector_load %arg10[%swap3A_1960, %swap3A_1961] {strides = array<i32>} : memref<128x64xf32, #tpu.memory_space<vmem>>, vector<16xf32>,
      tpu.vector_store %arg10[%swap3A_1960, %swap3A_1961], %gather3A_1959 {strides = array<i32>} : memref<128x64xf32, #tpu.memory_space<vmem>>, vector<16xf32>,
      %add3A_1963 = arith.constant 16 : i32
      %add3A_1964 = vector.broadcast %add3A_1963 : i32 to vector<16xi32>
      %add3A_1965 = arith.addi %add3A_1964, %iota3A : vector<16xi32>
      %gather3A_1966 = tpu.vector_load_idx %arg7[%add3A_1965, %broadcast_in_dim3A_1955] : memref<64x128xf32, #tpu.memory_space<vmem>>[vector<16xi32>, vector<16xi32>], vector<16xf32>,
      %swap3A_1967 = arith.index_cast %add3A_1936 : i32 to index
      %swap3A_1968 = arith.constant 16 : index
      %swap3A_1969 = tpu.vector_load %arg10[%swap3A_1967, %swap3A_1968] {strides = array<i32>} : memref<128x64xf32, #tpu.memory_space<vmem>>, vector<16xf32>,
      tpu.vector_store %arg10[%swap3A_1967, %swap3A_1968], %gather3A_1966 {strides = array<i32>} : memref<128x64xf32, #tpu.memory_space<vmem>>, vector<16xf32>,
      %add3A_1970 = arith.constant 32 : i32
      %add3A_1971 = vector.broadcast %add3A_1970 : i32 to vector<16xi32>
      %add3A_1972 = arith.addi %add3A_1971, %iota3A : vector<16xi32>
      %gather3A_1973 = tpu.vector_load_idx %arg7[%add3A_1972, %broadcast_in_dim3A_1955] : memref<64x128xf32, #tpu.memory_space<vmem>>[vector<16xi32>, vector<16xi32>], vector<16xf32>,
      %swap3A_1974 = arith.index_cast %add3A_1936 : i32 to index
      %swap3A_1975 = arith.constant 32 : index
      %swap3A_1976 = tpu.vector_load %arg10[%swap3A_1974, %swap3A_1975] {strides = array<i32>} : memref<128x64xf32, #tpu.memory_space<vmem>>, vector<16xf32>,
      tpu.vector_store %arg10[%swap3A_1974, %swap3A_1975], %gather3A_1973 {strides = array<i32>} : memref<128x64xf32, #tpu.memory_space<vmem>>, vector<16xf32>,
      %add3A_1977 = arith.constant 48 : i32
      %add3A_1978 = vector.broadcast %add3A_1977 : i32 to vector<16xi32>
      %add3A_1979 = arith.addi %add3A_1978, %iota3A : vector<16xi32>
      %gather3A_1980 = tpu.vector_load_idx %arg7[%add3A_1979, %broadcast_in_dim3A_1955] : memref<64x128xf32, #tpu.memory_space<vmem>>[vector<16xi32>, vector<16xi32>], vector<16xf32>,
      %swap3A_1981 = arith.index_cast %add3A_1936 : i32 to index
      %swap3A_1982 = arith.constant 48 : index
      %swap3A_1983 = tpu.vector_load %arg10[%swap3A_1981, %swap3A_1982] {strides = array<i32>} : memref<128x64xf32, #tpu.memory_space<vmem>>, vector<16xf32>,
      tpu.vector_store %arg10[%swap3A_1981, %swap3A_1982], %gather3A_1980 {strides = array<i32>} : memref<128x64xf32, #tpu.memory_space<vmem>>, vector<16xf32>,
      %slice3A_1984 = vector.extract_strided_slice %get3A_1437 {offsets = [9], sizes = [1], strides = [1]} : vector<16xi32> to vector<1xi32>
      %squeeze3A_1985 = vector.extract %slice3A_1984[0] : i32 from vector<1xi32>
      %jit3A_1986 = arith.constant 128 : i32
      %div3A_1987 = arith.divsi %squeeze3A_1985, %jit3A_1986 : i32
      %sign3A_1988 = arith.constant 0 : i32
      %sign3A_1989 = arith.cmpi sgt, %squeeze3A_1985, %sign3A_1988 : i32
      %sign3A_1990 = arith.extui %sign3A_1989 : i1 to i32
      %sign3A_1991 = arith.constant 0 : i32
      %sign3A_1992 = arith.cmpi slt, %squeeze3A_1985, %sign3A_1991 : i32
      %sign3A_1993 = arith.extui %sign3A_1992 : i1 to i32
      %sign3A_1994 = arith.subi %sign3A_1990, %sign3A_1993 : i32
      %sign3A_1995 = arith.constant 0 : i32
      %sign3A_1996 = arith.cmpi sgt, %jit3A_1986, %sign3A_1995 : i32
      %sign3A_1997 = arith.extui %sign3A_1996 : i1 to i32
      %sign3A_1998 = arith.constant 0 : i32
      %sign3A_1999 = arith.cmpi slt, %jit3A_1986, %sign3A_1998 : i32
      %sign3A_2000 = arith.extui %sign3A_1999 : i1 to i32
      %sign3A_2001 = arith.subi %sign3A_1997, %sign3A_2000 : i32
      %ne3A_2002 = arith.cmpi ne, %sign3A_1994, %sign3A_2001 : i32
      %rem3A_2003 = arith.remsi %squeeze3A_1985, %jit3A_1986 : i32
      %ne3A_2004 = arith.constant 0 : i32
      %ne3A_2005 = arith.cmpi ne, %rem3A_2003, %ne3A_2004 : i32
      %and3A_2006 = arith.andi %ne3A_2002, %ne3A_2005 : i1
      %sub3A_2007 = arith.constant 1 : i32
      %sub3A_2008 = arith.subi %div3A_1987, %sub3A_2007 : i32
      %select_n3A_2009 = arith.select %and3A_2006, %sub3A_2008, %div3A_1987 : i32
      %mul3A_2010 = arith.constant 128 : i32
      %mul3A_2011 = arith.muli %select_n3A_2009, %mul3A_2010 : i32
      %multiple_of3A_2012 = tpu.assume_multiple %mul3A_2011, 128 : i32
      %dma_start3A_2013 = arith.constant 0 : i32
      %dma_start3A_2014 = tpu.memref_slice %arg3[%dma_start3A_2013, %multiple_of3A_2012] : memref<64x1000000xf32, #tpu.memory_space<hbm>> -> memref<64x128xf32, #tpu.memory_space<hbm>>
      %dma_start3A_2015 = arith.constant 0 : i32
      %dma_start3A_2016 = tpu.memref_slice %arg3[%dma_start3A_2015, %multiple_of3A_2012] : memref<64x1000000xf32, #tpu.memory_space<hbm>> -> memref<64x128xf32, #tpu.memory_space<hbm>>
      tpu.enqueue_dma source(%dma_start3A_2016 : memref<64x128xf32, #tpu.memory_space<hbm>>) target(%arg7 : memref<64x128xf32, #tpu.memory_space<vmem>>) target_semaphore(%arg12 : memref<!tpu.dma_semaphore, #tpu.memory_space<semaphore_mem>>)
      %dma_wait3A_2017 = arith.constant 0 : i32
      %dma_wait3A_2018 = arith.constant 0 : i32
      %dma_wait3A_2019 = tpu.memref_slice %arg3[%dma_wait3A_2017, %dma_wait3A_2018] : memref<64x1000000xf32, #tpu.memory_space<hbm>> -> memref<64x128xf32, #tpu.memory_space<hbm>>
      %dma_wait3A_2020 = arith.constant 0 : i32
      %dma_wait3A_2021 = arith.constant 0 : i32
      %dma_wait3A_2022 = tpu.memref_slice %arg3[%dma_wait3A_2020, %dma_wait3A_2021] : memref<64x1000000xf32, #tpu.memory_space<hbm>> -> memref<64x128xf32, #tpu.memory_space<hbm>>
      tpu.wait_dma2 semaphore(%arg13 : memref<!tpu.dma_semaphore, #tpu.memory_space<semaphore_mem>>) src(%dma_wait3A_2022 : memref<64x128xf32, #tpu.memory_space<hbm>>) dst(%arg8 : memref<64x128xf32, #tpu.memory_space<vmem>>)
      %mul3A_2023 = arith.constant 16 : i32
      %mul3A_2024 = arith.muli %scan3A_1433, %mul3A_2023 : i32
      %add3A_2025 = arith.constant 6 : i32
      %add3A_2026 = arith.addi %mul3A_2024, %add3A_2025 : i32
      %slice3A_2027 = vector.extract_strided_slice %get3A_1437 {offsets = [6], sizes = [1], strides = [1]} : vector<16xi32> to vector<1xi32>
      %squeeze3A_2028 = vector.extract %slice3A_2027[0] : i32 from vector<1xi32>
      %jit3A_2029 = arith.constant 128 : i32
      %eq3A_2030 = arith.constant 0 : i32
      %eq3A_2031 = arith.cmpi eq, %jit3A_2029, %eq3A_2030 : i32
      %jit3A_2032 = arith.constant 1 : i32
      %select_n3A_2033 = arith.select %eq3A_2031, %jit3A_2032, %jit3A_2029 : i32
      %rem3A_2034 = arith.remsi %squeeze3A_2028, %select_n3A_2033 : i32
      %ne3A_2035 = arith.constant 0 : i32
      %ne3A_2036 = arith.cmpi ne, %rem3A_2034, %ne3A_2035 : i32
      %lt3A_2037 = arith.constant 0 : i32
      %lt3A_2038 = arith.cmpi slt, %rem3A_2034, %lt3A_2037 : i32
      %lt3A_2039 = arith.constant 0 : i32
      %lt3A_2040 = arith.cmpi slt, %select_n3A_2033, %lt3A_2039 : i32
      %ne3A_2041 = arith.xori %lt3A_2038, %lt3A_2040 : i1
      %and3A_2042 = arith.andi %ne3A_2041, %ne3A_2036 : i1
      %add3A_2043 = arith.addi %rem3A_2034, %select_n3A_2033 : i32
      %select_n3A_2044 = arith.select %and3A_2042, %add3A_2043, %rem3A_2034 : i32
      %broadcast_in_dim3A_2045 = vector.broadcast %select_n3A_2044 : i32 to vector<16xi32>
      %add3A_2046 = arith.constant 0 : i32
      %add3A_2047 = vector.broadcast %add3A_2046 : i32 to vector<16xi32>
      %add3A_2048 = arith.addi %add3A_2047, %iota3A : vector<16xi32>
      %gather3A_2049 = tpu.vector_load_idx %arg8[%add3A_2048, %broadcast_in_dim3A_2045] : memref<64x128xf32, #tpu.memory_space<vmem>>[vector<16xi32>, vector<16xi32>], vector<16xf32>,
      %swap3A_2050 = arith.index_cast %add3A_2026 : i32 to index
      %swap3A_2051 = arith.constant 0 : index
      %swap3A_2052 = tpu.vector_load %arg10[%swap3A_2050, %swap3A_2051] {strides = array<i32>} : memref<128x64xf32, #tpu.memory_space<vmem>>, vector<16xf32>,
      tpu.vector_store %arg10[%swap3A_2050, %swap3A_2051], %gather3A_2049 {strides = array<i32>} : memref<128x64xf32, #tpu.memory_space<vmem>>, vector<16xf32>,
      %add3A_2053 = arith.constant 16 : i32
      %add3A_2054 = vector.broadcast %add3A_2053 : i32 to vector<16xi32>
      %add3A_2055 = arith.addi %add3A_2054, %iota3A : vector<16xi32>
      %gather3A_2056 = tpu.vector_load_idx %arg8[%add3A_2055, %broadcast_in_dim3A_2045] : memref<64x128xf32, #tpu.memory_space<vmem>>[vector<16xi32>, vector<16xi32>], vector<16xf32>,
      %swap3A_2057 = arith.index_cast %add3A_2026 : i32 to index
      %swap3A_2058 = arith.constant 16 : index
      %swap3A_2059 = tpu.vector_load %arg10[%swap3A_2057, %swap3A_2058] {strides = array<i32>} : memref<128x64xf32, #tpu.memory_space<vmem>>, vector<16xf32>,
      tpu.vector_store %arg10[%swap3A_2057, %swap3A_2058], %gather3A_2056 {strides = array<i32>} : memref<128x64xf32, #tpu.memory_space<vmem>>, vector<16xf32>,
      %add3A_2060 = arith.constant 32 : i32
      %add3A_2061 = vector.broadcast %add3A_2060 : i32 to vector<16xi32>
      %add3A_2062 = arith.addi %add3A_2061, %iota3A : vector<16xi32>
      %gather3A_2063 = tpu.vector_load_idx %arg8[%add3A_2062, %broadcast_in_dim3A_2045] : memref<64x128xf32, #tpu.memory_space<vmem>>[vector<16xi32>, vector<16xi32>], vector<16xf32>,
      %swap3A_2064 = arith.index_cast %add3A_2026 : i32 to index
      %swap3A_2065 = arith.constant 32 : index
      %swap3A_2066 = tpu.vector_load %arg10[%swap3A_2064, %swap3A_2065] {strides = array<i32>} : memref<128x64xf32, #tpu.memory_space<vmem>>, vector<16xf32>,
      tpu.vector_store %arg10[%swap3A_2064, %swap3A_2065], %gather3A_2063 {strides = array<i32>} : memref<128x64xf32, #tpu.memory_space<vmem>>, vector<16xf32>,
      %add3A_2067 = arith.constant 48 : i32
      %add3A_2068 = vector.broadcast %add3A_2067 : i32 to vector<16xi32>
      %add3A_2069 = arith.addi %add3A_2068, %iota3A : vector<16xi32>
      %gather3A_2070 = tpu.vector_load_idx %arg8[%add3A_2069, %broadcast_in_dim3A_2045] : memref<64x128xf32, #tpu.memory_space<vmem>>[vector<16xi32>, vector<16xi32>], vector<16xf32>,
      %swap3A_2071 = arith.index_cast %add3A_2026 : i32 to index
      %swap3A_2072 = arith.constant 48 : index
      %swap3A_2073 = tpu.vector_load %arg10[%swap3A_2071, %swap3A_2072] {strides = array<i32>} : memref<128x64xf32, #tpu.memory_space<vmem>>, vector<16xf32>,
      tpu.vector_store %arg10[%swap3A_2071, %swap3A_2072], %gather3A_2070 {strides = array<i32>} : memref<128x64xf32, #tpu.memory_space<vmem>>, vector<16xf32>,
      %slice3A_2074 = vector.extract_strided_slice %get3A_1437 {offsets = [10], sizes = [1], strides = [1]} : vector<16xi32> to vector<1xi32>
      %squeeze3A_2075 = vector.extract %slice3A_2074[0] : i32 from vector<1xi32>
      %jit3A_2076 = arith.constant 128 : i32
      %div3A_2077 = arith.divsi %squeeze3A_2075, %jit3A_2076 : i32
      %sign3A_2078 = arith.constant 0 : i32
      %sign3A_2079 = arith.cmpi sgt, %squeeze3A_2075, %sign3A_2078 : i32
      %sign3A_2080 = arith.extui %sign3A_2079 : i1 to i32
      %sign3A_2081 = arith.constant 0 : i32
      %sign3A_2082 = arith.cmpi slt, %squeeze3A_2075, %sign3A_2081 : i32
      %sign3A_2083 = arith.extui %sign3A_2082 : i1 to i32
      %sign3A_2084 = arith.subi %sign3A_2080, %sign3A_2083 : i32
      %sign3A_2085 = arith.constant 0 : i32
      %sign3A_2086 = arith.cmpi sgt, %jit3A_2076, %sign3A_2085 : i32
      %sign3A_2087 = arith.extui %sign3A_2086 : i1 to i32
      %sign3A_2088 = arith.constant 0 : i32
      %sign3A_2089 = arith.cmpi slt, %jit3A_2076, %sign3A_2088 : i32
      %sign3A_2090 = arith.extui %sign3A_2089 : i1 to i32
      %sign3A_2091 = arith.subi %sign3A_2087, %sign3A_2090 : i32
      %ne3A_2092 = arith.cmpi ne, %sign3A_2084, %sign3A_2091 : i32
      %rem3A_2093 = arith.remsi %squeeze3A_2075, %jit3A_2076 : i32
      %ne3A_2094 = arith.constant 0 : i32
      %ne3A_2095 = arith.cmpi ne, %rem3A_2093, %ne3A_2094 : i32
      %and3A_2096 = arith.andi %ne3A_2092, %ne3A_2095 : i1
      %sub3A_2097 = arith.constant 1 : i32
      %sub3A_2098 = arith.subi %div3A_2077, %sub3A_2097 : i32
      %select_n3A_2099 = arith.select %and3A_2096, %sub3A_2098, %div3A_2077 : i32
      %mul3A_2100 = arith.constant 128 : i32
      %mul3A_2101 = arith.muli %select_n3A_2099, %mul3A_2100 : i32
      %multiple_of3A_2102 = tpu.assume_multiple %mul3A_2101, 128 : i32
      %dma_start3A_2103 = arith.constant 0 : i32
      %dma_start3A_2104 = tpu.memref_slice %arg3[%dma_start3A_2103, %multiple_of3A_2102] : memref<64x1000000xf32, #tpu.memory_space<hbm>> -> memref<64x128xf32, #tpu.memory_space<hbm>>
      %dma_start3A_2105 = arith.constant 0 : i32
      %dma_start3A_2106 = tpu.memref_slice %arg3[%dma_start3A_2105, %multiple_of3A_2102] : memref<64x1000000xf32, #tpu.memory_space<hbm>> -> memref<64x128xf32, #tpu.memory_space<hbm>>
      tpu.enqueue_dma source(%dma_start3A_2106 : memref<64x128xf32, #tpu.memory_space<hbm>>) target(%arg8 : memref<64x128xf32, #tpu.memory_space<vmem>>) target_semaphore(%arg13 : memref<!tpu.dma_semaphore, #tpu.memory_space<semaphore_mem>>)
      %dma_wait3A_2107 = arith.constant 0 : i32
      %dma_wait3A_2108 = arith.constant 0 : i32
      %dma_wait3A_2109 = tpu.memref_slice %arg3[%dma_wait3A_2107, %dma_wait3A_2108] : memref<64x1000000xf32, #tpu.memory_space<hbm>> -> memref<64x128xf32, #tpu.memory_space<hbm>>
      %dma_wait3A_2110 = arith.constant 0 : i32
      %dma_wait3A_2111 = arith.constant 0 : i32
      %dma_wait3A_2112 = tpu.memref_slice %arg3[%dma_wait3A_2110, %dma_wait3A_2111] : memref<64x1000000xf32, #tpu.memory_space<hbm>> -> memref<64x128xf32, #tpu.memory_space<hbm>>
      tpu.wait_dma2 semaphore(%arg14 : memref<!tpu.dma_semaphore, #tpu.memory_space<semaphore_mem>>) src(%dma_wait3A_2112 : memref<64x128xf32, #tpu.memory_space<hbm>>) dst(%arg9 : memref<64x128xf32, #tpu.memory_space<vmem>>)
      %mul3A_2113 = arith.constant 16 : i32
      %mul3A_2114 = arith.muli %scan3A_1433, %mul3A_2113 : i32
      %add3A_2115 = arith.constant 7 : i32
      %add3A_2116 = arith.addi %mul3A_2114, %add3A_2115 : i32
      %slice3A_2117 = vector.extract_strided_slice %get3A_1437 {offsets = [7], sizes = [1], strides = [1]} : vector<16xi32> to vector<1xi32>
      %squeeze3A_2118 = vector.extract %slice3A_2117[0] : i32 from vector<1xi32>
      %jit3A_2119 = arith.constant 128 : i32
      %eq3A_2120 = arith.constant 0 : i32
      %eq3A_2121 = arith.cmpi eq, %jit3A_2119, %eq3A_2120 : i32
      %jit3A_2122 = arith.constant 1 : i32
      %select_n3A_2123 = arith.select %eq3A_2121, %jit3A_2122, %jit3A_2119 : i32
      %rem3A_2124 = arith.remsi %squeeze3A_2118, %select_n3A_2123 : i32
      %ne3A_2125 = arith.constant 0 : i32
      %ne3A_2126 = arith.cmpi ne, %rem3A_2124, %ne3A_2125 : i32
      %lt3A_2127 = arith.constant 0 : i32
      %lt3A_2128 = arith.cmpi slt, %rem3A_2124, %lt3A_2127 : i32
      %lt3A_2129 = arith.constant 0 : i32
      %lt3A_2130 = arith.cmpi slt, %select_n3A_2123, %lt3A_2129 : i32
      %ne3A_2131 = arith.xori %lt3A_2128, %lt3A_2130 : i1
      %and3A_2132 = arith.andi %ne3A_2131, %ne3A_2126 : i1
      %add3A_2133 = arith.addi %rem3A_2124, %select_n3A_2123 : i32
      %select_n3A_2134 = arith.select %and3A_2132, %add3A_2133, %rem3A_2124 : i32
      %broadcast_in_dim3A_2135 = vector.broadcast %select_n3A_2134 : i32 to vector<16xi32>
      %add3A_2136 = arith.constant 0 : i32
      %add3A_2137 = vector.broadcast %add3A_2136 : i32 to vector<16xi32>
      %add3A_2138 = arith.addi %add3A_2137, %iota3A : vector<16xi32>
      %gather3A_2139 = tpu.vector_load_idx %arg9[%add3A_2138, %broadcast_in_dim3A_2135] : memref<64x128xf32, #tpu.memory_space<vmem>>[vector<16xi32>, vector<16xi32>], vector<16xf32>,
      %swap3A_2140 = arith.index_cast %add3A_2116 : i32 to index
      %swap3A_2141 = arith.constant 0 : index
      %swap3A_2142 = tpu.vector_load %arg10[%swap3A_2140, %swap3A_2141] {strides = array<i32>} : memref<128x64xf32, #tpu.memory_space<vmem>>, vector<16xf32>,
      tpu.vector_store %arg10[%swap3A_2140, %swap3A_2141], %gather3A_2139 {strides = array<i32>} : memref<128x64xf32, #tpu.memory_space<vmem>>, vector<16xf32>,
      %add3A_2143 = arith.constant 16 : i32
      %add3A_2144 = vector.broadcast %add3A_2143 : i32 to vector<16xi32>
      %add3A_2145 = arith.addi %add3A_2144, %iota3A : vector<16xi32>
      %gather3A_2146 = tpu.vector_load_idx %arg9[%add3A_2145, %broadcast_in_dim3A_2135] : memref<64x128xf32, #tpu.memory_space<vmem>>[vector<16xi32>, vector<16xi32>], vector<16xf32>,
      %swap3A_2147 = arith.index_cast %add3A_2116 : i32 to index
      %swap3A_2148 = arith.constant 16 : index
      %swap3A_2149 = tpu.vector_load %arg10[%swap3A_2147, %swap3A_2148] {strides = array<i32>} : memref<128x64xf32, #tpu.memory_space<vmem>>, vector<16xf32>,
      tpu.vector_store %arg10[%swap3A_2147, %swap3A_2148], %gather3A_2146 {strides = array<i32>} : memref<128x64xf32, #tpu.memory_space<vmem>>, vector<16xf32>,
      %add3A_2150 = arith.constant 32 : i32
      %add3A_2151 = vector.broadcast %add3A_2150 : i32 to vector<16xi32>
      %add3A_2152 = arith.addi %add3A_2151, %iota3A : vector<16xi32>
      %gather3A_2153 = tpu.vector_load_idx %arg9[%add3A_2152, %broadcast_in_dim3A_2135] : memref<64x128xf32, #tpu.memory_space<vmem>>[vector<16xi32>, vector<16xi32>], vector<16xf32>,
      %swap3A_2154 = arith.index_cast %add3A_2116 : i32 to index
      %swap3A_2155 = arith.constant 32 : index
      %swap3A_2156 = tpu.vector_load %arg10[%swap3A_2154, %swap3A_2155] {strides = array<i32>} : memref<128x64xf32, #tpu.memory_space<vmem>>, vector<16xf32>,
      tpu.vector_store %arg10[%swap3A_2154, %swap3A_2155], %gather3A_2153 {strides = array<i32>} : memref<128x64xf32, #tpu.memory_space<vmem>>, vector<16xf32>,
      %add3A_2157 = arith.constant 48 : i32
      %add3A_2158 = vector.broadcast %add3A_2157 : i32 to vector<16xi32>
      %add3A_2159 = arith.addi %add3A_2158, %iota3A : vector<16xi32>
      %gather3A_2160 = tpu.vector_load_idx %arg9[%add3A_2159, %broadcast_in_dim3A_2135] : memref<64x128xf32, #tpu.memory_space<vmem>>[vector<16xi32>, vector<16xi32>], vector<16xf32>,
      %swap3A_2161 = arith.index_cast %add3A_2116 : i32 to index
      %swap3A_2162 = arith.constant 48 : index
      %swap3A_2163 = tpu.vector_load %arg10[%swap3A_2161, %swap3A_2162] {strides = array<i32>} : memref<128x64xf32, #tpu.memory_space<vmem>>, vector<16xf32>,
      tpu.vector_store %arg10[%swap3A_2161, %swap3A_2162], %gather3A_2160 {strides = array<i32>} : memref<128x64xf32, #tpu.memory_space<vmem>>, vector<16xf32>,
      %slice3A_2164 = vector.extract_strided_slice %get3A_1437 {offsets = [11], sizes = [1], strides = [1]} : vector<16xi32> to vector<1xi32>
      %squeeze3A_2165 = vector.extract %slice3A_2164[0] : i32 from vector<1xi32>
      %jit3A_2166 = arith.constant 128 : i32
      %div3A_2167 = arith.divsi %squeeze3A_2165, %jit3A_2166 : i32
      %sign3A_2168 = arith.constant 0 : i32
      %sign3A_2169 = arith.cmpi sgt, %squeeze3A_2165, %sign3A_2168 : i32
      %sign3A_2170 = arith.extui %sign3A_2169 : i1 to i32
      %sign3A_2171 = arith.constant 0 : i32
      %sign3A_2172 = arith.cmpi slt, %squeeze3A_2165, %sign3A_2171 : i32
      %sign3A_2173 = arith.extui %sign3A_2172 : i1 to i32
      %sign3A_2174 = arith.subi %sign3A_2170, %sign3A_2173 : i32
      %sign3A_2175 = arith.constant 0 : i32
      %sign3A_2176 = arith.cmpi sgt, %jit3A_2166, %sign3A_2175 : i32
      %sign3A_2177 = arith.extui %sign3A_2176 : i1 to i32
      %sign3A_2178 = arith.constant 0 : i32
      %sign3A_2179 = arith.cmpi slt, %jit3A_2166, %sign3A_2178 : i32
      %sign3A_2180 = arith.extui %sign3A_2179 : i1 to i32
      %sign3A_2181 = arith.subi %sign3A_2177, %sign3A_2180 : i32
      %ne3A_2182 = arith.cmpi ne, %sign3A_2174, %sign3A_2181 : i32
      %rem3A_2183 = arith.remsi %squeeze3A_2165, %jit3A_2166 : i32
      %ne3A_2184 = arith.constant 0 : i32
      %ne3A_2185 = arith.cmpi ne, %rem3A_2183, %ne3A_2184 : i32
      %and3A_2186 = arith.andi %ne3A_2182, %ne3A_2185 : i1
      %sub3A_2187 = arith.constant 1 : i32
      %sub3A_2188 = arith.subi %div3A_2167, %sub3A_2187 : i32
      %select_n3A_2189 = arith.select %and3A_2186, %sub3A_2188, %div3A_2167 : i32
      %mul3A_2190 = arith.constant 128 : i32
      %mul3A_2191 = arith.muli %select_n3A_2189, %mul3A_2190 : i32
      %multiple_of3A_2192 = tpu.assume_multiple %mul3A_2191, 128 : i32
      %dma_start3A_2193 = arith.constant 0 : i32
      %dma_start3A_2194 = tpu.memref_slice %arg3[%dma_start3A_2193, %multiple_of3A_2192] : memref<64x1000000xf32, #tpu.memory_space<hbm>> -> memref<64x128xf32, #tpu.memory_space<hbm>>
      %dma_start3A_2195 = arith.constant 0 : i32
      %dma_start3A_2196 = tpu.memref_slice %arg3[%dma_start3A_2195, %multiple_of3A_2192] : memref<64x1000000xf32, #tpu.memory_space<hbm>> -> memref<64x128xf32, #tpu.memory_space<hbm>>
      tpu.enqueue_dma source(%dma_start3A_2196 : memref<64x128xf32, #tpu.memory_space<hbm>>) target(%arg9 : memref<64x128xf32, #tpu.memory_space<vmem>>) target_semaphore(%arg14 : memref<!tpu.dma_semaphore, #tpu.memory_space<semaphore_mem>>)
      %dma_wait3A_2197 = arith.constant 0 : i32
      %dma_wait3A_2198 = arith.constant 0 : i32
      %dma_wait3A_2199 = tpu.memref_slice %arg3[%dma_wait3A_2197, %dma_wait3A_2198] : memref<64x1000000xf32, #tpu.memory_space<hbm>> -> memref<64x128xf32, #tpu.memory_space<hbm>>
      %dma_wait3A_2200 = arith.constant 0 : i32
      %dma_wait3A_2201 = arith.constant 0 : i32
      %dma_wait3A_2202 = tpu.memref_slice %arg3[%dma_wait3A_2200, %dma_wait3A_2201] : memref<64x1000000xf32, #tpu.memory_space<hbm>> -> memref<64x128xf32, #tpu.memory_space<hbm>>
      tpu.wait_dma2 semaphore(%arg11 : memref<!tpu.dma_semaphore, #tpu.memory_space<semaphore_mem>>) src(%dma_wait3A_2202 : memref<64x128xf32, #tpu.memory_space<hbm>>) dst(%arg6 : memref<64x128xf32, #tpu.memory_space<vmem>>)
      %mul3A_2203 = arith.constant 16 : i32
      %mul3A_2204 = arith.muli %scan3A_1433, %mul3A_2203 : i32
      %add3A_2205 = arith.constant 8 : i32
      %add3A_2206 = arith.addi %mul3A_2204, %add3A_2205 : i32
      %slice3A_2207 = vector.extract_strided_slice %get3A_1437 {offsets = [8], sizes = [1], strides = [1]} : vector<16xi32> to vector<1xi32>
      %squeeze3A_2208 = vector.extract %slice3A_2207[0] : i32 from vector<1xi32>
      %jit3A_2209 = arith.constant 128 : i32
      %eq3A_2210 = arith.constant 0 : i32
      %eq3A_2211 = arith.cmpi eq, %jit3A_2209, %eq3A_2210 : i32
      %jit3A_2212 = arith.constant 1 : i32
      %select_n3A_2213 = arith.select %eq3A_2211, %jit3A_2212, %jit3A_2209 : i32
      %rem3A_2214 = arith.remsi %squeeze3A_2208, %select_n3A_2213 : i32
      %ne3A_2215 = arith.constant 0 : i32
      %ne3A_2216 = arith.cmpi ne, %rem3A_2214, %ne3A_2215 : i32
      %lt3A_2217 = arith.constant 0 : i32
      %lt3A_2218 = arith.cmpi slt, %rem3A_2214, %lt3A_2217 : i32
      %lt3A_2219 = arith.constant 0 : i32
      %lt3A_2220 = arith.cmpi slt, %select_n3A_2213, %lt3A_2219 : i32
      %ne3A_2221 = arith.xori %lt3A_2218, %lt3A_2220 : i1
      %and3A_2222 = arith.andi %ne3A_2221, %ne3A_2216 : i1
      %add3A_2223 = arith.addi %rem3A_2214, %select_n3A_2213 : i32
      %select_n3A_2224 = arith.select %and3A_2222, %add3A_2223, %rem3A_2214 : i32
      %broadcast_in_dim3A_2225 = vector.broadcast %select_n3A_2224 : i32 to vector<16xi32>
      %add3A_2226 = arith.constant 0 : i32
      %add3A_2227 = vector.broadcast %add3A_2226 : i32 to vector<16xi32>
      %add3A_2228 = arith.addi %add3A_2227, %iota3A : vector<16xi32>
      %gather3A_2229 = tpu.vector_load_idx %arg6[%add3A_2228, %broadcast_in_dim3A_2225] : memref<64x128xf32, #tpu.memory_space<vmem>>[vector<16xi32>, vector<16xi32>], vector<16xf32>,
      %swap3A_2230 = arith.index_cast %add3A_2206 : i32 to index
      %swap3A_2231 = arith.constant 0 : index
      %swap3A_2232 = tpu.vector_load %arg10[%swap3A_2230, %swap3A_2231] {strides = array<i32>} : memref<128x64xf32, #tpu.memory_space<vmem>>, vector<16xf32>,
      tpu.vector_store %arg10[%swap3A_2230, %swap3A_2231], %gather3A_2229 {strides = array<i32>} : memref<128x64xf32, #tpu.memory_space<vmem>>, vector<16xf32>,
      %add3A_2233 = arith.constant 16 : i32
      %add3A_2234 = vector.broadcast %add3A_2233 : i32 to vector<16xi32>
      %add3A_2235 = arith.addi %add3A_2234, %iota3A : vector<16xi32>
      %gather3A_2236 = tpu.vector_load_idx %arg6[%add3A_2235, %broadcast_in_dim3A_2225] : memref<64x128xf32, #tpu.memory_space<vmem>>[vector<16xi32>, vector<16xi32>], vector<16xf32>,
      %swap3A_2237 = arith.index_cast %add3A_2206 : i32 to index
      %swap3A_2238 = arith.constant 16 : index
      %swap3A_2239 = tpu.vector_load %arg10[%swap3A_2237, %swap3A_2238] {strides = array<i32>} : memref<128x64xf32, #tpu.memory_space<vmem>>, vector<16xf32>,
      tpu.vector_store %arg10[%swap3A_2237, %swap3A_2238], %gather3A_2236 {strides = array<i32>} : memref<128x64xf32, #tpu.memory_space<vmem>>, vector<16xf32>,
      %add3A_2240 = arith.constant 32 : i32
      %add3A_2241 = vector.broadcast %add3A_2240 : i32 to vector<16xi32>
      %add3A_2242 = arith.addi %add3A_2241, %iota3A : vector<16xi32>
      %gather3A_2243 = tpu.vector_load_idx %arg6[%add3A_2242, %broadcast_in_dim3A_2225] : memref<64x128xf32, #tpu.memory_space<vmem>>[vector<16xi32>, vector<16xi32>], vector<16xf32>,
      %swap3A_2244 = arith.index_cast %add3A_2206 : i32 to index
      %swap3A_2245 = arith.constant 32 : index
      %swap3A_2246 = tpu.vector_load %arg10[%swap3A_2244, %swap3A_2245] {strides = array<i32>} : memref<128x64xf32, #tpu.memory_space<vmem>>, vector<16xf32>,
      tpu.vector_store %arg10[%swap3A_2244, %swap3A_2245], %gather3A_2243 {strides = array<i32>} : memref<128x64xf32, #tpu.memory_space<vmem>>, vector<16xf32>,
      %add3A_2247 = arith.constant 48 : i32
      %add3A_2248 = vector.broadcast %add3A_2247 : i32 to vector<16xi32>
      %add3A_2249 = arith.addi %add3A_2248, %iota3A : vector<16xi32>
      %gather3A_2250 = tpu.vector_load_idx %arg6[%add3A_2249, %broadcast_in_dim3A_2225] : memref<64x128xf32, #tpu.memory_space<vmem>>[vector<16xi32>, vector<16xi32>], vector<16xf32>,
      %swap3A_2251 = arith.index_cast %add3A_2206 : i32 to index
      %swap3A_2252 = arith.constant 48 : index
      %swap3A_2253 = tpu.vector_load %arg10[%swap3A_2251, %swap3A_2252] {strides = array<i32>} : memref<128x64xf32, #tpu.memory_space<vmem>>, vector<16xf32>,
      tpu.vector_store %arg10[%swap3A_2251, %swap3A_2252], %gather3A_2250 {strides = array<i32>} : memref<128x64xf32, #tpu.memory_space<vmem>>, vector<16xf32>,
      %slice3A_2254 = vector.extract_strided_slice %get3A_1437 {offsets = [12], sizes = [1], strides = [1]} : vector<16xi32> to vector<1xi32>
      %squeeze3A_2255 = vector.extract %slice3A_2254[0] : i32 from vector<1xi32>
      %jit3A_2256 = arith.constant 128 : i32
      %div3A_2257 = arith.divsi %squeeze3A_2255, %jit3A_2256 : i32
      %sign3A_2258 = arith.constant 0 : i32
      %sign3A_2259 = arith.cmpi sgt, %squeeze3A_2255, %sign3A_2258 : i32
      %sign3A_2260 = arith.extui %sign3A_2259 : i1 to i32
      %sign3A_2261 = arith.constant 0 : i32
      %sign3A_2262 = arith.cmpi slt, %squeeze3A_2255, %sign3A_2261 : i32
      %sign3A_2263 = arith.extui %sign3A_2262 : i1 to i32
      %sign3A_2264 = arith.subi %sign3A_2260, %sign3A_2263 : i32
      %sign3A_2265 = arith.constant 0 : i32
      %sign3A_2266 = arith.cmpi sgt, %jit3A_2256, %sign3A_2265 : i32
      %sign3A_2267 = arith.extui %sign3A_2266 : i1 to i32
      %sign3A_2268 = arith.constant 0 : i32
      %sign3A_2269 = arith.cmpi slt, %jit3A_2256, %sign3A_2268 : i32
      %sign3A_2270 = arith.extui %sign3A_2269 : i1 to i32
      %sign3A_2271 = arith.subi %sign3A_2267, %sign3A_2270 : i32
      %ne3A_2272 = arith.cmpi ne, %sign3A_2264, %sign3A_2271 : i32
      %rem3A_2273 = arith.remsi %squeeze3A_2255, %jit3A_2256 : i32
      %ne3A_2274 = arith.constant 0 : i32
      %ne3A_2275 = arith.cmpi ne, %rem3A_2273, %ne3A_2274 : i32
      %and3A_2276 = arith.andi %ne3A_2272, %ne3A_2275 : i1
      %sub3A_2277 = arith.constant 1 : i32
      %sub3A_2278 = arith.subi %div3A_2257, %sub3A_2277 : i32
      %select_n3A_2279 = arith.select %and3A_2276, %sub3A_2278, %div3A_2257 : i32
      %mul3A_2280 = arith.constant 128 : i32
      %mul3A_2281 = arith.muli %select_n3A_2279, %mul3A_2280 : i32
      %multiple_of3A_2282 = tpu.assume_multiple %mul3A_2281, 128 : i32
      %dma_start3A_2283 = arith.constant 0 : i32
      %dma_start3A_2284 = tpu.memref_slice %arg3[%dma_start3A_2283, %multiple_of3A_2282] : memref<64x1000000xf32, #tpu.memory_space<hbm>> -> memref<64x128xf32, #tpu.memory_space<hbm>>
      %dma_start3A_2285 = arith.constant 0 : i32
      %dma_start3A_2286 = tpu.memref_slice %arg3[%dma_start3A_2285, %multiple_of3A_2282] : memref<64x1000000xf32, #tpu.memory_space<hbm>> -> memref<64x128xf32, #tpu.memory_space<hbm>>
      tpu.enqueue_dma source(%dma_start3A_2286 : memref<64x128xf32, #tpu.memory_space<hbm>>) target(%arg6 : memref<64x128xf32, #tpu.memory_space<vmem>>) target_semaphore(%arg11 : memref<!tpu.dma_semaphore, #tpu.memory_space<semaphore_mem>>)
      %dma_wait3A_2287 = arith.constant 0 : i32
      %dma_wait3A_2288 = arith.constant 0 : i32
      %dma_wait3A_2289 = tpu.memref_slice %arg3[%dma_wait3A_2287, %dma_wait3A_2288] : memref<64x1000000xf32, #tpu.memory_space<hbm>> -> memref<64x128xf32, #tpu.memory_space<hbm>>
      %dma_wait3A_2290 = arith.constant 0 : i32
      %dma_wait3A_2291 = arith.constant 0 : i32
      %dma_wait3A_2292 = tpu.memref_slice %arg3[%dma_wait3A_2290, %dma_wait3A_2291] : memref<64x1000000xf32, #tpu.memory_space<hbm>> -> memref<64x128xf32, #tpu.memory_space<hbm>>
      tpu.wait_dma2 semaphore(%arg12 : memref<!tpu.dma_semaphore, #tpu.memory_space<semaphore_mem>>) src(%dma_wait3A_2292 : memref<64x128xf32, #tpu.memory_space<hbm>>) dst(%arg7 : memref<64x128xf32, #tpu.memory_space<vmem>>)
      %mul3A_2293 = arith.constant 16 : i32
      %mul3A_2294 = arith.muli %scan3A_1433, %mul3A_2293 : i32
      %add3A_2295 = arith.constant 9 : i32
      %add3A_2296 = arith.addi %mul3A_2294, %add3A_2295 : i32
      %slice3A_2297 = vector.extract_strided_slice %get3A_1437 {offsets = [9], sizes = [1], strides = [1]} : vector<16xi32> to vector<1xi32>
      %squeeze3A_2298 = vector.extract %slice3A_2297[0] : i32 from vector<1xi32>
      %jit3A_2299 = arith.constant 128 : i32
      %eq3A_2300 = arith.constant 0 : i32
      %eq3A_2301 = arith.cmpi eq, %jit3A_2299, %eq3A_2300 : i32
      %jit3A_2302 = arith.constant 1 : i32
      %select_n3A_2303 = arith.select %eq3A_2301, %jit3A_2302, %jit3A_2299 : i32
      %rem3A_2304 = arith.remsi %squeeze3A_2298, %select_n3A_2303 : i32
      %ne3A_2305 = arith.constant 0 : i32
      %ne3A_2306 = arith.cmpi ne, %rem3A_2304, %ne3A_2305 : i32
      %lt3A_2307 = arith.constant 0 : i32
      %lt3A_2308 = arith.cmpi slt, %rem3A_2304, %lt3A_2307 : i32
      %lt3A_2309 = arith.constant 0 : i32
      %lt3A_2310 = arith.cmpi slt, %select_n3A_2303, %lt3A_2309 : i32
      %ne3A_2311 = arith.xori %lt3A_2308, %lt3A_2310 : i1
      %and3A_2312 = arith.andi %ne3A_2311, %ne3A_2306 : i1
      %add3A_2313 = arith.addi %rem3A_2304, %select_n3A_2303 : i32
      %select_n3A_2314 = arith.select %and3A_2312, %add3A_2313, %rem3A_2304 : i32
      %broadcast_in_dim3A_2315 = vector.broadcast %select_n3A_2314 : i32 to vector<16xi32>
      %add3A_2316 = arith.constant 0 : i32
      %add3A_2317 = vector.broadcast %add3A_2316 : i32 to vector<16xi32>
      %add3A_2318 = arith.addi %add3A_2317, %iota3A : vector<16xi32>
      %gather3A_2319 = tpu.vector_load_idx %arg7[%add3A_2318, %broadcast_in_dim3A_2315] : memref<64x128xf32, #tpu.memory_space<vmem>>[vector<16xi32>, vector<16xi32>], vector<16xf32>,
      %swap3A_2320 = arith.index_cast %add3A_2296 : i32 to index
      %swap3A_2321 = arith.constant 0 : index
      %swap3A_2322 = tpu.vector_load %arg10[%swap3A_2320, %swap3A_2321] {strides = array<i32>} : memref<128x64xf32, #tpu.memory_space<vmem>>, vector<16xf32>,
      tpu.vector_store %arg10[%swap3A_2320, %swap3A_2321], %gather3A_2319 {strides = array<i32>} : memref<128x64xf32, #tpu.memory_space<vmem>>, vector<16xf32>,
      %add3A_2323 = arith.constant 16 : i32
      %add3A_2324 = vector.broadcast %add3A_2323 : i32 to vector<16xi32>
      %add3A_2325 = arith.addi %add3A_2324, %iota3A : vector<16xi32>
      %gather3A_2326 = tpu.vector_load_idx %arg7[%add3A_2325, %broadcast_in_dim3A_2315] : memref<64x128xf32, #tpu.memory_space<vmem>>[vector<16xi32>, vector<16xi32>], vector<16xf32>,
      %swap3A_2327 = arith.index_cast %add3A_2296 : i32 to index
      %swap3A_2328 = arith.constant 16 : index
      %swap3A_2329 = tpu.vector_load %arg10[%swap3A_2327, %swap3A_2328] {strides = array<i32>} : memref<128x64xf32, #tpu.memory_space<vmem>>, vector<16xf32>,
      tpu.vector_store %arg10[%swap3A_2327, %swap3A_2328], %gather3A_2326 {strides = array<i32>} : memref<128x64xf32, #tpu.memory_space<vmem>>, vector<16xf32>,
      %add3A_2330 = arith.constant 32 : i32
      %add3A_2331 = vector.broadcast %add3A_2330 : i32 to vector<16xi32>
      %add3A_2332 = arith.addi %add3A_2331, %iota3A : vector<16xi32>
      %gather3A_2333 = tpu.vector_load_idx %arg7[%add3A_2332, %broadcast_in_dim3A_2315] : memref<64x128xf32, #tpu.memory_space<vmem>>[vector<16xi32>, vector<16xi32>], vector<16xf32>,
      %swap3A_2334 = arith.index_cast %add3A_2296 : i32 to index
      %swap3A_2335 = arith.constant 32 : index
      %swap3A_2336 = tpu.vector_load %arg10[%swap3A_2334, %swap3A_2335] {strides = array<i32>} : memref<128x64xf32, #tpu.memory_space<vmem>>, vector<16xf32>,
      tpu.vector_store %arg10[%swap3A_2334, %swap3A_2335], %gather3A_2333 {strides = array<i32>} : memref<128x64xf32, #tpu.memory_space<vmem>>, vector<16xf32>,
      %add3A_2337 = arith.constant 48 : i32
      %add3A_2338 = vector.broadcast %add3A_2337 : i32 to vector<16xi32>
      %add3A_2339 = arith.addi %add3A_2338, %iota3A : vector<16xi32>
      %gather3A_2340 = tpu.vector_load_idx %arg7[%add3A_2339, %broadcast_in_dim3A_2315] : memref<64x128xf32, #tpu.memory_space<vmem>>[vector<16xi32>, vector<16xi32>], vector<16xf32>,
      %swap3A_2341 = arith.index_cast %add3A_2296 : i32 to index
      %swap3A_2342 = arith.constant 48 : index
      %swap3A_2343 = tpu.vector_load %arg10[%swap3A_2341, %swap3A_2342] {strides = array<i32>} : memref<128x64xf32, #tpu.memory_space<vmem>>, vector<16xf32>,
      tpu.vector_store %arg10[%swap3A_2341, %swap3A_2342], %gather3A_2340 {strides = array<i32>} : memref<128x64xf32, #tpu.memory_space<vmem>>, vector<16xf32>,
      %slice3A_2344 = vector.extract_strided_slice %get3A_1437 {offsets = [13], sizes = [1], strides = [1]} : vector<16xi32> to vector<1xi32>
      %squeeze3A_2345 = vector.extract %slice3A_2344[0] : i32 from vector<1xi32>
      %jit3A_2346 = arith.constant 128 : i32
      %div3A_2347 = arith.divsi %squeeze3A_2345, %jit3A_2346 : i32
      %sign3A_2348 = arith.constant 0 : i32
      %sign3A_2349 = arith.cmpi sgt, %squeeze3A_2345, %sign3A_2348 : i32
      %sign3A_2350 = arith.extui %sign3A_2349 : i1 to i32
      %sign3A_2351 = arith.constant 0 : i32
      %sign3A_2352 = arith.cmpi slt, %squeeze3A_2345, %sign3A_2351 : i32
      %sign3A_2353 = arith.extui %sign3A_2352 : i1 to i32
      %sign3A_2354 = arith.subi %sign3A_2350, %sign3A_2353 : i32
      %sign3A_2355 = arith.constant 0 : i32
      %sign3A_2356 = arith.cmpi sgt, %jit3A_2346, %sign3A_2355 : i32
      %sign3A_2357 = arith.extui %sign3A_2356 : i1 to i32
      %sign3A_2358 = arith.constant 0 : i32
      %sign3A_2359 = arith.cmpi slt, %jit3A_2346, %sign3A_2358 : i32
      %sign3A_2360 = arith.extui %sign3A_2359 : i1 to i32
      %sign3A_2361 = arith.subi %sign3A_2357, %sign3A_2360 : i32
      %ne3A_2362 = arith.cmpi ne, %sign3A_2354, %sign3A_2361 : i32
      %rem3A_2363 = arith.remsi %squeeze3A_2345, %jit3A_2346 : i32
      %ne3A_2364 = arith.constant 0 : i32
      %ne3A_2365 = arith.cmpi ne, %rem3A_2363, %ne3A_2364 : i32
      %and3A_2366 = arith.andi %ne3A_2362, %ne3A_2365 : i1
      %sub3A_2367 = arith.constant 1 : i32
      %sub3A_2368 = arith.subi %div3A_2347, %sub3A_2367 : i32
      %select_n3A_2369 = arith.select %and3A_2366, %sub3A_2368, %div3A_2347 : i32
      %mul3A_2370 = arith.constant 128 : i32
      %mul3A_2371 = arith.muli %select_n3A_2369, %mul3A_2370 : i32
      %multiple_of3A_2372 = tpu.assume_multiple %mul3A_2371, 128 : i32
      %dma_start3A_2373 = arith.constant 0 : i32
      %dma_start3A_2374 = tpu.memref_slice %arg3[%dma_start3A_2373, %multiple_of3A_2372] : memref<64x1000000xf32, #tpu.memory_space<hbm>> -> memref<64x128xf32, #tpu.memory_space<hbm>>
      %dma_start3A_2375 = arith.constant 0 : i32
      %dma_start3A_2376 = tpu.memref_slice %arg3[%dma_start3A_2375, %multiple_of3A_2372] : memref<64x1000000xf32, #tpu.memory_space<hbm>> -> memref<64x128xf32, #tpu.memory_space<hbm>>
      tpu.enqueue_dma source(%dma_start3A_2376 : memref<64x128xf32, #tpu.memory_space<hbm>>) target(%arg7 : memref<64x128xf32, #tpu.memory_space<vmem>>) target_semaphore(%arg12 : memref<!tpu.dma_semaphore, #tpu.memory_space<semaphore_mem>>)
      %dma_wait3A_2377 = arith.constant 0 : i32
      %dma_wait3A_2378 = arith.constant 0 : i32
      %dma_wait3A_2379 = tpu.memref_slice %arg3[%dma_wait3A_2377, %dma_wait3A_2378] : memref<64x1000000xf32, #tpu.memory_space<hbm>> -> memref<64x128xf32, #tpu.memory_space<hbm>>
      %dma_wait3A_2380 = arith.constant 0 : i32
      %dma_wait3A_2381 = arith.constant 0 : i32
      %dma_wait3A_2382 = tpu.memref_slice %arg3[%dma_wait3A_2380, %dma_wait3A_2381] : memref<64x1000000xf32, #tpu.memory_space<hbm>> -> memref<64x128xf32, #tpu.memory_space<hbm>>
      tpu.wait_dma2 semaphore(%arg13 : memref<!tpu.dma_semaphore, #tpu.memory_space<semaphore_mem>>) src(%dma_wait3A_2382 : memref<64x128xf32, #tpu.memory_space<hbm>>) dst(%arg8 : memref<64x128xf32, #tpu.memory_space<vmem>>)
      %mul3A_2383 = arith.constant 16 : i32
      %mul3A_2384 = arith.muli %scan3A_1433, %mul3A_2383 : i32
      %add3A_2385 = arith.constant 10 : i32
      %add3A_2386 = arith.addi %mul3A_2384, %add3A_2385 : i32
      %slice3A_2387 = vector.extract_strided_slice %get3A_1437 {offsets = [10], sizes = [1], strides = [1]} : vector<16xi32> to vector<1xi32>
      %squeeze3A_2388 = vector.extract %slice3A_2387[0] : i32 from vector<1xi32>
      %jit3A_2389 = arith.constant 128 : i32
      %eq3A_2390 = arith.constant 0 : i32
      %eq3A_2391 = arith.cmpi eq, %jit3A_2389, %eq3A_2390 : i32
      %jit3A_2392 = arith.constant 1 : i32
      %select_n3A_2393 = arith.select %eq3A_2391, %jit3A_2392, %jit3A_2389 : i32
      %rem3A_2394 = arith.remsi %squeeze3A_2388, %select_n3A_2393 : i32
      %ne3A_2395 = arith.constant 0 : i32
      %ne3A_2396 = arith.cmpi ne, %rem3A_2394, %ne3A_2395 : i32
      %lt3A_2397 = arith.constant 0 : i32
      %lt3A_2398 = arith.cmpi slt, %rem3A_2394, %lt3A_2397 : i32
      %lt3A_2399 = arith.constant 0 : i32
      %lt3A_2400 = arith.cmpi slt, %select_n3A_2393, %lt3A_2399 : i32
      %ne3A_2401 = arith.xori %lt3A_2398, %lt3A_2400 : i1
      %and3A_2402 = arith.andi %ne3A_2401, %ne3A_2396 : i1
      %add3A_2403 = arith.addi %rem3A_2394, %select_n3A_2393 : i32
      %select_n3A_2404 = arith.select %and3A_2402, %add3A_2403, %rem3A_2394 : i32
      %broadcast_in_dim3A_2405 = vector.broadcast %select_n3A_2404 : i32 to vector<16xi32>
      %add3A_2406 = arith.constant 0 : i32
      %add3A_2407 = vector.broadcast %add3A_2406 : i32 to vector<16xi32>
      %add3A_2408 = arith.addi %add3A_2407, %iota3A : vector<16xi32>
      %gather3A_2409 = tpu.vector_load_idx %arg8[%add3A_2408, %broadcast_in_dim3A_2405] : memref<64x128xf32, #tpu.memory_space<vmem>>[vector<16xi32>, vector<16xi32>], vector<16xf32>,
      %swap3A_2410 = arith.index_cast %add3A_2386 : i32 to index
      %swap3A_2411 = arith.constant 0 : index
      %swap3A_2412 = tpu.vector_load %arg10[%swap3A_2410, %swap3A_2411] {strides = array<i32>} : memref<128x64xf32, #tpu.memory_space<vmem>>, vector<16xf32>,
      tpu.vector_store %arg10[%swap3A_2410, %swap3A_2411], %gather3A_2409 {strides = array<i32>} : memref<128x64xf32, #tpu.memory_space<vmem>>, vector<16xf32>,
      %add3A_2413 = arith.constant 16 : i32
      %add3A_2414 = vector.broadcast %add3A_2413 : i32 to vector<16xi32>
      %add3A_2415 = arith.addi %add3A_2414, %iota3A : vector<16xi32>
      %gather3A_2416 = tpu.vector_load_idx %arg8[%add3A_2415, %broadcast_in_dim3A_2405] : memref<64x128xf32, #tpu.memory_space<vmem>>[vector<16xi32>, vector<16xi32>], vector<16xf32>,
      %swap3A_2417 = arith.index_cast %add3A_2386 : i32 to index
      %swap3A_2418 = arith.constant 16 : index
      %swap3A_2419 = tpu.vector_load %arg10[%swap3A_2417, %swap3A_2418] {strides = array<i32>} : memref<128x64xf32, #tpu.memory_space<vmem>>, vector<16xf32>,
      tpu.vector_store %arg10[%swap3A_2417, %swap3A_2418], %gather3A_2416 {strides = array<i32>} : memref<128x64xf32, #tpu.memory_space<vmem>>, vector<16xf32>,
      %add3A_2420 = arith.constant 32 : i32
      %add3A_2421 = vector.broadcast %add3A_2420 : i32 to vector<16xi32>
      %add3A_2422 = arith.addi %add3A_2421, %iota3A : vector<16xi32>
      %gather3A_2423 = tpu.vector_load_idx %arg8[%add3A_2422, %broadcast_in_dim3A_2405] : memref<64x128xf32, #tpu.memory_space<vmem>>[vector<16xi32>, vector<16xi32>], vector<16xf32>,
      %swap3A_2424 = arith.index_cast %add3A_2386 : i32 to index
      %swap3A_2425 = arith.constant 32 : index
      %swap3A_2426 = tpu.vector_load %arg10[%swap3A_2424, %swap3A_2425] {strides = array<i32>} : memref<128x64xf32, #tpu.memory_space<vmem>>, vector<16xf32>,
      tpu.vector_store %arg10[%swap3A_2424, %swap3A_2425], %gather3A_2423 {strides = array<i32>} : memref<128x64xf32, #tpu.memory_space<vmem>>, vector<16xf32>,
      %add3A_2427 = arith.constant 48 : i32
      %add3A_2428 = vector.broadcast %add3A_2427 : i32 to vector<16xi32>
      %add3A_2429 = arith.addi %add3A_2428, %iota3A : vector<16xi32>
      %gather3A_2430 = tpu.vector_load_idx %arg8[%add3A_2429, %broadcast_in_dim3A_2405] : memref<64x128xf32, #tpu.memory_space<vmem>>[vector<16xi32>, vector<16xi32>], vector<16xf32>,
      %swap3A_2431 = arith.index_cast %add3A_2386 : i32 to index
      %swap3A_2432 = arith.constant 48 : index
      %swap3A_2433 = tpu.vector_load %arg10[%swap3A_2431, %swap3A_2432] {strides = array<i32>} : memref<128x64xf32, #tpu.memory_space<vmem>>, vector<16xf32>,
      tpu.vector_store %arg10[%swap3A_2431, %swap3A_2432], %gather3A_2430 {strides = array<i32>} : memref<128x64xf32, #tpu.memory_space<vmem>>, vector<16xf32>,
      %slice3A_2434 = vector.extract_strided_slice %get3A_1437 {offsets = [14], sizes = [1], strides = [1]} : vector<16xi32> to vector<1xi32>
      %squeeze3A_2435 = vector.extract %slice3A_2434[0] : i32 from vector<1xi32>
      %jit3A_2436 = arith.constant 128 : i32
      %div3A_2437 = arith.divsi %squeeze3A_2435, %jit3A_2436 : i32
      %sign3A_2438 = arith.constant 0 : i32
      %sign3A_2439 = arith.cmpi sgt, %squeeze3A_2435, %sign3A_2438 : i32
      %sign3A_2440 = arith.extui %sign3A_2439 : i1 to i32
      %sign3A_2441 = arith.constant 0 : i32
      %sign3A_2442 = arith.cmpi slt, %squeeze3A_2435, %sign3A_2441 : i32
      %sign3A_2443 = arith.extui %sign3A_2442 : i1 to i32
      %sign3A_2444 = arith.subi %sign3A_2440, %sign3A_2443 : i32
      %sign3A_2445 = arith.constant 0 : i32
      %sign3A_2446 = arith.cmpi sgt, %jit3A_2436, %sign3A_2445 : i32
      %sign3A_2447 = arith.extui %sign3A_2446 : i1 to i32
      %sign3A_2448 = arith.constant 0 : i32
      %sign3A_2449 = arith.cmpi slt, %jit3A_2436, %sign3A_2448 : i32
      %sign3A_2450 = arith.extui %sign3A_2449 : i1 to i32
      %sign3A_2451 = arith.subi %sign3A_2447, %sign3A_2450 : i32
      %ne3A_2452 = arith.cmpi ne, %sign3A_2444, %sign3A_2451 : i32
      %rem3A_2453 = arith.remsi %squeeze3A_2435, %jit3A_2436 : i32
      %ne3A_2454 = arith.constant 0 : i32
      %ne3A_2455 = arith.cmpi ne, %rem3A_2453, %ne3A_2454 : i32
      %and3A_2456 = arith.andi %ne3A_2452, %ne3A_2455 : i1
      %sub3A_2457 = arith.constant 1 : i32
      %sub3A_2458 = arith.subi %div3A_2437, %sub3A_2457 : i32
      %select_n3A_2459 = arith.select %and3A_2456, %sub3A_2458, %div3A_2437 : i32
      %mul3A_2460 = arith.constant 128 : i32
      %mul3A_2461 = arith.muli %select_n3A_2459, %mul3A_2460 : i32
      %multiple_of3A_2462 = tpu.assume_multiple %mul3A_2461, 128 : i32
      %dma_start3A_2463 = arith.constant 0 : i32
      %dma_start3A_2464 = tpu.memref_slice %arg3[%dma_start3A_2463, %multiple_of3A_2462] : memref<64x1000000xf32, #tpu.memory_space<hbm>> -> memref<64x128xf32, #tpu.memory_space<hbm>>
      %dma_start3A_2465 = arith.constant 0 : i32
      %dma_start3A_2466 = tpu.memref_slice %arg3[%dma_start3A_2465, %multiple_of3A_2462] : memref<64x1000000xf32, #tpu.memory_space<hbm>> -> memref<64x128xf32, #tpu.memory_space<hbm>>
      tpu.enqueue_dma source(%dma_start3A_2466 : memref<64x128xf32, #tpu.memory_space<hbm>>) target(%arg8 : memref<64x128xf32, #tpu.memory_space<vmem>>) target_semaphore(%arg13 : memref<!tpu.dma_semaphore, #tpu.memory_space<semaphore_mem>>)
      %dma_wait3A_2467 = arith.constant 0 : i32
      %dma_wait3A_2468 = arith.constant 0 : i32
      %dma_wait3A_2469 = tpu.memref_slice %arg3[%dma_wait3A_2467, %dma_wait3A_2468] : memref<64x1000000xf32, #tpu.memory_space<hbm>> -> memref<64x128xf32, #tpu.memory_space<hbm>>
      %dma_wait3A_2470 = arith.constant 0 : i32
      %dma_wait3A_2471 = arith.constant 0 : i32
      %dma_wait3A_2472 = tpu.memref_slice %arg3[%dma_wait3A_2470, %dma_wait3A_2471] : memref<64x1000000xf32, #tpu.memory_space<hbm>> -> memref<64x128xf32, #tpu.memory_space<hbm>>
      tpu.wait_dma2 semaphore(%arg14 : memref<!tpu.dma_semaphore, #tpu.memory_space<semaphore_mem>>) src(%dma_wait3A_2472 : memref<64x128xf32, #tpu.memory_space<hbm>>) dst(%arg9 : memref<64x128xf32, #tpu.memory_space<vmem>>)
      %mul3A_2473 = arith.constant 16 : i32
      %mul3A_2474 = arith.muli %scan3A_1433, %mul3A_2473 : i32
      %add3A_2475 = arith.constant 11 : i32
      %add3A_2476 = arith.addi %mul3A_2474, %add3A_2475 : i32
      %slice3A_2477 = vector.extract_strided_slice %get3A_1437 {offsets = [11], sizes = [1], strides = [1]} : vector<16xi32> to vector<1xi32>
      %squeeze3A_2478 = vector.extract %slice3A_2477[0] : i32 from vector<1xi32>
      %jit3A_2479 = arith.constant 128 : i32
      %eq3A_2480 = arith.constant 0 : i32
      %eq3A_2481 = arith.cmpi eq, %jit3A_2479, %eq3A_2480 : i32
      %jit3A_2482 = arith.constant 1 : i32
      %select_n3A_2483 = arith.select %eq3A_2481, %jit3A_2482, %jit3A_2479 : i32
      %rem3A_2484 = arith.remsi %squeeze3A_2478, %select_n3A_2483 : i32
      %ne3A_2485 = arith.constant 0 : i32
      %ne3A_2486 = arith.cmpi ne, %rem3A_2484, %ne3A_2485 : i32
      %lt3A_2487 = arith.constant 0 : i32
      %lt3A_2488 = arith.cmpi slt, %rem3A_2484, %lt3A_2487 : i32
      %lt3A_2489 = arith.constant 0 : i32
      %lt3A_2490 = arith.cmpi slt, %select_n3A_2483, %lt3A_2489 : i32
      %ne3A_2491 = arith.xori %lt3A_2488, %lt3A_2490 : i1
      %and3A_2492 = arith.andi %ne3A_2491, %ne3A_2486 : i1
      %add3A_2493 = arith.addi %rem3A_2484, %select_n3A_2483 : i32
      %select_n3A_2494 = arith.select %and3A_2492, %add3A_2493, %rem3A_2484 : i32
      %broadcast_in_dim3A_2495 = vector.broadcast %select_n3A_2494 : i32 to vector<16xi32>
      %add3A_2496 = arith.constant 0 : i32
      %add3A_2497 = vector.broadcast %add3A_2496 : i32 to vector<16xi32>
      %add3A_2498 = arith.addi %add3A_2497, %iota3A : vector<16xi32>
      %gather3A_2499 = tpu.vector_load_idx %arg9[%add3A_2498, %broadcast_in_dim3A_2495] : memref<64x128xf32, #tpu.memory_space<vmem>>[vector<16xi32>, vector<16xi32>], vector<16xf32>,
      %swap3A_2500 = arith.index_cast %add3A_2476 : i32 to index
      %swap3A_2501 = arith.constant 0 : index
      %swap3A_2502 = tpu.vector_load %arg10[%swap3A_2500, %swap3A_2501] {strides = array<i32>} : memref<128x64xf32, #tpu.memory_space<vmem>>, vector<16xf32>,
      tpu.vector_store %arg10[%swap3A_2500, %swap3A_2501], %gather3A_2499 {strides = array<i32>} : memref<128x64xf32, #tpu.memory_space<vmem>>, vector<16xf32>,
      %add3A_2503 = arith.constant 16 : i32
      %add3A_2504 = vector.broadcast %add3A_2503 : i32 to vector<16xi32>
      %add3A_2505 = arith.addi %add3A_2504, %iota3A : vector<16xi32>
      %gather3A_2506 = tpu.vector_load_idx %arg9[%add3A_2505, %broadcast_in_dim3A_2495] : memref<64x128xf32, #tpu.memory_space<vmem>>[vector<16xi32>, vector<16xi32>], vector<16xf32>,
      %swap3A_2507 = arith.index_cast %add3A_2476 : i32 to index
      %swap3A_2508 = arith.constant 16 : index
      %swap3A_2509 = tpu.vector_load %arg10[%swap3A_2507, %swap3A_2508] {strides = array<i32>} : memref<128x64xf32, #tpu.memory_space<vmem>>, vector<16xf32>,
      tpu.vector_store %arg10[%swap3A_2507, %swap3A_2508], %gather3A_2506 {strides = array<i32>} : memref<128x64xf32, #tpu.memory_space<vmem>>, vector<16xf32>,
      %add3A_2510 = arith.constant 32 : i32
      %add3A_2511 = vector.broadcast %add3A_2510 : i32 to vector<16xi32>
      %add3A_2512 = arith.addi %add3A_2511, %iota3A : vector<16xi32>
      %gather3A_2513 = tpu.vector_load_idx %arg9[%add3A_2512, %broadcast_in_dim3A_2495] : memref<64x128xf32, #tpu.memory_space<vmem>>[vector<16xi32>, vector<16xi32>], vector<16xf32>,
      %swap3A_2514 = arith.index_cast %add3A_2476 : i32 to index
      %swap3A_2515 = arith.constant 32 : index
      %swap3A_2516 = tpu.vector_load %arg10[%swap3A_2514, %swap3A_2515] {strides = array<i32>} : memref<128x64xf32, #tpu.memory_space<vmem>>, vector<16xf32>,
      tpu.vector_store %arg10[%swap3A_2514, %swap3A_2515], %gather3A_2513 {strides = array<i32>} : memref<128x64xf32, #tpu.memory_space<vmem>>, vector<16xf32>,
      %add3A_2517 = arith.constant 48 : i32
      %add3A_2518 = vector.broadcast %add3A_2517 : i32 to vector<16xi32>
      %add3A_2519 = arith.addi %add3A_2518, %iota3A : vector<16xi32>
      %gather3A_2520 = tpu.vector_load_idx %arg9[%add3A_2519, %broadcast_in_dim3A_2495] : memref<64x128xf32, #tpu.memory_space<vmem>>[vector<16xi32>, vector<16xi32>], vector<16xf32>,
      %swap3A_2521 = arith.index_cast %add3A_2476 : i32 to index
      %swap3A_2522 = arith.constant 48 : index
      %swap3A_2523 = tpu.vector_load %arg10[%swap3A_2521, %swap3A_2522] {strides = array<i32>} : memref<128x64xf32, #tpu.memory_space<vmem>>, vector<16xf32>,
      tpu.vector_store %arg10[%swap3A_2521, %swap3A_2522], %gather3A_2520 {strides = array<i32>} : memref<128x64xf32, #tpu.memory_space<vmem>>, vector<16xf32>,
      %slice3A_2524 = vector.extract_strided_slice %get3A_1437 {offsets = [15], sizes = [1], strides = [1]} : vector<16xi32> to vector<1xi32>
      %squeeze3A_2525 = vector.extract %slice3A_2524[0] : i32 from vector<1xi32>
      %jit3A_2526 = arith.constant 128 : i32
      %div3A_2527 = arith.divsi %squeeze3A_2525, %jit3A_2526 : i32
      %sign3A_2528 = arith.constant 0 : i32
      %sign3A_2529 = arith.cmpi sgt, %squeeze3A_2525, %sign3A_2528 : i32
      %sign3A_2530 = arith.extui %sign3A_2529 : i1 to i32
      %sign3A_2531 = arith.constant 0 : i32
      %sign3A_2532 = arith.cmpi slt, %squeeze3A_2525, %sign3A_2531 : i32
      %sign3A_2533 = arith.extui %sign3A_2532 : i1 to i32
      %sign3A_2534 = arith.subi %sign3A_2530, %sign3A_2533 : i32
      %sign3A_2535 = arith.constant 0 : i32
      %sign3A_2536 = arith.cmpi sgt, %jit3A_2526, %sign3A_2535 : i32
      %sign3A_2537 = arith.extui %sign3A_2536 : i1 to i32
      %sign3A_2538 = arith.constant 0 : i32
      %sign3A_2539 = arith.cmpi slt, %jit3A_2526, %sign3A_2538 : i32
      %sign3A_2540 = arith.extui %sign3A_2539 : i1 to i32
      %sign3A_2541 = arith.subi %sign3A_2537, %sign3A_2540 : i32
      %ne3A_2542 = arith.cmpi ne, %sign3A_2534, %sign3A_2541 : i32
      %rem3A_2543 = arith.remsi %squeeze3A_2525, %jit3A_2526 : i32
      %ne3A_2544 = arith.constant 0 : i32
      %ne3A_2545 = arith.cmpi ne, %rem3A_2543, %ne3A_2544 : i32
      %and3A_2546 = arith.andi %ne3A_2542, %ne3A_2545 : i1
      %sub3A_2547 = arith.constant 1 : i32
      %sub3A_2548 = arith.subi %div3A_2527, %sub3A_2547 : i32
      %select_n3A_2549 = arith.select %and3A_2546, %sub3A_2548, %div3A_2527 : i32
      %mul3A_2550 = arith.constant 128 : i32
      %mul3A_2551 = arith.muli %select_n3A_2549, %mul3A_2550 : i32
      %multiple_of3A_2552 = tpu.assume_multiple %mul3A_2551, 128 : i32
      %dma_start3A_2553 = arith.constant 0 : i32
      %dma_start3A_2554 = tpu.memref_slice %arg3[%dma_start3A_2553, %multiple_of3A_2552] : memref<64x1000000xf32, #tpu.memory_space<hbm>> -> memref<64x128xf32, #tpu.memory_space<hbm>>
      %dma_start3A_2555 = arith.constant 0 : i32
      %dma_start3A_2556 = tpu.memref_slice %arg3[%dma_start3A_2555, %multiple_of3A_2552] : memref<64x1000000xf32, #tpu.memory_space<hbm>> -> memref<64x128xf32, #tpu.memory_space<hbm>>
      tpu.enqueue_dma source(%dma_start3A_2556 : memref<64x128xf32, #tpu.memory_space<hbm>>) target(%arg9 : memref<64x128xf32, #tpu.memory_space<vmem>>) target_semaphore(%arg14 : memref<!tpu.dma_semaphore, #tpu.memory_space<semaphore_mem>>)
      %dma_wait3A_2557 = arith.constant 0 : i32
      %dma_wait3A_2558 = arith.constant 0 : i32
      %dma_wait3A_2559 = tpu.memref_slice %arg3[%dma_wait3A_2557, %dma_wait3A_2558] : memref<64x1000000xf32, #tpu.memory_space<hbm>> -> memref<64x128xf32, #tpu.memory_space<hbm>>
      %dma_wait3A_2560 = arith.constant 0 : i32
      %dma_wait3A_2561 = arith.constant 0 : i32
      %dma_wait3A_2562 = tpu.memref_slice %arg3[%dma_wait3A_2560, %dma_wait3A_2561] : memref<64x1000000xf32, #tpu.memory_space<hbm>> -> memref<64x128xf32, #tpu.memory_space<hbm>>
      tpu.wait_dma2 semaphore(%arg11 : memref<!tpu.dma_semaphore, #tpu.memory_space<semaphore_mem>>) src(%dma_wait3A_2562 : memref<64x128xf32, #tpu.memory_space<hbm>>) dst(%arg6 : memref<64x128xf32, #tpu.memory_space<vmem>>)
      %mul3A_2563 = arith.constant 16 : i32
      %mul3A_2564 = arith.muli %scan3A_1433, %mul3A_2563 : i32
      %add3A_2565 = arith.constant 12 : i32
      %add3A_2566 = arith.addi %mul3A_2564, %add3A_2565 : i32
      %slice3A_2567 = vector.extract_strided_slice %get3A_1437 {offsets = [12], sizes = [1], strides = [1]} : vector<16xi32> to vector<1xi32>
      %squeeze3A_2568 = vector.extract %slice3A_2567[0] : i32 from vector<1xi32>
      %jit3A_2569 = arith.constant 128 : i32
      %eq3A_2570 = arith.constant 0 : i32
      %eq3A_2571 = arith.cmpi eq, %jit3A_2569, %eq3A_2570 : i32
      %jit3A_2572 = arith.constant 1 : i32
      %select_n3A_2573 = arith.select %eq3A_2571, %jit3A_2572, %jit3A_2569 : i32
      %rem3A_2574 = arith.remsi %squeeze3A_2568, %select_n3A_2573 : i32
      %ne3A_2575 = arith.constant 0 : i32
      %ne3A_2576 = arith.cmpi ne, %rem3A_2574, %ne3A_2575 : i32
      %lt3A_2577 = arith.constant 0 : i32
      %lt3A_2578 = arith.cmpi slt, %rem3A_2574, %lt3A_2577 : i32
      %lt3A_2579 = arith.constant 0 : i32
      %lt3A_2580 = arith.cmpi slt, %select_n3A_2573, %lt3A_2579 : i32
      %ne3A_2581 = arith.xori %lt3A_2578, %lt3A_2580 : i1
      %and3A_2582 = arith.andi %ne3A_2581, %ne3A_2576 : i1
      %add3A_2583 = arith.addi %rem3A_2574, %select_n3A_2573 : i32
      %select_n3A_2584 = arith.select %and3A_2582, %add3A_2583, %rem3A_2574 : i32
      %broadcast_in_dim3A_2585 = vector.broadcast %select_n3A_2584 : i32 to vector<16xi32>
      %add3A_2586 = arith.constant 0 : i32
      %add3A_2587 = vector.broadcast %add3A_2586 : i32 to vector<16xi32>
      %add3A_2588 = arith.addi %add3A_2587, %iota3A : vector<16xi32>
      %gather3A_2589 = tpu.vector_load_idx %arg6[%add3A_2588, %broadcast_in_dim3A_2585] : memref<64x128xf32, #tpu.memory_space<vmem>>[vector<16xi32>, vector<16xi32>], vector<16xf32>,
      %swap3A_2590 = arith.index_cast %add3A_2566 : i32 to index
      %swap3A_2591 = arith.constant 0 : index
      %swap3A_2592 = tpu.vector_load %arg10[%swap3A_2590, %swap3A_2591] {strides = array<i32>} : memref<128x64xf32, #tpu.memory_space<vmem>>, vector<16xf32>,
      tpu.vector_store %arg10[%swap3A_2590, %swap3A_2591], %gather3A_2589 {strides = array<i32>} : memref<128x64xf32, #tpu.memory_space<vmem>>, vector<16xf32>,
      %add3A_2593 = arith.constant 16 : i32
      %add3A_2594 = vector.broadcast %add3A_2593 : i32 to vector<16xi32>
      %add3A_2595 = arith.addi %add3A_2594, %iota3A : vector<16xi32>
      %gather3A_2596 = tpu.vector_load_idx %arg6[%add3A_2595, %broadcast_in_dim3A_2585] : memref<64x128xf32, #tpu.memory_space<vmem>>[vector<16xi32>, vector<16xi32>], vector<16xf32>,
      %swap3A_2597 = arith.index_cast %add3A_2566 : i32 to index
      %swap3A_2598 = arith.constant 16 : index
      %swap3A_2599 = tpu.vector_load %arg10[%swap3A_2597, %swap3A_2598] {strides = array<i32>} : memref<128x64xf32, #tpu.memory_space<vmem>>, vector<16xf32>,
      tpu.vector_store %arg10[%swap3A_2597, %swap3A_2598], %gather3A_2596 {strides = array<i32>} : memref<128x64xf32, #tpu.memory_space<vmem>>, vector<16xf32>,
      %add3A_2600 = arith.constant 32 : i32
      %add3A_2601 = vector.broadcast %add3A_2600 : i32 to vector<16xi32>
      %add3A_2602 = arith.addi %add3A_2601, %iota3A : vector<16xi32>
      %gather3A_2603 = tpu.vector_load_idx %arg6[%add3A_2602, %broadcast_in_dim3A_2585] : memref<64x128xf32, #tpu.memory_space<vmem>>[vector<16xi32>, vector<16xi32>], vector<16xf32>,
      %swap3A_2604 = arith.index_cast %add3A_2566 : i32 to index
      %swap3A_2605 = arith.constant 32 : index
      %swap3A_2606 = tpu.vector_load %arg10[%swap3A_2604, %swap3A_2605] {strides = array<i32>} : memref<128x64xf32, #tpu.memory_space<vmem>>, vector<16xf32>,
      tpu.vector_store %arg10[%swap3A_2604, %swap3A_2605], %gather3A_2603 {strides = array<i32>} : memref<128x64xf32, #tpu.memory_space<vmem>>, vector<16xf32>,
      %add3A_2607 = arith.constant 48 : i32
      %add3A_2608 = vector.broadcast %add3A_2607 : i32 to vector<16xi32>
      %add3A_2609 = arith.addi %add3A_2608, %iota3A : vector<16xi32>
      %gather3A_2610 = tpu.vector_load_idx %arg6[%add3A_2609, %broadcast_in_dim3A_2585] : memref<64x128xf32, #tpu.memory_space<vmem>>[vector<16xi32>, vector<16xi32>], vector<16xf32>,
      %swap3A_2611 = arith.index_cast %add3A_2566 : i32 to index
      %swap3A_2612 = arith.constant 48 : index
      %swap3A_2613 = tpu.vector_load %arg10[%swap3A_2611, %swap3A_2612] {strides = array<i32>} : memref<128x64xf32, #tpu.memory_space<vmem>>, vector<16xf32>,
      tpu.vector_store %arg10[%swap3A_2611, %swap3A_2612], %gather3A_2610 {strides = array<i32>} : memref<128x64xf32, #tpu.memory_space<vmem>>, vector<16xf32>,
      %slice3A_2614 = vector.extract_strided_slice %get3A_1443 {offsets = [0], sizes = [1], strides = [1]} : vector<16xi32> to vector<1xi32>
      %squeeze3A_2615 = vector.extract %slice3A_2614[0] : i32 from vector<1xi32>
      %jit3A_2616 = arith.constant 128 : i32
      %div3A_2617 = arith.divsi %squeeze3A_2615, %jit3A_2616 : i32
      %sign3A_2618 = arith.constant 0 : i32
      %sign3A_2619 = arith.cmpi sgt, %squeeze3A_2615, %sign3A_2618 : i32
      %sign3A_2620 = arith.extui %sign3A_2619 : i1 to i32
      %sign3A_2621 = arith.constant 0 : i32
      %sign3A_2622 = arith.cmpi slt, %squeeze3A_2615, %sign3A_2621 : i32
      %sign3A_2623 = arith.extui %sign3A_2622 : i1 to i32
      %sign3A_2624 = arith.subi %sign3A_2620, %sign3A_2623 : i32
      %sign3A_2625 = arith.constant 0 : i32
      %sign3A_2626 = arith.cmpi sgt, %jit3A_2616, %sign3A_2625 : i32
      %sign3A_2627 = arith.extui %sign3A_2626 : i1 to i32
      %sign3A_2628 = arith.constant 0 : i32
      %sign3A_2629 = arith.cmpi slt, %jit3A_2616, %sign3A_2628 : i32
      %sign3A_2630 = arith.extui %sign3A_2629 : i1 to i32
      %sign3A_2631 = arith.subi %sign3A_2627, %sign3A_2630 : i32
      %ne3A_2632 = arith.cmpi ne, %sign3A_2624, %sign3A_2631 : i32
      %rem3A_2633 = arith.remsi %squeeze3A_2615, %jit3A_2616 : i32
      %ne3A_2634 = arith.constant 0 : i32
      %ne3A_2635 = arith.cmpi ne, %rem3A_2633, %ne3A_2634 : i32
      %and3A_2636 = arith.andi %ne3A_2632, %ne3A_2635 : i1
      %sub3A_2637 = arith.constant 1 : i32
      %sub3A_2638 = arith.subi %div3A_2617, %sub3A_2637 : i32
      %select_n3A_2639 = arith.select %and3A_2636, %sub3A_2638, %div3A_2617 : i32
      %mul3A_2640 = arith.constant 128 : i32
      %mul3A_2641 = arith.muli %select_n3A_2639, %mul3A_2640 : i32
      %multiple_of3A_2642 = tpu.assume_multiple %mul3A_2641, 128 : i32
      %dma_start3A_2643 = arith.constant 0 : i32
      %dma_start3A_2644 = tpu.memref_slice %arg3[%dma_start3A_2643, %multiple_of3A_2642] : memref<64x1000000xf32, #tpu.memory_space<hbm>> -> memref<64x128xf32, #tpu.memory_space<hbm>>
      %dma_start3A_2645 = arith.constant 0 : i32
      %dma_start3A_2646 = tpu.memref_slice %arg3[%dma_start3A_2645, %multiple_of3A_2642] : memref<64x1000000xf32, #tpu.memory_space<hbm>> -> memref<64x128xf32, #tpu.memory_space<hbm>>
      tpu.enqueue_dma source(%dma_start3A_2646 : memref<64x128xf32, #tpu.memory_space<hbm>>) target(%arg6 : memref<64x128xf32, #tpu.memory_space<vmem>>) target_semaphore(%arg11 : memref<!tpu.dma_semaphore, #tpu.memory_space<semaphore_mem>>)
      %dma_wait3A_2647 = arith.constant 0 : i32
      %dma_wait3A_2648 = arith.constant 0 : i32
      %dma_wait3A_2649 = tpu.memref_slice %arg3[%dma_wait3A_2647, %dma_wait3A_2648] : memref<64x1000000xf32, #tpu.memory_space<hbm>> -> memref<64x128xf32, #tpu.memory_space<hbm>>
      %dma_wait3A_2650 = arith.constant 0 : i32
      %dma_wait3A_2651 = arith.constant 0 : i32
      %dma_wait3A_2652 = tpu.memref_slice %arg3[%dma_wait3A_2650, %dma_wait3A_2651] : memref<64x1000000xf32, #tpu.memory_space<hbm>> -> memref<64x128xf32, #tpu.memory_space<hbm>>
      tpu.wait_dma2 semaphore(%arg12 : memref<!tpu.dma_semaphore, #tpu.memory_space<semaphore_mem>>) src(%dma_wait3A_2652 : memref<64x128xf32, #tpu.memory_space<hbm>>) dst(%arg7 : memref<64x128xf32, #tpu.memory_space<vmem>>)
      %mul3A_2653 = arith.constant 16 : i32
      %mul3A_2654 = arith.muli %scan3A_1433, %mul3A_2653 : i32
      %add3A_2655 = arith.constant 13 : i32
      %add3A_2656 = arith.addi %mul3A_2654, %add3A_2655 : i32
      %slice3A_2657 = vector.extract_strided_slice %get3A_1437 {offsets = [13], sizes = [1], strides = [1]} : vector<16xi32> to vector<1xi32>
      %squeeze3A_2658 = vector.extract %slice3A_2657[0] : i32 from vector<1xi32>
      %jit3A_2659 = arith.constant 128 : i32
      %eq3A_2660 = arith.constant 0 : i32
      %eq3A_2661 = arith.cmpi eq, %jit3A_2659, %eq3A_2660 : i32
      %jit3A_2662 = arith.constant 1 : i32
      %select_n3A_2663 = arith.select %eq3A_2661, %jit3A_2662, %jit3A_2659 : i32
      %rem3A_2664 = arith.remsi %squeeze3A_2658, %select_n3A_2663 : i32
      %ne3A_2665 = arith.constant 0 : i32
      %ne3A_2666 = arith.cmpi ne, %rem3A_2664, %ne3A_2665 : i32
      %lt3A_2667 = arith.constant 0 : i32
      %lt3A_2668 = arith.cmpi slt, %rem3A_2664, %lt3A_2667 : i32
      %lt3A_2669 = arith.constant 0 : i32
      %lt3A_2670 = arith.cmpi slt, %select_n3A_2663, %lt3A_2669 : i32
      %ne3A_2671 = arith.xori %lt3A_2668, %lt3A_2670 : i1
      %and3A_2672 = arith.andi %ne3A_2671, %ne3A_2666 : i1
      %add3A_2673 = arith.addi %rem3A_2664, %select_n3A_2663 : i32
      %select_n3A_2674 = arith.select %and3A_2672, %add3A_2673, %rem3A_2664 : i32
      %broadcast_in_dim3A_2675 = vector.broadcast %select_n3A_2674 : i32 to vector<16xi32>
      %add3A_2676 = arith.constant 0 : i32
      %add3A_2677 = vector.broadcast %add3A_2676 : i32 to vector<16xi32>
      %add3A_2678 = arith.addi %add3A_2677, %iota3A : vector<16xi32>
      %gather3A_2679 = tpu.vector_load_idx %arg7[%add3A_2678, %broadcast_in_dim3A_2675] : memref<64x128xf32, #tpu.memory_space<vmem>>[vector<16xi32>, vector<16xi32>], vector<16xf32>,
      %swap3A_2680 = arith.index_cast %add3A_2656 : i32 to index
      %swap3A_2681 = arith.constant 0 : index
      %swap3A_2682 = tpu.vector_load %arg10[%swap3A_2680, %swap3A_2681] {strides = array<i32>} : memref<128x64xf32, #tpu.memory_space<vmem>>, vector<16xf32>,
      tpu.vector_store %arg10[%swap3A_2680, %swap3A_2681], %gather3A_2679 {strides = array<i32>} : memref<128x64xf32, #tpu.memory_space<vmem>>, vector<16xf32>,
      %add3A_2683 = arith.constant 16 : i32
      %add3A_2684 = vector.broadcast %add3A_2683 : i32 to vector<16xi32>
      %add3A_2685 = arith.addi %add3A_2684, %iota3A : vector<16xi32>
      %gather3A_2686 = tpu.vector_load_idx %arg7[%add3A_2685, %broadcast_in_dim3A_2675] : memref<64x128xf32, #tpu.memory_space<vmem>>[vector<16xi32>, vector<16xi32>], vector<16xf32>,
      %swap3A_2687 = arith.index_cast %add3A_2656 : i32 to index
      %swap3A_2688 = arith.constant 16 : index
      %swap3A_2689 = tpu.vector_load %arg10[%swap3A_2687, %swap3A_2688] {strides = array<i32>} : memref<128x64xf32, #tpu.memory_space<vmem>>, vector<16xf32>,
      tpu.vector_store %arg10[%swap3A_2687, %swap3A_2688], %gather3A_2686 {strides = array<i32>} : memref<128x64xf32, #tpu.memory_space<vmem>>, vector<16xf32>,
      %add3A_2690 = arith.constant 32 : i32
      %add3A_2691 = vector.broadcast %add3A_2690 : i32 to vector<16xi32>
      %add3A_2692 = arith.addi %add3A_2691, %iota3A : vector<16xi32>
      %gather3A_2693 = tpu.vector_load_idx %arg7[%add3A_2692, %broadcast_in_dim3A_2675] : memref<64x128xf32, #tpu.memory_space<vmem>>[vector<16xi32>, vector<16xi32>], vector<16xf32>,
      %swap3A_2694 = arith.index_cast %add3A_2656 : i32 to index
      %swap3A_2695 = arith.constant 32 : index
      %swap3A_2696 = tpu.vector_load %arg10[%swap3A_2694, %swap3A_2695] {strides = array<i32>} : memref<128x64xf32, #tpu.memory_space<vmem>>, vector<16xf32>,
      tpu.vector_store %arg10[%swap3A_2694, %swap3A_2695], %gather3A_2693 {strides = array<i32>} : memref<128x64xf32, #tpu.memory_space<vmem>>, vector<16xf32>,
      %add3A_2697 = arith.constant 48 : i32
      %add3A_2698 = vector.broadcast %add3A_2697 : i32 to vector<16xi32>
      %add3A_2699 = arith.addi %add3A_2698, %iota3A : vector<16xi32>
      %gather3A_2700 = tpu.vector_load_idx %arg7[%add3A_2699, %broadcast_in_dim3A_2675] : memref<64x128xf32, #tpu.memory_space<vmem>>[vector<16xi32>, vector<16xi32>], vector<16xf32>,
      %swap3A_2701 = arith.index_cast %add3A_2656 : i32 to index
      %swap3A_2702 = arith.constant 48 : index
      %swap3A_2703 = tpu.vector_load %arg10[%swap3A_2701, %swap3A_2702] {strides = array<i32>} : memref<128x64xf32, #tpu.memory_space<vmem>>, vector<16xf32>,
      tpu.vector_store %arg10[%swap3A_2701, %swap3A_2702], %gather3A_2700 {strides = array<i32>} : memref<128x64xf32, #tpu.memory_space<vmem>>, vector<16xf32>,
      %slice3A_2704 = vector.extract_strided_slice %get3A_1443 {offsets = [1], sizes = [1], strides = [1]} : vector<16xi32> to vector<1xi32>
      %squeeze3A_2705 = vector.extract %slice3A_2704[0] : i32 from vector<1xi32>
      %jit3A_2706 = arith.constant 128 : i32
      %div3A_2707 = arith.divsi %squeeze3A_2705, %jit3A_2706 : i32
      %sign3A_2708 = arith.constant 0 : i32
      %sign3A_2709 = arith.cmpi sgt, %squeeze3A_2705, %sign3A_2708 : i32
      %sign3A_2710 = arith.extui %sign3A_2709 : i1 to i32
      %sign3A_2711 = arith.constant 0 : i32
      %sign3A_2712 = arith.cmpi slt, %squeeze3A_2705, %sign3A_2711 : i32
      %sign3A_2713 = arith.extui %sign3A_2712 : i1 to i32
      %sign3A_2714 = arith.subi %sign3A_2710, %sign3A_2713 : i32
      %sign3A_2715 = arith.constant 0 : i32
      %sign3A_2716 = arith.cmpi sgt, %jit3A_2706, %sign3A_2715 : i32
      %sign3A_2717 = arith.extui %sign3A_2716 : i1 to i32
      %sign3A_2718 = arith.constant 0 : i32
      %sign3A_2719 = arith.cmpi slt, %jit3A_2706, %sign3A_2718 : i32
      %sign3A_2720 = arith.extui %sign3A_2719 : i1 to i32
      %sign3A_2721 = arith.subi %sign3A_2717, %sign3A_2720 : i32
      %ne3A_2722 = arith.cmpi ne, %sign3A_2714, %sign3A_2721 : i32
      %rem3A_2723 = arith.remsi %squeeze3A_2705, %jit3A_2706 : i32
      %ne3A_2724 = arith.constant 0 : i32
      %ne3A_2725 = arith.cmpi ne, %rem3A_2723, %ne3A_2724 : i32
      %and3A_2726 = arith.andi %ne3A_2722, %ne3A_2725 : i1
      %sub3A_2727 = arith.constant 1 : i32
      %sub3A_2728 = arith.subi %div3A_2707, %sub3A_2727 : i32
      %select_n3A_2729 = arith.select %and3A_2726, %sub3A_2728, %div3A_2707 : i32
      %mul3A_2730 = arith.constant 128 : i32
      %mul3A_2731 = arith.muli %select_n3A_2729, %mul3A_2730 : i32
      %multiple_of3A_2732 = tpu.assume_multiple %mul3A_2731, 128 : i32
      %dma_start3A_2733 = arith.constant 0 : i32
      %dma_start3A_2734 = tpu.memref_slice %arg3[%dma_start3A_2733, %multiple_of3A_2732] : memref<64x1000000xf32, #tpu.memory_space<hbm>> -> memref<64x128xf32, #tpu.memory_space<hbm>>
      %dma_start3A_2735 = arith.constant 0 : i32
      %dma_start3A_2736 = tpu.memref_slice %arg3[%dma_start3A_2735, %multiple_of3A_2732] : memref<64x1000000xf32, #tpu.memory_space<hbm>> -> memref<64x128xf32, #tpu.memory_space<hbm>>
      tpu.enqueue_dma source(%dma_start3A_2736 : memref<64x128xf32, #tpu.memory_space<hbm>>) target(%arg7 : memref<64x128xf32, #tpu.memory_space<vmem>>) target_semaphore(%arg12 : memref<!tpu.dma_semaphore, #tpu.memory_space<semaphore_mem>>)
      %dma_wait3A_2737 = arith.constant 0 : i32
      %dma_wait3A_2738 = arith.constant 0 : i32
      %dma_wait3A_2739 = tpu.memref_slice %arg3[%dma_wait3A_2737, %dma_wait3A_2738] : memref<64x1000000xf32, #tpu.memory_space<hbm>> -> memref<64x128xf32, #tpu.memory_space<hbm>>
      %dma_wait3A_2740 = arith.constant 0 : i32
      %dma_wait3A_2741 = arith.constant 0 : i32
      %dma_wait3A_2742 = tpu.memref_slice %arg3[%dma_wait3A_2740, %dma_wait3A_2741] : memref<64x1000000xf32, #tpu.memory_space<hbm>> -> memref<64x128xf32, #tpu.memory_space<hbm>>
      tpu.wait_dma2 semaphore(%arg13 : memref<!tpu.dma_semaphore, #tpu.memory_space<semaphore_mem>>) src(%dma_wait3A_2742 : memref<64x128xf32, #tpu.memory_space<hbm>>) dst(%arg8 : memref<64x128xf32, #tpu.memory_space<vmem>>)
      %mul3A_2743 = arith.constant 16 : i32
      %mul3A_2744 = arith.muli %scan3A_1433, %mul3A_2743 : i32
      %add3A_2745 = arith.constant 14 : i32
      %add3A_2746 = arith.addi %mul3A_2744, %add3A_2745 : i32
      %slice3A_2747 = vector.extract_strided_slice %get3A_1437 {offsets = [14], sizes = [1], strides = [1]} : vector<16xi32> to vector<1xi32>
      %squeeze3A_2748 = vector.extract %slice3A_2747[0] : i32 from vector<1xi32>
      %jit3A_2749 = arith.constant 128 : i32
      %eq3A_2750 = arith.constant 0 : i32
      %eq3A_2751 = arith.cmpi eq, %jit3A_2749, %eq3A_2750 : i32
      %jit3A_2752 = arith.constant 1 : i32
      %select_n3A_2753 = arith.select %eq3A_2751, %jit3A_2752, %jit3A_2749 : i32
      %rem3A_2754 = arith.remsi %squeeze3A_2748, %select_n3A_2753 : i32
      %ne3A_2755 = arith.constant 0 : i32
      %ne3A_2756 = arith.cmpi ne, %rem3A_2754, %ne3A_2755 : i32
      %lt3A_2757 = arith.constant 0 : i32
      %lt3A_2758 = arith.cmpi slt, %rem3A_2754, %lt3A_2757 : i32
      %lt3A_2759 = arith.constant 0 : i32
      %lt3A_2760 = arith.cmpi slt, %select_n3A_2753, %lt3A_2759 : i32
      %ne3A_2761 = arith.xori %lt3A_2758, %lt3A_2760 : i1
      %and3A_2762 = arith.andi %ne3A_2761, %ne3A_2756 : i1
      %add3A_2763 = arith.addi %rem3A_2754, %select_n3A_2753 : i32
      %select_n3A_2764 = arith.select %and3A_2762, %add3A_2763, %rem3A_2754 : i32
      %broadcast_in_dim3A_2765 = vector.broadcast %select_n3A_2764 : i32 to vector<16xi32>
      %add3A_2766 = arith.constant 0 : i32
      %add3A_2767 = vector.broadcast %add3A_2766 : i32 to vector<16xi32>
      %add3A_2768 = arith.addi %add3A_2767, %iota3A : vector<16xi32>
      %gather3A_2769 = tpu.vector_load_idx %arg8[%add3A_2768, %broadcast_in_dim3A_2765] : memref<64x128xf32, #tpu.memory_space<vmem>>[vector<16xi32>, vector<16xi32>], vector<16xf32>,
      %swap3A_2770 = arith.index_cast %add3A_2746 : i32 to index
      %swap3A_2771 = arith.constant 0 : index
      %swap3A_2772 = tpu.vector_load %arg10[%swap3A_2770, %swap3A_2771] {strides = array<i32>} : memref<128x64xf32, #tpu.memory_space<vmem>>, vector<16xf32>,
      tpu.vector_store %arg10[%swap3A_2770, %swap3A_2771], %gather3A_2769 {strides = array<i32>} : memref<128x64xf32, #tpu.memory_space<vmem>>, vector<16xf32>,
      %add3A_2773 = arith.constant 16 : i32
      %add3A_2774 = vector.broadcast %add3A_2773 : i32 to vector<16xi32>
      %add3A_2775 = arith.addi %add3A_2774, %iota3A : vector<16xi32>
      %gather3A_2776 = tpu.vector_load_idx %arg8[%add3A_2775, %broadcast_in_dim3A_2765] : memref<64x128xf32, #tpu.memory_space<vmem>>[vector<16xi32>, vector<16xi32>], vector<16xf32>,
      %swap3A_2777 = arith.index_cast %add3A_2746 : i32 to index
      %swap3A_2778 = arith.constant 16 : index
      %swap3A_2779 = tpu.vector_load %arg10[%swap3A_2777, %swap3A_2778] {strides = array<i32>} : memref<128x64xf32, #tpu.memory_space<vmem>>, vector<16xf32>,
      tpu.vector_store %arg10[%swap3A_2777, %swap3A_2778], %gather3A_2776 {strides = array<i32>} : memref<128x64xf32, #tpu.memory_space<vmem>>, vector<16xf32>,
      %add3A_2780 = arith.constant 32 : i32
      %add3A_2781 = vector.broadcast %add3A_2780 : i32 to vector<16xi32>
      %add3A_2782 = arith.addi %add3A_2781, %iota3A : vector<16xi32>
      %gather3A_2783 = tpu.vector_load_idx %arg8[%add3A_2782, %broadcast_in_dim3A_2765] : memref<64x128xf32, #tpu.memory_space<vmem>>[vector<16xi32>, vector<16xi32>], vector<16xf32>,
      %swap3A_2784 = arith.index_cast %add3A_2746 : i32 to index
      %swap3A_2785 = arith.constant 32 : index
      %swap3A_2786 = tpu.vector_load %arg10[%swap3A_2784, %swap3A_2785] {strides = array<i32>} : memref<128x64xf32, #tpu.memory_space<vmem>>, vector<16xf32>,
      tpu.vector_store %arg10[%swap3A_2784, %swap3A_2785], %gather3A_2783 {strides = array<i32>} : memref<128x64xf32, #tpu.memory_space<vmem>>, vector<16xf32>,
      %add3A_2787 = arith.constant 48 : i32
      %add3A_2788 = vector.broadcast %add3A_2787 : i32 to vector<16xi32>
      %add3A_2789 = arith.addi %add3A_2788, %iota3A : vector<16xi32>
      %gather3A_2790 = tpu.vector_load_idx %arg8[%add3A_2789, %broadcast_in_dim3A_2765] : memref<64x128xf32, #tpu.memory_space<vmem>>[vector<16xi32>, vector<16xi32>], vector<16xf32>,
      %swap3A_2791 = arith.index_cast %add3A_2746 : i32 to index
      %swap3A_2792 = arith.constant 48 : index
      %swap3A_2793 = tpu.vector_load %arg10[%swap3A_2791, %swap3A_2792] {strides = array<i32>} : memref<128x64xf32, #tpu.memory_space<vmem>>, vector<16xf32>,
      tpu.vector_store %arg10[%swap3A_2791, %swap3A_2792], %gather3A_2790 {strides = array<i32>} : memref<128x64xf32, #tpu.memory_space<vmem>>, vector<16xf32>,
      %slice3A_2794 = vector.extract_strided_slice %get3A_1443 {offsets = [2], sizes = [1], strides = [1]} : vector<16xi32> to vector<1xi32>
      %squeeze3A_2795 = vector.extract %slice3A_2794[0] : i32 from vector<1xi32>
      %jit3A_2796 = arith.constant 128 : i32
      %div3A_2797 = arith.divsi %squeeze3A_2795, %jit3A_2796 : i32
      %sign3A_2798 = arith.constant 0 : i32
      %sign3A_2799 = arith.cmpi sgt, %squeeze3A_2795, %sign3A_2798 : i32
      %sign3A_2800 = arith.extui %sign3A_2799 : i1 to i32
      %sign3A_2801 = arith.constant 0 : i32
      %sign3A_2802 = arith.cmpi slt, %squeeze3A_2795, %sign3A_2801 : i32
      %sign3A_2803 = arith.extui %sign3A_2802 : i1 to i32
      %sign3A_2804 = arith.subi %sign3A_2800, %sign3A_2803 : i32
      %sign3A_2805 = arith.constant 0 : i32
      %sign3A_2806 = arith.cmpi sgt, %jit3A_2796, %sign3A_2805 : i32
      %sign3A_2807 = arith.extui %sign3A_2806 : i1 to i32
      %sign3A_2808 = arith.constant 0 : i32
      %sign3A_2809 = arith.cmpi slt, %jit3A_2796, %sign3A_2808 : i32
      %sign3A_2810 = arith.extui %sign3A_2809 : i1 to i32
      %sign3A_2811 = arith.subi %sign3A_2807, %sign3A_2810 : i32
      %ne3A_2812 = arith.cmpi ne, %sign3A_2804, %sign3A_2811 : i32
      %rem3A_2813 = arith.remsi %squeeze3A_2795, %jit3A_2796 : i32
      %ne3A_2814 = arith.constant 0 : i32
      %ne3A_2815 = arith.cmpi ne, %rem3A_2813, %ne3A_2814 : i32
      %and3A_2816 = arith.andi %ne3A_2812, %ne3A_2815 : i1
      %sub3A_2817 = arith.constant 1 : i32
      %sub3A_2818 = arith.subi %div3A_2797, %sub3A_2817 : i32
      %select_n3A_2819 = arith.select %and3A_2816, %sub3A_2818, %div3A_2797 : i32
      %mul3A_2820 = arith.constant 128 : i32
      %mul3A_2821 = arith.muli %select_n3A_2819, %mul3A_2820 : i32
      %multiple_of3A_2822 = tpu.assume_multiple %mul3A_2821, 128 : i32
      %dma_start3A_2823 = arith.constant 0 : i32
      %dma_start3A_2824 = tpu.memref_slice %arg3[%dma_start3A_2823, %multiple_of3A_2822] : memref<64x1000000xf32, #tpu.memory_space<hbm>> -> memref<64x128xf32, #tpu.memory_space<hbm>>
      %dma_start3A_2825 = arith.constant 0 : i32
      %dma_start3A_2826 = tpu.memref_slice %arg3[%dma_start3A_2825, %multiple_of3A_2822] : memref<64x1000000xf32, #tpu.memory_space<hbm>> -> memref<64x128xf32, #tpu.memory_space<hbm>>
      tpu.enqueue_dma source(%dma_start3A_2826 : memref<64x128xf32, #tpu.memory_space<hbm>>) target(%arg8 : memref<64x128xf32, #tpu.memory_space<vmem>>) target_semaphore(%arg13 : memref<!tpu.dma_semaphore, #tpu.memory_space<semaphore_mem>>)
      %dma_wait3A_2827 = arith.constant 0 : i32
      %dma_wait3A_2828 = arith.constant 0 : i32
      %dma_wait3A_2829 = tpu.memref_slice %arg3[%dma_wait3A_2827, %dma_wait3A_2828] : memref<64x1000000xf32, #tpu.memory_space<hbm>> -> memref<64x128xf32, #tpu.memory_space<hbm>>
      %dma_wait3A_2830 = arith.constant 0 : i32
      %dma_wait3A_2831 = arith.constant 0 : i32
      %dma_wait3A_2832 = tpu.memref_slice %arg3[%dma_wait3A_2830, %dma_wait3A_2831] : memref<64x1000000xf32, #tpu.memory_space<hbm>> -> memref<64x128xf32, #tpu.memory_space<hbm>>
      tpu.wait_dma2 semaphore(%arg14 : memref<!tpu.dma_semaphore, #tpu.memory_space<semaphore_mem>>) src(%dma_wait3A_2832 : memref<64x128xf32, #tpu.memory_space<hbm>>) dst(%arg9 : memref<64x128xf32, #tpu.memory_space<vmem>>)
      %mul3A_2833 = arith.constant 16 : i32
      %mul3A_2834 = arith.muli %scan3A_1433, %mul3A_2833 : i32
      %add3A_2835 = arith.constant 15 : i32
      %add3A_2836 = arith.addi %mul3A_2834, %add3A_2835 : i32
      %slice3A_2837 = vector.extract_strided_slice %get3A_1437 {offsets = [15], sizes = [1], strides = [1]} : vector<16xi32> to vector<1xi32>
      %squeeze3A_2838 = vector.extract %slice3A_2837[0] : i32 from vector<1xi32>
      %jit3A_2839 = arith.constant 128 : i32
      %eq3A_2840 = arith.constant 0 : i32
      %eq3A_2841 = arith.cmpi eq, %jit3A_2839, %eq3A_2840 : i32
      %jit3A_2842 = arith.constant 1 : i32
      %select_n3A_2843 = arith.select %eq3A_2841, %jit3A_2842, %jit3A_2839 : i32
      %rem3A_2844 = arith.remsi %squeeze3A_2838, %select_n3A_2843 : i32
      %ne3A_2845 = arith.constant 0 : i32
      %ne3A_2846 = arith.cmpi ne, %rem3A_2844, %ne3A_2845 : i32
      %lt3A_2847 = arith.constant 0 : i32
      %lt3A_2848 = arith.cmpi slt, %rem3A_2844, %lt3A_2847 : i32
      %lt3A_2849 = arith.constant 0 : i32
      %lt3A_2850 = arith.cmpi slt, %select_n3A_2843, %lt3A_2849 : i32
      %ne3A_2851 = arith.xori %lt3A_2848, %lt3A_2850 : i1
      %and3A_2852 = arith.andi %ne3A_2851, %ne3A_2846 : i1
      %add3A_2853 = arith.addi %rem3A_2844, %select_n3A_2843 : i32
      %select_n3A_2854 = arith.select %and3A_2852, %add3A_2853, %rem3A_2844 : i32
      %broadcast_in_dim3A_2855 = vector.broadcast %select_n3A_2854 : i32 to vector<16xi32>
      %add3A_2856 = arith.constant 0 : i32
      %add3A_2857 = vector.broadcast %add3A_2856 : i32 to vector<16xi32>
      %add3A_2858 = arith.addi %add3A_2857, %iota3A : vector<16xi32>
      %gather3A_2859 = tpu.vector_load_idx %arg9[%add3A_2858, %broadcast_in_dim3A_2855] : memref<64x128xf32, #tpu.memory_space<vmem>>[vector<16xi32>, vector<16xi32>], vector<16xf32>,
      %swap3A_2860 = arith.index_cast %add3A_2836 : i32 to index
      %swap3A_2861 = arith.constant 0 : index
      %swap3A_2862 = tpu.vector_load %arg10[%swap3A_2860, %swap3A_2861] {strides = array<i32>} : memref<128x64xf32, #tpu.memory_space<vmem>>, vector<16xf32>,
      tpu.vector_store %arg10[%swap3A_2860, %swap3A_2861], %gather3A_2859 {strides = array<i32>} : memref<128x64xf32, #tpu.memory_space<vmem>>, vector<16xf32>,
      %add3A_2863 = arith.constant 16 : i32
      %add3A_2864 = vector.broadcast %add3A_2863 : i32 to vector<16xi32>
      %add3A_2865 = arith.addi %add3A_2864, %iota3A : vector<16xi32>
      %gather3A_2866 = tpu.vector_load_idx %arg9[%add3A_2865, %broadcast_in_dim3A_2855] : memref<64x128xf32, #tpu.memory_space<vmem>>[vector<16xi32>, vector<16xi32>], vector<16xf32>,
      %swap3A_2867 = arith.index_cast %add3A_2836 : i32 to index
      %swap3A_2868 = arith.constant 16 : index
      %swap3A_2869 = tpu.vector_load %arg10[%swap3A_2867, %swap3A_2868] {strides = array<i32>} : memref<128x64xf32, #tpu.memory_space<vmem>>, vector<16xf32>,
      tpu.vector_store %arg10[%swap3A_2867, %swap3A_2868], %gather3A_2866 {strides = array<i32>} : memref<128x64xf32, #tpu.memory_space<vmem>>, vector<16xf32>,
      %add3A_2870 = arith.constant 32 : i32
      %add3A_2871 = vector.broadcast %add3A_2870 : i32 to vector<16xi32>
      %add3A_2872 = arith.addi %add3A_2871, %iota3A : vector<16xi32>
      %gather3A_2873 = tpu.vector_load_idx %arg9[%add3A_2872, %broadcast_in_dim3A_2855] : memref<64x128xf32, #tpu.memory_space<vmem>>[vector<16xi32>, vector<16xi32>], vector<16xf32>,
      %swap3A_2874 = arith.index_cast %add3A_2836 : i32 to index
      %swap3A_2875 = arith.constant 32 : index
      %swap3A_2876 = tpu.vector_load %arg10[%swap3A_2874, %swap3A_2875] {strides = array<i32>} : memref<128x64xf32, #tpu.memory_space<vmem>>, vector<16xf32>,
      tpu.vector_store %arg10[%swap3A_2874, %swap3A_2875], %gather3A_2873 {strides = array<i32>} : memref<128x64xf32, #tpu.memory_space<vmem>>, vector<16xf32>,
      %add3A_2877 = arith.constant 48 : i32
      %add3A_2878 = vector.broadcast %add3A_2877 : i32 to vector<16xi32>
      %add3A_2879 = arith.addi %add3A_2878, %iota3A : vector<16xi32>
      %gather3A_2880 = tpu.vector_load_idx %arg9[%add3A_2879, %broadcast_in_dim3A_2855] : memref<64x128xf32, #tpu.memory_space<vmem>>[vector<16xi32>, vector<16xi32>], vector<16xf32>,
      %swap3A_2881 = arith.index_cast %add3A_2836 : i32 to index
      %swap3A_2882 = arith.constant 48 : index
      %swap3A_2883 = tpu.vector_load %arg10[%swap3A_2881, %swap3A_2882] {strides = array<i32>} : memref<128x64xf32, #tpu.memory_space<vmem>>, vector<16xf32>,
      tpu.vector_store %arg10[%swap3A_2881, %swap3A_2882], %gather3A_2880 {strides = array<i32>} : memref<128x64xf32, #tpu.memory_space<vmem>>, vector<16xf32>,
    }
    %scan3A_95 = arith.constant 7 : i32
    %get3A_96 = arith.constant 112 : index
    %get3A_97 = tpu.vector_load %arg5[%get3A_96] {strides = array<i32>} : memref<128xi32, #tpu.memory_space<vmem>>, vector<16xi32>,
    %slice3A_98 = vector.extract_strided_slice %get3A_97 {offsets = [3], sizes = [1], strides = [1]} : vector<16xi32> to vector<1xi32>
    %squeeze3A_99 = vector.extract %slice3A_98[0] : i32 from vector<1xi32>
    %jit3A_100 = arith.constant 128 : i32
    %div3A_101 = arith.divsi %squeeze3A_99, %jit3A_100 : i32
    %sign3A_102 = arith.constant 0 : i32
    %sign3A_103 = arith.cmpi sgt, %squeeze3A_99, %sign3A_102 : i32
    %sign3A_104 = arith.extui %sign3A_103 : i1 to i32
    %sign3A_105 = arith.constant 0 : i32
    %sign3A_106 = arith.cmpi slt, %squeeze3A_99, %sign3A_105 : i32
    %sign3A_107 = arith.extui %sign3A_106 : i1 to i32
    %sign3A_108 = arith.subi %sign3A_104, %sign3A_107 : i32
    %sign3A_109 = arith.constant 0 : i32
    %sign3A_110 = arith.cmpi sgt, %jit3A_100, %sign3A_109 : i32
    %sign3A_111 = arith.extui %sign3A_110 : i1 to i32
    %sign3A_112 = arith.constant 0 : i32
    %sign3A_113 = arith.cmpi slt, %jit3A_100, %sign3A_112 : i32
    %sign3A_114 = arith.extui %sign3A_113 : i1 to i32
    %sign3A_115 = arith.subi %sign3A_111, %sign3A_114 : i32
    %ne3A_116 = arith.cmpi ne, %sign3A_108, %sign3A_115 : i32
    %rem3A_117 = arith.remsi %squeeze3A_99, %jit3A_100 : i32
    %ne3A_118 = arith.constant 0 : i32
    %ne3A_119 = arith.cmpi ne, %rem3A_117, %ne3A_118 : i32
    %and3A_120 = arith.andi %ne3A_116, %ne3A_119 : i1
    %sub3A_121 = arith.constant 1 : i32
    %sub3A_122 = arith.subi %div3A_101, %sub3A_121 : i32
    %select_n3A_123 = arith.select %and3A_120, %sub3A_122, %div3A_101 : i32
    %mul3A_124 = arith.constant 128 : i32
    %mul3A_125 = arith.muli %select_n3A_123, %mul3A_124 : i32
    %multiple_of3A_126 = tpu.assume_multiple %mul3A_125, 128 : i32
    %dma_start3A_127 = arith.constant 0 : i32
    %dma_start3A_128 = tpu.memref_slice %arg3[%dma_start3A_127, %multiple_of3A_126] : memref<64x1000000xf32, #tpu.memory_space<hbm>> -> memref<64x128xf32, #tpu.memory_space<hbm>>
    %dma_start3A_129 = arith.constant 0 : i32
    %dma_start3A_130 = tpu.memref_slice %arg3[%dma_start3A_129, %multiple_of3A_126] : memref<64x1000000xf32, #tpu.memory_space<hbm>> -> memref<64x128xf32, #tpu.memory_space<hbm>>
    tpu.enqueue_dma source(%dma_start3A_130 : memref<64x128xf32, #tpu.memory_space<hbm>>) target(%arg9 : memref<64x128xf32, #tpu.memory_space<vmem>>) target_semaphore(%arg14 : memref<!tpu.dma_semaphore, #tpu.memory_space<semaphore_mem>>)
    %dma_wait3A = arith.constant 0 : i32
    %dma_wait3A_131 = arith.constant 0 : i32
    %dma_wait3A_132 = tpu.memref_slice %arg3[%dma_wait3A, %dma_wait3A_131] : memref<64x1000000xf32, #tpu.memory_space<hbm>> -> memref<64x128xf32, #tpu.memory_space<hbm>>
    %dma_wait3A_133 = arith.constant 0 : i32
    %dma_wait3A_134 = arith.constant 0 : i32
    %dma_wait3A_135 = tpu.memref_slice %arg3[%dma_wait3A_133, %dma_wait3A_134] : memref<64x1000000xf32, #tpu.memory_space<hbm>> -> memref<64x128xf32, #tpu.memory_space<hbm>>
    tpu.wait_dma2 semaphore(%arg11 : memref<!tpu.dma_semaphore, #tpu.memory_space<semaphore_mem>>) src(%dma_wait3A_135 : memref<64x128xf32, #tpu.memory_space<hbm>>) dst(%arg6 : memref<64x128xf32, #tpu.memory_space<vmem>>)
    %slice3A_136 = vector.extract_strided_slice %get3A_97 {offsets = [0], sizes = [1], strides = [1]} : vector<16xi32> to vector<1xi32>
    %squeeze3A_137 = vector.extract %slice3A_136[0] : i32 from vector<1xi32>
    %jit3A_138 = arith.constant 128 : i32
    %eq3A = arith.constant 0 : i32
    %eq3A_139 = arith.cmpi eq, %jit3A_138, %eq3A : i32
    %jit3A_140 = arith.constant 1 : i32
    %select_n3A_141 = arith.select %eq3A_139, %jit3A_140, %jit3A_138 : i32
    %rem3A_142 = arith.remsi %squeeze3A_137, %select_n3A_141 : i32
    %ne3A_143 = arith.constant 0 : i32
    %ne3A_144 = arith.cmpi ne, %rem3A_142, %ne3A_143 : i32
    %lt3A = arith.constant 0 : i32
    %lt3A_145 = arith.cmpi slt, %rem3A_142, %lt3A : i32
    %lt3A_146 = arith.constant 0 : i32
    %lt3A_147 = arith.cmpi slt, %select_n3A_141, %lt3A_146 : i32
    %ne3A_148 = arith.xori %lt3A_145, %lt3A_147 : i1
    %and3A_149 = arith.andi %ne3A_148, %ne3A_144 : i1
    %add3A_150 = arith.addi %rem3A_142, %select_n3A_141 : i32
    %select_n3A_151 = arith.select %and3A_149, %add3A_150, %rem3A_142 : i32
    %broadcast_in_dim3A = vector.broadcast %select_n3A_151 : i32 to vector<16xi32>
    %add3A_152 = arith.constant 0 : i32
    %add3A_153 = vector.broadcast %add3A_152 : i32 to vector<16xi32>
    %add3A_154 = arith.addi %add3A_153, %iota3A : vector<16xi32>
    %gather3A = tpu.vector_load_idx %arg6[%add3A_154, %broadcast_in_dim3A] : memref<64x128xf32, #tpu.memory_space<vmem>>[vector<16xi32>, vector<16xi32>], vector<16xf32>,
    %swap3A = arith.constant 112 : i32
    %swap3A_155 = arith.index_cast %swap3A : i32 to index
    %swap3A_156 = arith.constant 0 : index
    %swap3A_157 = tpu.vector_load %arg10[%swap3A_155, %swap3A_156] {strides = array<i32>} : memref<128x64xf32, #tpu.memory_space<vmem>>, vector<16xf32>,
    tpu.vector_store %arg10[%swap3A_155, %swap3A_156], %gather3A {strides = array<i32>} : memref<128x64xf32, #tpu.memory_space<vmem>>, vector<16xf32>,
    %add3A_158 = arith.constant 16 : i32
    %add3A_159 = vector.broadcast %add3A_158 : i32 to vector<16xi32>
    %add3A_160 = arith.addi %add3A_159, %iota3A : vector<16xi32>
    %gather3A_161 = tpu.vector_load_idx %arg6[%add3A_160, %broadcast_in_dim3A] : memref<64x128xf32, #tpu.memory_space<vmem>>[vector<16xi32>, vector<16xi32>], vector<16xf32>,
    %swap3A_162 = arith.constant 112 : i32
    %swap3A_163 = arith.index_cast %swap3A_162 : i32 to index
    %swap3A_164 = arith.constant 16 : index
    %swap3A_165 = tpu.vector_load %arg10[%swap3A_163, %swap3A_164] {strides = array<i32>} : memref<128x64xf32, #tpu.memory_space<vmem>>, vector<16xf32>,
    tpu.vector_store %arg10[%swap3A_163, %swap3A_164], %gather3A_161 {strides = array<i32>} : memref<128x64xf32, #tpu.memory_space<vmem>>, vector<16xf32>,
    %add3A_166 = arith.constant 32 : i32
    %add3A_167 = vector.broadcast %add3A_166 : i32 to vector<16xi32>
    %add3A_168 = arith.addi %add3A_167, %iota3A : vector<16xi32>
    %gather3A_169 = tpu.vector_load_idx %arg6[%add3A_168, %broadcast_in_dim3A] : memref<64x128xf32, #tpu.memory_space<vmem>>[vector<16xi32>, vector<16xi32>], vector<16xf32>,
    %swap3A_170 = arith.constant 112 : i32
    %swap3A_171 = arith.index_cast %swap3A_170 : i32 to index
    %swap3A_172 = arith.constant 32 : index
    %swap3A_173 = tpu.vector_load %arg10[%swap3A_171, %swap3A_172] {strides = array<i32>} : memref<128x64xf32, #tpu.memory_space<vmem>>, vector<16xf32>,
    tpu.vector_store %arg10[%swap3A_171, %swap3A_172], %gather3A_169 {strides = array<i32>} : memref<128x64xf32, #tpu.memory_space<vmem>>, vector<16xf32>,
    %add3A_174 = arith.constant 48 : i32
    %add3A_175 = vector.broadcast %add3A_174 : i32 to vector<16xi32>
    %add3A_176 = arith.addi %add3A_175, %iota3A : vector<16xi32>
    %gather3A_177 = tpu.vector_load_idx %arg6[%add3A_176, %broadcast_in_dim3A] : memref<64x128xf32, #tpu.memory_space<vmem>>[vector<16xi32>, vector<16xi32>], vector<16xf32>,
    %swap3A_178 = arith.constant 112 : i32
    %swap3A_179 = arith.index_cast %swap3A_178 : i32 to index
    %swap3A_180 = arith.constant 48 : index
    %swap3A_181 = tpu.vector_load %arg10[%swap3A_179, %swap3A_180] {strides = array<i32>} : memref<128x64xf32, #tpu.memory_space<vmem>>, vector<16xf32>,
    tpu.vector_store %arg10[%swap3A_179, %swap3A_180], %gather3A_177 {strides = array<i32>} : memref<128x64xf32, #tpu.memory_space<vmem>>, vector<16xf32>,
    %slice3A_182 = vector.extract_strided_slice %get3A_97 {offsets = [4], sizes = [1], strides = [1]} : vector<16xi32> to vector<1xi32>
    %squeeze3A_183 = vector.extract %slice3A_182[0] : i32 from vector<1xi32>
    %jit3A_184 = arith.constant 128 : i32
    %div3A_185 = arith.divsi %squeeze3A_183, %jit3A_184 : i32
    %sign3A_186 = arith.constant 0 : i32
    %sign3A_187 = arith.cmpi sgt, %squeeze3A_183, %sign3A_186 : i32
    %sign3A_188 = arith.extui %sign3A_187 : i1 to i32
    %sign3A_189 = arith.constant 0 : i32
    %sign3A_190 = arith.cmpi slt, %squeeze3A_183, %sign3A_189 : i32
    %sign3A_191 = arith.extui %sign3A_190 : i1 to i32
    %sign3A_192 = arith.subi %sign3A_188, %sign3A_191 : i32
    %sign3A_193 = arith.constant 0 : i32
    %sign3A_194 = arith.cmpi sgt, %jit3A_184, %sign3A_193 : i32
    %sign3A_195 = arith.extui %sign3A_194 : i1 to i32
    %sign3A_196 = arith.constant 0 : i32
    %sign3A_197 = arith.cmpi slt, %jit3A_184, %sign3A_196 : i32
    %sign3A_198 = arith.extui %sign3A_197 : i1 to i32
    %sign3A_199 = arith.subi %sign3A_195, %sign3A_198 : i32
    %ne3A_200 = arith.cmpi ne, %sign3A_192, %sign3A_199 : i32
    %rem3A_201 = arith.remsi %squeeze3A_183, %jit3A_184 : i32
    %ne3A_202 = arith.constant 0 : i32
    %ne3A_203 = arith.cmpi ne, %rem3A_201, %ne3A_202 : i32
    %and3A_204 = arith.andi %ne3A_200, %ne3A_203 : i1
    %sub3A_205 = arith.constant 1 : i32
    %sub3A_206 = arith.subi %div3A_185, %sub3A_205 : i32
    %select_n3A_207 = arith.select %and3A_204, %sub3A_206, %div3A_185 : i32
    %mul3A_208 = arith.constant 128 : i32
    %mul3A_209 = arith.muli %select_n3A_207, %mul3A_208 : i32
    %multiple_of3A_210 = tpu.assume_multiple %mul3A_209, 128 : i32
    %dma_start3A_211 = arith.constant 0 : i32
    %dma_start3A_212 = tpu.memref_slice %arg3[%dma_start3A_211, %multiple_of3A_210] : memref<64x1000000xf32, #tpu.memory_space<hbm>> -> memref<64x128xf32, #tpu.memory_space<hbm>>
    %dma_start3A_213 = arith.constant 0 : i32
    %dma_start3A_214 = tpu.memref_slice %arg3[%dma_start3A_213, %multiple_of3A_210] : memref<64x1000000xf32, #tpu.memory_space<hbm>> -> memref<64x128xf32, #tpu.memory_space<hbm>>
    tpu.enqueue_dma source(%dma_start3A_214 : memref<64x128xf32, #tpu.memory_space<hbm>>) target(%arg6 : memref<64x128xf32, #tpu.memory_space<vmem>>) target_semaphore(%arg11 : memref<!tpu.dma_semaphore, #tpu.memory_space<semaphore_mem>>)
    %dma_wait3A_215 = arith.constant 0 : i32
    %dma_wait3A_216 = arith.constant 0 : i32
    %dma_wait3A_217 = tpu.memref_slice %arg3[%dma_wait3A_215, %dma_wait3A_216] : memref<64x1000000xf32, #tpu.memory_space<hbm>> -> memref<64x128xf32, #tpu.memory_space<hbm>>
    %dma_wait3A_218 = arith.constant 0 : i32
    %dma_wait3A_219 = arith.constant 0 : i32
    %dma_wait3A_220 = tpu.memref_slice %arg3[%dma_wait3A_218, %dma_wait3A_219] : memref<64x1000000xf32, #tpu.memory_space<hbm>> -> memref<64x128xf32, #tpu.memory_space<hbm>>
    tpu.wait_dma2 semaphore(%arg12 : memref<!tpu.dma_semaphore, #tpu.memory_space<semaphore_mem>>) src(%dma_wait3A_220 : memref<64x128xf32, #tpu.memory_space<hbm>>) dst(%arg7 : memref<64x128xf32, #tpu.memory_space<vmem>>)
    %slice3A_221 = vector.extract_strided_slice %get3A_97 {offsets = [1], sizes = [1], strides = [1]} : vector<16xi32> to vector<1xi32>
    %squeeze3A_222 = vector.extract %slice3A_221[0] : i32 from vector<1xi32>
    %jit3A_223 = arith.constant 128 : i32
    %eq3A_224 = arith.constant 0 : i32
    %eq3A_225 = arith.cmpi eq, %jit3A_223, %eq3A_224 : i32
    %jit3A_226 = arith.constant 1 : i32
    %select_n3A_227 = arith.select %eq3A_225, %jit3A_226, %jit3A_223 : i32
    %rem3A_228 = arith.remsi %squeeze3A_222, %select_n3A_227 : i32
    %ne3A_229 = arith.constant 0 : i32
    %ne3A_230 = arith.cmpi ne, %rem3A_228, %ne3A_229 : i32
    %lt3A_231 = arith.constant 0 : i32
    %lt3A_232 = arith.cmpi slt, %rem3A_228, %lt3A_231 : i32
    %lt3A_233 = arith.constant 0 : i32
    %lt3A_234 = arith.cmpi slt, %select_n3A_227, %lt3A_233 : i32
    %ne3A_235 = arith.xori %lt3A_232, %lt3A_234 : i1
    %and3A_236 = arith.andi %ne3A_235, %ne3A_230 : i1
    %add3A_237 = arith.addi %rem3A_228, %select_n3A_227 : i32
    %select_n3A_238 = arith.select %and3A_236, %add3A_237, %rem3A_228 : i32
    %broadcast_in_dim3A_239 = vector.broadcast %select_n3A_238 : i32 to vector<16xi32>
    %add3A_240 = arith.constant 0 : i32
    %add3A_241 = vector.broadcast %add3A_240 : i32 to vector<16xi32>
    %add3A_242 = arith.addi %add3A_241, %iota3A : vector<16xi32>
    %gather3A_243 = tpu.vector_load_idx %arg7[%add3A_242, %broadcast_in_dim3A_239] : memref<64x128xf32, #tpu.memory_space<vmem>>[vector<16xi32>, vector<16xi32>], vector<16xf32>,
    %swap3A_244 = arith.constant 113 : i32
    %swap3A_245 = arith.index_cast %swap3A_244 : i32 to index
    %swap3A_246 = arith.constant 0 : index
    %swap3A_247 = tpu.vector_load %arg10[%swap3A_245, %swap3A_246] {strides = array<i32>} : memref<128x64xf32, #tpu.memory_space<vmem>>, vector<16xf32>,
    tpu.vector_store %arg10[%swap3A_245, %swap3A_246], %gather3A_243 {strides = array<i32>} : memref<128x64xf32, #tpu.memory_space<vmem>>, vector<16xf32>,
    %add3A_248 = arith.constant 16 : i32
    %add3A_249 = vector.broadcast %add3A_248 : i32 to vector<16xi32>
    %add3A_250 = arith.addi %add3A_249, %iota3A : vector<16xi32>
    %gather3A_251 = tpu.vector_load_idx %arg7[%add3A_250, %broadcast_in_dim3A_239] : memref<64x128xf32, #tpu.memory_space<vmem>>[vector<16xi32>, vector<16xi32>], vector<16xf32>,
    %swap3A_252 = arith.constant 113 : i32
    %swap3A_253 = arith.index_cast %swap3A_252 : i32 to index
    %swap3A_254 = arith.constant 16 : index
    %swap3A_255 = tpu.vector_load %arg10[%swap3A_253, %swap3A_254] {strides = array<i32>} : memref<128x64xf32, #tpu.memory_space<vmem>>, vector<16xf32>,
    tpu.vector_store %arg10[%swap3A_253, %swap3A_254], %gather3A_251 {strides = array<i32>} : memref<128x64xf32, #tpu.memory_space<vmem>>, vector<16xf32>,
    %add3A_256 = arith.constant 32 : i32
    %add3A_257 = vector.broadcast %add3A_256 : i32 to vector<16xi32>
    %add3A_258 = arith.addi %add3A_257, %iota3A : vector<16xi32>
    %gather3A_259 = tpu.vector_load_idx %arg7[%add3A_258, %broadcast_in_dim3A_239] : memref<64x128xf32, #tpu.memory_space<vmem>>[vector<16xi32>, vector<16xi32>], vector<16xf32>,
    %swap3A_260 = arith.constant 113 : i32
    %swap3A_261 = arith.index_cast %swap3A_260 : i32 to index
    %swap3A_262 = arith.constant 32 : index
    %swap3A_263 = tpu.vector_load %arg10[%swap3A_261, %swap3A_262] {strides = array<i32>} : memref<128x64xf32, #tpu.memory_space<vmem>>, vector<16xf32>,
    tpu.vector_store %arg10[%swap3A_261, %swap3A_262], %gather3A_259 {strides = array<i32>} : memref<128x64xf32, #tpu.memory_space<vmem>>, vector<16xf32>,
    %add3A_264 = arith.constant 48 : i32
    %add3A_265 = vector.broadcast %add3A_264 : i32 to vector<16xi32>
    %add3A_266 = arith.addi %add3A_265, %iota3A : vector<16xi32>
    %gather3A_267 = tpu.vector_load_idx %arg7[%add3A_266, %broadcast_in_dim3A_239] : memref<64x128xf32, #tpu.memory_space<vmem>>[vector<16xi32>, vector<16xi32>], vector<16xf32>,
    %swap3A_268 = arith.constant 113 : i32
    %swap3A_269 = arith.index_cast %swap3A_268 : i32 to index
    %swap3A_270 = arith.constant 48 : index
    %swap3A_271 = tpu.vector_load %arg10[%swap3A_269, %swap3A_270] {strides = array<i32>} : memref<128x64xf32, #tpu.memory_space<vmem>>, vector<16xf32>,
    tpu.vector_store %arg10[%swap3A_269, %swap3A_270], %gather3A_267 {strides = array<i32>} : memref<128x64xf32, #tpu.memory_space<vmem>>, vector<16xf32>,
    %slice3A_272 = vector.extract_strided_slice %get3A_97 {offsets = [5], sizes = [1], strides = [1]} : vector<16xi32> to vector<1xi32>
    %squeeze3A_273 = vector.extract %slice3A_272[0] : i32 from vector<1xi32>
    %jit3A_274 = arith.constant 128 : i32
    %div3A_275 = arith.divsi %squeeze3A_273, %jit3A_274 : i32
    %sign3A_276 = arith.constant 0 : i32
    %sign3A_277 = arith.cmpi sgt, %squeeze3A_273, %sign3A_276 : i32
    %sign3A_278 = arith.extui %sign3A_277 : i1 to i32
    %sign3A_279 = arith.constant 0 : i32
    %sign3A_280 = arith.cmpi slt, %squeeze3A_273, %sign3A_279 : i32
    %sign3A_281 = arith.extui %sign3A_280 : i1 to i32
    %sign3A_282 = arith.subi %sign3A_278, %sign3A_281 : i32
    %sign3A_283 = arith.constant 0 : i32
    %sign3A_284 = arith.cmpi sgt, %jit3A_274, %sign3A_283 : i32
    %sign3A_285 = arith.extui %sign3A_284 : i1 to i32
    %sign3A_286 = arith.constant 0 : i32
    %sign3A_287 = arith.cmpi slt, %jit3A_274, %sign3A_286 : i32
    %sign3A_288 = arith.extui %sign3A_287 : i1 to i32
    %sign3A_289 = arith.subi %sign3A_285, %sign3A_288 : i32
    %ne3A_290 = arith.cmpi ne, %sign3A_282, %sign3A_289 : i32
    %rem3A_291 = arith.remsi %squeeze3A_273, %jit3A_274 : i32
    %ne3A_292 = arith.constant 0 : i32
    %ne3A_293 = arith.cmpi ne, %rem3A_291, %ne3A_292 : i32
    %and3A_294 = arith.andi %ne3A_290, %ne3A_293 : i1
    %sub3A_295 = arith.constant 1 : i32
    %sub3A_296 = arith.subi %div3A_275, %sub3A_295 : i32
    %select_n3A_297 = arith.select %and3A_294, %sub3A_296, %div3A_275 : i32
    %mul3A_298 = arith.constant 128 : i32
    %mul3A_299 = arith.muli %select_n3A_297, %mul3A_298 : i32
    %multiple_of3A_300 = tpu.assume_multiple %mul3A_299, 128 : i32
    %dma_start3A_301 = arith.constant 0 : i32
    %dma_start3A_302 = tpu.memref_slice %arg3[%dma_start3A_301, %multiple_of3A_300] : memref<64x1000000xf32, #tpu.memory_space<hbm>> -> memref<64x128xf32, #tpu.memory_space<hbm>>
    %dma_start3A_303 = arith.constant 0 : i32
    %dma_start3A_304 = tpu.memref_slice %arg3[%dma_start3A_303, %multiple_of3A_300] : memref<64x1000000xf32, #tpu.memory_space<hbm>> -> memref<64x128xf32, #tpu.memory_space<hbm>>
    tpu.enqueue_dma source(%dma_start3A_304 : memref<64x128xf32, #tpu.memory_space<hbm>>) target(%arg7 : memref<64x128xf32, #tpu.memory_space<vmem>>) target_semaphore(%arg12 : memref<!tpu.dma_semaphore, #tpu.memory_space<semaphore_mem>>)
    %dma_wait3A_305 = arith.constant 0 : i32
    %dma_wait3A_306 = arith.constant 0 : i32
    %dma_wait3A_307 = tpu.memref_slice %arg3[%dma_wait3A_305, %dma_wait3A_306] : memref<64x1000000xf32, #tpu.memory_space<hbm>> -> memref<64x128xf32, #tpu.memory_space<hbm>>
    %dma_wait3A_308 = arith.constant 0 : i32
    %dma_wait3A_309 = arith.constant 0 : i32
    %dma_wait3A_310 = tpu.memref_slice %arg3[%dma_wait3A_308, %dma_wait3A_309] : memref<64x1000000xf32, #tpu.memory_space<hbm>> -> memref<64x128xf32, #tpu.memory_space<hbm>>
    tpu.wait_dma2 semaphore(%arg13 : memref<!tpu.dma_semaphore, #tpu.memory_space<semaphore_mem>>) src(%dma_wait3A_310 : memref<64x128xf32, #tpu.memory_space<hbm>>) dst(%arg8 : memref<64x128xf32, #tpu.memory_space<vmem>>)
    %slice3A_311 = vector.extract_strided_slice %get3A_97 {offsets = [2], sizes = [1], strides = [1]} : vector<16xi32> to vector<1xi32>
    %squeeze3A_312 = vector.extract %slice3A_311[0] : i32 from vector<1xi32>
    %jit3A_313 = arith.constant 128 : i32
    %eq3A_314 = arith.constant 0 : i32
    %eq3A_315 = arith.cmpi eq, %jit3A_313, %eq3A_314 : i32
    %jit3A_316 = arith.constant 1 : i32
    %select_n3A_317 = arith.select %eq3A_315, %jit3A_316, %jit3A_313 : i32
    %rem3A_318 = arith.remsi %squeeze3A_312, %select_n3A_317 : i32
    %ne3A_319 = arith.constant 0 : i32
    %ne3A_320 = arith.cmpi ne, %rem3A_318, %ne3A_319 : i32
    %lt3A_321 = arith.constant 0 : i32
    %lt3A_322 = arith.cmpi slt, %rem3A_318, %lt3A_321 : i32
    %lt3A_323 = arith.constant 0 : i32
    %lt3A_324 = arith.cmpi slt, %select_n3A_317, %lt3A_323 : i32
    %ne3A_325 = arith.xori %lt3A_322, %lt3A_324 : i1
    %and3A_326 = arith.andi %ne3A_325, %ne3A_320 : i1
    %add3A_327 = arith.addi %rem3A_318, %select_n3A_317 : i32
    %select_n3A_328 = arith.select %and3A_326, %add3A_327, %rem3A_318 : i32
    %broadcast_in_dim3A_329 = vector.broadcast %select_n3A_328 : i32 to vector<16xi32>
    %add3A_330 = arith.constant 0 : i32
    %add3A_331 = vector.broadcast %add3A_330 : i32 to vector<16xi32>
    %add3A_332 = arith.addi %add3A_331, %iota3A : vector<16xi32>
    %gather3A_333 = tpu.vector_load_idx %arg8[%add3A_332, %broadcast_in_dim3A_329] : memref<64x128xf32, #tpu.memory_space<vmem>>[vector<16xi32>, vector<16xi32>], vector<16xf32>,
    %swap3A_334 = arith.constant 114 : i32
    %swap3A_335 = arith.index_cast %swap3A_334 : i32 to index
    %swap3A_336 = arith.constant 0 : index
    %swap3A_337 = tpu.vector_load %arg10[%swap3A_335, %swap3A_336] {strides = array<i32>} : memref<128x64xf32, #tpu.memory_space<vmem>>, vector<16xf32>,
    tpu.vector_store %arg10[%swap3A_335, %swap3A_336], %gather3A_333 {strides = array<i32>} : memref<128x64xf32, #tpu.memory_space<vmem>>, vector<16xf32>,
    %add3A_338 = arith.constant 16 : i32
    %add3A_339 = vector.broadcast %add3A_338 : i32 to vector<16xi32>
    %add3A_340 = arith.addi %add3A_339, %iota3A : vector<16xi32>
    %gather3A_341 = tpu.vector_load_idx %arg8[%add3A_340, %broadcast_in_dim3A_329] : memref<64x128xf32, #tpu.memory_space<vmem>>[vector<16xi32>, vector<16xi32>], vector<16xf32>,
    %swap3A_342 = arith.constant 114 : i32
    %swap3A_343 = arith.index_cast %swap3A_342 : i32 to index
    %swap3A_344 = arith.constant 16 : index
    %swap3A_345 = tpu.vector_load %arg10[%swap3A_343, %swap3A_344] {strides = array<i32>} : memref<128x64xf32, #tpu.memory_space<vmem>>, vector<16xf32>,
    tpu.vector_store %arg10[%swap3A_343, %swap3A_344], %gather3A_341 {strides = array<i32>} : memref<128x64xf32, #tpu.memory_space<vmem>>, vector<16xf32>,
    %add3A_346 = arith.constant 32 : i32
    %add3A_347 = vector.broadcast %add3A_346 : i32 to vector<16xi32>
    %add3A_348 = arith.addi %add3A_347, %iota3A : vector<16xi32>
    %gather3A_349 = tpu.vector_load_idx %arg8[%add3A_348, %broadcast_in_dim3A_329] : memref<64x128xf32, #tpu.memory_space<vmem>>[vector<16xi32>, vector<16xi32>], vector<16xf32>,
    %swap3A_350 = arith.constant 114 : i32
    %swap3A_351 = arith.index_cast %swap3A_350 : i32 to index
    %swap3A_352 = arith.constant 32 : index
    %swap3A_353 = tpu.vector_load %arg10[%swap3A_351, %swap3A_352] {strides = array<i32>} : memref<128x64xf32, #tpu.memory_space<vmem>>, vector<16xf32>,
    tpu.vector_store %arg10[%swap3A_351, %swap3A_352], %gather3A_349 {strides = array<i32>} : memref<128x64xf32, #tpu.memory_space<vmem>>, vector<16xf32>,
    %add3A_354 = arith.constant 48 : i32
    %add3A_355 = vector.broadcast %add3A_354 : i32 to vector<16xi32>
    %add3A_356 = arith.addi %add3A_355, %iota3A : vector<16xi32>
    %gather3A_357 = tpu.vector_load_idx %arg8[%add3A_356, %broadcast_in_dim3A_329] : memref<64x128xf32, #tpu.memory_space<vmem>>[vector<16xi32>, vector<16xi32>], vector<16xf32>,
    %swap3A_358 = arith.constant 114 : i32
    %swap3A_359 = arith.index_cast %swap3A_358 : i32 to index
    %swap3A_360 = arith.constant 48 : index
    %swap3A_361 = tpu.vector_load %arg10[%swap3A_359, %swap3A_360] {strides = array<i32>} : memref<128x64xf32, #tpu.memory_space<vmem>>, vector<16xf32>,
    tpu.vector_store %arg10[%swap3A_359, %swap3A_360], %gather3A_357 {strides = array<i32>} : memref<128x64xf32, #tpu.memory_space<vmem>>, vector<16xf32>,
    %slice3A_362 = vector.extract_strided_slice %get3A_97 {offsets = [6], sizes = [1], strides = [1]} : vector<16xi32> to vector<1xi32>
    %squeeze3A_363 = vector.extract %slice3A_362[0] : i32 from vector<1xi32>
    %jit3A_364 = arith.constant 128 : i32
    %div3A_365 = arith.divsi %squeeze3A_363, %jit3A_364 : i32
    %sign3A_366 = arith.constant 0 : i32
    %sign3A_367 = arith.cmpi sgt, %squeeze3A_363, %sign3A_366 : i32
    %sign3A_368 = arith.extui %sign3A_367 : i1 to i32
    %sign3A_369 = arith.constant 0 : i32
    %sign3A_370 = arith.cmpi slt, %squeeze3A_363, %sign3A_369 : i32
    %sign3A_371 = arith.extui %sign3A_370 : i1 to i32
    %sign3A_372 = arith.subi %sign3A_368, %sign3A_371 : i32
    %sign3A_373 = arith.constant 0 : i32
    %sign3A_374 = arith.cmpi sgt, %jit3A_364, %sign3A_373 : i32
    %sign3A_375 = arith.extui %sign3A_374 : i1 to i32
    %sign3A_376 = arith.constant 0 : i32
    %sign3A_377 = arith.cmpi slt, %jit3A_364, %sign3A_376 : i32
    %sign3A_378 = arith.extui %sign3A_377 : i1 to i32
    %sign3A_379 = arith.subi %sign3A_375, %sign3A_378 : i32
    %ne3A_380 = arith.cmpi ne, %sign3A_372, %sign3A_379 : i32
    %rem3A_381 = arith.remsi %squeeze3A_363, %jit3A_364 : i32
    %ne3A_382 = arith.constant 0 : i32
    %ne3A_383 = arith.cmpi ne, %rem3A_381, %ne3A_382 : i32
    %and3A_384 = arith.andi %ne3A_380, %ne3A_383 : i1
    %sub3A_385 = arith.constant 1 : i32
    %sub3A_386 = arith.subi %div3A_365, %sub3A_385 : i32
    %select_n3A_387 = arith.select %and3A_384, %sub3A_386, %div3A_365 : i32
    %mul3A_388 = arith.constant 128 : i32
    %mul3A_389 = arith.muli %select_n3A_387, %mul3A_388 : i32
    %multiple_of3A_390 = tpu.assume_multiple %mul3A_389, 128 : i32
    %dma_start3A_391 = arith.constant 0 : i32
    %dma_start3A_392 = tpu.memref_slice %arg3[%dma_start3A_391, %multiple_of3A_390] : memref<64x1000000xf32, #tpu.memory_space<hbm>> -> memref<64x128xf32, #tpu.memory_space<hbm>>
    %dma_start3A_393 = arith.constant 0 : i32
    %dma_start3A_394 = tpu.memref_slice %arg3[%dma_start3A_393, %multiple_of3A_390] : memref<64x1000000xf32, #tpu.memory_space<hbm>> -> memref<64x128xf32, #tpu.memory_space<hbm>>
    tpu.enqueue_dma source(%dma_start3A_394 : memref<64x128xf32, #tpu.memory_space<hbm>>) target(%arg8 : memref<64x128xf32, #tpu.memory_space<vmem>>) target_semaphore(%arg13 : memref<!tpu.dma_semaphore, #tpu.memory_space<semaphore_mem>>)
    %dma_wait3A_395 = arith.constant 0 : i32
    %dma_wait3A_396 = arith.constant 0 : i32
    %dma_wait3A_397 = tpu.memref_slice %arg3[%dma_wait3A_395, %dma_wait3A_396] : memref<64x1000000xf32, #tpu.memory_space<hbm>> -> memref<64x128xf32, #tpu.memory_space<hbm>>
    %dma_wait3A_398 = arith.constant 0 : i32
    %dma_wait3A_399 = arith.constant 0 : i32
    %dma_wait3A_400 = tpu.memref_slice %arg3[%dma_wait3A_398, %dma_wait3A_399] : memref<64x1000000xf32, #tpu.memory_space<hbm>> -> memref<64x128xf32, #tpu.memory_space<hbm>>
    tpu.wait_dma2 semaphore(%arg14 : memref<!tpu.dma_semaphore, #tpu.memory_space<semaphore_mem>>) src(%dma_wait3A_400 : memref<64x128xf32, #tpu.memory_space<hbm>>) dst(%arg9 : memref<64x128xf32, #tpu.memory_space<vmem>>)
    %slice3A_401 = vector.extract_strided_slice %get3A_97 {offsets = [3], sizes = [1], strides = [1]} : vector<16xi32> to vector<1xi32>
    %squeeze3A_402 = vector.extract %slice3A_401[0] : i32 from vector<1xi32>
    %jit3A_403 = arith.constant 128 : i32
    %eq3A_404 = arith.constant 0 : i32
    %eq3A_405 = arith.cmpi eq, %jit3A_403, %eq3A_404 : i32
    %jit3A_406 = arith.constant 1 : i32
    %select_n3A_407 = arith.select %eq3A_405, %jit3A_406, %jit3A_403 : i32
    %rem3A_408 = arith.remsi %squeeze3A_402, %select_n3A_407 : i32
    %ne3A_409 = arith.constant 0 : i32
    %ne3A_410 = arith.cmpi ne, %rem3A_408, %ne3A_409 : i32
    %lt3A_411 = arith.constant 0 : i32
    %lt3A_412 = arith.cmpi slt, %rem3A_408, %lt3A_411 : i32
    %lt3A_413 = arith.constant 0 : i32
    %lt3A_414 = arith.cmpi slt, %select_n3A_407, %lt3A_413 : i32
    %ne3A_415 = arith.xori %lt3A_412, %lt3A_414 : i1
    %and3A_416 = arith.andi %ne3A_415, %ne3A_410 : i1
    %add3A_417 = arith.addi %rem3A_408, %select_n3A_407 : i32
    %select_n3A_418 = arith.select %and3A_416, %add3A_417, %rem3A_408 : i32
    %broadcast_in_dim3A_419 = vector.broadcast %select_n3A_418 : i32 to vector<16xi32>
    %add3A_420 = arith.constant 0 : i32
    %add3A_421 = vector.broadcast %add3A_420 : i32 to vector<16xi32>
    %add3A_422 = arith.addi %add3A_421, %iota3A : vector<16xi32>
    %gather3A_423 = tpu.vector_load_idx %arg9[%add3A_422, %broadcast_in_dim3A_419] : memref<64x128xf32, #tpu.memory_space<vmem>>[vector<16xi32>, vector<16xi32>], vector<16xf32>,
    %swap3A_424 = arith.constant 115 : i32
    %swap3A_425 = arith.index_cast %swap3A_424 : i32 to index
    %swap3A_426 = arith.constant 0 : index
    %swap3A_427 = tpu.vector_load %arg10[%swap3A_425, %swap3A_426] {strides = array<i32>} : memref<128x64xf32, #tpu.memory_space<vmem>>, vector<16xf32>,
    tpu.vector_store %arg10[%swap3A_425, %swap3A_426], %gather3A_423 {strides = array<i32>} : memref<128x64xf32, #tpu.memory_space<vmem>>, vector<16xf32>,
    %add3A_428 = arith.constant 16 : i32
    %add3A_429 = vector.broadcast %add3A_428 : i32 to vector<16xi32>
    %add3A_430 = arith.addi %add3A_429, %iota3A : vector<16xi32>
    %gather3A_431 = tpu.vector_load_idx %arg9[%add3A_430, %broadcast_in_dim3A_419] : memref<64x128xf32, #tpu.memory_space<vmem>>[vector<16xi32>, vector<16xi32>], vector<16xf32>,
    %swap3A_432 = arith.constant 115 : i32
    %swap3A_433 = arith.index_cast %swap3A_432 : i32 to index
    %swap3A_434 = arith.constant 16 : index
    %swap3A_435 = tpu.vector_load %arg10[%swap3A_433, %swap3A_434] {strides = array<i32>} : memref<128x64xf32, #tpu.memory_space<vmem>>, vector<16xf32>,
    tpu.vector_store %arg10[%swap3A_433, %swap3A_434], %gather3A_431 {strides = array<i32>} : memref<128x64xf32, #tpu.memory_space<vmem>>, vector<16xf32>,
    %add3A_436 = arith.constant 32 : i32
    %add3A_437 = vector.broadcast %add3A_436 : i32 to vector<16xi32>
    %add3A_438 = arith.addi %add3A_437, %iota3A : vector<16xi32>
    %gather3A_439 = tpu.vector_load_idx %arg9[%add3A_438, %broadcast_in_dim3A_419] : memref<64x128xf32, #tpu.memory_space<vmem>>[vector<16xi32>, vector<16xi32>], vector<16xf32>,
    %swap3A_440 = arith.constant 115 : i32
    %swap3A_441 = arith.index_cast %swap3A_440 : i32 to index
    %swap3A_442 = arith.constant 32 : index
    %swap3A_443 = tpu.vector_load %arg10[%swap3A_441, %swap3A_442] {strides = array<i32>} : memref<128x64xf32, #tpu.memory_space<vmem>>, vector<16xf32>,
    tpu.vector_store %arg10[%swap3A_441, %swap3A_442], %gather3A_439 {strides = array<i32>} : memref<128x64xf32, #tpu.memory_space<vmem>>, vector<16xf32>,
    %add3A_444 = arith.constant 48 : i32
    %add3A_445 = vector.broadcast %add3A_444 : i32 to vector<16xi32>
    %add3A_446 = arith.addi %add3A_445, %iota3A : vector<16xi32>
    %gather3A_447 = tpu.vector_load_idx %arg9[%add3A_446, %broadcast_in_dim3A_419] : memref<64x128xf32, #tpu.memory_space<vmem>>[vector<16xi32>, vector<16xi32>], vector<16xf32>,
    %swap3A_448 = arith.constant 115 : i32
    %swap3A_449 = arith.index_cast %swap3A_448 : i32 to index
    %swap3A_450 = arith.constant 48 : index
    %swap3A_451 = tpu.vector_load %arg10[%swap3A_449, %swap3A_450] {strides = array<i32>} : memref<128x64xf32, #tpu.memory_space<vmem>>, vector<16xf32>,
    tpu.vector_store %arg10[%swap3A_449, %swap3A_450], %gather3A_447 {strides = array<i32>} : memref<128x64xf32, #tpu.memory_space<vmem>>, vector<16xf32>,
    %slice3A_452 = vector.extract_strided_slice %get3A_97 {offsets = [7], sizes = [1], strides = [1]} : vector<16xi32> to vector<1xi32>
    %squeeze3A_453 = vector.extract %slice3A_452[0] : i32 from vector<1xi32>
    %jit3A_454 = arith.constant 128 : i32
    %div3A_455 = arith.divsi %squeeze3A_453, %jit3A_454 : i32
    %sign3A_456 = arith.constant 0 : i32
    %sign3A_457 = arith.cmpi sgt, %squeeze3A_453, %sign3A_456 : i32
    %sign3A_458 = arith.extui %sign3A_457 : i1 to i32
    %sign3A_459 = arith.constant 0 : i32
    %sign3A_460 = arith.cmpi slt, %squeeze3A_453, %sign3A_459 : i32
    %sign3A_461 = arith.extui %sign3A_460 : i1 to i32
    %sign3A_462 = arith.subi %sign3A_458, %sign3A_461 : i32
    %sign3A_463 = arith.constant 0 : i32
    %sign3A_464 = arith.cmpi sgt, %jit3A_454, %sign3A_463 : i32
    %sign3A_465 = arith.extui %sign3A_464 : i1 to i32
    %sign3A_466 = arith.constant 0 : i32
    %sign3A_467 = arith.cmpi slt, %jit3A_454, %sign3A_466 : i32
    %sign3A_468 = arith.extui %sign3A_467 : i1 to i32
    %sign3A_469 = arith.subi %sign3A_465, %sign3A_468 : i32
    %ne3A_470 = arith.cmpi ne, %sign3A_462, %sign3A_469 : i32
    %rem3A_471 = arith.remsi %squeeze3A_453, %jit3A_454 : i32
    %ne3A_472 = arith.constant 0 : i32
    %ne3A_473 = arith.cmpi ne, %rem3A_471, %ne3A_472 : i32
    %and3A_474 = arith.andi %ne3A_470, %ne3A_473 : i1
    %sub3A_475 = arith.constant 1 : i32
    %sub3A_476 = arith.subi %div3A_455, %sub3A_475 : i32
    %select_n3A_477 = arith.select %and3A_474, %sub3A_476, %div3A_455 : i32
    %mul3A_478 = arith.constant 128 : i32
    %mul3A_479 = arith.muli %select_n3A_477, %mul3A_478 : i32
    %multiple_of3A_480 = tpu.assume_multiple %mul3A_479, 128 : i32
    %dma_start3A_481 = arith.constant 0 : i32
    %dma_start3A_482 = tpu.memref_slice %arg3[%dma_start3A_481, %multiple_of3A_480] : memref<64x1000000xf32, #tpu.memory_space<hbm>> -> memref<64x128xf32, #tpu.memory_space<hbm>>
    %dma_start3A_483 = arith.constant 0 : i32
    %dma_start3A_484 = tpu.memref_slice %arg3[%dma_start3A_483, %multiple_of3A_480] : memref<64x1000000xf32, #tpu.memory_space<hbm>> -> memref<64x128xf32, #tpu.memory_space<hbm>>
    tpu.enqueue_dma source(%dma_start3A_484 : memref<64x128xf32, #tpu.memory_space<hbm>>) target(%arg9 : memref<64x128xf32, #tpu.memory_space<vmem>>) target_semaphore(%arg14 : memref<!tpu.dma_semaphore, #tpu.memory_space<semaphore_mem>>)
    %dma_wait3A_485 = arith.constant 0 : i32
    %dma_wait3A_486 = arith.constant 0 : i32
    %dma_wait3A_487 = tpu.memref_slice %arg3[%dma_wait3A_485, %dma_wait3A_486] : memref<64x1000000xf32, #tpu.memory_space<hbm>> -> memref<64x128xf32, #tpu.memory_space<hbm>>
    %dma_wait3A_488 = arith.constant 0 : i32
    %dma_wait3A_489 = arith.constant 0 : i32
    %dma_wait3A_490 = tpu.memref_slice %arg3[%dma_wait3A_488, %dma_wait3A_489] : memref<64x1000000xf32, #tpu.memory_space<hbm>> -> memref<64x128xf32, #tpu.memory_space<hbm>>
    tpu.wait_dma2 semaphore(%arg11 : memref<!tpu.dma_semaphore, #tpu.memory_space<semaphore_mem>>) src(%dma_wait3A_490 : memref<64x128xf32, #tpu.memory_space<hbm>>) dst(%arg6 : memref<64x128xf32, #tpu.memory_space<vmem>>)
    %slice3A_491 = vector.extract_strided_slice %get3A_97 {offsets = [4], sizes = [1], strides = [1]} : vector<16xi32> to vector<1xi32>
    %squeeze3A_492 = vector.extract %slice3A_491[0] : i32 from vector<1xi32>
    %jit3A_493 = arith.constant 128 : i32
    %eq3A_494 = arith.constant 0 : i32
    %eq3A_495 = arith.cmpi eq, %jit3A_493, %eq3A_494 : i32
    %jit3A_496 = arith.constant 1 : i32
    %select_n3A_497 = arith.select %eq3A_495, %jit3A_496, %jit3A_493 : i32
    %rem3A_498 = arith.remsi %squeeze3A_492, %select_n3A_497 : i32
    %ne3A_499 = arith.constant 0 : i32
    %ne3A_500 = arith.cmpi ne, %rem3A_498, %ne3A_499 : i32
    %lt3A_501 = arith.constant 0 : i32
    %lt3A_502 = arith.cmpi slt, %rem3A_498, %lt3A_501 : i32
    %lt3A_503 = arith.constant 0 : i32
    %lt3A_504 = arith.cmpi slt, %select_n3A_497, %lt3A_503 : i32
    %ne3A_505 = arith.xori %lt3A_502, %lt3A_504 : i1
    %and3A_506 = arith.andi %ne3A_505, %ne3A_500 : i1
    %add3A_507 = arith.addi %rem3A_498, %select_n3A_497 : i32
    %select_n3A_508 = arith.select %and3A_506, %add3A_507, %rem3A_498 : i32
    %broadcast_in_dim3A_509 = vector.broadcast %select_n3A_508 : i32 to vector<16xi32>
    %add3A_510 = arith.constant 0 : i32
    %add3A_511 = vector.broadcast %add3A_510 : i32 to vector<16xi32>
    %add3A_512 = arith.addi %add3A_511, %iota3A : vector<16xi32>
    %gather3A_513 = tpu.vector_load_idx %arg6[%add3A_512, %broadcast_in_dim3A_509] : memref<64x128xf32, #tpu.memory_space<vmem>>[vector<16xi32>, vector<16xi32>], vector<16xf32>,
    %swap3A_514 = arith.constant 116 : i32
    %swap3A_515 = arith.index_cast %swap3A_514 : i32 to index
    %swap3A_516 = arith.constant 0 : index
    %swap3A_517 = tpu.vector_load %arg10[%swap3A_515, %swap3A_516] {strides = array<i32>} : memref<128x64xf32, #tpu.memory_space<vmem>>, vector<16xf32>,
    tpu.vector_store %arg10[%swap3A_515, %swap3A_516], %gather3A_513 {strides = array<i32>} : memref<128x64xf32, #tpu.memory_space<vmem>>, vector<16xf32>,
    %add3A_518 = arith.constant 16 : i32
    %add3A_519 = vector.broadcast %add3A_518 : i32 to vector<16xi32>
    %add3A_520 = arith.addi %add3A_519, %iota3A : vector<16xi32>
    %gather3A_521 = tpu.vector_load_idx %arg6[%add3A_520, %broadcast_in_dim3A_509] : memref<64x128xf32, #tpu.memory_space<vmem>>[vector<16xi32>, vector<16xi32>], vector<16xf32>,
    %swap3A_522 = arith.constant 116 : i32
    %swap3A_523 = arith.index_cast %swap3A_522 : i32 to index
    %swap3A_524 = arith.constant 16 : index
    %swap3A_525 = tpu.vector_load %arg10[%swap3A_523, %swap3A_524] {strides = array<i32>} : memref<128x64xf32, #tpu.memory_space<vmem>>, vector<16xf32>,
    tpu.vector_store %arg10[%swap3A_523, %swap3A_524], %gather3A_521 {strides = array<i32>} : memref<128x64xf32, #tpu.memory_space<vmem>>, vector<16xf32>,
    %add3A_526 = arith.constant 32 : i32
    %add3A_527 = vector.broadcast %add3A_526 : i32 to vector<16xi32>
    %add3A_528 = arith.addi %add3A_527, %iota3A : vector<16xi32>
    %gather3A_529 = tpu.vector_load_idx %arg6[%add3A_528, %broadcast_in_dim3A_509] : memref<64x128xf32, #tpu.memory_space<vmem>>[vector<16xi32>, vector<16xi32>], vector<16xf32>,
    %swap3A_530 = arith.constant 116 : i32
    %swap3A_531 = arith.index_cast %swap3A_530 : i32 to index
    %swap3A_532 = arith.constant 32 : index
    %swap3A_533 = tpu.vector_load %arg10[%swap3A_531, %swap3A_532] {strides = array<i32>} : memref<128x64xf32, #tpu.memory_space<vmem>>, vector<16xf32>,
    tpu.vector_store %arg10[%swap3A_531, %swap3A_532], %gather3A_529 {strides = array<i32>} : memref<128x64xf32, #tpu.memory_space<vmem>>, vector<16xf32>,
    %add3A_534 = arith.constant 48 : i32
    %add3A_535 = vector.broadcast %add3A_534 : i32 to vector<16xi32>
    %add3A_536 = arith.addi %add3A_535, %iota3A : vector<16xi32>
    %gather3A_537 = tpu.vector_load_idx %arg6[%add3A_536, %broadcast_in_dim3A_509] : memref<64x128xf32, #tpu.memory_space<vmem>>[vector<16xi32>, vector<16xi32>], vector<16xf32>,
    %swap3A_538 = arith.constant 116 : i32
    %swap3A_539 = arith.index_cast %swap3A_538 : i32 to index
    %swap3A_540 = arith.constant 48 : index
    %swap3A_541 = tpu.vector_load %arg10[%swap3A_539, %swap3A_540] {strides = array<i32>} : memref<128x64xf32, #tpu.memory_space<vmem>>, vector<16xf32>,
    tpu.vector_store %arg10[%swap3A_539, %swap3A_540], %gather3A_537 {strides = array<i32>} : memref<128x64xf32, #tpu.memory_space<vmem>>, vector<16xf32>,
    %slice3A_542 = vector.extract_strided_slice %get3A_97 {offsets = [8], sizes = [1], strides = [1]} : vector<16xi32> to vector<1xi32>
    %squeeze3A_543 = vector.extract %slice3A_542[0] : i32 from vector<1xi32>
    %jit3A_544 = arith.constant 128 : i32
    %div3A_545 = arith.divsi %squeeze3A_543, %jit3A_544 : i32
    %sign3A_546 = arith.constant 0 : i32
    %sign3A_547 = arith.cmpi sgt, %squeeze3A_543, %sign3A_546 : i32
    %sign3A_548 = arith.extui %sign3A_547 : i1 to i32
    %sign3A_549 = arith.constant 0 : i32
    %sign3A_550 = arith.cmpi slt, %squeeze3A_543, %sign3A_549 : i32
    %sign3A_551 = arith.extui %sign3A_550 : i1 to i32
    %sign3A_552 = arith.subi %sign3A_548, %sign3A_551 : i32
    %sign3A_553 = arith.constant 0 : i32
    %sign3A_554 = arith.cmpi sgt, %jit3A_544, %sign3A_553 : i32
    %sign3A_555 = arith.extui %sign3A_554 : i1 to i32
    %sign3A_556 = arith.constant 0 : i32
    %sign3A_557 = arith.cmpi slt, %jit3A_544, %sign3A_556 : i32
    %sign3A_558 = arith.extui %sign3A_557 : i1 to i32
    %sign3A_559 = arith.subi %sign3A_555, %sign3A_558 : i32
    %ne3A_560 = arith.cmpi ne, %sign3A_552, %sign3A_559 : i32
    %rem3A_561 = arith.remsi %squeeze3A_543, %jit3A_544 : i32
    %ne3A_562 = arith.constant 0 : i32
    %ne3A_563 = arith.cmpi ne, %rem3A_561, %ne3A_562 : i32
    %and3A_564 = arith.andi %ne3A_560, %ne3A_563 : i1
    %sub3A_565 = arith.constant 1 : i32
    %sub3A_566 = arith.subi %div3A_545, %sub3A_565 : i32
    %select_n3A_567 = arith.select %and3A_564, %sub3A_566, %div3A_545 : i32
    %mul3A_568 = arith.constant 128 : i32
    %mul3A_569 = arith.muli %select_n3A_567, %mul3A_568 : i32
    %multiple_of3A_570 = tpu.assume_multiple %mul3A_569, 128 : i32
    %dma_start3A_571 = arith.constant 0 : i32
    %dma_start3A_572 = tpu.memref_slice %arg3[%dma_start3A_571, %multiple_of3A_570] : memref<64x1000000xf32, #tpu.memory_space<hbm>> -> memref<64x128xf32, #tpu.memory_space<hbm>>
    %dma_start3A_573 = arith.constant 0 : i32
    %dma_start3A_574 = tpu.memref_slice %arg3[%dma_start3A_573, %multiple_of3A_570] : memref<64x1000000xf32, #tpu.memory_space<hbm>> -> memref<64x128xf32, #tpu.memory_space<hbm>>
    tpu.enqueue_dma source(%dma_start3A_574 : memref<64x128xf32, #tpu.memory_space<hbm>>) target(%arg6 : memref<64x128xf32, #tpu.memory_space<vmem>>) target_semaphore(%arg11 : memref<!tpu.dma_semaphore, #tpu.memory_space<semaphore_mem>>)
    %dma_wait3A_575 = arith.constant 0 : i32
    %dma_wait3A_576 = arith.constant 0 : i32
    %dma_wait3A_577 = tpu.memref_slice %arg3[%dma_wait3A_575, %dma_wait3A_576] : memref<64x1000000xf32, #tpu.memory_space<hbm>> -> memref<64x128xf32, #tpu.memory_space<hbm>>
    %dma_wait3A_578 = arith.constant 0 : i32
    %dma_wait3A_579 = arith.constant 0 : i32
    %dma_wait3A_580 = tpu.memref_slice %arg3[%dma_wait3A_578, %dma_wait3A_579] : memref<64x1000000xf32, #tpu.memory_space<hbm>> -> memref<64x128xf32, #tpu.memory_space<hbm>>
    tpu.wait_dma2 semaphore(%arg12 : memref<!tpu.dma_semaphore, #tpu.memory_space<semaphore_mem>>) src(%dma_wait3A_580 : memref<64x128xf32, #tpu.memory_space<hbm>>) dst(%arg7 : memref<64x128xf32, #tpu.memory_space<vmem>>)
    %slice3A_581 = vector.extract_strided_slice %get3A_97 {offsets = [5], sizes = [1], strides = [1]} : vector<16xi32> to vector<1xi32>
    %squeeze3A_582 = vector.extract %slice3A_581[0] : i32 from vector<1xi32>
    %jit3A_583 = arith.constant 128 : i32
    %eq3A_584 = arith.constant 0 : i32
    %eq3A_585 = arith.cmpi eq, %jit3A_583, %eq3A_584 : i32
    %jit3A_586 = arith.constant 1 : i32
    %select_n3A_587 = arith.select %eq3A_585, %jit3A_586, %jit3A_583 : i32
    %rem3A_588 = arith.remsi %squeeze3A_582, %select_n3A_587 : i32
    %ne3A_589 = arith.constant 0 : i32
    %ne3A_590 = arith.cmpi ne, %rem3A_588, %ne3A_589 : i32
    %lt3A_591 = arith.constant 0 : i32
    %lt3A_592 = arith.cmpi slt, %rem3A_588, %lt3A_591 : i32
    %lt3A_593 = arith.constant 0 : i32
    %lt3A_594 = arith.cmpi slt, %select_n3A_587, %lt3A_593 : i32
    %ne3A_595 = arith.xori %lt3A_592, %lt3A_594 : i1
    %and3A_596 = arith.andi %ne3A_595, %ne3A_590 : i1
    %add3A_597 = arith.addi %rem3A_588, %select_n3A_587 : i32
    %select_n3A_598 = arith.select %and3A_596, %add3A_597, %rem3A_588 : i32
    %broadcast_in_dim3A_599 = vector.broadcast %select_n3A_598 : i32 to vector<16xi32>
    %add3A_600 = arith.constant 0 : i32
    %add3A_601 = vector.broadcast %add3A_600 : i32 to vector<16xi32>
    %add3A_602 = arith.addi %add3A_601, %iota3A : vector<16xi32>
    %gather3A_603 = tpu.vector_load_idx %arg7[%add3A_602, %broadcast_in_dim3A_599] : memref<64x128xf32, #tpu.memory_space<vmem>>[vector<16xi32>, vector<16xi32>], vector<16xf32>,
    %swap3A_604 = arith.constant 117 : i32
    %swap3A_605 = arith.index_cast %swap3A_604 : i32 to index
    %swap3A_606 = arith.constant 0 : index
    %swap3A_607 = tpu.vector_load %arg10[%swap3A_605, %swap3A_606] {strides = array<i32>} : memref<128x64xf32, #tpu.memory_space<vmem>>, vector<16xf32>,
    tpu.vector_store %arg10[%swap3A_605, %swap3A_606], %gather3A_603 {strides = array<i32>} : memref<128x64xf32, #tpu.memory_space<vmem>>, vector<16xf32>,
    %add3A_608 = arith.constant 16 : i32
    %add3A_609 = vector.broadcast %add3A_608 : i32 to vector<16xi32>
    %add3A_610 = arith.addi %add3A_609, %iota3A : vector<16xi32>
    %gather3A_611 = tpu.vector_load_idx %arg7[%add3A_610, %broadcast_in_dim3A_599] : memref<64x128xf32, #tpu.memory_space<vmem>>[vector<16xi32>, vector<16xi32>], vector<16xf32>,
    %swap3A_612 = arith.constant 117 : i32
    %swap3A_613 = arith.index_cast %swap3A_612 : i32 to index
    %swap3A_614 = arith.constant 16 : index
    %swap3A_615 = tpu.vector_load %arg10[%swap3A_613, %swap3A_614] {strides = array<i32>} : memref<128x64xf32, #tpu.memory_space<vmem>>, vector<16xf32>,
    tpu.vector_store %arg10[%swap3A_613, %swap3A_614], %gather3A_611 {strides = array<i32>} : memref<128x64xf32, #tpu.memory_space<vmem>>, vector<16xf32>,
    %add3A_616 = arith.constant 32 : i32
    %add3A_617 = vector.broadcast %add3A_616 : i32 to vector<16xi32>
    %add3A_618 = arith.addi %add3A_617, %iota3A : vector<16xi32>
    %gather3A_619 = tpu.vector_load_idx %arg7[%add3A_618, %broadcast_in_dim3A_599] : memref<64x128xf32, #tpu.memory_space<vmem>>[vector<16xi32>, vector<16xi32>], vector<16xf32>,
    %swap3A_620 = arith.constant 117 : i32
    %swap3A_621 = arith.index_cast %swap3A_620 : i32 to index
    %swap3A_622 = arith.constant 32 : index
    %swap3A_623 = tpu.vector_load %arg10[%swap3A_621, %swap3A_622] {strides = array<i32>} : memref<128x64xf32, #tpu.memory_space<vmem>>, vector<16xf32>,
    tpu.vector_store %arg10[%swap3A_621, %swap3A_622], %gather3A_619 {strides = array<i32>} : memref<128x64xf32, #tpu.memory_space<vmem>>, vector<16xf32>,
    %add3A_624 = arith.constant 48 : i32
    %add3A_625 = vector.broadcast %add3A_624 : i32 to vector<16xi32>
    %add3A_626 = arith.addi %add3A_625, %iota3A : vector<16xi32>
    %gather3A_627 = tpu.vector_load_idx %arg7[%add3A_626, %broadcast_in_dim3A_599] : memref<64x128xf32, #tpu.memory_space<vmem>>[vector<16xi32>, vector<16xi32>], vector<16xf32>,
    %swap3A_628 = arith.constant 117 : i32
    %swap3A_629 = arith.index_cast %swap3A_628 : i32 to index
    %swap3A_630 = arith.constant 48 : index
    %swap3A_631 = tpu.vector_load %arg10[%swap3A_629, %swap3A_630] {strides = array<i32>} : memref<128x64xf32, #tpu.memory_space<vmem>>, vector<16xf32>,
    tpu.vector_store %arg10[%swap3A_629, %swap3A_630], %gather3A_627 {strides = array<i32>} : memref<128x64xf32, #tpu.memory_space<vmem>>, vector<16xf32>,
    %slice3A_632 = vector.extract_strided_slice %get3A_97 {offsets = [9], sizes = [1], strides = [1]} : vector<16xi32> to vector<1xi32>
    %squeeze3A_633 = vector.extract %slice3A_632[0] : i32 from vector<1xi32>
    %jit3A_634 = arith.constant 128 : i32
    %div3A_635 = arith.divsi %squeeze3A_633, %jit3A_634 : i32
    %sign3A_636 = arith.constant 0 : i32
    %sign3A_637 = arith.cmpi sgt, %squeeze3A_633, %sign3A_636 : i32
    %sign3A_638 = arith.extui %sign3A_637 : i1 to i32
    %sign3A_639 = arith.constant 0 : i32
    %sign3A_640 = arith.cmpi slt, %squeeze3A_633, %sign3A_639 : i32
    %sign3A_641 = arith.extui %sign3A_640 : i1 to i32
    %sign3A_642 = arith.subi %sign3A_638, %sign3A_641 : i32
    %sign3A_643 = arith.constant 0 : i32
    %sign3A_644 = arith.cmpi sgt, %jit3A_634, %sign3A_643 : i32
    %sign3A_645 = arith.extui %sign3A_644 : i1 to i32
    %sign3A_646 = arith.constant 0 : i32
    %sign3A_647 = arith.cmpi slt, %jit3A_634, %sign3A_646 : i32
    %sign3A_648 = arith.extui %sign3A_647 : i1 to i32
    %sign3A_649 = arith.subi %sign3A_645, %sign3A_648 : i32
    %ne3A_650 = arith.cmpi ne, %sign3A_642, %sign3A_649 : i32
    %rem3A_651 = arith.remsi %squeeze3A_633, %jit3A_634 : i32
    %ne3A_652 = arith.constant 0 : i32
    %ne3A_653 = arith.cmpi ne, %rem3A_651, %ne3A_652 : i32
    %and3A_654 = arith.andi %ne3A_650, %ne3A_653 : i1
    %sub3A_655 = arith.constant 1 : i32
    %sub3A_656 = arith.subi %div3A_635, %sub3A_655 : i32
    %select_n3A_657 = arith.select %and3A_654, %sub3A_656, %div3A_635 : i32
    %mul3A_658 = arith.constant 128 : i32
    %mul3A_659 = arith.muli %select_n3A_657, %mul3A_658 : i32
    %multiple_of3A_660 = tpu.assume_multiple %mul3A_659, 128 : i32
    %dma_start3A_661 = arith.constant 0 : i32
    %dma_start3A_662 = tpu.memref_slice %arg3[%dma_start3A_661, %multiple_of3A_660] : memref<64x1000000xf32, #tpu.memory_space<hbm>> -> memref<64x128xf32, #tpu.memory_space<hbm>>
    %dma_start3A_663 = arith.constant 0 : i32
    %dma_start3A_664 = tpu.memref_slice %arg3[%dma_start3A_663, %multiple_of3A_660] : memref<64x1000000xf32, #tpu.memory_space<hbm>> -> memref<64x128xf32, #tpu.memory_space<hbm>>
    tpu.enqueue_dma source(%dma_start3A_664 : memref<64x128xf32, #tpu.memory_space<hbm>>) target(%arg7 : memref<64x128xf32, #tpu.memory_space<vmem>>) target_semaphore(%arg12 : memref<!tpu.dma_semaphore, #tpu.memory_space<semaphore_mem>>)
    %dma_wait3A_665 = arith.constant 0 : i32
    %dma_wait3A_666 = arith.constant 0 : i32
    %dma_wait3A_667 = tpu.memref_slice %arg3[%dma_wait3A_665, %dma_wait3A_666] : memref<64x1000000xf32, #tpu.memory_space<hbm>> -> memref<64x128xf32, #tpu.memory_space<hbm>>
    %dma_wait3A_668 = arith.constant 0 : i32
    %dma_wait3A_669 = arith.constant 0 : i32
    %dma_wait3A_670 = tpu.memref_slice %arg3[%dma_wait3A_668, %dma_wait3A_669] : memref<64x1000000xf32, #tpu.memory_space<hbm>> -> memref<64x128xf32, #tpu.memory_space<hbm>>
    tpu.wait_dma2 semaphore(%arg13 : memref<!tpu.dma_semaphore, #tpu.memory_space<semaphore_mem>>) src(%dma_wait3A_670 : memref<64x128xf32, #tpu.memory_space<hbm>>) dst(%arg8 : memref<64x128xf32, #tpu.memory_space<vmem>>)
    %slice3A_671 = vector.extract_strided_slice %get3A_97 {offsets = [6], sizes = [1], strides = [1]} : vector<16xi32> to vector<1xi32>
    %squeeze3A_672 = vector.extract %slice3A_671[0] : i32 from vector<1xi32>
    %jit3A_673 = arith.constant 128 : i32
    %eq3A_674 = arith.constant 0 : i32
    %eq3A_675 = arith.cmpi eq, %jit3A_673, %eq3A_674 : i32
    %jit3A_676 = arith.constant 1 : i32
    %select_n3A_677 = arith.select %eq3A_675, %jit3A_676, %jit3A_673 : i32
    %rem3A_678 = arith.remsi %squeeze3A_672, %select_n3A_677 : i32
    %ne3A_679 = arith.constant 0 : i32
    %ne3A_680 = arith.cmpi ne, %rem3A_678, %ne3A_679 : i32
    %lt3A_681 = arith.constant 0 : i32
    %lt3A_682 = arith.cmpi slt, %rem3A_678, %lt3A_681 : i32
    %lt3A_683 = arith.constant 0 : i32
    %lt3A_684 = arith.cmpi slt, %select_n3A_677, %lt3A_683 : i32
    %ne3A_685 = arith.xori %lt3A_682, %lt3A_684 : i1
    %and3A_686 = arith.andi %ne3A_685, %ne3A_680 : i1
    %add3A_687 = arith.addi %rem3A_678, %select_n3A_677 : i32
    %select_n3A_688 = arith.select %and3A_686, %add3A_687, %rem3A_678 : i32
    %broadcast_in_dim3A_689 = vector.broadcast %select_n3A_688 : i32 to vector<16xi32>
    %add3A_690 = arith.constant 0 : i32
    %add3A_691 = vector.broadcast %add3A_690 : i32 to vector<16xi32>
    %add3A_692 = arith.addi %add3A_691, %iota3A : vector<16xi32>
    %gather3A_693 = tpu.vector_load_idx %arg8[%add3A_692, %broadcast_in_dim3A_689] : memref<64x128xf32, #tpu.memory_space<vmem>>[vector<16xi32>, vector<16xi32>], vector<16xf32>,
    %swap3A_694 = arith.constant 118 : i32
    %swap3A_695 = arith.index_cast %swap3A_694 : i32 to index
    %swap3A_696 = arith.constant 0 : index
    %swap3A_697 = tpu.vector_load %arg10[%swap3A_695, %swap3A_696] {strides = array<i32>} : memref<128x64xf32, #tpu.memory_space<vmem>>, vector<16xf32>,
    tpu.vector_store %arg10[%swap3A_695, %swap3A_696], %gather3A_693 {strides = array<i32>} : memref<128x64xf32, #tpu.memory_space<vmem>>, vector<16xf32>,
    %add3A_698 = arith.constant 16 : i32
    %add3A_699 = vector.broadcast %add3A_698 : i32 to vector<16xi32>
    %add3A_700 = arith.addi %add3A_699, %iota3A : vector<16xi32>
    %gather3A_701 = tpu.vector_load_idx %arg8[%add3A_700, %broadcast_in_dim3A_689] : memref<64x128xf32, #tpu.memory_space<vmem>>[vector<16xi32>, vector<16xi32>], vector<16xf32>,
    %swap3A_702 = arith.constant 118 : i32
    %swap3A_703 = arith.index_cast %swap3A_702 : i32 to index
    %swap3A_704 = arith.constant 16 : index
    %swap3A_705 = tpu.vector_load %arg10[%swap3A_703, %swap3A_704] {strides = array<i32>} : memref<128x64xf32, #tpu.memory_space<vmem>>, vector<16xf32>,
    tpu.vector_store %arg10[%swap3A_703, %swap3A_704], %gather3A_701 {strides = array<i32>} : memref<128x64xf32, #tpu.memory_space<vmem>>, vector<16xf32>,
    %add3A_706 = arith.constant 32 : i32
    %add3A_707 = vector.broadcast %add3A_706 : i32 to vector<16xi32>
    %add3A_708 = arith.addi %add3A_707, %iota3A : vector<16xi32>
    %gather3A_709 = tpu.vector_load_idx %arg8[%add3A_708, %broadcast_in_dim3A_689] : memref<64x128xf32, #tpu.memory_space<vmem>>[vector<16xi32>, vector<16xi32>], vector<16xf32>,
    %swap3A_710 = arith.constant 118 : i32
    %swap3A_711 = arith.index_cast %swap3A_710 : i32 to index
    %swap3A_712 = arith.constant 32 : index
    %swap3A_713 = tpu.vector_load %arg10[%swap3A_711, %swap3A_712] {strides = array<i32>} : memref<128x64xf32, #tpu.memory_space<vmem>>, vector<16xf32>,
    tpu.vector_store %arg10[%swap3A_711, %swap3A_712], %gather3A_709 {strides = array<i32>} : memref<128x64xf32, #tpu.memory_space<vmem>>, vector<16xf32>,
    %add3A_714 = arith.constant 48 : i32
    %add3A_715 = vector.broadcast %add3A_714 : i32 to vector<16xi32>
    %add3A_716 = arith.addi %add3A_715, %iota3A : vector<16xi32>
    %gather3A_717 = tpu.vector_load_idx %arg8[%add3A_716, %broadcast_in_dim3A_689] : memref<64x128xf32, #tpu.memory_space<vmem>>[vector<16xi32>, vector<16xi32>], vector<16xf32>,
    %swap3A_718 = arith.constant 118 : i32
    %swap3A_719 = arith.index_cast %swap3A_718 : i32 to index
    %swap3A_720 = arith.constant 48 : index
    %swap3A_721 = tpu.vector_load %arg10[%swap3A_719, %swap3A_720] {strides = array<i32>} : memref<128x64xf32, #tpu.memory_space<vmem>>, vector<16xf32>,
    tpu.vector_store %arg10[%swap3A_719, %swap3A_720], %gather3A_717 {strides = array<i32>} : memref<128x64xf32, #tpu.memory_space<vmem>>, vector<16xf32>,
    %slice3A_722 = vector.extract_strided_slice %get3A_97 {offsets = [10], sizes = [1], strides = [1]} : vector<16xi32> to vector<1xi32>
    %squeeze3A_723 = vector.extract %slice3A_722[0] : i32 from vector<1xi32>
    %jit3A_724 = arith.constant 128 : i32
    %div3A_725 = arith.divsi %squeeze3A_723, %jit3A_724 : i32
    %sign3A_726 = arith.constant 0 : i32
    %sign3A_727 = arith.cmpi sgt, %squeeze3A_723, %sign3A_726 : i32
    %sign3A_728 = arith.extui %sign3A_727 : i1 to i32
    %sign3A_729 = arith.constant 0 : i32
    %sign3A_730 = arith.cmpi slt, %squeeze3A_723, %sign3A_729 : i32
    %sign3A_731 = arith.extui %sign3A_730 : i1 to i32
    %sign3A_732 = arith.subi %sign3A_728, %sign3A_731 : i32
    %sign3A_733 = arith.constant 0 : i32
    %sign3A_734 = arith.cmpi sgt, %jit3A_724, %sign3A_733 : i32
    %sign3A_735 = arith.extui %sign3A_734 : i1 to i32
    %sign3A_736 = arith.constant 0 : i32
    %sign3A_737 = arith.cmpi slt, %jit3A_724, %sign3A_736 : i32
    %sign3A_738 = arith.extui %sign3A_737 : i1 to i32
    %sign3A_739 = arith.subi %sign3A_735, %sign3A_738 : i32
    %ne3A_740 = arith.cmpi ne, %sign3A_732, %sign3A_739 : i32
    %rem3A_741 = arith.remsi %squeeze3A_723, %jit3A_724 : i32
    %ne3A_742 = arith.constant 0 : i32
    %ne3A_743 = arith.cmpi ne, %rem3A_741, %ne3A_742 : i32
    %and3A_744 = arith.andi %ne3A_740, %ne3A_743 : i1
    %sub3A_745 = arith.constant 1 : i32
    %sub3A_746 = arith.subi %div3A_725, %sub3A_745 : i32
    %select_n3A_747 = arith.select %and3A_744, %sub3A_746, %div3A_725 : i32
    %mul3A_748 = arith.constant 128 : i32
    %mul3A_749 = arith.muli %select_n3A_747, %mul3A_748 : i32
    %multiple_of3A_750 = tpu.assume_multiple %mul3A_749, 128 : i32
    %dma_start3A_751 = arith.constant 0 : i32
    %dma_start3A_752 = tpu.memref_slice %arg3[%dma_start3A_751, %multiple_of3A_750] : memref<64x1000000xf32, #tpu.memory_space<hbm>> -> memref<64x128xf32, #tpu.memory_space<hbm>>
    %dma_start3A_753 = arith.constant 0 : i32
    %dma_start3A_754 = tpu.memref_slice %arg3[%dma_start3A_753, %multiple_of3A_750] : memref<64x1000000xf32, #tpu.memory_space<hbm>> -> memref<64x128xf32, #tpu.memory_space<hbm>>
    tpu.enqueue_dma source(%dma_start3A_754 : memref<64x128xf32, #tpu.memory_space<hbm>>) target(%arg8 : memref<64x128xf32, #tpu.memory_space<vmem>>) target_semaphore(%arg13 : memref<!tpu.dma_semaphore, #tpu.memory_space<semaphore_mem>>)
    %dma_wait3A_755 = arith.constant 0 : i32
    %dma_wait3A_756 = arith.constant 0 : i32
    %dma_wait3A_757 = tpu.memref_slice %arg3[%dma_wait3A_755, %dma_wait3A_756] : memref<64x1000000xf32, #tpu.memory_space<hbm>> -> memref<64x128xf32, #tpu.memory_space<hbm>>
    %dma_wait3A_758 = arith.constant 0 : i32
    %dma_wait3A_759 = arith.constant 0 : i32
    %dma_wait3A_760 = tpu.memref_slice %arg3[%dma_wait3A_758, %dma_wait3A_759] : memref<64x1000000xf32, #tpu.memory_space<hbm>> -> memref<64x128xf32, #tpu.memory_space<hbm>>
    tpu.wait_dma2 semaphore(%arg14 : memref<!tpu.dma_semaphore, #tpu.memory_space<semaphore_mem>>) src(%dma_wait3A_760 : memref<64x128xf32, #tpu.memory_space<hbm>>) dst(%arg9 : memref<64x128xf32, #tpu.memory_space<vmem>>)
    %slice3A_761 = vector.extract_strided_slice %get3A_97 {offsets = [7], sizes = [1], strides = [1]} : vector<16xi32> to vector<1xi32>
    %squeeze3A_762 = vector.extract %slice3A_761[0] : i32 from vector<1xi32>
    %jit3A_763 = arith.constant 128 : i32
    %eq3A_764 = arith.constant 0 : i32
    %eq3A_765 = arith.cmpi eq, %jit3A_763, %eq3A_764 : i32
    %jit3A_766 = arith.constant 1 : i32
    %select_n3A_767 = arith.select %eq3A_765, %jit3A_766, %jit3A_763 : i32
    %rem3A_768 = arith.remsi %squeeze3A_762, %select_n3A_767 : i32
    %ne3A_769 = arith.constant 0 : i32
    %ne3A_770 = arith.cmpi ne, %rem3A_768, %ne3A_769 : i32
    %lt3A_771 = arith.constant 0 : i32
    %lt3A_772 = arith.cmpi slt, %rem3A_768, %lt3A_771 : i32
    %lt3A_773 = arith.constant 0 : i32
    %lt3A_774 = arith.cmpi slt, %select_n3A_767, %lt3A_773 : i32
    %ne3A_775 = arith.xori %lt3A_772, %lt3A_774 : i1
    %and3A_776 = arith.andi %ne3A_775, %ne3A_770 : i1
    %add3A_777 = arith.addi %rem3A_768, %select_n3A_767 : i32
    %select_n3A_778 = arith.select %and3A_776, %add3A_777, %rem3A_768 : i32
    %broadcast_in_dim3A_779 = vector.broadcast %select_n3A_778 : i32 to vector<16xi32>
    %add3A_780 = arith.constant 0 : i32
    %add3A_781 = vector.broadcast %add3A_780 : i32 to vector<16xi32>
    %add3A_782 = arith.addi %add3A_781, %iota3A : vector<16xi32>
    %gather3A_783 = tpu.vector_load_idx %arg9[%add3A_782, %broadcast_in_dim3A_779] : memref<64x128xf32, #tpu.memory_space<vmem>>[vector<16xi32>, vector<16xi32>], vector<16xf32>,
    %swap3A_784 = arith.constant 119 : i32
    %swap3A_785 = arith.index_cast %swap3A_784 : i32 to index
    %swap3A_786 = arith.constant 0 : index
    %swap3A_787 = tpu.vector_load %arg10[%swap3A_785, %swap3A_786] {strides = array<i32>} : memref<128x64xf32, #tpu.memory_space<vmem>>, vector<16xf32>,
    tpu.vector_store %arg10[%swap3A_785, %swap3A_786], %gather3A_783 {strides = array<i32>} : memref<128x64xf32, #tpu.memory_space<vmem>>, vector<16xf32>,
    %add3A_788 = arith.constant 16 : i32
    %add3A_789 = vector.broadcast %add3A_788 : i32 to vector<16xi32>
    %add3A_790 = arith.addi %add3A_789, %iota3A : vector<16xi32>
    %gather3A_791 = tpu.vector_load_idx %arg9[%add3A_790, %broadcast_in_dim3A_779] : memref<64x128xf32, #tpu.memory_space<vmem>>[vector<16xi32>, vector<16xi32>], vector<16xf32>,
    %swap3A_792 = arith.constant 119 : i32
    %swap3A_793 = arith.index_cast %swap3A_792 : i32 to index
    %swap3A_794 = arith.constant 16 : index
    %swap3A_795 = tpu.vector_load %arg10[%swap3A_793, %swap3A_794] {strides = array<i32>} : memref<128x64xf32, #tpu.memory_space<vmem>>, vector<16xf32>,
    tpu.vector_store %arg10[%swap3A_793, %swap3A_794], %gather3A_791 {strides = array<i32>} : memref<128x64xf32, #tpu.memory_space<vmem>>, vector<16xf32>,
    %add3A_796 = arith.constant 32 : i32
    %add3A_797 = vector.broadcast %add3A_796 : i32 to vector<16xi32>
    %add3A_798 = arith.addi %add3A_797, %iota3A : vector<16xi32>
    %gather3A_799 = tpu.vector_load_idx %arg9[%add3A_798, %broadcast_in_dim3A_779] : memref<64x128xf32, #tpu.memory_space<vmem>>[vector<16xi32>, vector<16xi32>], vector<16xf32>,
    %swap3A_800 = arith.constant 119 : i32
    %swap3A_801 = arith.index_cast %swap3A_800 : i32 to index
    %swap3A_802 = arith.constant 32 : index
    %swap3A_803 = tpu.vector_load %arg10[%swap3A_801, %swap3A_802] {strides = array<i32>} : memref<128x64xf32, #tpu.memory_space<vmem>>, vector<16xf32>,
    tpu.vector_store %arg10[%swap3A_801, %swap3A_802], %gather3A_799 {strides = array<i32>} : memref<128x64xf32, #tpu.memory_space<vmem>>, vector<16xf32>,
    %add3A_804 = arith.constant 48 : i32
    %add3A_805 = vector.broadcast %add3A_804 : i32 to vector<16xi32>
    %add3A_806 = arith.addi %add3A_805, %iota3A : vector<16xi32>
    %gather3A_807 = tpu.vector_load_idx %arg9[%add3A_806, %broadcast_in_dim3A_779] : memref<64x128xf32, #tpu.memory_space<vmem>>[vector<16xi32>, vector<16xi32>], vector<16xf32>,
    %swap3A_808 = arith.constant 119 : i32
    %swap3A_809 = arith.index_cast %swap3A_808 : i32 to index
    %swap3A_810 = arith.constant 48 : index
    %swap3A_811 = tpu.vector_load %arg10[%swap3A_809, %swap3A_810] {strides = array<i32>} : memref<128x64xf32, #tpu.memory_space<vmem>>, vector<16xf32>,
    tpu.vector_store %arg10[%swap3A_809, %swap3A_810], %gather3A_807 {strides = array<i32>} : memref<128x64xf32, #tpu.memory_space<vmem>>, vector<16xf32>,
    %slice3A_812 = vector.extract_strided_slice %get3A_97 {offsets = [11], sizes = [1], strides = [1]} : vector<16xi32> to vector<1xi32>
    %squeeze3A_813 = vector.extract %slice3A_812[0] : i32 from vector<1xi32>
    %jit3A_814 = arith.constant 128 : i32
    %div3A_815 = arith.divsi %squeeze3A_813, %jit3A_814 : i32
    %sign3A_816 = arith.constant 0 : i32
    %sign3A_817 = arith.cmpi sgt, %squeeze3A_813, %sign3A_816 : i32
    %sign3A_818 = arith.extui %sign3A_817 : i1 to i32
    %sign3A_819 = arith.constant 0 : i32
    %sign3A_820 = arith.cmpi slt, %squeeze3A_813, %sign3A_819 : i32
    %sign3A_821 = arith.extui %sign3A_820 : i1 to i32
    %sign3A_822 = arith.subi %sign3A_818, %sign3A_821 : i32
    %sign3A_823 = arith.constant 0 : i32
    %sign3A_824 = arith.cmpi sgt, %jit3A_814, %sign3A_823 : i32
    %sign3A_825 = arith.extui %sign3A_824 : i1 to i32
    %sign3A_826 = arith.constant 0 : i32
    %sign3A_827 = arith.cmpi slt, %jit3A_814, %sign3A_826 : i32
    %sign3A_828 = arith.extui %sign3A_827 : i1 to i32
    %sign3A_829 = arith.subi %sign3A_825, %sign3A_828 : i32
    %ne3A_830 = arith.cmpi ne, %sign3A_822, %sign3A_829 : i32
    %rem3A_831 = arith.remsi %squeeze3A_813, %jit3A_814 : i32
    %ne3A_832 = arith.constant 0 : i32
    %ne3A_833 = arith.cmpi ne, %rem3A_831, %ne3A_832 : i32
    %and3A_834 = arith.andi %ne3A_830, %ne3A_833 : i1
    %sub3A_835 = arith.constant 1 : i32
    %sub3A_836 = arith.subi %div3A_815, %sub3A_835 : i32
    %select_n3A_837 = arith.select %and3A_834, %sub3A_836, %div3A_815 : i32
    %mul3A_838 = arith.constant 128 : i32
    %mul3A_839 = arith.muli %select_n3A_837, %mul3A_838 : i32
    %multiple_of3A_840 = tpu.assume_multiple %mul3A_839, 128 : i32
    %dma_start3A_841 = arith.constant 0 : i32
    %dma_start3A_842 = tpu.memref_slice %arg3[%dma_start3A_841, %multiple_of3A_840] : memref<64x1000000xf32, #tpu.memory_space<hbm>> -> memref<64x128xf32, #tpu.memory_space<hbm>>
    %dma_start3A_843 = arith.constant 0 : i32
    %dma_start3A_844 = tpu.memref_slice %arg3[%dma_start3A_843, %multiple_of3A_840] : memref<64x1000000xf32, #tpu.memory_space<hbm>> -> memref<64x128xf32, #tpu.memory_space<hbm>>
    tpu.enqueue_dma source(%dma_start3A_844 : memref<64x128xf32, #tpu.memory_space<hbm>>) target(%arg9 : memref<64x128xf32, #tpu.memory_space<vmem>>) target_semaphore(%arg14 : memref<!tpu.dma_semaphore, #tpu.memory_space<semaphore_mem>>)
    %dma_wait3A_845 = arith.constant 0 : i32
    %dma_wait3A_846 = arith.constant 0 : i32
    %dma_wait3A_847 = tpu.memref_slice %arg3[%dma_wait3A_845, %dma_wait3A_846] : memref<64x1000000xf32, #tpu.memory_space<hbm>> -> memref<64x128xf32, #tpu.memory_space<hbm>>
    %dma_wait3A_848 = arith.constant 0 : i32
    %dma_wait3A_849 = arith.constant 0 : i32
    %dma_wait3A_850 = tpu.memref_slice %arg3[%dma_wait3A_848, %dma_wait3A_849] : memref<64x1000000xf32, #tpu.memory_space<hbm>> -> memref<64x128xf32, #tpu.memory_space<hbm>>
    tpu.wait_dma2 semaphore(%arg11 : memref<!tpu.dma_semaphore, #tpu.memory_space<semaphore_mem>>) src(%dma_wait3A_850 : memref<64x128xf32, #tpu.memory_space<hbm>>) dst(%arg6 : memref<64x128xf32, #tpu.memory_space<vmem>>)
    %slice3A_851 = vector.extract_strided_slice %get3A_97 {offsets = [8], sizes = [1], strides = [1]} : vector<16xi32> to vector<1xi32>
    %squeeze3A_852 = vector.extract %slice3A_851[0] : i32 from vector<1xi32>
    %jit3A_853 = arith.constant 128 : i32
    %eq3A_854 = arith.constant 0 : i32
    %eq3A_855 = arith.cmpi eq, %jit3A_853, %eq3A_854 : i32
    %jit3A_856 = arith.constant 1 : i32
    %select_n3A_857 = arith.select %eq3A_855, %jit3A_856, %jit3A_853 : i32
    %rem3A_858 = arith.remsi %squeeze3A_852, %select_n3A_857 : i32
    %ne3A_859 = arith.constant 0 : i32
    %ne3A_860 = arith.cmpi ne, %rem3A_858, %ne3A_859 : i32
    %lt3A_861 = arith.constant 0 : i32
    %lt3A_862 = arith.cmpi slt, %rem3A_858, %lt3A_861 : i32
    %lt3A_863 = arith.constant 0 : i32
    %lt3A_864 = arith.cmpi slt, %select_n3A_857, %lt3A_863 : i32
    %ne3A_865 = arith.xori %lt3A_862, %lt3A_864 : i1
    %and3A_866 = arith.andi %ne3A_865, %ne3A_860 : i1
    %add3A_867 = arith.addi %rem3A_858, %select_n3A_857 : i32
    %select_n3A_868 = arith.select %and3A_866, %add3A_867, %rem3A_858 : i32
    %broadcast_in_dim3A_869 = vector.broadcast %select_n3A_868 : i32 to vector<16xi32>
    %add3A_870 = arith.constant 0 : i32
    %add3A_871 = vector.broadcast %add3A_870 : i32 to vector<16xi32>
    %add3A_872 = arith.addi %add3A_871, %iota3A : vector<16xi32>
    %gather3A_873 = tpu.vector_load_idx %arg6[%add3A_872, %broadcast_in_dim3A_869] : memref<64x128xf32, #tpu.memory_space<vmem>>[vector<16xi32>, vector<16xi32>], vector<16xf32>,
    %swap3A_874 = arith.constant 120 : i32
    %swap3A_875 = arith.index_cast %swap3A_874 : i32 to index
    %swap3A_876 = arith.constant 0 : index
    %swap3A_877 = tpu.vector_load %arg10[%swap3A_875, %swap3A_876] {strides = array<i32>} : memref<128x64xf32, #tpu.memory_space<vmem>>, vector<16xf32>,
    tpu.vector_store %arg10[%swap3A_875, %swap3A_876], %gather3A_873 {strides = array<i32>} : memref<128x64xf32, #tpu.memory_space<vmem>>, vector<16xf32>,
    %add3A_878 = arith.constant 16 : i32
    %add3A_879 = vector.broadcast %add3A_878 : i32 to vector<16xi32>
    %add3A_880 = arith.addi %add3A_879, %iota3A : vector<16xi32>
    %gather3A_881 = tpu.vector_load_idx %arg6[%add3A_880, %broadcast_in_dim3A_869] : memref<64x128xf32, #tpu.memory_space<vmem>>[vector<16xi32>, vector<16xi32>], vector<16xf32>,
    %swap3A_882 = arith.constant 120 : i32
    %swap3A_883 = arith.index_cast %swap3A_882 : i32 to index
    %swap3A_884 = arith.constant 16 : index
    %swap3A_885 = tpu.vector_load %arg10[%swap3A_883, %swap3A_884] {strides = array<i32>} : memref<128x64xf32, #tpu.memory_space<vmem>>, vector<16xf32>,
    tpu.vector_store %arg10[%swap3A_883, %swap3A_884], %gather3A_881 {strides = array<i32>} : memref<128x64xf32, #tpu.memory_space<vmem>>, vector<16xf32>,
    %add3A_886 = arith.constant 32 : i32
    %add3A_887 = vector.broadcast %add3A_886 : i32 to vector<16xi32>
    %add3A_888 = arith.addi %add3A_887, %iota3A : vector<16xi32>
    %gather3A_889 = tpu.vector_load_idx %arg6[%add3A_888, %broadcast_in_dim3A_869] : memref<64x128xf32, #tpu.memory_space<vmem>>[vector<16xi32>, vector<16xi32>], vector<16xf32>,
    %swap3A_890 = arith.constant 120 : i32
    %swap3A_891 = arith.index_cast %swap3A_890 : i32 to index
    %swap3A_892 = arith.constant 32 : index
    %swap3A_893 = tpu.vector_load %arg10[%swap3A_891, %swap3A_892] {strides = array<i32>} : memref<128x64xf32, #tpu.memory_space<vmem>>, vector<16xf32>,
    tpu.vector_store %arg10[%swap3A_891, %swap3A_892], %gather3A_889 {strides = array<i32>} : memref<128x64xf32, #tpu.memory_space<vmem>>, vector<16xf32>,
    %add3A_894 = arith.constant 48 : i32
    %add3A_895 = vector.broadcast %add3A_894 : i32 to vector<16xi32>
    %add3A_896 = arith.addi %add3A_895, %iota3A : vector<16xi32>
    %gather3A_897 = tpu.vector_load_idx %arg6[%add3A_896, %broadcast_in_dim3A_869] : memref<64x128xf32, #tpu.memory_space<vmem>>[vector<16xi32>, vector<16xi32>], vector<16xf32>,
    %swap3A_898 = arith.constant 120 : i32
    %swap3A_899 = arith.index_cast %swap3A_898 : i32 to index
    %swap3A_900 = arith.constant 48 : index
    %swap3A_901 = tpu.vector_load %arg10[%swap3A_899, %swap3A_900] {strides = array<i32>} : memref<128x64xf32, #tpu.memory_space<vmem>>, vector<16xf32>,
    tpu.vector_store %arg10[%swap3A_899, %swap3A_900], %gather3A_897 {strides = array<i32>} : memref<128x64xf32, #tpu.memory_space<vmem>>, vector<16xf32>,
    %slice3A_902 = vector.extract_strided_slice %get3A_97 {offsets = [12], sizes = [1], strides = [1]} : vector<16xi32> to vector<1xi32>
    %squeeze3A_903 = vector.extract %slice3A_902[0] : i32 from vector<1xi32>
    %jit3A_904 = arith.constant 128 : i32
    %div3A_905 = arith.divsi %squeeze3A_903, %jit3A_904 : i32
    %sign3A_906 = arith.constant 0 : i32
    %sign3A_907 = arith.cmpi sgt, %squeeze3A_903, %sign3A_906 : i32
    %sign3A_908 = arith.extui %sign3A_907 : i1 to i32
    %sign3A_909 = arith.constant 0 : i32
    %sign3A_910 = arith.cmpi slt, %squeeze3A_903, %sign3A_909 : i32
    %sign3A_911 = arith.extui %sign3A_910 : i1 to i32
    %sign3A_912 = arith.subi %sign3A_908, %sign3A_911 : i32
    %sign3A_913 = arith.constant 0 : i32
    %sign3A_914 = arith.cmpi sgt, %jit3A_904, %sign3A_913 : i32
    %sign3A_915 = arith.extui %sign3A_914 : i1 to i32
    %sign3A_916 = arith.constant 0 : i32
    %sign3A_917 = arith.cmpi slt, %jit3A_904, %sign3A_916 : i32
    %sign3A_918 = arith.extui %sign3A_917 : i1 to i32
    %sign3A_919 = arith.subi %sign3A_915, %sign3A_918 : i32
    %ne3A_920 = arith.cmpi ne, %sign3A_912, %sign3A_919 : i32
    %rem3A_921 = arith.remsi %squeeze3A_903, %jit3A_904 : i32
    %ne3A_922 = arith.constant 0 : i32
    %ne3A_923 = arith.cmpi ne, %rem3A_921, %ne3A_922 : i32
    %and3A_924 = arith.andi %ne3A_920, %ne3A_923 : i1
    %sub3A_925 = arith.constant 1 : i32
    %sub3A_926 = arith.subi %div3A_905, %sub3A_925 : i32
    %select_n3A_927 = arith.select %and3A_924, %sub3A_926, %div3A_905 : i32
    %mul3A_928 = arith.constant 128 : i32
    %mul3A_929 = arith.muli %select_n3A_927, %mul3A_928 : i32
    %multiple_of3A_930 = tpu.assume_multiple %mul3A_929, 128 : i32
    %dma_start3A_931 = arith.constant 0 : i32
    %dma_start3A_932 = tpu.memref_slice %arg3[%dma_start3A_931, %multiple_of3A_930] : memref<64x1000000xf32, #tpu.memory_space<hbm>> -> memref<64x128xf32, #tpu.memory_space<hbm>>
    %dma_start3A_933 = arith.constant 0 : i32
    %dma_start3A_934 = tpu.memref_slice %arg3[%dma_start3A_933, %multiple_of3A_930] : memref<64x1000000xf32, #tpu.memory_space<hbm>> -> memref<64x128xf32, #tpu.memory_space<hbm>>
    tpu.enqueue_dma source(%dma_start3A_934 : memref<64x128xf32, #tpu.memory_space<hbm>>) target(%arg6 : memref<64x128xf32, #tpu.memory_space<vmem>>) target_semaphore(%arg11 : memref<!tpu.dma_semaphore, #tpu.memory_space<semaphore_mem>>)
    %dma_wait3A_935 = arith.constant 0 : i32
    %dma_wait3A_936 = arith.constant 0 : i32
    %dma_wait3A_937 = tpu.memref_slice %arg3[%dma_wait3A_935, %dma_wait3A_936] : memref<64x1000000xf32, #tpu.memory_space<hbm>> -> memref<64x128xf32, #tpu.memory_space<hbm>>
    %dma_wait3A_938 = arith.constant 0 : i32
    %dma_wait3A_939 = arith.constant 0 : i32
    %dma_wait3A_940 = tpu.memref_slice %arg3[%dma_wait3A_938, %dma_wait3A_939] : memref<64x1000000xf32, #tpu.memory_space<hbm>> -> memref<64x128xf32, #tpu.memory_space<hbm>>
    tpu.wait_dma2 semaphore(%arg12 : memref<!tpu.dma_semaphore, #tpu.memory_space<semaphore_mem>>) src(%dma_wait3A_940 : memref<64x128xf32, #tpu.memory_space<hbm>>) dst(%arg7 : memref<64x128xf32, #tpu.memory_space<vmem>>)
    %slice3A_941 = vector.extract_strided_slice %get3A_97 {offsets = [9], sizes = [1], strides = [1]} : vector<16xi32> to vector<1xi32>
    %squeeze3A_942 = vector.extract %slice3A_941[0] : i32 from vector<1xi32>
    %jit3A_943 = arith.constant 128 : i32
    %eq3A_944 = arith.constant 0 : i32
    %eq3A_945 = arith.cmpi eq, %jit3A_943, %eq3A_944 : i32
    %jit3A_946 = arith.constant 1 : i32
    %select_n3A_947 = arith.select %eq3A_945, %jit3A_946, %jit3A_943 : i32
    %rem3A_948 = arith.remsi %squeeze3A_942, %select_n3A_947 : i32
    %ne3A_949 = arith.constant 0 : i32
    %ne3A_950 = arith.cmpi ne, %rem3A_948, %ne3A_949 : i32
    %lt3A_951 = arith.constant 0 : i32
    %lt3A_952 = arith.cmpi slt, %rem3A_948, %lt3A_951 : i32
    %lt3A_953 = arith.constant 0 : i32
    %lt3A_954 = arith.cmpi slt, %select_n3A_947, %lt3A_953 : i32
    %ne3A_955 = arith.xori %lt3A_952, %lt3A_954 : i1
    %and3A_956 = arith.andi %ne3A_955, %ne3A_950 : i1
    %add3A_957 = arith.addi %rem3A_948, %select_n3A_947 : i32
    %select_n3A_958 = arith.select %and3A_956, %add3A_957, %rem3A_948 : i32
    %broadcast_in_dim3A_959 = vector.broadcast %select_n3A_958 : i32 to vector<16xi32>
    %add3A_960 = arith.constant 0 : i32
    %add3A_961 = vector.broadcast %add3A_960 : i32 to vector<16xi32>
    %add3A_962 = arith.addi %add3A_961, %iota3A : vector<16xi32>
    %gather3A_963 = tpu.vector_load_idx %arg7[%add3A_962, %broadcast_in_dim3A_959] : memref<64x128xf32, #tpu.memory_space<vmem>>[vector<16xi32>, vector<16xi32>], vector<16xf32>,
    %swap3A_964 = arith.constant 121 : i32
    %swap3A_965 = arith.index_cast %swap3A_964 : i32 to index
    %swap3A_966 = arith.constant 0 : index
    %swap3A_967 = tpu.vector_load %arg10[%swap3A_965, %swap3A_966] {strides = array<i32>} : memref<128x64xf32, #tpu.memory_space<vmem>>, vector<16xf32>,
    tpu.vector_store %arg10[%swap3A_965, %swap3A_966], %gather3A_963 {strides = array<i32>} : memref<128x64xf32, #tpu.memory_space<vmem>>, vector<16xf32>,
    %add3A_968 = arith.constant 16 : i32
    %add3A_969 = vector.broadcast %add3A_968 : i32 to vector<16xi32>
    %add3A_970 = arith.addi %add3A_969, %iota3A : vector<16xi32>
    %gather3A_971 = tpu.vector_load_idx %arg7[%add3A_970, %broadcast_in_dim3A_959] : memref<64x128xf32, #tpu.memory_space<vmem>>[vector<16xi32>, vector<16xi32>], vector<16xf32>,
    %swap3A_972 = arith.constant 121 : i32
    %swap3A_973 = arith.index_cast %swap3A_972 : i32 to index
    %swap3A_974 = arith.constant 16 : index
    %swap3A_975 = tpu.vector_load %arg10[%swap3A_973, %swap3A_974] {strides = array<i32>} : memref<128x64xf32, #tpu.memory_space<vmem>>, vector<16xf32>,
    tpu.vector_store %arg10[%swap3A_973, %swap3A_974], %gather3A_971 {strides = array<i32>} : memref<128x64xf32, #tpu.memory_space<vmem>>, vector<16xf32>,
    %add3A_976 = arith.constant 32 : i32
    %add3A_977 = vector.broadcast %add3A_976 : i32 to vector<16xi32>
    %add3A_978 = arith.addi %add3A_977, %iota3A : vector<16xi32>
    %gather3A_979 = tpu.vector_load_idx %arg7[%add3A_978, %broadcast_in_dim3A_959] : memref<64x128xf32, #tpu.memory_space<vmem>>[vector<16xi32>, vector<16xi32>], vector<16xf32>,
    %swap3A_980 = arith.constant 121 : i32
    %swap3A_981 = arith.index_cast %swap3A_980 : i32 to index
    %swap3A_982 = arith.constant 32 : index
    %swap3A_983 = tpu.vector_load %arg10[%swap3A_981, %swap3A_982] {strides = array<i32>} : memref<128x64xf32, #tpu.memory_space<vmem>>, vector<16xf32>,
    tpu.vector_store %arg10[%swap3A_981, %swap3A_982], %gather3A_979 {strides = array<i32>} : memref<128x64xf32, #tpu.memory_space<vmem>>, vector<16xf32>,
    %add3A_984 = arith.constant 48 : i32
    %add3A_985 = vector.broadcast %add3A_984 : i32 to vector<16xi32>
    %add3A_986 = arith.addi %add3A_985, %iota3A : vector<16xi32>
    %gather3A_987 = tpu.vector_load_idx %arg7[%add3A_986, %broadcast_in_dim3A_959] : memref<64x128xf32, #tpu.memory_space<vmem>>[vector<16xi32>, vector<16xi32>], vector<16xf32>,
    %swap3A_988 = arith.constant 121 : i32
    %swap3A_989 = arith.index_cast %swap3A_988 : i32 to index
    %swap3A_990 = arith.constant 48 : index
    %swap3A_991 = tpu.vector_load %arg10[%swap3A_989, %swap3A_990] {strides = array<i32>} : memref<128x64xf32, #tpu.memory_space<vmem>>, vector<16xf32>,
    tpu.vector_store %arg10[%swap3A_989, %swap3A_990], %gather3A_987 {strides = array<i32>} : memref<128x64xf32, #tpu.memory_space<vmem>>, vector<16xf32>,
    %slice3A_992 = vector.extract_strided_slice %get3A_97 {offsets = [13], sizes = [1], strides = [1]} : vector<16xi32> to vector<1xi32>
    %squeeze3A_993 = vector.extract %slice3A_992[0] : i32 from vector<1xi32>
    %jit3A_994 = arith.constant 128 : i32
    %div3A_995 = arith.divsi %squeeze3A_993, %jit3A_994 : i32
    %sign3A_996 = arith.constant 0 : i32
    %sign3A_997 = arith.cmpi sgt, %squeeze3A_993, %sign3A_996 : i32
    %sign3A_998 = arith.extui %sign3A_997 : i1 to i32
    %sign3A_999 = arith.constant 0 : i32
    %sign3A_1000 = arith.cmpi slt, %squeeze3A_993, %sign3A_999 : i32
    %sign3A_1001 = arith.extui %sign3A_1000 : i1 to i32
    %sign3A_1002 = arith.subi %sign3A_998, %sign3A_1001 : i32
    %sign3A_1003 = arith.constant 0 : i32
    %sign3A_1004 = arith.cmpi sgt, %jit3A_994, %sign3A_1003 : i32
    %sign3A_1005 = arith.extui %sign3A_1004 : i1 to i32
    %sign3A_1006 = arith.constant 0 : i32
    %sign3A_1007 = arith.cmpi slt, %jit3A_994, %sign3A_1006 : i32
    %sign3A_1008 = arith.extui %sign3A_1007 : i1 to i32
    %sign3A_1009 = arith.subi %sign3A_1005, %sign3A_1008 : i32
    %ne3A_1010 = arith.cmpi ne, %sign3A_1002, %sign3A_1009 : i32
    %rem3A_1011 = arith.remsi %squeeze3A_993, %jit3A_994 : i32
    %ne3A_1012 = arith.constant 0 : i32
    %ne3A_1013 = arith.cmpi ne, %rem3A_1011, %ne3A_1012 : i32
    %and3A_1014 = arith.andi %ne3A_1010, %ne3A_1013 : i1
    %sub3A_1015 = arith.constant 1 : i32
    %sub3A_1016 = arith.subi %div3A_995, %sub3A_1015 : i32
    %select_n3A_1017 = arith.select %and3A_1014, %sub3A_1016, %div3A_995 : i32
    %mul3A_1018 = arith.constant 128 : i32
    %mul3A_1019 = arith.muli %select_n3A_1017, %mul3A_1018 : i32
    %multiple_of3A_1020 = tpu.assume_multiple %mul3A_1019, 128 : i32
    %dma_start3A_1021 = arith.constant 0 : i32
    %dma_start3A_1022 = tpu.memref_slice %arg3[%dma_start3A_1021, %multiple_of3A_1020] : memref<64x1000000xf32, #tpu.memory_space<hbm>> -> memref<64x128xf32, #tpu.memory_space<hbm>>
    %dma_start3A_1023 = arith.constant 0 : i32
    %dma_start3A_1024 = tpu.memref_slice %arg3[%dma_start3A_1023, %multiple_of3A_1020] : memref<64x1000000xf32, #tpu.memory_space<hbm>> -> memref<64x128xf32, #tpu.memory_space<hbm>>
    tpu.enqueue_dma source(%dma_start3A_1024 : memref<64x128xf32, #tpu.memory_space<hbm>>) target(%arg7 : memref<64x128xf32, #tpu.memory_space<vmem>>) target_semaphore(%arg12 : memref<!tpu.dma_semaphore, #tpu.memory_space<semaphore_mem>>)
    %dma_wait3A_1025 = arith.constant 0 : i32
    %dma_wait3A_1026 = arith.constant 0 : i32
    %dma_wait3A_1027 = tpu.memref_slice %arg3[%dma_wait3A_1025, %dma_wait3A_1026] : memref<64x1000000xf32, #tpu.memory_space<hbm>> -> memref<64x128xf32, #tpu.memory_space<hbm>>
    %dma_wait3A_1028 = arith.constant 0 : i32
    %dma_wait3A_1029 = arith.constant 0 : i32
    %dma_wait3A_1030 = tpu.memref_slice %arg3[%dma_wait3A_1028, %dma_wait3A_1029] : memref<64x1000000xf32, #tpu.memory_space<hbm>> -> memref<64x128xf32, #tpu.memory_space<hbm>>
    tpu.wait_dma2 semaphore(%arg13 : memref<!tpu.dma_semaphore, #tpu.memory_space<semaphore_mem>>) src(%dma_wait3A_1030 : memref<64x128xf32, #tpu.memory_space<hbm>>) dst(%arg8 : memref<64x128xf32, #tpu.memory_space<vmem>>)
    %slice3A_1031 = vector.extract_strided_slice %get3A_97 {offsets = [10], sizes = [1], strides = [1]} : vector<16xi32> to vector<1xi32>
    %squeeze3A_1032 = vector.extract %slice3A_1031[0] : i32 from vector<1xi32>
    %jit3A_1033 = arith.constant 128 : i32
    %eq3A_1034 = arith.constant 0 : i32
    %eq3A_1035 = arith.cmpi eq, %jit3A_1033, %eq3A_1034 : i32
    %jit3A_1036 = arith.constant 1 : i32
    %select_n3A_1037 = arith.select %eq3A_1035, %jit3A_1036, %jit3A_1033 : i32
    %rem3A_1038 = arith.remsi %squeeze3A_1032, %select_n3A_1037 : i32
    %ne3A_1039 = arith.constant 0 : i32
    %ne3A_1040 = arith.cmpi ne, %rem3A_1038, %ne3A_1039 : i32
    %lt3A_1041 = arith.constant 0 : i32
    %lt3A_1042 = arith.cmpi slt, %rem3A_1038, %lt3A_1041 : i32
    %lt3A_1043 = arith.constant 0 : i32
    %lt3A_1044 = arith.cmpi slt, %select_n3A_1037, %lt3A_1043 : i32
    %ne3A_1045 = arith.xori %lt3A_1042, %lt3A_1044 : i1
    %and3A_1046 = arith.andi %ne3A_1045, %ne3A_1040 : i1
    %add3A_1047 = arith.addi %rem3A_1038, %select_n3A_1037 : i32
    %select_n3A_1048 = arith.select %and3A_1046, %add3A_1047, %rem3A_1038 : i32
    %broadcast_in_dim3A_1049 = vector.broadcast %select_n3A_1048 : i32 to vector<16xi32>
    %add3A_1050 = arith.constant 0 : i32
    %add3A_1051 = vector.broadcast %add3A_1050 : i32 to vector<16xi32>
    %add3A_1052 = arith.addi %add3A_1051, %iota3A : vector<16xi32>
    %gather3A_1053 = tpu.vector_load_idx %arg8[%add3A_1052, %broadcast_in_dim3A_1049] : memref<64x128xf32, #tpu.memory_space<vmem>>[vector<16xi32>, vector<16xi32>], vector<16xf32>,
    %swap3A_1054 = arith.constant 122 : i32
    %swap3A_1055 = arith.index_cast %swap3A_1054 : i32 to index
    %swap3A_1056 = arith.constant 0 : index
    %swap3A_1057 = tpu.vector_load %arg10[%swap3A_1055, %swap3A_1056] {strides = array<i32>} : memref<128x64xf32, #tpu.memory_space<vmem>>, vector<16xf32>,
    tpu.vector_store %arg10[%swap3A_1055, %swap3A_1056], %gather3A_1053 {strides = array<i32>} : memref<128x64xf32, #tpu.memory_space<vmem>>, vector<16xf32>,
    %add3A_1058 = arith.constant 16 : i32
    %add3A_1059 = vector.broadcast %add3A_1058 : i32 to vector<16xi32>
    %add3A_1060 = arith.addi %add3A_1059, %iota3A : vector<16xi32>
    %gather3A_1061 = tpu.vector_load_idx %arg8[%add3A_1060, %broadcast_in_dim3A_1049] : memref<64x128xf32, #tpu.memory_space<vmem>>[vector<16xi32>, vector<16xi32>], vector<16xf32>,
    %swap3A_1062 = arith.constant 122 : i32
    %swap3A_1063 = arith.index_cast %swap3A_1062 : i32 to index
    %swap3A_1064 = arith.constant 16 : index
    %swap3A_1065 = tpu.vector_load %arg10[%swap3A_1063, %swap3A_1064] {strides = array<i32>} : memref<128x64xf32, #tpu.memory_space<vmem>>, vector<16xf32>,
    tpu.vector_store %arg10[%swap3A_1063, %swap3A_1064], %gather3A_1061 {strides = array<i32>} : memref<128x64xf32, #tpu.memory_space<vmem>>, vector<16xf32>,
    %add3A_1066 = arith.constant 32 : i32
    %add3A_1067 = vector.broadcast %add3A_1066 : i32 to vector<16xi32>
    %add3A_1068 = arith.addi %add3A_1067, %iota3A : vector<16xi32>
    %gather3A_1069 = tpu.vector_load_idx %arg8[%add3A_1068, %broadcast_in_dim3A_1049] : memref<64x128xf32, #tpu.memory_space<vmem>>[vector<16xi32>, vector<16xi32>], vector<16xf32>,
    %swap3A_1070 = arith.constant 122 : i32
    %swap3A_1071 = arith.index_cast %swap3A_1070 : i32 to index
    %swap3A_1072 = arith.constant 32 : index
    %swap3A_1073 = tpu.vector_load %arg10[%swap3A_1071, %swap3A_1072] {strides = array<i32>} : memref<128x64xf32, #tpu.memory_space<vmem>>, vector<16xf32>,
    tpu.vector_store %arg10[%swap3A_1071, %swap3A_1072], %gather3A_1069 {strides = array<i32>} : memref<128x64xf32, #tpu.memory_space<vmem>>, vector<16xf32>,
    %add3A_1074 = arith.constant 48 : i32
    %add3A_1075 = vector.broadcast %add3A_1074 : i32 to vector<16xi32>
    %add3A_1076 = arith.addi %add3A_1075, %iota3A : vector<16xi32>
    %gather3A_1077 = tpu.vector_load_idx %arg8[%add3A_1076, %broadcast_in_dim3A_1049] : memref<64x128xf32, #tpu.memory_space<vmem>>[vector<16xi32>, vector<16xi32>], vector<16xf32>,
    %swap3A_1078 = arith.constant 122 : i32
    %swap3A_1079 = arith.index_cast %swap3A_1078 : i32 to index
    %swap3A_1080 = arith.constant 48 : index
    %swap3A_1081 = tpu.vector_load %arg10[%swap3A_1079, %swap3A_1080] {strides = array<i32>} : memref<128x64xf32, #tpu.memory_space<vmem>>, vector<16xf32>,
    tpu.vector_store %arg10[%swap3A_1079, %swap3A_1080], %gather3A_1077 {strides = array<i32>} : memref<128x64xf32, #tpu.memory_space<vmem>>, vector<16xf32>,
    %slice3A_1082 = vector.extract_strided_slice %get3A_97 {offsets = [14], sizes = [1], strides = [1]} : vector<16xi32> to vector<1xi32>
    %squeeze3A_1083 = vector.extract %slice3A_1082[0] : i32 from vector<1xi32>
    %jit3A_1084 = arith.constant 128 : i32
    %div3A_1085 = arith.divsi %squeeze3A_1083, %jit3A_1084 : i32
    %sign3A_1086 = arith.constant 0 : i32
    %sign3A_1087 = arith.cmpi sgt, %squeeze3A_1083, %sign3A_1086 : i32
    %sign3A_1088 = arith.extui %sign3A_1087 : i1 to i32
    %sign3A_1089 = arith.constant 0 : i32
    %sign3A_1090 = arith.cmpi slt, %squeeze3A_1083, %sign3A_1089 : i32
    %sign3A_1091 = arith.extui %sign3A_1090 : i1 to i32
    %sign3A_1092 = arith.subi %sign3A_1088, %sign3A_1091 : i32
    %sign3A_1093 = arith.constant 0 : i32
    %sign3A_1094 = arith.cmpi sgt, %jit3A_1084, %sign3A_1093 : i32
    %sign3A_1095 = arith.extui %sign3A_1094 : i1 to i32
    %sign3A_1096 = arith.constant 0 : i32
    %sign3A_1097 = arith.cmpi slt, %jit3A_1084, %sign3A_1096 : i32
    %sign3A_1098 = arith.extui %sign3A_1097 : i1 to i32
    %sign3A_1099 = arith.subi %sign3A_1095, %sign3A_1098 : i32
    %ne3A_1100 = arith.cmpi ne, %sign3A_1092, %sign3A_1099 : i32
    %rem3A_1101 = arith.remsi %squeeze3A_1083, %jit3A_1084 : i32
    %ne3A_1102 = arith.constant 0 : i32
    %ne3A_1103 = arith.cmpi ne, %rem3A_1101, %ne3A_1102 : i32
    %and3A_1104 = arith.andi %ne3A_1100, %ne3A_1103 : i1
    %sub3A_1105 = arith.constant 1 : i32
    %sub3A_1106 = arith.subi %div3A_1085, %sub3A_1105 : i32
    %select_n3A_1107 = arith.select %and3A_1104, %sub3A_1106, %div3A_1085 : i32
    %mul3A_1108 = arith.constant 128 : i32
    %mul3A_1109 = arith.muli %select_n3A_1107, %mul3A_1108 : i32
    %multiple_of3A_1110 = tpu.assume_multiple %mul3A_1109, 128 : i32
    %dma_start3A_1111 = arith.constant 0 : i32
    %dma_start3A_1112 = tpu.memref_slice %arg3[%dma_start3A_1111, %multiple_of3A_1110] : memref<64x1000000xf32, #tpu.memory_space<hbm>> -> memref<64x128xf32, #tpu.memory_space<hbm>>
    %dma_start3A_1113 = arith.constant 0 : i32
    %dma_start3A_1114 = tpu.memref_slice %arg3[%dma_start3A_1113, %multiple_of3A_1110] : memref<64x1000000xf32, #tpu.memory_space<hbm>> -> memref<64x128xf32, #tpu.memory_space<hbm>>
    tpu.enqueue_dma source(%dma_start3A_1114 : memref<64x128xf32, #tpu.memory_space<hbm>>) target(%arg8 : memref<64x128xf32, #tpu.memory_space<vmem>>) target_semaphore(%arg13 : memref<!tpu.dma_semaphore, #tpu.memory_space<semaphore_mem>>)
    %dma_wait3A_1115 = arith.constant 0 : i32
    %dma_wait3A_1116 = arith.constant 0 : i32
    %dma_wait3A_1117 = tpu.memref_slice %arg3[%dma_wait3A_1115, %dma_wait3A_1116] : memref<64x1000000xf32, #tpu.memory_space<hbm>> -> memref<64x128xf32, #tpu.memory_space<hbm>>
    %dma_wait3A_1118 = arith.constant 0 : i32
    %dma_wait3A_1119 = arith.constant 0 : i32
    %dma_wait3A_1120 = tpu.memref_slice %arg3[%dma_wait3A_1118, %dma_wait3A_1119] : memref<64x1000000xf32, #tpu.memory_space<hbm>> -> memref<64x128xf32, #tpu.memory_space<hbm>>
    tpu.wait_dma2 semaphore(%arg14 : memref<!tpu.dma_semaphore, #tpu.memory_space<semaphore_mem>>) src(%dma_wait3A_1120 : memref<64x128xf32, #tpu.memory_space<hbm>>) dst(%arg9 : memref<64x128xf32, #tpu.memory_space<vmem>>)
    %slice3A_1121 = vector.extract_strided_slice %get3A_97 {offsets = [11], sizes = [1], strides = [1]} : vector<16xi32> to vector<1xi32>
    %squeeze3A_1122 = vector.extract %slice3A_1121[0] : i32 from vector<1xi32>
    %jit3A_1123 = arith.constant 128 : i32
    %eq3A_1124 = arith.constant 0 : i32
    %eq3A_1125 = arith.cmpi eq, %jit3A_1123, %eq3A_1124 : i32
    %jit3A_1126 = arith.constant 1 : i32
    %select_n3A_1127 = arith.select %eq3A_1125, %jit3A_1126, %jit3A_1123 : i32
    %rem3A_1128 = arith.remsi %squeeze3A_1122, %select_n3A_1127 : i32
    %ne3A_1129 = arith.constant 0 : i32
    %ne3A_1130 = arith.cmpi ne, %rem3A_1128, %ne3A_1129 : i32
    %lt3A_1131 = arith.constant 0 : i32
    %lt3A_1132 = arith.cmpi slt, %rem3A_1128, %lt3A_1131 : i32
    %lt3A_1133 = arith.constant 0 : i32
    %lt3A_1134 = arith.cmpi slt, %select_n3A_1127, %lt3A_1133 : i32
    %ne3A_1135 = arith.xori %lt3A_1132, %lt3A_1134 : i1
    %and3A_1136 = arith.andi %ne3A_1135, %ne3A_1130 : i1
    %add3A_1137 = arith.addi %rem3A_1128, %select_n3A_1127 : i32
    %select_n3A_1138 = arith.select %and3A_1136, %add3A_1137, %rem3A_1128 : i32
    %broadcast_in_dim3A_1139 = vector.broadcast %select_n3A_1138 : i32 to vector<16xi32>
    %add3A_1140 = arith.constant 0 : i32
    %add3A_1141 = vector.broadcast %add3A_1140 : i32 to vector<16xi32>
    %add3A_1142 = arith.addi %add3A_1141, %iota3A : vector<16xi32>
    %gather3A_1143 = tpu.vector_load_idx %arg9[%add3A_1142, %broadcast_in_dim3A_1139] : memref<64x128xf32, #tpu.memory_space<vmem>>[vector<16xi32>, vector<16xi32>], vector<16xf32>,
    %swap3A_1144 = arith.constant 123 : i32
    %swap3A_1145 = arith.index_cast %swap3A_1144 : i32 to index
    %swap3A_1146 = arith.constant 0 : index
    %swap3A_1147 = tpu.vector_load %arg10[%swap3A_1145, %swap3A_1146] {strides = array<i32>} : memref<128x64xf32, #tpu.memory_space<vmem>>, vector<16xf32>,
    tpu.vector_store %arg10[%swap3A_1145, %swap3A_1146], %gather3A_1143 {strides = array<i32>} : memref<128x64xf32, #tpu.memory_space<vmem>>, vector<16xf32>,
    %add3A_1148 = arith.constant 16 : i32
    %add3A_1149 = vector.broadcast %add3A_1148 : i32 to vector<16xi32>
    %add3A_1150 = arith.addi %add3A_1149, %iota3A : vector<16xi32>
    %gather3A_1151 = tpu.vector_load_idx %arg9[%add3A_1150, %broadcast_in_dim3A_1139] : memref<64x128xf32, #tpu.memory_space<vmem>>[vector<16xi32>, vector<16xi32>], vector<16xf32>,
    %swap3A_1152 = arith.constant 123 : i32
    %swap3A_1153 = arith.index_cast %swap3A_1152 : i32 to index
    %swap3A_1154 = arith.constant 16 : index
    %swap3A_1155 = tpu.vector_load %arg10[%swap3A_1153, %swap3A_1154] {strides = array<i32>} : memref<128x64xf32, #tpu.memory_space<vmem>>, vector<16xf32>,
    tpu.vector_store %arg10[%swap3A_1153, %swap3A_1154], %gather3A_1151 {strides = array<i32>} : memref<128x64xf32, #tpu.memory_space<vmem>>, vector<16xf32>,
    %add3A_1156 = arith.constant 32 : i32
    %add3A_1157 = vector.broadcast %add3A_1156 : i32 to vector<16xi32>
    %add3A_1158 = arith.addi %add3A_1157, %iota3A : vector<16xi32>
    %gather3A_1159 = tpu.vector_load_idx %arg9[%add3A_1158, %broadcast_in_dim3A_1139] : memref<64x128xf32, #tpu.memory_space<vmem>>[vector<16xi32>, vector<16xi32>], vector<16xf32>,
    %swap3A_1160 = arith.constant 123 : i32
    %swap3A_1161 = arith.index_cast %swap3A_1160 : i32 to index
    %swap3A_1162 = arith.constant 32 : index
    %swap3A_1163 = tpu.vector_load %arg10[%swap3A_1161, %swap3A_1162] {strides = array<i32>} : memref<128x64xf32, #tpu.memory_space<vmem>>, vector<16xf32>,
    tpu.vector_store %arg10[%swap3A_1161, %swap3A_1162], %gather3A_1159 {strides = array<i32>} : memref<128x64xf32, #tpu.memory_space<vmem>>, vector<16xf32>,
    %add3A_1164 = arith.constant 48 : i32
    %add3A_1165 = vector.broadcast %add3A_1164 : i32 to vector<16xi32>
    %add3A_1166 = arith.addi %add3A_1165, %iota3A : vector<16xi32>
    %gather3A_1167 = tpu.vector_load_idx %arg9[%add3A_1166, %broadcast_in_dim3A_1139] : memref<64x128xf32, #tpu.memory_space<vmem>>[vector<16xi32>, vector<16xi32>], vector<16xf32>,
    %swap3A_1168 = arith.constant 123 : i32
    %swap3A_1169 = arith.index_cast %swap3A_1168 : i32 to index
    %swap3A_1170 = arith.constant 48 : index
    %swap3A_1171 = tpu.vector_load %arg10[%swap3A_1169, %swap3A_1170] {strides = array<i32>} : memref<128x64xf32, #tpu.memory_space<vmem>>, vector<16xf32>,
    tpu.vector_store %arg10[%swap3A_1169, %swap3A_1170], %gather3A_1167 {strides = array<i32>} : memref<128x64xf32, #tpu.memory_space<vmem>>, vector<16xf32>,
    %slice3A_1172 = vector.extract_strided_slice %get3A_97 {offsets = [15], sizes = [1], strides = [1]} : vector<16xi32> to vector<1xi32>
    %squeeze3A_1173 = vector.extract %slice3A_1172[0] : i32 from vector<1xi32>
    %jit3A_1174 = arith.constant 128 : i32
    %div3A_1175 = arith.divsi %squeeze3A_1173, %jit3A_1174 : i32
    %sign3A_1176 = arith.constant 0 : i32
    %sign3A_1177 = arith.cmpi sgt, %squeeze3A_1173, %sign3A_1176 : i32
    %sign3A_1178 = arith.extui %sign3A_1177 : i1 to i32
    %sign3A_1179 = arith.constant 0 : i32
    %sign3A_1180 = arith.cmpi slt, %squeeze3A_1173, %sign3A_1179 : i32
    %sign3A_1181 = arith.extui %sign3A_1180 : i1 to i32
    %sign3A_1182 = arith.subi %sign3A_1178, %sign3A_1181 : i32
    %sign3A_1183 = arith.constant 0 : i32
    %sign3A_1184 = arith.cmpi sgt, %jit3A_1174, %sign3A_1183 : i32
    %sign3A_1185 = arith.extui %sign3A_1184 : i1 to i32
    %sign3A_1186 = arith.constant 0 : i32
    %sign3A_1187 = arith.cmpi slt, %jit3A_1174, %sign3A_1186 : i32
    %sign3A_1188 = arith.extui %sign3A_1187 : i1 to i32
    %sign3A_1189 = arith.subi %sign3A_1185, %sign3A_1188 : i32
    %ne3A_1190 = arith.cmpi ne, %sign3A_1182, %sign3A_1189 : i32
    %rem3A_1191 = arith.remsi %squeeze3A_1173, %jit3A_1174 : i32
    %ne3A_1192 = arith.constant 0 : i32
    %ne3A_1193 = arith.cmpi ne, %rem3A_1191, %ne3A_1192 : i32
    %and3A_1194 = arith.andi %ne3A_1190, %ne3A_1193 : i1
    %sub3A_1195 = arith.constant 1 : i32
    %sub3A_1196 = arith.subi %div3A_1175, %sub3A_1195 : i32
    %select_n3A_1197 = arith.select %and3A_1194, %sub3A_1196, %div3A_1175 : i32
    %mul3A_1198 = arith.constant 128 : i32
    %mul3A_1199 = arith.muli %select_n3A_1197, %mul3A_1198 : i32
    %multiple_of3A_1200 = tpu.assume_multiple %mul3A_1199, 128 : i32
    %dma_start3A_1201 = arith.constant 0 : i32
    %dma_start3A_1202 = tpu.memref_slice %arg3[%dma_start3A_1201, %multiple_of3A_1200] : memref<64x1000000xf32, #tpu.memory_space<hbm>> -> memref<64x128xf32, #tpu.memory_space<hbm>>
    %dma_start3A_1203 = arith.constant 0 : i32
    %dma_start3A_1204 = tpu.memref_slice %arg3[%dma_start3A_1203, %multiple_of3A_1200] : memref<64x1000000xf32, #tpu.memory_space<hbm>> -> memref<64x128xf32, #tpu.memory_space<hbm>>
    tpu.enqueue_dma source(%dma_start3A_1204 : memref<64x128xf32, #tpu.memory_space<hbm>>) target(%arg9 : memref<64x128xf32, #tpu.memory_space<vmem>>) target_semaphore(%arg14 : memref<!tpu.dma_semaphore, #tpu.memory_space<semaphore_mem>>)
    %dma_wait3A_1205 = arith.constant 0 : i32
    %dma_wait3A_1206 = arith.constant 0 : i32
    %dma_wait3A_1207 = tpu.memref_slice %arg3[%dma_wait3A_1205, %dma_wait3A_1206] : memref<64x1000000xf32, #tpu.memory_space<hbm>> -> memref<64x128xf32, #tpu.memory_space<hbm>>
    %dma_wait3A_1208 = arith.constant 0 : i32
    %dma_wait3A_1209 = arith.constant 0 : i32
    %dma_wait3A_1210 = tpu.memref_slice %arg3[%dma_wait3A_1208, %dma_wait3A_1209] : memref<64x1000000xf32, #tpu.memory_space<hbm>> -> memref<64x128xf32, #tpu.memory_space<hbm>>
    tpu.wait_dma2 semaphore(%arg11 : memref<!tpu.dma_semaphore, #tpu.memory_space<semaphore_mem>>) src(%dma_wait3A_1210 : memref<64x128xf32, #tpu.memory_space<hbm>>) dst(%arg6 : memref<64x128xf32, #tpu.memory_space<vmem>>)
    %slice3A_1211 = vector.extract_strided_slice %get3A_97 {offsets = [12], sizes = [1], strides = [1]} : vector<16xi32> to vector<1xi32>
    %squeeze3A_1212 = vector.extract %slice3A_1211[0] : i32 from vector<1xi32>
    %jit3A_1213 = arith.constant 128 : i32
    %eq3A_1214 = arith.constant 0 : i32
    %eq3A_1215 = arith.cmpi eq, %jit3A_1213, %eq3A_1214 : i32
    %jit3A_1216 = arith.constant 1 : i32
    %select_n3A_1217 = arith.select %eq3A_1215, %jit3A_1216, %jit3A_1213 : i32
    %rem3A_1218 = arith.remsi %squeeze3A_1212, %select_n3A_1217 : i32
    %ne3A_1219 = arith.constant 0 : i32
    %ne3A_1220 = arith.cmpi ne, %rem3A_1218, %ne3A_1219 : i32
    %lt3A_1221 = arith.constant 0 : i32
    %lt3A_1222 = arith.cmpi slt, %rem3A_1218, %lt3A_1221 : i32
    %lt3A_1223 = arith.constant 0 : i32
    %lt3A_1224 = arith.cmpi slt, %select_n3A_1217, %lt3A_1223 : i32
    %ne3A_1225 = arith.xori %lt3A_1222, %lt3A_1224 : i1
    %and3A_1226 = arith.andi %ne3A_1225, %ne3A_1220 : i1
    %add3A_1227 = arith.addi %rem3A_1218, %select_n3A_1217 : i32
    %select_n3A_1228 = arith.select %and3A_1226, %add3A_1227, %rem3A_1218 : i32
    %broadcast_in_dim3A_1229 = vector.broadcast %select_n3A_1228 : i32 to vector<16xi32>
    %add3A_1230 = arith.constant 0 : i32
    %add3A_1231 = vector.broadcast %add3A_1230 : i32 to vector<16xi32>
    %add3A_1232 = arith.addi %add3A_1231, %iota3A : vector<16xi32>
    %gather3A_1233 = tpu.vector_load_idx %arg6[%add3A_1232, %broadcast_in_dim3A_1229] : memref<64x128xf32, #tpu.memory_space<vmem>>[vector<16xi32>, vector<16xi32>], vector<16xf32>,
    %swap3A_1234 = arith.constant 124 : i32
    %swap3A_1235 = arith.index_cast %swap3A_1234 : i32 to index
    %swap3A_1236 = arith.constant 0 : index
    %swap3A_1237 = tpu.vector_load %arg10[%swap3A_1235, %swap3A_1236] {strides = array<i32>} : memref<128x64xf32, #tpu.memory_space<vmem>>, vector<16xf32>,
    tpu.vector_store %arg10[%swap3A_1235, %swap3A_1236], %gather3A_1233 {strides = array<i32>} : memref<128x64xf32, #tpu.memory_space<vmem>>, vector<16xf32>,
    %add3A_1238 = arith.constant 16 : i32
    %add3A_1239 = vector.broadcast %add3A_1238 : i32 to vector<16xi32>
    %add3A_1240 = arith.addi %add3A_1239, %iota3A : vector<16xi32>
    %gather3A_1241 = tpu.vector_load_idx %arg6[%add3A_1240, %broadcast_in_dim3A_1229] : memref<64x128xf32, #tpu.memory_space<vmem>>[vector<16xi32>, vector<16xi32>], vector<16xf32>,
    %swap3A_1242 = arith.constant 124 : i32
    %swap3A_1243 = arith.index_cast %swap3A_1242 : i32 to index
    %swap3A_1244 = arith.constant 16 : index
    %swap3A_1245 = tpu.vector_load %arg10[%swap3A_1243, %swap3A_1244] {strides = array<i32>} : memref<128x64xf32, #tpu.memory_space<vmem>>, vector<16xf32>,
    tpu.vector_store %arg10[%swap3A_1243, %swap3A_1244], %gather3A_1241 {strides = array<i32>} : memref<128x64xf32, #tpu.memory_space<vmem>>, vector<16xf32>,
    %add3A_1246 = arith.constant 32 : i32
    %add3A_1247 = vector.broadcast %add3A_1246 : i32 to vector<16xi32>
    %add3A_1248 = arith.addi %add3A_1247, %iota3A : vector<16xi32>
    %gather3A_1249 = tpu.vector_load_idx %arg6[%add3A_1248, %broadcast_in_dim3A_1229] : memref<64x128xf32, #tpu.memory_space<vmem>>[vector<16xi32>, vector<16xi32>], vector<16xf32>,
    %swap3A_1250 = arith.constant 124 : i32
    %swap3A_1251 = arith.index_cast %swap3A_1250 : i32 to index
    %swap3A_1252 = arith.constant 32 : index
    %swap3A_1253 = tpu.vector_load %arg10[%swap3A_1251, %swap3A_1252] {strides = array<i32>} : memref<128x64xf32, #tpu.memory_space<vmem>>, vector<16xf32>,
    tpu.vector_store %arg10[%swap3A_1251, %swap3A_1252], %gather3A_1249 {strides = array<i32>} : memref<128x64xf32, #tpu.memory_space<vmem>>, vector<16xf32>,
    %add3A_1254 = arith.constant 48 : i32
    %add3A_1255 = vector.broadcast %add3A_1254 : i32 to vector<16xi32>
    %add3A_1256 = arith.addi %add3A_1255, %iota3A : vector<16xi32>
    %gather3A_1257 = tpu.vector_load_idx %arg6[%add3A_1256, %broadcast_in_dim3A_1229] : memref<64x128xf32, #tpu.memory_space<vmem>>[vector<16xi32>, vector<16xi32>], vector<16xf32>,
    %swap3A_1258 = arith.constant 124 : i32
    %swap3A_1259 = arith.index_cast %swap3A_1258 : i32 to index
    %swap3A_1260 = arith.constant 48 : index
    %swap3A_1261 = tpu.vector_load %arg10[%swap3A_1259, %swap3A_1260] {strides = array<i32>} : memref<128x64xf32, #tpu.memory_space<vmem>>, vector<16xf32>,
    tpu.vector_store %arg10[%swap3A_1259, %swap3A_1260], %gather3A_1257 {strides = array<i32>} : memref<128x64xf32, #tpu.memory_space<vmem>>, vector<16xf32>,
    %dma_wait3A_1262 = arith.constant 0 : i32
    %dma_wait3A_1263 = arith.constant 0 : i32
    %dma_wait3A_1264 = tpu.memref_slice %arg3[%dma_wait3A_1262, %dma_wait3A_1263] : memref<64x1000000xf32, #tpu.memory_space<hbm>> -> memref<64x128xf32, #tpu.memory_space<hbm>>
    %dma_wait3A_1265 = arith.constant 0 : i32
    %dma_wait3A_1266 = arith.constant 0 : i32
    %dma_wait3A_1267 = tpu.memref_slice %arg3[%dma_wait3A_1265, %dma_wait3A_1266] : memref<64x1000000xf32, #tpu.memory_space<hbm>> -> memref<64x128xf32, #tpu.memory_space<hbm>>
    tpu.wait_dma2 semaphore(%arg12 : memref<!tpu.dma_semaphore, #tpu.memory_space<semaphore_mem>>) src(%dma_wait3A_1267 : memref<64x128xf32, #tpu.memory_space<hbm>>) dst(%arg7 : memref<64x128xf32, #tpu.memory_space<vmem>>)
    %slice3A_1268 = vector.extract_strided_slice %get3A_97 {offsets = [13], sizes = [1], strides = [1]} : vector<16xi32> to vector<1xi32>
    %squeeze3A_1269 = vector.extract %slice3A_1268[0] : i32 from vector<1xi32>
    %jit3A_1270 = arith.constant 128 : i32
    %eq3A_1271 = arith.constant 0 : i32
    %eq3A_1272 = arith.cmpi eq, %jit3A_1270, %eq3A_1271 : i32
    %jit3A_1273 = arith.constant 1 : i32
    %select_n3A_1274 = arith.select %eq3A_1272, %jit3A_1273, %jit3A_1270 : i32
    %rem3A_1275 = arith.remsi %squeeze3A_1269, %select_n3A_1274 : i32
    %ne3A_1276 = arith.constant 0 : i32
    %ne3A_1277 = arith.cmpi ne, %rem3A_1275, %ne3A_1276 : i32
    %lt3A_1278 = arith.constant 0 : i32
    %lt3A_1279 = arith.cmpi slt, %rem3A_1275, %lt3A_1278 : i32
    %lt3A_1280 = arith.constant 0 : i32
    %lt3A_1281 = arith.cmpi slt, %select_n3A_1274, %lt3A_1280 : i32
    %ne3A_1282 = arith.xori %lt3A_1279, %lt3A_1281 : i1
    %and3A_1283 = arith.andi %ne3A_1282, %ne3A_1277 : i1
    %add3A_1284 = arith.addi %rem3A_1275, %select_n3A_1274 : i32
    %select_n3A_1285 = arith.select %and3A_1283, %add3A_1284, %rem3A_1275 : i32
    %broadcast_in_dim3A_1286 = vector.broadcast %select_n3A_1285 : i32 to vector<16xi32>
    %add3A_1287 = arith.constant 0 : i32
    %add3A_1288 = vector.broadcast %add3A_1287 : i32 to vector<16xi32>
    %add3A_1289 = arith.addi %add3A_1288, %iota3A : vector<16xi32>
    %gather3A_1290 = tpu.vector_load_idx %arg7[%add3A_1289, %broadcast_in_dim3A_1286] : memref<64x128xf32, #tpu.memory_space<vmem>>[vector<16xi32>, vector<16xi32>], vector<16xf32>,
    %swap3A_1291 = arith.constant 125 : i32
    %swap3A_1292 = arith.index_cast %swap3A_1291 : i32 to index
    %swap3A_1293 = arith.constant 0 : index
    %swap3A_1294 = tpu.vector_load %arg10[%swap3A_1292, %swap3A_1293] {strides = array<i32>} : memref<128x64xf32, #tpu.memory_space<vmem>>, vector<16xf32>,
    tpu.vector_store %arg10[%swap3A_1292, %swap3A_1293], %gather3A_1290 {strides = array<i32>} : memref<128x64xf32, #tpu.memory_space<vmem>>, vector<16xf32>,
    %add3A_1295 = arith.constant 16 : i32
    %add3A_1296 = vector.broadcast %add3A_1295 : i32 to vector<16xi32>
    %add3A_1297 = arith.addi %add3A_1296, %iota3A : vector<16xi32>
    %gather3A_1298 = tpu.vector_load_idx %arg7[%add3A_1297, %broadcast_in_dim3A_1286] : memref<64x128xf32, #tpu.memory_space<vmem>>[vector<16xi32>, vector<16xi32>], vector<16xf32>,
    %swap3A_1299 = arith.constant 125 : i32
    %swap3A_1300 = arith.index_cast %swap3A_1299 : i32 to index
    %swap3A_1301 = arith.constant 16 : index
    %swap3A_1302 = tpu.vector_load %arg10[%swap3A_1300, %swap3A_1301] {strides = array<i32>} : memref<128x64xf32, #tpu.memory_space<vmem>>, vector<16xf32>,
    tpu.vector_store %arg10[%swap3A_1300, %swap3A_1301], %gather3A_1298 {strides = array<i32>} : memref<128x64xf32, #tpu.memory_space<vmem>>, vector<16xf32>,
    %add3A_1303 = arith.constant 32 : i32
    %add3A_1304 = vector.broadcast %add3A_1303 : i32 to vector<16xi32>
    %add3A_1305 = arith.addi %add3A_1304, %iota3A : vector<16xi32>
    %gather3A_1306 = tpu.vector_load_idx %arg7[%add3A_1305, %broadcast_in_dim3A_1286] : memref<64x128xf32, #tpu.memory_space<vmem>>[vector<16xi32>, vector<16xi32>], vector<16xf32>,
    %swap3A_1307 = arith.constant 125 : i32
    %swap3A_1308 = arith.index_cast %swap3A_1307 : i32 to index
    %swap3A_1309 = arith.constant 32 : index
    %swap3A_1310 = tpu.vector_load %arg10[%swap3A_1308, %swap3A_1309] {strides = array<i32>} : memref<128x64xf32, #tpu.memory_space<vmem>>, vector<16xf32>,
    tpu.vector_store %arg10[%swap3A_1308, %swap3A_1309], %gather3A_1306 {strides = array<i32>} : memref<128x64xf32, #tpu.memory_space<vmem>>, vector<16xf32>,
    %add3A_1311 = arith.constant 48 : i32
    %add3A_1312 = vector.broadcast %add3A_1311 : i32 to vector<16xi32>
    %add3A_1313 = arith.addi %add3A_1312, %iota3A : vector<16xi32>
    %gather3A_1314 = tpu.vector_load_idx %arg7[%add3A_1313, %broadcast_in_dim3A_1286] : memref<64x128xf32, #tpu.memory_space<vmem>>[vector<16xi32>, vector<16xi32>], vector<16xf32>,
    %swap3A_1315 = arith.constant 125 : i32
    %swap3A_1316 = arith.index_cast %swap3A_1315 : i32 to index
    %swap3A_1317 = arith.constant 48 : index
    %swap3A_1318 = tpu.vector_load %arg10[%swap3A_1316, %swap3A_1317] {strides = array<i32>} : memref<128x64xf32, #tpu.memory_space<vmem>>, vector<16xf32>,
    tpu.vector_store %arg10[%swap3A_1316, %swap3A_1317], %gather3A_1314 {strides = array<i32>} : memref<128x64xf32, #tpu.memory_space<vmem>>, vector<16xf32>,
    %dma_wait3A_1319 = arith.constant 0 : i32
    %dma_wait3A_1320 = arith.constant 0 : i32
    %dma_wait3A_1321 = tpu.memref_slice %arg3[%dma_wait3A_1319, %dma_wait3A_1320] : memref<64x1000000xf32, #tpu.memory_space<hbm>> -> memref<64x128xf32, #tpu.memory_space<hbm>>
    %dma_wait3A_1322 = arith.constant 0 : i32
    %dma_wait3A_1323 = arith.constant 0 : i32
    %dma_wait3A_1324 = tpu.memref_slice %arg3[%dma_wait3A_1322, %dma_wait3A_1323] : memref<64x1000000xf32, #tpu.memory_space<hbm>> -> memref<64x128xf32, #tpu.memory_space<hbm>>
    tpu.wait_dma2 semaphore(%arg13 : memref<!tpu.dma_semaphore, #tpu.memory_space<semaphore_mem>>) src(%dma_wait3A_1324 : memref<64x128xf32, #tpu.memory_space<hbm>>) dst(%arg8 : memref<64x128xf32, #tpu.memory_space<vmem>>)
    %slice3A_1325 = vector.extract_strided_slice %get3A_97 {offsets = [14], sizes = [1], strides = [1]} : vector<16xi32> to vector<1xi32>
    %squeeze3A_1326 = vector.extract %slice3A_1325[0] : i32 from vector<1xi32>
    %jit3A_1327 = arith.constant 128 : i32
    %eq3A_1328 = arith.constant 0 : i32
    %eq3A_1329 = arith.cmpi eq, %jit3A_1327, %eq3A_1328 : i32
    %jit3A_1330 = arith.constant 1 : i32
    %select_n3A_1331 = arith.select %eq3A_1329, %jit3A_1330, %jit3A_1327 : i32
    %rem3A_1332 = arith.remsi %squeeze3A_1326, %select_n3A_1331 : i32
    %ne3A_1333 = arith.constant 0 : i32
    %ne3A_1334 = arith.cmpi ne, %rem3A_1332, %ne3A_1333 : i32
    %lt3A_1335 = arith.constant 0 : i32
    %lt3A_1336 = arith.cmpi slt, %rem3A_1332, %lt3A_1335 : i32
    %lt3A_1337 = arith.constant 0 : i32
    %lt3A_1338 = arith.cmpi slt, %select_n3A_1331, %lt3A_1337 : i32
    %ne3A_1339 = arith.xori %lt3A_1336, %lt3A_1338 : i1
    %and3A_1340 = arith.andi %ne3A_1339, %ne3A_1334 : i1
    %add3A_1341 = arith.addi %rem3A_1332, %select_n3A_1331 : i32
    %select_n3A_1342 = arith.select %and3A_1340, %add3A_1341, %rem3A_1332 : i32
    %broadcast_in_dim3A_1343 = vector.broadcast %select_n3A_1342 : i32 to vector<16xi32>
    %add3A_1344 = arith.constant 0 : i32
    %add3A_1345 = vector.broadcast %add3A_1344 : i32 to vector<16xi32>
    %add3A_1346 = arith.addi %add3A_1345, %iota3A : vector<16xi32>
    %gather3A_1347 = tpu.vector_load_idx %arg8[%add3A_1346, %broadcast_in_dim3A_1343] : memref<64x128xf32, #tpu.memory_space<vmem>>[vector<16xi32>, vector<16xi32>], vector<16xf32>,
    %swap3A_1348 = arith.constant 126 : i32
    %swap3A_1349 = arith.index_cast %swap3A_1348 : i32 to index
    %swap3A_1350 = arith.constant 0 : index
    %swap3A_1351 = tpu.vector_load %arg10[%swap3A_1349, %swap3A_1350] {strides = array<i32>} : memref<128x64xf32, #tpu.memory_space<vmem>>, vector<16xf32>,
    tpu.vector_store %arg10[%swap3A_1349, %swap3A_1350], %gather3A_1347 {strides = array<i32>} : memref<128x64xf32, #tpu.memory_space<vmem>>, vector<16xf32>,
    %add3A_1352 = arith.constant 16 : i32
    %add3A_1353 = vector.broadcast %add3A_1352 : i32 to vector<16xi32>
    %add3A_1354 = arith.addi %add3A_1353, %iota3A : vector<16xi32>
    %gather3A_1355 = tpu.vector_load_idx %arg8[%add3A_1354, %broadcast_in_dim3A_1343] : memref<64x128xf32, #tpu.memory_space<vmem>>[vector<16xi32>, vector<16xi32>], vector<16xf32>,
    %swap3A_1356 = arith.constant 126 : i32
    %swap3A_1357 = arith.index_cast %swap3A_1356 : i32 to index
    %swap3A_1358 = arith.constant 16 : index
    %swap3A_1359 = tpu.vector_load %arg10[%swap3A_1357, %swap3A_1358] {strides = array<i32>} : memref<128x64xf32, #tpu.memory_space<vmem>>, vector<16xf32>,
    tpu.vector_store %arg10[%swap3A_1357, %swap3A_1358], %gather3A_1355 {strides = array<i32>} : memref<128x64xf32, #tpu.memory_space<vmem>>, vector<16xf32>,
    %add3A_1360 = arith.constant 32 : i32
    %add3A_1361 = vector.broadcast %add3A_1360 : i32 to vector<16xi32>
    %add3A_1362 = arith.addi %add3A_1361, %iota3A : vector<16xi32>
    %gather3A_1363 = tpu.vector_load_idx %arg8[%add3A_1362, %broadcast_in_dim3A_1343] : memref<64x128xf32, #tpu.memory_space<vmem>>[vector<16xi32>, vector<16xi32>], vector<16xf32>,
    %swap3A_1364 = arith.constant 126 : i32
    %swap3A_1365 = arith.index_cast %swap3A_1364 : i32 to index
    %swap3A_1366 = arith.constant 32 : index
    %swap3A_1367 = tpu.vector_load %arg10[%swap3A_1365, %swap3A_1366] {strides = array<i32>} : memref<128x64xf32, #tpu.memory_space<vmem>>, vector<16xf32>,
    tpu.vector_store %arg10[%swap3A_1365, %swap3A_1366], %gather3A_1363 {strides = array<i32>} : memref<128x64xf32, #tpu.memory_space<vmem>>, vector<16xf32>,
    %add3A_1368 = arith.constant 48 : i32
    %add3A_1369 = vector.broadcast %add3A_1368 : i32 to vector<16xi32>
    %add3A_1370 = arith.addi %add3A_1369, %iota3A : vector<16xi32>
    %gather3A_1371 = tpu.vector_load_idx %arg8[%add3A_1370, %broadcast_in_dim3A_1343] : memref<64x128xf32, #tpu.memory_space<vmem>>[vector<16xi32>, vector<16xi32>], vector<16xf32>,
    %swap3A_1372 = arith.constant 126 : i32
    %swap3A_1373 = arith.index_cast %swap3A_1372 : i32 to index
    %swap3A_1374 = arith.constant 48 : index
    %swap3A_1375 = tpu.vector_load %arg10[%swap3A_1373, %swap3A_1374] {strides = array<i32>} : memref<128x64xf32, #tpu.memory_space<vmem>>, vector<16xf32>,
    tpu.vector_store %arg10[%swap3A_1373, %swap3A_1374], %gather3A_1371 {strides = array<i32>} : memref<128x64xf32, #tpu.memory_space<vmem>>, vector<16xf32>,
    %dma_wait3A_1376 = arith.constant 0 : i32
    %dma_wait3A_1377 = arith.constant 0 : i32
    %dma_wait3A_1378 = tpu.memref_slice %arg3[%dma_wait3A_1376, %dma_wait3A_1377] : memref<64x1000000xf32, #tpu.memory_space<hbm>> -> memref<64x128xf32, #tpu.memory_space<hbm>>
    %dma_wait3A_1379 = arith.constant 0 : i32
    %dma_wait3A_1380 = arith.constant 0 : i32
    %dma_wait3A_1381 = tpu.memref_slice %arg3[%dma_wait3A_1379, %dma_wait3A_1380] : memref<64x1000000xf32, #tpu.memory_space<hbm>> -> memref<64x128xf32, #tpu.memory_space<hbm>>
    tpu.wait_dma2 semaphore(%arg14 : memref<!tpu.dma_semaphore, #tpu.memory_space<semaphore_mem>>) src(%dma_wait3A_1381 : memref<64x128xf32, #tpu.memory_space<hbm>>) dst(%arg9 : memref<64x128xf32, #tpu.memory_space<vmem>>)
    %slice3A_1382 = vector.extract_strided_slice %get3A_97 {offsets = [15], sizes = [1], strides = [1]} : vector<16xi32> to vector<1xi32>
    %squeeze3A_1383 = vector.extract %slice3A_1382[0] : i32 from vector<1xi32>
    %jit3A_1384 = arith.constant 128 : i32
    %eq3A_1385 = arith.constant 0 : i32
    %eq3A_1386 = arith.cmpi eq, %jit3A_1384, %eq3A_1385 : i32
    %jit3A_1387 = arith.constant 1 : i32
    %select_n3A_1388 = arith.select %eq3A_1386, %jit3A_1387, %jit3A_1384 : i32
    %rem3A_1389 = arith.remsi %squeeze3A_1383, %select_n3A_1388 : i32
    %ne3A_1390 = arith.constant 0 : i32
    %ne3A_1391 = arith.cmpi ne, %rem3A_1389, %ne3A_1390 : i32
    %lt3A_1392 = arith.constant 0 : i32
    %lt3A_1393 = arith.cmpi slt, %rem3A_1389, %lt3A_1392 : i32
    %lt3A_1394 = arith.constant 0 : i32
    %lt3A_1395 = arith.cmpi slt, %select_n3A_1388, %lt3A_1394 : i32
    %ne3A_1396 = arith.xori %lt3A_1393, %lt3A_1395 : i1
    %and3A_1397 = arith.andi %ne3A_1396, %ne3A_1391 : i1
    %add3A_1398 = arith.addi %rem3A_1389, %select_n3A_1388 : i32
    %select_n3A_1399 = arith.select %and3A_1397, %add3A_1398, %rem3A_1389 : i32
    %broadcast_in_dim3A_1400 = vector.broadcast %select_n3A_1399 : i32 to vector<16xi32>
    %add3A_1401 = arith.constant 0 : i32
    %add3A_1402 = vector.broadcast %add3A_1401 : i32 to vector<16xi32>
    %add3A_1403 = arith.addi %add3A_1402, %iota3A : vector<16xi32>
    %gather3A_1404 = tpu.vector_load_idx %arg9[%add3A_1403, %broadcast_in_dim3A_1400] : memref<64x128xf32, #tpu.memory_space<vmem>>[vector<16xi32>, vector<16xi32>], vector<16xf32>,
    %swap3A_1405 = arith.constant 127 : i32
    %swap3A_1406 = arith.index_cast %swap3A_1405 : i32 to index
    %swap3A_1407 = arith.constant 0 : index
    %swap3A_1408 = tpu.vector_load %arg10[%swap3A_1406, %swap3A_1407] {strides = array<i32>} : memref<128x64xf32, #tpu.memory_space<vmem>>, vector<16xf32>,
    tpu.vector_store %arg10[%swap3A_1406, %swap3A_1407], %gather3A_1404 {strides = array<i32>} : memref<128x64xf32, #tpu.memory_space<vmem>>, vector<16xf32>,
    %add3A_1409 = arith.constant 16 : i32
    %add3A_1410 = vector.broadcast %add3A_1409 : i32 to vector<16xi32>
    %add3A_1411 = arith.addi %add3A_1410, %iota3A : vector<16xi32>
    %gather3A_1412 = tpu.vector_load_idx %arg9[%add3A_1411, %broadcast_in_dim3A_1400] : memref<64x128xf32, #tpu.memory_space<vmem>>[vector<16xi32>, vector<16xi32>], vector<16xf32>,
    %swap3A_1413 = arith.constant 127 : i32
    %swap3A_1414 = arith.index_cast %swap3A_1413 : i32 to index
    %swap3A_1415 = arith.constant 16 : index
    %swap3A_1416 = tpu.vector_load %arg10[%swap3A_1414, %swap3A_1415] {strides = array<i32>} : memref<128x64xf32, #tpu.memory_space<vmem>>, vector<16xf32>,
    tpu.vector_store %arg10[%swap3A_1414, %swap3A_1415], %gather3A_1412 {strides = array<i32>} : memref<128x64xf32, #tpu.memory_space<vmem>>, vector<16xf32>,
    %add3A_1417 = arith.constant 32 : i32
    %add3A_1418 = vector.broadcast %add3A_1417 : i32 to vector<16xi32>
    %add3A_1419 = arith.addi %add3A_1418, %iota3A : vector<16xi32>
    %gather3A_1420 = tpu.vector_load_idx %arg9[%add3A_1419, %broadcast_in_dim3A_1400] : memref<64x128xf32, #tpu.memory_space<vmem>>[vector<16xi32>, vector<16xi32>], vector<16xf32>,
    %swap3A_1421 = arith.constant 127 : i32
    %swap3A_1422 = arith.index_cast %swap3A_1421 : i32 to index
    %swap3A_1423 = arith.constant 32 : index
    %swap3A_1424 = tpu.vector_load %arg10[%swap3A_1422, %swap3A_1423] {strides = array<i32>} : memref<128x64xf32, #tpu.memory_space<vmem>>, vector<16xf32>,
    tpu.vector_store %arg10[%swap3A_1422, %swap3A_1423], %gather3A_1420 {strides = array<i32>} : memref<128x64xf32, #tpu.memory_space<vmem>>, vector<16xf32>,
    %add3A_1425 = arith.constant 48 : i32
    %add3A_1426 = vector.broadcast %add3A_1425 : i32 to vector<16xi32>
    %add3A_1427 = arith.addi %add3A_1426, %iota3A : vector<16xi32>
    %gather3A_1428 = tpu.vector_load_idx %arg9[%add3A_1427, %broadcast_in_dim3A_1400] : memref<64x128xf32, #tpu.memory_space<vmem>>[vector<16xi32>, vector<16xi32>], vector<16xf32>,
    %swap3A_1429 = arith.constant 127 : i32
    %swap3A_1430 = arith.index_cast %swap3A_1429 : i32 to index
    %swap3A_1431 = arith.constant 48 : index
    %swap3A_1432 = tpu.vector_load %arg10[%swap3A_1430, %swap3A_1431] {strides = array<i32>} : memref<128x64xf32, #tpu.memory_space<vmem>>, vector<16xf32>,
    tpu.vector_store %arg10[%swap3A_1430, %swap3A_1431], %gather3A_1428 {strides = array<i32>} : memref<128x64xf32, #tpu.memory_space<vmem>>, vector<16xf32>,
    "tpu.region"() ({
      %run_scoped3A = tpu.sem_alloc : memref<!tpu.dma_semaphore, #tpu.memory_space<semaphore_mem>>
      %dma_start3A_1433 = arith.constant 0 : i32
      %dma_start3A_1434 = tpu.memref_slice %arg4[%mul3A_2, %dma_start3A_1433] : memref<4096x64xf32, #tpu.memory_space<hbm>> -> memref<128x64xf32, #tpu.memory_space<hbm>>
      %dma_start3A_1435 = arith.constant 0 : i32
      %dma_start3A_1436 = tpu.memref_slice %arg4[%mul3A_2, %dma_start3A_1435] : memref<4096x64xf32, #tpu.memory_space<hbm>> -> memref<128x64xf32, #tpu.memory_space<hbm>>
      tpu.enqueue_dma source(%arg10 : memref<128x64xf32, #tpu.memory_space<vmem>>) target(%dma_start3A_1436 : memref<128x64xf32, #tpu.memory_space<hbm>>) target_semaphore(%run_scoped3A : memref<!tpu.dma_semaphore, #tpu.memory_space<semaphore_mem>>)
      %dma_wait3A_1437 = arith.constant 0 : i32
      %dma_wait3A_1438 = tpu.memref_slice %arg4[%mul3A_2, %dma_wait3A_1437] : memref<4096x64xf32, #tpu.memory_space<hbm>> -> memref<128x64xf32, #tpu.memory_space<hbm>>
      %dma_wait3A_1439 = arith.constant 0 : i32
      %dma_wait3A_1440 = tpu.memref_slice %arg4[%mul3A_2, %dma_wait3A_1439] : memref<4096x64xf32, #tpu.memory_space<hbm>> -> memref<128x64xf32, #tpu.memory_space<hbm>>
      tpu.wait_dma2 semaphore(%run_scoped3A : memref<!tpu.dma_semaphore, #tpu.memory_space<semaphore_mem>>) src(%arg10 : memref<128x64xf32, #tpu.memory_space<vmem>>) dst(%dma_wait3A_1440 : memref<128x64xf32, #tpu.memory_space<hbm>>)
      tpu.yield
    }) : () -> ()
    return
  }
}

#map = affine_map<(d0, d1) -> (0, 0)>
#map1 = affine_map<(d0, d1) -> (0)>
module attributes {stable_mosaic.version = 14 : i64} {
  func.func @k(%arg0: i32, %arg1: i32, %arg2: memref<1600x128xi32, #tpu.memory_space<hbm>>, %arg3: memref<2097152xf32, #tpu.memory_space<hbm>>, %arg4: memref<56x128xi32, #tpu.memory_space<vmem>>, %arg5: memref<128xf32, #tpu.memory_space<vmem>>, %arg6: memref<16384xf32, #tpu.memory_space<vmem>>, %arg7: memref<1048576xf32, #tpu.memory_space<vmem_shared>>, %arg8: memref<!tpu.dma_semaphore, #tpu.memory_space<semaphore_mem>>, %arg9: memref<!tpu.dma_semaphore, #tpu.memory_space<semaphore_mem>>) attributes {dimension_semantics = [#tpu.dimension_semantics<core_parallel>, #tpu.dimension_semantics<subcore_parallel>], iteration_bounds = array<i64: 2, 16>, scalar_prefetch = 0 : i64, scratch_operands = 6 : i64, tpu.core_type = #tpu.core_type<sc_vector_subcore>, window_params = [{transform_indices = #map}, {transform_indices = #map1}]} {
    %mul3A = arith.constant 2 : i32
    %mul3A_0 = arith.muli %arg1, %mul3A : i32
    %add3A = arith.addi %mul3A_0, %arg0 : i32
    %mul3A_1 = arith.constant 56 : i32
    %mul3A_2 = arith.muli %add3A, %mul3A_1 : i32
    %add3A_3 = arith.constant 32 : i32
    %add3A_4 = arith.addi %add3A_3, %mul3A_2 : i32
    %lt3A = arith.constant 28 : i32
    %lt3A_5 = arith.cmpi slt, %add3A, %lt3A : i32
    %convert_element_type3A = arith.extui %lt3A_5 : i1 to i32
    %cond3A = arith.constant 0 : i32
    %cond3A_6 = arith.cmpi ne, %convert_element_type3A, %cond3A : i32
    scf.if %cond3A_6 {
      %dma_start3A = arith.constant 0 : i32
      %dma_start3A_41 = tpu.memref_slice %arg2[%add3A_4, %dma_start3A] : memref<1600x128xi32, #tpu.memory_space<hbm>> -> memref<56x128xi32, #tpu.memory_space<hbm>>
      %dma_start3A_42 = arith.constant 0 : i32
      %dma_start3A_43 = tpu.memref_slice %arg2[%add3A_4, %dma_start3A_42] : memref<1600x128xi32, #tpu.memory_space<hbm>> -> memref<56x128xi32, #tpu.memory_space<hbm>>
      tpu.enqueue_dma source(%dma_start3A_43 : memref<56x128xi32, #tpu.memory_space<hbm>>) target(%arg4 : memref<56x128xi32, #tpu.memory_space<vmem>>) target_semaphore(%arg8 : memref<!tpu.dma_semaphore, #tpu.memory_space<semaphore_mem>>)
    } else {
    }
    %broadcast_in_dim3A = arith.constant 0.000000e+00 : f32
    %broadcast_in_dim3A_7 = vector.broadcast %broadcast_in_dim3A : f32 to vector<16xf32>
    %scan3A = arith.constant 0 : i32
    %scan3A_8 = arith.constant 0 : i32
    %scan3A_9 = arith.constant 1024 : i32
    %scan3A_10 = arith.addi %scan3A_8, %scan3A_9 : i32
    %scan3A_11 = arith.constant 1 : i32
    %scan3A_12 = scf.for %scan3A_41 = %scan3A_8 to %scan3A_10 step %scan3A_11 iter_args(%scan3A_42 = %scan3A) -> (i32)  : i32 {
      %mul3A_43 = arith.constant 16 : i32
      %mul3A_44 = arith.muli %scan3A_41, %mul3A_43 : i32
      %swap3A = arith.index_cast %mul3A_44 : i32 to index
      %swap3A_45 = tpu.vector_load %arg6[%swap3A] {strides = array<i32>} : memref<16384xf32, #tpu.memory_space<vmem>>, vector<16xf32>,
      tpu.vector_store %arg6[%swap3A], %broadcast_in_dim3A_7 {strides = array<i32>} : memref<16384xf32, #tpu.memory_space<vmem>>, vector<16xf32>,
      %scan3A_46 = arith.constant 0 : i32
      scf.yield %scan3A_46 : i32
    }
    %scan3A_13 = arith.constant 1024 : i32
    %scan3A_14 = arith.constant 0 : i32
    %scan3A_15 = arith.constant 0 : i32
    %scan3A_16 = arith.constant 4 : i32
    %scan3A_17 = arith.addi %scan3A_15, %scan3A_16 : i32
    %scan3A_18 = arith.constant 1 : i32
    %scan3A_19 = scf.for %scan3A_41 = %scan3A_15 to %scan3A_17 step %scan3A_18 iter_args(%scan3A_42 = %scan3A_14) -> (i32)  : i32 {
      %mul3A_43 = arith.constant 65536 : i32
      %mul3A_44 = arith.muli %arg1, %mul3A_43 : i32
      %mul3A_45 = arith.constant 16384 : i32
      %mul3A_46 = arith.muli %scan3A_41, %mul3A_45 : i32
      %add3A_47 = arith.addi %mul3A_44, %mul3A_46 : i32
      "tpu.region"() ({
        %run_scoped3A = tpu.sem_alloc : memref<!tpu.dma_semaphore, #tpu.memory_space<semaphore_mem>>
        %dma_start3A = tpu.memref_slice %arg7[%add3A_47] : memref<1048576xf32, #tpu.memory_space<vmem_shared>> -> memref<16384xf32, #tpu.memory_space<vmem_shared>>
        %dma_start3A_49 = tpu.memref_slice %arg7[%add3A_47] : memref<1048576xf32, #tpu.memory_space<vmem_shared>> -> memref<16384xf32, #tpu.memory_space<vmem_shared>>
        tpu.enqueue_dma source(%arg6 : memref<16384xf32, #tpu.memory_space<vmem>>) target(%dma_start3A_49 : memref<16384xf32, #tpu.memory_space<vmem_shared>>) target_semaphore(%run_scoped3A : memref<!tpu.dma_semaphore, #tpu.memory_space<semaphore_mem>>)
        %dma_wait3A = tpu.memref_slice %arg7[%add3A_47] : memref<1048576xf32, #tpu.memory_space<vmem_shared>> -> memref<16384xf32, #tpu.memory_space<vmem_shared>>
        %dma_wait3A_50 = tpu.memref_slice %arg7[%add3A_47] : memref<1048576xf32, #tpu.memory_space<vmem_shared>> -> memref<16384xf32, #tpu.memory_space<vmem_shared>>
        tpu.wait_dma2 semaphore(%run_scoped3A : memref<!tpu.dma_semaphore, #tpu.memory_space<semaphore_mem>>) src(%arg6 : memref<16384xf32, #tpu.memory_space<vmem>>) dst(%dma_wait3A_50 : memref<16384xf32, #tpu.memory_space<vmem_shared>>)
        tpu.yield
      }) : () -> ()
      %scan3A_48 = arith.constant 0 : i32
      scf.yield %scan3A_48 : i32
    }
    %scan3A_20 = arith.constant 4 : i32
    %scan3A_21 = arith.constant 0 : i32
    %scan3A_22 = arith.constant 0 : i32
    %scan3A_23 = arith.constant 8 : i32
    %scan3A_24 = arith.addi %scan3A_22, %scan3A_23 : i32
    %scan3A_25 = arith.constant 1 : i32
    %scan3A_26 = scf.for %scan3A_41 = %scan3A_22 to %scan3A_24 step %scan3A_25 iter_args(%scan3A_42 = %scan3A_21) -> (i32)  : i32 {
      %broadcast_in_dim3A_43 = arith.constant 1.000000e+00 : f32
      %broadcast_in_dim3A_44 = vector.broadcast %broadcast_in_dim3A_43 : f32 to vector<16xf32>
      %mul3A_45 = arith.constant 16 : i32
      %mul3A_46 = arith.muli %scan3A_41, %mul3A_45 : i32
      %swap3A = arith.index_cast %mul3A_46 : i32 to index
      %swap3A_47 = tpu.vector_load %arg5[%swap3A] {strides = array<i32>} : memref<128xf32, #tpu.memory_space<vmem>>, vector<16xf32>,
      tpu.vector_store %arg5[%swap3A], %broadcast_in_dim3A_44 {strides = array<i32>} : memref<128xf32, #tpu.memory_space<vmem>>, vector<16xf32>,
      %scan3A_48 = arith.constant 0 : i32
      scf.yield %scan3A_48 : i32
    }
    %scan3A_27 = arith.constant 8 : i32
    %barrier3A = arith.constant 0 : index
    tpu.barrier barrier_id(%barrier3A)
    %lt3A_28 = arith.constant 28 : i32
    %lt3A_29 = arith.cmpi slt, %add3A, %lt3A_28 : i32
    %convert_element_type3A_30 = arith.extui %lt3A_29 : i1 to i32
    %cond3A_31 = arith.constant 0 : i32
    %cond3A_32 = arith.cmpi ne, %convert_element_type3A_30, %cond3A_31 : i32
    scf.if %cond3A_32 {
      %dma_wait3A = arith.constant 0 : i32
      %dma_wait3A_41 = tpu.memref_slice %arg2[%add3A_4, %dma_wait3A] : memref<1600x128xi32, #tpu.memory_space<hbm>> -> memref<56x128xi32, #tpu.memory_space<hbm>>
      %dma_wait3A_42 = arith.constant 0 : i32
      %dma_wait3A_43 = tpu.memref_slice %arg2[%add3A_4, %dma_wait3A_42] : memref<1600x128xi32, #tpu.memory_space<hbm>> -> memref<56x128xi32, #tpu.memory_space<hbm>>
      tpu.wait_dma2 semaphore(%arg8 : memref<!tpu.dma_semaphore, #tpu.memory_space<semaphore_mem>>) src(%dma_wait3A_43 : memref<56x128xi32, #tpu.memory_space<hbm>>) dst(%arg4 : memref<56x128xi32, #tpu.memory_space<vmem>>)
      %scan3A_44 = arith.constant 0 : i32
      %scan3A_45 = arith.constant 0 : i32
      %scan3A_46 = arith.constant 56 : i32
      %scan3A_47 = arith.addi %scan3A_45, %scan3A_46 : i32
      %scan3A_48 = arith.constant 1 : i32
      %scan3A_49 = scf.for %scan3A_58 = %scan3A_45 to %scan3A_47 step %scan3A_48 iter_args(%scan3A_59 = %scan3A_44) -> (i32)  : i32 {
        %dma_start3A = arith.constant 0 : i32
        %dma_start3A_60 = tpu.memref_slice %arg4[%scan3A_58, %dma_start3A] : memref<56x128xi32, #tpu.memory_space<vmem>> -> memref<1x128xi32, #tpu.memory_space<vmem>>
        %dma_start3A_61 = tpu.memref_squeeze %dma_start3A_60 : memref<1x128xi32, #tpu.memory_space<vmem>> -> memref<128xi32, #tpu.memory_space<vmem>>
        %dma_start3A_62 = arith.constant 0 : i32
        %dma_start3A_63 = tpu.memref_slice %arg7[%dma_start3A_62] : memref<1048576xf32, #tpu.memory_space<vmem_shared>> -> memref<1048576xf32, #tpu.memory_space<vmem_shared>>
        tpu.enqueue_indirect_dma source(%arg5 : memref<128xf32, #tpu.memory_space<vmem>>) target(%dma_start3A_63 : memref<1048576xf32, #tpu.memory_space<vmem_shared>>) offsets(%dma_start3A_61 : memref<128xi32, #tpu.memory_space<vmem>>) semaphore(%arg9 : memref<!tpu.dma_semaphore, #tpu.memory_space<semaphore_mem>>) {add = true}
        %ge3A = arith.constant 8 : i32
        %ge3A_64 = arith.cmpi sge, %scan3A_58, %ge3A : i32
        %convert_element_type3A_65 = arith.extui %ge3A_64 : i1 to i32
        %cond3A_66 = arith.constant 0 : i32
        %cond3A_67 = arith.cmpi ne, %convert_element_type3A_65, %cond3A_66 : i32
        scf.if %cond3A_67 {
          %dma_wait3A_69 = arith.constant 0 : i32
          %dma_wait3A_70 = arith.constant 0 : i32
          %dma_wait3A_71 = tpu.memref_slice %arg4[%dma_wait3A_69, %dma_wait3A_70] : memref<56x128xi32, #tpu.memory_space<vmem>> -> memref<1x128xi32, #tpu.memory_space<vmem>>
          %dma_wait3A_72 = tpu.memref_squeeze %dma_wait3A_71 : memref<1x128xi32, #tpu.memory_space<vmem>> -> memref<128xi32, #tpu.memory_space<vmem>>
          %dma_wait3A_73 = arith.constant 0 : i32
          %dma_wait3A_74 = tpu.memref_slice %arg7[%dma_wait3A_73] : memref<1048576xf32, #tpu.memory_space<vmem_shared>> -> memref<1048576xf32, #tpu.memory_space<vmem_shared>>
          tpu.wait_indirect_dma semaphore(%arg9 : memref<!tpu.dma_semaphore, #tpu.memory_space<semaphore_mem>>) src(%arg5 : memref<128xf32, #tpu.memory_space<vmem>>) dst(%dma_wait3A_74 : memref<1048576xf32, #tpu.memory_space<vmem_shared>>)
        } else {
        }
        %scan3A_68 = arith.constant 0 : i32
        scf.yield %scan3A_68 : i32
      }
      %scan3A_50 = arith.constant 56 : i32
      %scan3A_51 = arith.constant 0 : i32
      %scan3A_52 = arith.constant 0 : i32
      %scan3A_53 = arith.constant 8 : i32
      %scan3A_54 = arith.addi %scan3A_52, %scan3A_53 : i32
      %scan3A_55 = arith.constant 1 : i32
      %scan3A_56 = scf.for %scan3A_58 = %scan3A_52 to %scan3A_54 step %scan3A_55 iter_args(%scan3A_59 = %scan3A_51) -> (i32)  : i32 {
        %dma_wait3A_60 = arith.constant 0 : i32
        %dma_wait3A_61 = arith.constant 0 : i32
        %dma_wait3A_62 = tpu.memref_slice %arg4[%dma_wait3A_60, %dma_wait3A_61] : memref<56x128xi32, #tpu.memory_space<vmem>> -> memref<1x128xi32, #tpu.memory_space<vmem>>
        %dma_wait3A_63 = tpu.memref_squeeze %dma_wait3A_62 : memref<1x128xi32, #tpu.memory_space<vmem>> -> memref<128xi32, #tpu.memory_space<vmem>>
        %dma_wait3A_64 = arith.constant 0 : i32
        %dma_wait3A_65 = tpu.memref_slice %arg7[%dma_wait3A_64] : memref<1048576xf32, #tpu.memory_space<vmem_shared>> -> memref<1048576xf32, #tpu.memory_space<vmem_shared>>
        tpu.wait_indirect_dma semaphore(%arg9 : memref<!tpu.dma_semaphore, #tpu.memory_space<semaphore_mem>>) src(%arg5 : memref<128xf32, #tpu.memory_space<vmem>>) dst(%dma_wait3A_65 : memref<1048576xf32, #tpu.memory_space<vmem_shared>>)
        %scan3A_66 = arith.constant 0 : i32
        scf.yield %scan3A_66 : i32
      }
      %scan3A_57 = arith.constant 8 : i32
    } else {
    }
    %barrier3A_33 = arith.constant 0 : index
    tpu.barrier barrier_id(%barrier3A_33)
    %mul3A_34 = arith.constant 65536 : i32
    %mul3A_35 = arith.muli %arg1, %mul3A_34 : i32
    %mul3A_36 = arith.constant 1048576 : i32
    %mul3A_37 = arith.muli %arg0, %mul3A_36 : i32
    %mul3A_38 = arith.constant 65536 : i32
    %mul3A_39 = arith.muli %arg1, %mul3A_38 : i32
    %add3A_40 = arith.addi %mul3A_37, %mul3A_39 : i32
    "tpu.region"() ({
      %run_scoped3A = tpu.sem_alloc : memref<!tpu.dma_semaphore, #tpu.memory_space<semaphore_mem>>
      %dma_start3A = tpu.memref_slice %arg3[%add3A_40] : memref<2097152xf32, #tpu.memory_space<hbm>> -> memref<65536xf32, #tpu.memory_space<hbm>>
      %dma_start3A_41 = tpu.memref_slice %arg7[%mul3A_35] : memref<1048576xf32, #tpu.memory_space<vmem_shared>> -> memref<65536xf32, #tpu.memory_space<vmem_shared>>
      tpu.enqueue_dma source(%dma_start3A_41 : memref<65536xf32, #tpu.memory_space<vmem_shared>>) target(%dma_start3A : memref<65536xf32, #tpu.memory_space<hbm>>) target_semaphore(%run_scoped3A : memref<!tpu.dma_semaphore, #tpu.memory_space<semaphore_mem>>)
      %dma_wait3A = tpu.memref_slice %arg3[%add3A_40] : memref<2097152xf32, #tpu.memory_space<hbm>> -> memref<65536xf32, #tpu.memory_space<hbm>>
      %dma_wait3A_42 = tpu.memref_slice %arg7[%mul3A_35] : memref<1048576xf32, #tpu.memory_space<vmem_shared>> -> memref<65536xf32, #tpu.memory_space<vmem_shared>>
      tpu.wait_dma2 semaphore(%run_scoped3A : memref<!tpu.dma_semaphore, #tpu.memory_space<semaphore_mem>>) src(%dma_wait3A_42 : memref<65536xf32, #tpu.memory_space<vmem_shared>>) dst(%dma_wait3A : memref<65536xf32, #tpu.memory_space<hbm>>)
      tpu.yield
    }) : () -> ()
    return
  }
}

module attributes {stable_mosaic.version = 14 : i64} {
  func.func @mv(%arg0: i32, %arg1: memref<64x32768xf32, #tpu.memory_space<vmem>>, %arg2: memref<1x32768xf32, #tpu.memory_space<vmem>>, %arg3: memref<1x32768xf32, #tpu.memory_space<vmem>>, %arg4: memref<1x64xf32, #tpu.memory_space<vmem>>) attributes {dimension_semantics = [#tpu.dimension_semantics<arbitrary>], iteration_bounds = array<i64: 31>, scalar_prefetch = 0 : i64, scratch_operands = 0 : i64, tpu.core_type = #tpu.core_type<tc>, window_params = [{transform_indices = @transform_0, window_bounds = array<i64: 64, 32768>}, {transform_indices = @transform_1, window_bounds = array<i64: 1, 32768>}, {transform_indices = @transform_2, window_bounds = array<i64: 1, 32768>}, {pipeline_mode = #tpu.pipeline_mode<synchronous>, transform_indices = @transform_3, window_bounds = array<i64: 1, 64>}]} {
    %eq3A = arith.constant 0 : i32
    %eq3A_0 = arith.cmpi eq, %arg0, %eq3A : i32
    %convert_element_type3A = arith.extui %eq3A_0 : i1 to i32
    %cond3A = arith.constant 0 : i32
    %cond3A_1 = arith.cmpi ne, %convert_element_type3A, %cond3A : i32
    scf.if %cond3A_1 {
      %broadcast_in_dim3A = arith.constant 0.000000e+00 : f32
      %broadcast_in_dim3A_16 = vector.broadcast %broadcast_in_dim3A : f32 to vector<1x64xf32>
      %swap3A = arith.constant 0 : index
      %swap3A_17 = arith.constant 0 : index
      %swap3A_18 = vector.load %arg4[%swap3A, %swap3A_17] : memref<1x64xf32, #tpu.memory_space<vmem>>, vector<1x64xf32>
      tpu.vector_store %arg4[%swap3A, %swap3A_17], %broadcast_in_dim3A_16 {strides = array<i32>} : memref<1x64xf32, #tpu.memory_space<vmem>>, vector<1x64xf32>,
    } else {
    }
    %get3A = arith.constant 0 : index
    %get3A_2 = arith.constant 0 : index
    %get3A_3 = vector.load %arg2[%get3A, %get3A_2] : memref<1x32768xf32, #tpu.memory_space<vmem>>, vector<1x32768xf32>
    %get3A_4 = arith.constant 0 : index
    %get3A_5 = arith.constant 0 : index
    %get3A_6 = vector.load %arg3[%get3A_4, %get3A_5] : memref<1x32768xf32, #tpu.memory_space<vmem>>, vector<1x32768xf32>
    %add3A = arith.addf %get3A_3, %get3A_6 : vector<1x32768xf32>
    %lt3A = arith.constant 30 : i32
    %lt3A_7 = arith.cmpi slt, %arg0, %lt3A : i32
    %convert_element_type3A_8 = arith.extui %lt3A_7 : i1 to i32
    %cond3A_9 = arith.constant 0 : i32
    %cond3A_10 = arith.cmpi ne, %convert_element_type3A_8, %cond3A_9 : i32
    scf.if %cond3A_10 {
      %get3A_16 = arith.constant 0 : index
      %get3A_17 = arith.constant 0 : index
      %get3A_18 = vector.load %arg4[%get3A_16, %get3A_17] : memref<1x64xf32, #tpu.memory_space<vmem>>, vector<1x64xf32>
      %get3A_19 = arith.constant 0 : index
      %get3A_20 = arith.constant 0 : index
      %get3A_21 = vector.load %arg1[%get3A_19, %get3A_20] : memref<64x32768xf32, #tpu.memory_space<vmem>>, vector<64x32768xf32>
      %dot_general3A = arith.constant dense<0.000000e+00> : vector<1x64xf32>
      %dot_general3A_22 = tpu.matmul %add3A, %get3A_21, %dot_general3A {dimension_numbers = #tpu.dot_dimension_numbers<[1], [1], [0], [0], [0, 0, 1, 0], [], []>, transpose_lhs_hint = false} : vector<1x32768xf32>, vector<64x32768xf32>, vector<1x64xf32> -> vector<1x64xf32>
      %add3A_23 = arith.addf %get3A_18, %dot_general3A_22 : vector<1x64xf32>
      %swap3A = arith.constant 0 : index
      %swap3A_24 = arith.constant 0 : index
      %swap3A_25 = vector.load %arg4[%swap3A, %swap3A_24] : memref<1x64xf32, #tpu.memory_space<vmem>>, vector<1x64xf32>
      tpu.vector_store %arg4[%swap3A, %swap3A_24], %add3A_23 {strides = array<i32>} : memref<1x64xf32, #tpu.memory_space<vmem>>, vector<1x64xf32>,
    } else {
    }
    %eq3A_11 = arith.constant 30 : i32
    %eq3A_12 = arith.cmpi eq, %arg0, %eq3A_11 : i32
    %convert_element_type3A_13 = arith.extui %eq3A_12 : i1 to i32
    %cond3A_14 = arith.constant 0 : i32
    %cond3A_15 = arith.cmpi ne, %convert_element_type3A_13, %cond3A_14 : i32
    scf.if %cond3A_15 {
      %mul3A = arith.constant 32768 : i32
      %mul3A_16 = arith.muli %arg0, %mul3A : i32
      %iota3A = tpu.iota {dimensions = array<i32: 1>} : vector<64x32768xi32>
      %add3A_17 = vector.broadcast %mul3A_16 : i32 to vector<64x32768xi32>
      %add3A_18 = arith.addi %add3A_17, %iota3A : vector<64x32768xi32>
      %lt3A_19 = arith.constant 1000000 : i32
      %lt3A_20 = vector.broadcast %lt3A_19 : i32 to vector<64x32768xi32>
      %lt3A_21 = arith.cmpi slt, %add3A_18, %lt3A_20 : vector<64x32768xi32>
      %get3A_22 = arith.constant 0 : index
      %get3A_23 = arith.constant 0 : index
      %get3A_24 = vector.load %arg1[%get3A_22, %get3A_23] : memref<64x32768xf32, #tpu.memory_space<vmem>>, vector<64x32768xf32>
      %jit3A = arith.constant 0.000000e+00 : f32
      %broadcast_in_dim3A = vector.broadcast %jit3A : f32 to vector<64x32768xf32>
      %select_n3A = arith.select %lt3A_21, %get3A_24, %broadcast_in_dim3A : vector<64x32768xi1>, vector<64x32768xf32>
      %get3A_25 = arith.constant 0 : index
      %get3A_26 = arith.constant 0 : index
      %get3A_27 = vector.load %arg4[%get3A_25, %get3A_26] : memref<1x64xf32, #tpu.memory_space<vmem>>, vector<1x64xf32>
      %dot_general3A = arith.constant dense<0.000000e+00> : vector<1x64xf32>
      %dot_general3A_28 = tpu.matmul %add3A, %select_n3A, %dot_general3A {dimension_numbers = #tpu.dot_dimension_numbers<[1], [1], [0], [0], [0, 0, 1, 0], [], []>, transpose_lhs_hint = false} : vector<1x32768xf32>, vector<64x32768xf32>, vector<1x64xf32> -> vector<1x64xf32>
      %add3A_29 = arith.addf %get3A_27, %dot_general3A_28 : vector<1x64xf32>
      %swap3A = arith.constant 0 : index
      %swap3A_30 = arith.constant 0 : index
      %swap3A_31 = vector.load %arg4[%swap3A, %swap3A_30] : memref<1x64xf32, #tpu.memory_space<vmem>>, vector<1x64xf32>
      tpu.vector_store %arg4[%swap3A, %swap3A_30], %add3A_29 {strides = array<i32>} : memref<1x64xf32, #tpu.memory_space<vmem>>, vector<1x64xf32>,
    } else {
    }
    return
  }
  func.func @transform_0(%arg0: i32) -> (i32, i32) {
    %c0_i32 = arith.constant 0 : i32
    %c0_i32_0 = arith.constant 0 : i32
    return %c0_i32, %arg0 : i32, i32
  }
  func.func @transform_1(%arg0: i32) -> (i32, i32) {
    %c0_i32 = arith.constant 0 : i32
    %c0_i32_0 = arith.constant 0 : i32
    return %c0_i32, %arg0 : i32, i32
  }
  func.func @transform_2(%arg0: i32) -> (i32, i32) {
    %add3A = arith.constant 32 : i32
    %add3A_0 = arith.addi %add3A, %arg0 : i32
    %c0_i32 = arith.constant 0 : i32
    %c0_i32_1 = arith.constant 0 : i32
    return %c0_i32, %add3A_0 : i32, i32
  }
  func.func @transform_3(%arg0: i32) -> (i32, i32) {
    %c0_i32 = arith.constant 0 : i32
    %c0_i32_0 = arith.constant 0 : i32
    %c0_i32_1 = arith.constant 0 : i32
    return %c0_i32, %c0_i32_0 : i32, i32
  }
}

module attributes {stable_mosaic.version = 14 : i64} {
  func.func @mlp(%arg0: memref<4096x64xf32, #tpu.memory_space<vmem>>, %arg1: memref<1x64xf32, #tpu.memory_space<vmem>>, %arg2: memref<64x512xf32, #tpu.memory_space<vmem>>, %arg3: memref<1x512xf32, #tpu.memory_space<vmem>>, %arg4: memref<512x256xf32, #tpu.memory_space<vmem>>, %arg5: memref<1x256xf32, #tpu.memory_space<vmem>>, %arg6: memref<16x256xf32, #tpu.memory_space<vmem>>, %arg7: memref<1x16xf32, #tpu.memory_space<vmem>>, %arg8: memref<16x4096xf32, #tpu.memory_space<vmem>>) attributes {dimension_semantics = [], scalar_prefetch = 0 : i64, scratch_operands = 0 : i64, tpu.core_type = #tpu.core_type<tc>} {
    %get3A = arith.constant 0 : index
    %get3A_0 = arith.constant 0 : index
    %get3A_1 = vector.load %arg0[%get3A, %get3A_0] : memref<4096x64xf32, #tpu.memory_space<vmem>>, vector<4096x64xf32>
    %slice3A = vector.extract_strided_slice %get3A_1 {offsets = [4095, 0], sizes = [1, 64], strides = [1, 1]} : vector<4096x64xf32> to vector<1x64xf32>
    %get3A_2 = arith.constant 0 : index
    %get3A_3 = arith.constant 0 : index
    %get3A_4 = vector.load %arg1[%get3A_2, %get3A_3] : memref<1x64xf32, #tpu.memory_space<vmem>>, vector<1x64xf32>
    %add3A = arith.addf %slice3A, %get3A_4 : vector<1x64xf32>
    %mul3A = arith.constant 4.98243708E-6 : f32
    %mul3A_5 = vector.broadcast %mul3A : f32 to vector<1x64xf32>
    %mul3A_6 = arith.mulf %add3A, %mul3A_5 : vector<1x64xf32>
    %iota3A = tpu.iota {dimensions = array<i32: 0>} : vector<4096x1xi32>
    %eq3A = arith.constant 4095 : i32
    %eq3A_7 = vector.broadcast %eq3A : i32 to vector<4096x1xi32>
    %eq3A_8 = arith.cmpi eq, %iota3A, %eq3A_7 : vector<4096x1xi32>
    %broadcast_in_dim3A = vector.shape_cast %eq3A_8 : vector<4096x1xi1> to vector<4096x1xi1>
    %broadcast_in_dim3A_9 = vector.broadcast %broadcast_in_dim3A : vector<4096x1xi1> to vector<4096x64xi1>
    %broadcast_in_dim3A_10 = vector.shape_cast %mul3A_6 : vector<1x64xf32> to vector<1x64xf32>
    %broadcast_in_dim3A_11 = vector.broadcast %broadcast_in_dim3A_10 : vector<1x64xf32> to vector<4096x64xf32>
    %select_n3A = arith.select %broadcast_in_dim3A_9, %broadcast_in_dim3A_11, %get3A_1 : vector<4096x64xi1>, vector<4096x64xf32>
    %get3A_12 = arith.constant 0 : index
    %get3A_13 = arith.constant 0 : index
    %get3A_14 = vector.load %arg2[%get3A_12, %get3A_13] : memref<64x512xf32, #tpu.memory_space<vmem>>, vector<64x512xf32>
    %dot_general3A = arith.constant dense<0.000000e+00> : vector<4096x512xf32>
    %dot_general3A_15 = tpu.matmul %select_n3A, %get3A_14, %dot_general3A {dimension_numbers = #tpu.dot_dimension_numbers<[1], [0], [0], [1], [0, 0, 1, 1], [], []>, transpose_lhs_hint = false} : vector<4096x64xf32>, vector<64x512xf32>, vector<4096x512xf32> -> vector<4096x512xf32>
    %get3A_16 = arith.constant 0 : index
    %get3A_17 = arith.constant 0 : index
    %get3A_18 = vector.load %arg3[%get3A_16, %get3A_17] : memref<1x512xf32, #tpu.memory_space<vmem>>, vector<1x512xf32>
    %add3A_19 = vector.broadcast %get3A_18 : vector<1x512xf32> to vector<4096x512xf32>
    %add3A_20 = arith.addf %dot_general3A_15, %add3A_19 : vector<4096x512xf32>
    %max3A = arith.constant 0.000000e+00 : f32
    %max3A_21 = vector.broadcast %max3A : f32 to vector<4096x512xf32>
    %max3A_22 = arith.maximumf %add3A_20, %max3A_21 : vector<4096x512xf32>
    %get3A_23 = arith.constant 0 : index
    %get3A_24 = arith.constant 0 : index
    %get3A_25 = vector.load %arg4[%get3A_23, %get3A_24] : memref<512x256xf32, #tpu.memory_space<vmem>>, vector<512x256xf32>
    %dot_general3A_26 = arith.constant dense<0.000000e+00> : vector<4096x256xf32>
    %dot_general3A_27 = tpu.matmul %max3A_22, %get3A_25, %dot_general3A_26 {dimension_numbers = #tpu.dot_dimension_numbers<[1], [0], [0], [1], [0, 0, 1, 1], [], []>, transpose_lhs_hint = false} : vector<4096x512xf32>, vector<512x256xf32>, vector<4096x256xf32> -> vector<4096x256xf32>
    %get3A_28 = arith.constant 0 : index
    %get3A_29 = arith.constant 0 : index
    %get3A_30 = vector.load %arg5[%get3A_28, %get3A_29] : memref<1x256xf32, #tpu.memory_space<vmem>>, vector<1x256xf32>
    %add3A_31 = vector.broadcast %get3A_30 : vector<1x256xf32> to vector<4096x256xf32>
    %add3A_32 = arith.addf %dot_general3A_27, %add3A_31 : vector<4096x256xf32>
    %max3A_33 = arith.constant 0.000000e+00 : f32
    %max3A_34 = vector.broadcast %max3A_33 : f32 to vector<4096x256xf32>
    %max3A_35 = arith.maximumf %add3A_32, %max3A_34 : vector<4096x256xf32>
    %get3A_36 = arith.constant 0 : index
    %get3A_37 = arith.constant 0 : index
    %get3A_38 = vector.load %arg6[%get3A_36, %get3A_37] : memref<16x256xf32, #tpu.memory_space<vmem>>, vector<16x256xf32>
    %dot_general3A_39 = arith.constant dense<0.000000e+00> : vector<4096x16xf32>
    %dot_general3A_40 = tpu.matmul %max3A_35, %get3A_38, %dot_general3A_39 {dimension_numbers = #tpu.dot_dimension_numbers<[1], [1], [0], [0], [0, 0, 1, 0], [], []>, transpose_lhs_hint = false} : vector<4096x256xf32>, vector<16x256xf32>, vector<4096x16xf32> -> vector<4096x16xf32>
    %get3A_41 = arith.constant 0 : index
    %get3A_42 = arith.constant 0 : index
    %get3A_43 = vector.load %arg7[%get3A_41, %get3A_42] : memref<1x16xf32, #tpu.memory_space<vmem>>, vector<1x16xf32>
    %add3A_44 = vector.broadcast %get3A_43 : vector<1x16xf32> to vector<4096x16xf32>
    %add3A_45 = arith.addf %dot_general3A_40, %add3A_44 : vector<4096x16xf32>
    %transpose3A = tpu.transpose %add3A_45, [1, 0] : vector<4096x16xf32> -> vector<16x4096xf32>
    %swap3A = arith.constant 0 : index
    %swap3A_46 = arith.constant 0 : index
    %swap3A_47 = vector.load %arg8[%swap3A, %swap3A_46] : memref<16x4096xf32, #tpu.memory_space<vmem>>, vector<16x4096xf32>
    tpu.vector_store %arg8[%swap3A, %swap3A_46], %transpose3A {strides = array<i32>} : memref<16x4096xf32, #tpu.memory_space<vmem>>, vector<16x4096xf32>,
    return
  }
}

</mosaic_0001>

<sc_bundles>
// kernel: kernel.6.cloned.1.call-start
scs
__scs_entry_jumppad:
0x0: {  	(pc) =	sbr.rel $0x88, $3  }
0x1: {  	(tag) =	ssettag $0x0;
	lr =	simm.s32 $0x1  }
0x2: {  	[smem:$0x3F99] =	sst lr;
	_ =	strace $0xD0000000  }
0x3: {  	_ = 	snop  }
0x4: {  	_ = 	snop  }
0x5: {  	_ = 	snop  }
0x6: {  	_ = 	snop  }
0x7: {  	_ = 	snop  }
__scs_overlays_trampoline_lowered:
0x8: {  	[smem:$0x3FA8] =	sst s0  }
0x9: {  	[smem:$0x3FA9] =	sst s1  }
0xa: {  	[smem:$0x3FAA] =	sst s2  }
0xb: {  	[smem:$0x3FAB] =	sst s3  }
0xc: {  	[smem:$0x3FAC] =	sst s4  }
0xd: {  	[smem:$0x3FAD] =	sst s5  }
0xe: {  	[smem:$0x3FAE] =	sst s6  }
0xf: {  	[smem:$0x3FAF] =	sst s7  }
0x10: {  	[smem:$0x3FB0] =	sst s8  }
0x11: {  	[smem:$0x3FB1] =	sst s9;
	s0 =	simm.s32 @!p0 $0x0  }
0x12: {  	s1 =	sld [smem:$0x3F97];
	s0 =	simm.s32 @p0 $0x1  }
0x13: {  	[smem:$0x3FB2] =	sst s0;
	s0 =	simm.s32 @!p1 $0x0  }
0x14: {  	s2 =	sld [smem:$0x3F96];
	s0 =	simm.s32 @p1 $0x1  }
0x15: {  	[smem:$0x3FB3] =	sst s0;
	s0 =	simm.s32 @!p2 $0x0  }
0x16: {  	s3 =	sld [smem:$0x3FDB];
	s0 =	simm.s32 @p2 $0x1  }
0x17: {  	s4 =	simm.s32 $0x1BF5;
	[smem:$0x3FB5] =	sst s0  }
0x18: {  	s0 =	sld [smem:$0x3F98];
	_ =	swait.ge [sflag:s4], $0x0  }
0x19: {  	s7 =	sld [smem:$0x3F99]  }
0x1a: {  	s8 =	sadd.s32 $0xFFFFE003, lr  }
0x1b: {  	s9 =	sadd.s32 $0xFFFFFEF7, lr;
	s5 =	simm.s32 $0xFFFFFFFF;
	p2 =	slt.u32 s8, $0xFFFFF086  }
0x1c: {  	p1 =	slt.u32 s9, $0xF7A;
	s5 =	simm.s32 @!p2 $0x0  }
0x1d: {  	s5 =	simm.s32 @p1 $0x1;
	p0 =	seq.s32 s7, s2  }
0x1e: {  	s7 =	smul.u32 @!p0 $0xF7A, s2;
	p2 =	seq.s32 @!p0 s5, $0x0  }
0x1f: {  	s9 =	smul.u32 $0xF7A, s1;
	s8 =	simm.s32 @!p0 $0x1BF5;
	p2 =	por !p2, p0  }
0x20: {  	[sflag:s8] =	ssyncset.s32 @!p0 $0xFFFFF086;
	s6 =	sadd.s32 @!p0 s3, s7;
	s7 =	simm.s32 @!p0 $0x108  }
0x21: {  	s3 =	sadd.s32 s3, s9;
	s6 =	sadd.s32 @!p0 $0x88, s6;
	s7 =	simm.s32 @p2 $0x1082  }
0x22: {  	[simem:s7], [sflag:s8] =	dma.local @!p0 [hbm:s6], $0xF7A  }
0x23: {  	s9 =	sor.u32 $0xD0000000, s2;
	s6 =	simm.s32 $0x108;
	_ =	swait.ge @!p0 [sflag:s8], $0x0  }
0x24: {  	s3 =	sadd.s32 $0x88, s3;
	s6 =	simm.s32 @!p1 $0x1082;
	[sflag:s4] =	ssyncset.s32 $0xFFFFF086  }
0x25: {  	[simem:s6], [sflag:s4] =	dma.local [hbm:s3], $0xF7A  }
0x26: {  	[smem:$0x3F99] =	sst s1;
	(tag) =	ssettag s2;
	_ =	strace s9  }
0x27: {  	s1 =	sld [smem:$0x3FA9]  }
0x28: {  	s2 =	sld [smem:$0x3FAA]  }
0x29: {  	s4 =	sld [smem:$0x3FAC]  }
0x2a: {  	p0 =	seq.s32 s5, $0x0;
	s5 =	sld [smem:$0x3FAD]  }
0x2b: {  	s6 =	sld [smem:$0x3FAE]  }
0x2c: {  	s7 =	sld [smem:$0x3FAF]  }
0x2d: {  	s3 =	simm.s32 $0x108;
	s8 =	sld [smem:$0x3FB0]  }
0x2e: {  	s3 =	simm.s32 @!p0 $0x1082;
	s9 =	sld [smem:$0x3FB1]  }
0x2f: {  	lr =	sadd.s32 s0, s3;
	s0 =	sld [smem:$0x3FA8]  }
0x30: {  	s3 =	sld [smem:$0x3FAB]  }
0x31: {  	[smem:$0x3FB4] =	sst s10  }
0x32: {  	s10 =	sld [smem:$0x3FB2];
	_ =	sdelay $0x3  }
0x33: {  	p0 =	seq.s32 s10, $0x1;
	s10 =	sld [smem:$0x3FB4];
	_ =	sdelay $0x3  }
0x34: {  	[smem:$0x3FB4] =	sst s10  }
0x35: {  	s10 =	sld [smem:$0x3FB3];
	_ =	sdelay $0x3  }
0x36: {  	p1 =	seq.s32 s10, $0x1;
	s10 =	sld [smem:$0x3FB4];
	_ =	sdelay $0x3  }
0x37: {  	[smem:$0x3FB4] =	sst s10  }
0x38: {  	s10 =	sld [smem:$0x3FB5]  }
0x39: {  	_ = 	snop;
	(pc) =	sbr.ind lr, $3  }
0x3a: {  	_ = 	snop  }
0x3b: {  	_ = 	snop  }
0x3c: {  	p2 =	seq.s32 s10, $0x1;
	s10 =	sld [smem:$0x3FB4]  }
0x3d: {  	_ =	shalt  }
0x3e: {  	_ =	shalt  }
0x3f: {  	_ =	shalt  }
0x40: {  	_ =	shalt  }
0x41: {  	_ =	shalt  }
0x42: {  	_ =	shalt  }
0x43: {  	_ =	shalt  }
0x44: {  	_ =	shalt  }
0x45: {  	_ =	shalt  }
0x46: {  	_ =	shalt  }
0x47: {  	_ =	shalt  }
0x48: {  	_ =	shalt  }
0x49: {  	_ =	shalt  }
0x4a: {  	_ =	shalt  }
0x4b: {  	_ =	shalt  }
0x4c: {  	_ =	shalt  }
0x4d: {  	_ =	shalt  }
0x4e: {  	_ =	shalt  }
0x4f: {  	_ =	shalt  }
0x50: {  	_ =	shalt  }
0x51: {  	_ =	shalt  }
0x52: {  	_ =	shalt  }
0x53: {  	_ =	shalt  }
0x54: {  	_ =	shalt  }
0x55: {  	_ =	shalt  }
0x56: {  	_ =	shalt  }
0x57: {  	_ =	shalt  }
0x58: {  	_ =	shalt  }
0x59: {  	_ =	shalt  }
0x5a: {  	_ =	shalt  }
0x5b: {  	_ =	shalt  }
0x5c: {  	_ =	shalt  }
0x5d: {  	_ =	shalt  }
0x5e: {  	_ =	shalt  }
0x5f: {  	_ =	shalt  }
0x60: {  	_ =	shalt  }
0x61: {  	_ =	shalt  }
0x62: {  	_ =	shalt  }
0x63: {  	_ =	shalt  }
0x64: {  	_ =	shalt  }
0x65: {  	_ =	shalt  }
0x66: {  	_ =	shalt  }
0x67: {  	_ =	shalt  }
0x68: {  	_ =	shalt  }
0x69: {  	_ =	shalt  }
0x6a: {  	_ =	shalt  }
0x6b: {  	_ =	shalt  }
0x6c: {  	_ =	shalt  }
0x6d: {  	_ =	shalt  }
0x6e: {  	_ =	shalt  }
0x6f: {  	_ =	shalt  }
0x70: {  	_ =	shalt  }
0x71: {  	_ =	shalt  }
0x72: {  	_ =	shalt  }
0x73: {  	_ =	shalt  }
0x74: {  	_ =	shalt  }
0x75: {  	_ =	shalt  }
0x76: {  	_ =	shalt  }
0x77: {  	_ =	shalt  }
0x78: {  	_ =	shalt  }
0x79: {  	_ =	shalt  }
0x7a: {  	_ =	shalt  }
0x7b: {  	_ =	shalt  }
0x7c: {  	_ =	shalt  }
0x7d: {  	_ =	shalt  }
0x7e: {  	_ =	shalt  }
0x7f: {  	_ =	shalt  }
0x80: {  	_ =	shalt  }
0x81: {  	_ =	shalt  }
0x82: {  	_ =	shalt  }
0x83: {  	_ =	shalt  }
0x84: {  	_ =	shalt  }
0x85: {  	_ =	shalt  }
0x86: {  	_ =	shalt  }
0x87: {  	_ =	shalt  }
.Lfunc_end0:
.L_simem_size_0:
called_computation_lowered:
.L_overlay_start_0:
0x88: {  	s2 =	sld [smem:$0x3FD9]  }
0x89: {  	s3 =	sld [smem:$0x3FFE];
	_ =	sdelay $0x1  }
0x8a: {  	s1 =	srdreg.scid  }
0x8b: {  	s0 =	sand.u32 $0x1, s1  }
0x8c: {  	s17 =	sshll.u32 s0, $0xA;
	s2 =	sadd.s32 s3, s2  }
0x8d: {  	s2 =	sadd.s32 s2, s17  }
0x8e: {  	[smem:$0x3FC0] =	sst s2  }
0x8f: {  	_ = 	snop  }
0x90: {  	s2 =	sld [smem:$0x3FC9];
	(tm) =	ssettm $0x1  }
0x91: {  	s18 =	sld [smem:$0x3FFB];
	_ =	sdelay $0x3  }
0x92: {  	_ =	strace s18  }
0x93: {  	s3 =	sld [smem:$0x3FFC];
	_ =	sdelay $0x3  }
0x94: {  	_ =	strace s3  }
0x95: {  	s3 =	sld [smem:$0x3FFD];
	_ =	sdelay $0x3  }
0x96: {  	_ =	strace s3  }
0x97: {  	_ =	strace $0x8FFFFFFF  }
0x98: {  	s19 =	sld [smem:$0x3FDB];
	_ =	sdelay $0x1  }
0x99: {  	s4 =	simm.s32 $_scs_section_size  }
0x9a: {  	s5 =	simm.s32 $_size__tile_overlayer_lowered;
	s6 =	simm.s32 $_tile_overlayer_lowered  }
0x9b: {  	s22 =	simm.s32 $0x1BFF;
	s21 =	sshll.u32 s6, $0x1;
	s3 =	sadd.s32 s4, s19  }
0x9c: {  	s7 =	simm.s32 $0x0;
	s20 =	sshll.u32 s5, $0x1;
	s5 =	sadd.s32 s21, s3  }
0x9d: {  	[timem:s7], [sflag:s22] =	dma.local [hbm:s5], s20  }
0x9e: {  	_ =	swait.ge [sflag:s22], s20  }
0x9f: {  	s4 =	ssub.s32 $0x0, s20;
	[sflag:s22] =	ssyncset.done $0x0  }
0xa0: {  	[sflag:s22] =	ssyncadd.s32 s4;
	_ =	sdelay $0x1  }
0xa1: {  	s23 =	simm.s32 $0x1B8B  }
0xa2: {  	_ =	swait.ge [sflag:s23], $0x1  }
0xa3: {  	[sflag:s23] =	ssyncset.done $0x0  }
0xa4: {  	s25 =	simm.s32 $0x1B8E;
	s24 =	sld [smem:$0x3FFE];
	[sflag:s23] =	ssyncadd.s32 $0xFFFFFFFF  }
0xa5: {  	s26 =	simm.s32 $execute0_lowered;
	[smem:$0x3FD2] =	sst s25  }
0xa6: {  	s5 =	sshll.u32 s26, $0x1;
	_ =	strace $0x80000046;
	[dreg:$0x1] =	wrdreg $0xFFFFFFFF  }
0xa7: {  	s28 =	simm.s32 $_size_execute0_lowered;
	s3 =	sadd.s32 s3, s5;
	[dreg:$0x0] =	wrdreg $0x0  }
0xa8: {  	s5 =	sshll.u32 s28, $0x1;
	[dreg:$0x2] =	wrdreg s3  }
0xa9: {  	[dreg:$0x3] =	wrdreg s5  }
0xaa: {  	[dreg:$0x4] =	wrdreg $0xC0  }
0xab: {  	_ =	task [dreg:s7], $0x5FFFF  }
0xac: {  	[dreg:$0x1] =	wrdreg $0xFFFFFFFF  }
0xad: {  	[dreg:$0x0] =	wrdreg $0x60  }
0xae: {  	[dreg:$0x2] =	wrdreg s2  }
0xaf: {  	[dreg:$0x3] =	wrdreg s24  }
0xb0: {  	[dreg:$0x4] =	wrdreg $0x5C800  }
0xb1: {  	[dreg:$0x5] =	wrdreg $0x9  }
0xb2: {  	_ =	task.clear_ibuf [dreg:s7], $0x6FFFF;
	_ =	strace $0x90000046  }
0xb3: {  	s29 =	simm.s32 $0x9;
	_ =	strace $0x80000048  }
0xb4: {  	_ =	swait.ge [sflag:s29], $0x1  }
0xb5: {  	[sflag:s29] =	ssyncadd.s32 $0xFFFFFFFF  }
0xb6: {  	_ =	strace $0x90000048  }
0xb7: {  	_ =	sfence  }
0xb8: {  	s30 =	sld [smem:$0x0];
	_ =	sdelay $0x2  }
0xb9: {  	s31 =	sshll.u32 s1, $0xD;
	s1 =	sshrl.u32 s1, $0x2  }
0xba: {  	s3 =	sand.u32 $0x4000, s31;
	s1 =	sadd.s32 s1, s30  }
0xbb: {  	s0 =	sor.u32 s3, s0;
	s1 =	sshll.u32 s1, $0x11  }
0xbc: {  	s0 =	sor.u32 s1, s0  }
0xbd: {  	s0 =	sadd.s32 $0x8F2B, s0  }
0xbe: {  	[sflag:s0] =	ssyncadd.remote.s32 $0x1  }
0xbf: {  	_ =	sfence.sel $0xFFFF  }
0xc0: {  	[dreg:$0x0] =	wrdreg $0xFFFFFFFF;
	(pc) =	sbr.abs _section_cstart, $3  }
0xc1: {  	[dreg:$0x1] =	wrdreg $0xFFFFFFFF  }
0xc2: {  	_ =	task.clear_ibuf [dreg:s7], $0x2FFFF;
	_ =	strace $0x9FFFFFFF  }
0xc3: {  	(tm) =	ssettm $0x7FFFFFFF  }
tec
execute0_lowered:
.L_overlay_start_1:
0x0: {  	(tag) =	ssettag $0x1  }
0x1: {  	s4 =	rddreg [dreg:$0x0]  }
0x2: {  	s5 =	rddreg [dreg:$0x1]  }
0x3: {  	s2 =	rddreg [dreg:$0x2]  }
0x4: {  	s0 =	rddreg [dreg:$0x3];
	s6 =	srdreg.scid  }
0x5: {  	s1 =	stileid.u32;
	s3 =	simm.s32 $0x0;
	s11 =	simm.s32 $0x1C80  }
0x6: {  	s12 =	simm.s32 $0x3;
	s13 =	simm.s32 $0x1;
	s14 =	simm.s32 $0x80  }
0x7: {  	s15 =	simm.s32 $0x1C00;
	s16 =	simm.s32 $0x2;
	s6 =	sand.u32 $0x1, s6  }
0x8: {  	s7 =	sshll.u32 s1, $0x1;
	[smem:$0x7FF] =	sst s3;
	s9 =	sshll.u32 s1, $0x10  }
0x9: {  	p0 =	slt.u32 s1, $0xE;
	s17 =	sshll.u32 s1, $0x6;
	s7 =	sor.u32 s6, s7  }
0xa: {  	s8 =	sshll.u32 s6, $0x14;
	_ =	strace $0x80000047;
	s6 =	ssub.s32 $0x2, s6  }
0xb: {  	s17 =	sor.u32 $0x1C03, s17;
	s7 =	smul.u32 $0x1C00, s7;
	s8 =	sor.u32 s9, s8  }
.Ltmp0:
0xc: {  	s30 =	sshrl.u32 s6, $0x1;
	s8 =	sshrl.u32 s8, $0x3;
	(pc) =	sbr.rel .LBB2_1-.Ltmp0, $4  }
0xd: {  	s31 =	ssub.s32 s6, s30;
	s7 =	sshrl.u32 s7, $0x3;
	s8 =	sadd.s32 s8, s5  }
0xe: {  	s5 =	sadd.s32 s9, s2;
	s4 =	sadd.s32 s4, s7;
	s6 =	sadd.s32 $0x1800, s8  }
0xf: {  	s7 =	smax.u32 s31, $0x1;
	s8 =	sadd.s32 $0x4000, s5;
	s9 =	sadd.s32 $0x8000, s5  }
0x10: {  	v0 =	vimm.f32 $0.0e+00;
	v1 =	vimm.f32 $1.000000000e+00;
	s10 =	sadd.s32 $0xC000, s5;
	s18 =	sshrl.u32 s5, $0x3;
	s4 =	sadd.s32 $0x200, s4  }
.LBB2_6:
0x11: {  	[sflag:s21] =	ssyncadd.s32 @!p1 $0xFFFFFF80  }
0x12: {  	_ =	swait.ge [sflag:s16], $0x80  }
0x13: {  	[sflag:s16] =	ssyncset.done $0x0  }
0x14: {  	[sflag:s16] =	ssyncadd.s32 $0xFFFFFF80  }
0x15: {  	_ =	swait.ge [sflag:s16], $0x80  }
0x16: {  	[sflag:s16] =	ssyncset.done $0x0  }
0x17: {  	[sflag:s16] =	ssyncadd.s32 $0xFFFFFF80  }
0x18: {  	_ =	swait.ge [sflag:s16], $0x80  }
0x19: {  	[sflag:s16] =	ssyncset.done $0x0  }
0x1a: {  	[sflag:s16] =	ssyncadd.s32 $0xFFFFFF80  }
0x1b: {  	_ =	swait.ge [sflag:s16], $0x80  }
0x1c: {  	[sflag:s16] =	ssyncset.done $0x0  }
0x1d: {  	[sflag:s16] =	ssyncadd.s32 $0xFFFFFF80  }
0x1e: {  	_ =	swait.ge [sflag:s16], $0x80  }
0x1f: {  	[sflag:s16] =	ssyncset.done $0x0  }
0x20: {  	[sflag:s16] =	ssyncadd.s32 $0xFFFFFF80  }
0x21: {  	_ =	swait.ge [sflag:s16], $0x80  }
0x22: {  	[sflag:s16] =	ssyncset.done $0x0  }
0x23: {  	[sflag:s16] =	ssyncadd.s32 $0xFFFFFF80  }
0x24: {  	_ =	swait.ge [sflag:s16], $0x80  }
0x25: {  	[sflag:s16] =	ssyncset.done $0x0  }
0x26: {  	[sflag:s16] =	ssyncadd.s32 $0xFFFFFF80  }
0x27: {  	_ =	swait.ge [sflag:s16], $0x80  }
0x28: {  	[sflag:s16] =	ssyncset.done $0x0  }
0x29: {  	[sflag:s16] =	ssyncadd.s32 $0xFFFFFF80  }
.LBB2_7:
0x2a: {  	s3 =	sadd.s32 $0x1, s3  }
0x2b: {  	p1 =	sne.s32 s3, s7  }
.Ltmp1:
0x2c: {  	[bflag:$0x0] =	sbarrier.arrive $0xFFFF;
	(pc) =	sbr.rel @!p1 .LBB2_8-.Ltmp1, $4  }
0x2d: {  	[hbm:s6], [sflag:s17] =	dma.local [spmem:s18], $0x2000  }
0x2e: {  	_ =	swait.ge [sflag:s12], $0x2000  }
0x2f: {  	[sflag:s12] =	ssyncset.done $0x0  }
0x30: {  	[sflag:s12] =	ssyncadd.s32 $0xFFFFE000  }
.LBB2_1:
0x31: {  	s19 =	simm.s32 @p0 $0x0  }
0x32: {  	[tilespmem:s19], [sflag:$0x1] =	stream.linear.gather @p0 [hbm4b:s4+s19], $0x1C00, $0x38;
	[tilespmem:$0x15C80] =	vst v63  }
0x33: {  	s20 =	simm.s32 $0x0;
	s19 =	simm.s32 $0x40  }
.LBB2_2:
0x34: {  	p1 =	seq.s32 s19, $0xFFC0;
	[tilespmem:s20+$0x1C80] =	vst v0;
	s20 =	smov.u32 s19;
	s19 =	sadd.s32 $0x40, s19  }
.Ltmp2:
0x35: {  	(pc) =	sbr.rel @!p1 .LBB2_2-.Ltmp2, $2  }
0x36: {  	_ =	sdelay $0x2  }
0x37: {  	s20 =	sshra.s32 s20, $0x2  }
0x38: {  	[tilespmem:s20+$0x1C80] =	vst v0  }
0x39: {  	[spmem:s5] =	stream.linear.scatter [tilespmem:s11], [sflag:$0x3], $0x4000, $0x38;
	[tilespmem:$0x15C80] =	vst v63  }
0x3a: {  	_ =	swait.ge [sflag:s12], $0x4000  }
0x3b: {  	[sflag:s12] =	ssyncset.done $0x0  }
0x3c: {  	[sflag:s12] =	ssyncadd.s32 $0xFFFFC000  }
0x3d: {  	[spmem:s8] =	stream.linear.scatter [tilespmem:s11], [sflag:$0x3], $0x4000, $0x38;
	[tilespmem:$0x15C80] =	vst v63  }
0x3e: {  	_ =	swait.ge [sflag:s12], $0x4000  }
0x3f: {  	[sflag:s12] =	ssyncset.done $0x0  }
0x40: {  	[sflag:s12] =	ssyncadd.s32 $0xFFFFC000  }
0x41: {  	[spmem:s9] =	stream.linear.scatter [tilespmem:s11], [sflag:$0x3], $0x4000, $0x38;
	[tilespmem:$0x15C80] =	vst v63  }
0x42: {  	_ =	swait.ge [sflag:s12], $0x4000  }
0x43: {  	[sflag:s12] =	ssyncset.done $0x0  }
0x44: {  	[sflag:s12] =	ssyncadd.s32 $0xFFFFC000  }
0x45: {  	[spmem:s10] =	stream.linear.scatter [tilespmem:s11], [sflag:$0x3], $0x4000, $0x38;
	[tilespmem:$0x15C80] =	vst v63  }
0x46: {  	_ =	swait.ge [sflag:s12], $0x4000  }
0x47: {  	[sflag:s12] =	ssyncset.done $0x0  }
0x48: {  	[sflag:s12] =	ssyncadd.s32 $0xFFFFC000  }
0x49: {  	[tilespmem:$0x1C00] =	vst v1  }
0x4a: {  	[tilespmem:$0x1C10] =	vst v1  }
0x4b: {  	[tilespmem:$0x1C20] =	vst v1  }
0x4c: {  	[tilespmem:$0x1C30] =	vst v1  }
0x4d: {  	[tilespmem:$0x1C40] =	vst v1  }
.Ltmp3:
0x4e: {  	[tilespmem:$0x1C50] =	vst v1;
	(pc) =	sbr.rel @!p0 .LBB2_7-.Ltmp3, $3  }
0x4f: {  	[tilespmem:$0x1C60] =	vst v1  }
0x50: {  	[tilespmem:$0x1C70] =	vst v1  }
0x51: {  	[bflag:$0x0] =	sbarrier.arrive $0xFFFF;
	_ =	sdelay $0x1  }
0x52: {  	_ =	swait.ge [sflag:s13], $0x1C00  }
0x53: {  	p1 =	por $0x1, $0x1;
	[sflag:s13] =	ssyncset.done $0x0  }
0x54: {  	s19 =	simm.s32 $0x0;
	s21 =	simm.s32 @!p1 $0x2;
	[sflag:s13] =	ssyncadd.s32 $0xFFFFE400  }
0x55: {  	[spmem:s2] =	stream.indirect.scatter.add.f32 [tilespmem:s15], [sflag:$0x2], $0x1, s19, s14, $0xb8;
	[tilespmem:$0x15C80] =	vst v63  }
0x56: {  	_ =	swait.ge @!p1 [sflag:s21], $0x80  }
0x57: {  	s20 =	simm.s32 $0x1;
	[sflag:s21] =	ssyncset.done @!p1 $0x0  }
.LBB2_5:
0x58: {  	[sflag:s21] =	ssyncadd.s32 @!p1 $0xFFFFFF80  }
0x59: {  	s19 =	sadd.s32 $0x80, s19;
	s21 =	smov.u32 s20;
	s20 =	sadd.s32 $0x1, s20  }
0x5a: {  	p2 =	sne.s32 s20, $0x38  }
0x5b: {  	[spmem:s2] =	stream.indirect.scatter.add.f32 [tilespmem:s15], [sflag:$0x2], $0x1, s19, s14, $0xb8;
	[tilespmem:$0x15C80] =	vst v63  }
.Ltmp4:
0x5c: {  	_ = 	snop;
	(pc) =	sbr.rel @p2 .LBB2_5-.Ltmp4, $4  }
0x5d: {  	p1 =	slt.u32 s21, $0x8  }
0x5e: {  	s21 =	simm.s32 @!p1 $0x2  }
0x5f: {  	_ =	swait.ge @!p1 [sflag:s21], $0x80  }
0x60: {  	[sflag:s21] =	ssyncset.done @!p1 $0x0  }
.Ltmp5:
0x61: {  	_ = 	snop;
	(pc) =	sbr.rel .LBB2_6-.Ltmp5, $1  }
0x62: {  	_ =	sdelay $0x3  }
.LBB2_8:
0x63: {  	_ =	sfence.sel $0x180000  }
0x64: {  	[bflag:$0x0] =	sbarrier.arrive $0xFFFF  }
0x65: {  	p0 =	sne.s32 s1, $0x0;
	_ =	strace $0x90000047  }
0x66: {  	s0 =	sadd.s32 @!p0 $0x100000, s0;
	[bflag:$0x2] =	sbarrier.arrive $0xFFFF  }
0x67: {  	[sflag:s0] =	ssyncadd.tile.s32 @!p0 $0x1;
	_ =	shalt  }
.Lfunc_end2:
_tile_overlayer_lowered:
.L_overlay_start_2:
0x68: {  	(tag) =	ssettag $0x2  }
0x69: {  	s0 =	rddreg [dreg:$0x0];
	s2 =	stileid.u32  }
0x6a: {  	s1 =	rddreg [dreg:$0x1];
	p0 =	sne.s32 s2, $0x0  }
0x6b: {  	s3 =	rddreg [dreg:$0x2];
	[bflag:$0x3] =	sbarrier.arrive $0xFFFF;
	s2 =	simm.s32 @!p0 $0x1C03  }
0x6c: {  	[timem:s3], [sflag:s2] =	dma.local @!p0 [hbm:s0], s1  }
0x6d: {  	s0 =	simm.s32 @!p0 $0x3  }
0x6e: {  	_ =	swait.ge @!p0 [sflag:s0], s1  }
0x6f: {  	s1 =	ssub.s32 @!p0 $0x0, s1;
	[sflag:s0] =	ssyncset.done @!p0 $0x0  }
0x70: {  	[sflag:s0] =	ssyncadd.s32 @!p0 s1  }
0x71: {  	[bflag:$0x3] =	sbarrier.arrive $0xFFFF  }
0x72: {  	_ =	shalt  }

// kernel: kernel.9.cloned.1.call-start
scs
__scs_entry_jumppad:
0x0: {  	(pc) =	sbr.rel $0x88, $3  }
0x1: {  	(tag) =	ssettag $0x0;
	lr =	simm.s32 $0x1  }
0x2: {  	[smem:$0x3F99] =	sst lr;
	_ =	strace $0xD0000000  }
0x3: {  	_ = 	snop  }
0x4: {  	_ = 	snop  }
0x5: {  	_ = 	snop  }
0x6: {  	_ = 	snop  }
0x7: {  	_ = 	snop  }
__scs_overlays_trampoline_lowered:
0x8: {  	[smem:$0x3FA8] =	sst s0  }
0x9: {  	[smem:$0x3FA9] =	sst s1  }
0xa: {  	[smem:$0x3FAA] =	sst s2  }
0xb: {  	[smem:$0x3FAB] =	sst s3  }
0xc: {  	[smem:$0x3FAC] =	sst s4  }
0xd: {  	[smem:$0x3FAD] =	sst s5  }
0xe: {  	[smem:$0x3FAE] =	sst s6  }
0xf: {  	[smem:$0x3FAF] =	sst s7  }
0x10: {  	[smem:$0x3FB0] =	sst s8  }
0x11: {  	[smem:$0x3FB1] =	sst s9;
	s0 =	simm.s32 @!p0 $0x0  }
0x12: {  	s1 =	sld [smem:$0x3F97];
	s0 =	simm.s32 @p0 $0x1  }
0x13: {  	[smem:$0x3FB2] =	sst s0;
	s0 =	simm.s32 @!p1 $0x0  }
0x14: {  	s2 =	sld [smem:$0x3F96];
	s0 =	simm.s32 @p1 $0x1  }
0x15: {  	[smem:$0x3FB3] =	sst s0;
	s0 =	simm.s32 @!p2 $0x0  }
0x16: {  	s3 =	sld [smem:$0x3FDB];
	s0 =	simm.s32 @p2 $0x1  }
0x17: {  	s4 =	simm.s32 $0x1BF5;
	[smem:$0x3FB5] =	sst s0  }
0x18: {  	s0 =	sld [smem:$0x3F98];
	_ =	swait.ge [sflag:s4], $0x0  }
0x19: {  	s7 =	sld [smem:$0x3F99]  }
0x1a: {  	s8 =	sadd.s32 $0xFFFFE003, lr  }
0x1b: {  	s9 =	sadd.s32 $0xFFFFFEF7, lr;
	s5 =	simm.s32 $0xFFFFFFFF;
	p2 =	slt.u32 s8, $0xFFFFF086  }
0x1c: {  	p1 =	slt.u32 s9, $0xF7A;
	s5 =	simm.s32 @!p2 $0x0  }
0x1d: {  	s5 =	simm.s32 @p1 $0x1;
	p0 =	seq.s32 s7, s2  }
0x1e: {  	s7 =	smul.u32 @!p0 $0xF7A, s2;
	p2 =	seq.s32 @!p0 s5, $0x0  }
0x1f: {  	s9 =	smul.u32 $0xF7A, s1;
	s8 =	simm.s32 @!p0 $0x1BF5;
	p2 =	por !p2, p0  }
0x20: {  	[sflag:s8] =	ssyncset.s32 @!p0 $0xFFFFF086;
	s6 =	sadd.s32 @!p0 s3, s7;
	s7 =	simm.s32 @!p0 $0x108  }
0x21: {  	s3 =	sadd.s32 s3, s9;
	s6 =	sadd.s32 @!p0 $0x88, s6;
	s7 =	simm.s32 @p2 $0x1082  }
0x22: {  	[simem:s7], [sflag:s8] =	dma.local @!p0 [hbm:s6], $0xF7A  }
0x23: {  	s9 =	sor.u32 $0xD0000000, s2;
	s6 =	simm.s32 $0x108;
	_ =	swait.ge @!p0 [sflag:s8], $0x0  }
0x24: {  	s3 =	sadd.s32 $0x88, s3;
	s6 =	simm.s32 @!p1 $0x1082;
	[sflag:s4] =	ssyncset.s32 $0xFFFFF086  }
0x25: {  	[simem:s6], [sflag:s4] =	dma.local [hbm:s3], $0xF7A  }
0x26: {  	[smem:$0x3F99] =	sst s1;
	(tag) =	ssettag s2;
	_ =	strace s9  }
0x27: {  	s1 =	sld [smem:$0x3FA9]  }
0x28: {  	s2 =	sld [smem:$0x3FAA]  }
0x29: {  	s4 =	sld [smem:$0x3FAC]  }
0x2a: {  	p0 =	seq.s32 s5, $0x0;
	s5 =	sld [smem:$0x3FAD]  }
0x2b: {  	s6 =	sld [smem:$0x3FAE]  }
0x2c: {  	s7 =	sld [smem:$0x3FAF]  }
0x2d: {  	s3 =	simm.s32 $0x108;
	s8 =	sld [smem:$0x3FB0]  }
0x2e: {  	s3 =	simm.s32 @!p0 $0x1082;
	s9 =	sld [smem:$0x3FB1]  }
0x2f: {  	lr =	sadd.s32 s0, s3;
	s0 =	sld [smem:$0x3FA8]  }
0x30: {  	s3 =	sld [smem:$0x3FAB]  }
0x31: {  	[smem:$0x3FB4] =	sst s10  }
0x32: {  	s10 =	sld [smem:$0x3FB2];
	_ =	sdelay $0x3  }
0x33: {  	p0 =	seq.s32 s10, $0x1;
	s10 =	sld [smem:$0x3FB4];
	_ =	sdelay $0x3  }
0x34: {  	[smem:$0x3FB4] =	sst s10  }
0x35: {  	s10 =	sld [smem:$0x3FB3];
	_ =	sdelay $0x3  }
0x36: {  	p1 =	seq.s32 s10, $0x1;
	s10 =	sld [smem:$0x3FB4];
	_ =	sdelay $0x3  }
0x37: {  	[smem:$0x3FB4] =	sst s10  }
0x38: {  	s10 =	sld [smem:$0x3FB5]  }
0x39: {  	_ = 	snop;
	(pc) =	sbr.ind lr, $3  }
0x3a: {  	_ = 	snop  }
0x3b: {  	_ = 	snop  }
0x3c: {  	p2 =	seq.s32 s10, $0x1;
	s10 =	sld [smem:$0x3FB4]  }
0x3d: {  	_ =	shalt  }
0x3e: {  	_ =	shalt  }
0x3f: {  	_ =	shalt  }
0x40: {  	_ =	shalt  }
0x41: {  	_ =	shalt  }
0x42: {  	_ =	shalt  }
0x43: {  	_ =	shalt  }
0x44: {  	_ =	shalt  }
0x45: {  	_ =	shalt  }
0x46: {  	_ =	shalt  }
0x47: {  	_ =	shalt  }
0x48: {  	_ =	shalt  }
0x49: {  	_ =	shalt  }
0x4a: {  	_ =	shalt  }
0x4b: {  	_ =	shalt  }
0x4c: {  	_ =	shalt  }
0x4d: {  	_ =	shalt  }
0x4e: {  	_ =	shalt  }
0x4f: {  	_ =	shalt  }
0x50: {  	_ =	shalt  }
0x51: {  	_ =	shalt  }
0x52: {  	_ =	shalt  }
0x53: {  	_ =	shalt  }
0x54: {  	_ =	shalt  }
0x55: {  	_ =	shalt  }
0x56: {  	_ =	shalt  }
0x57: {  	_ =	shalt  }
0x58: {  	_ =	shalt  }
0x59: {  	_ =	shalt  }
0x5a: {  	_ =	shalt  }
0x5b: {  	_ =	shalt  }
0x5c: {  	_ =	shalt  }
0x5d: {  	_ =	shalt  }
0x5e: {  	_ =	shalt  }
0x5f: {  	_ =	shalt  }
0x60: {  	_ =	shalt  }
0x61: {  	_ =	shalt  }
0x62: {  	_ =	shalt  }
0x63: {  	_ =	shalt  }
0x64: {  	_ =	shalt  }
0x65: {  	_ =	shalt  }
0x66: {  	_ =	shalt  }
0x67: {  	_ =	shalt  }
0x68: {  	_ =	shalt  }
0x69: {  	_ =	shalt  }
0x6a: {  	_ =	shalt  }
0x6b: {  	_ =	shalt  }
0x6c: {  	_ =	shalt  }
0x6d: {  	_ =	shalt  }
0x6e: {  	_ =	shalt  }
0x6f: {  	_ =	shalt  }
0x70: {  	_ =	shalt  }
0x71: {  	_ =	shalt  }
0x72: {  	_ =	shalt  }
0x73: {  	_ =	shalt  }
0x74: {  	_ =	shalt  }
0x75: {  	_ =	shalt  }
0x76: {  	_ =	shalt  }
0x77: {  	_ =	shalt  }
0x78: {  	_ =	shalt  }
0x79: {  	_ =	shalt  }
0x7a: {  	_ =	shalt  }
0x7b: {  	_ =	shalt  }
0x7c: {  	_ =	shalt  }
0x7d: {  	_ =	shalt  }
0x7e: {  	_ =	shalt  }
0x7f: {  	_ =	shalt  }
0x80: {  	_ =	shalt  }
0x81: {  	_ =	shalt  }
0x82: {  	_ =	shalt  }
0x83: {  	_ =	shalt  }
0x84: {  	_ =	shalt  }
0x85: {  	_ =	shalt  }
0x86: {  	_ =	shalt  }
0x87: {  	_ =	shalt  }
.Lfunc_end0:
.L_simem_size_0:
called_computation.1_lowered:
.L_overlay_start_0:
0x88: {  	s2 =	sld [smem:$0x3FD9]  }
0x89: {  	s3 =	sld [smem:$0x3FFE];
	_ =	sdelay $0x1  }
0x8a: {  	s1 =	srdreg.scid  }
0x8b: {  	s0 =	sand.u32 $0x1, s1  }
0x8c: {  	s17 =	sshll.u32 s0, $0xA;
	s2 =	sadd.s32 s3, s2  }
0x8d: {  	s2 =	sadd.s32 s2, s17  }
0x8e: {  	[smem:$0x3FC0] =	sst s2  }
0x8f: {  	_ = 	snop  }
0x90: {  	s18 =	sld [smem:$0x3FC9]  }
0x91: {  	s4 =	sld [smem:$0x3FC8];
	(tm) =	ssettm $0x1  }
0x92: {  	s19 =	sld [smem:$0x3FFB];
	_ =	sdelay $0x3  }
0x93: {  	_ =	strace s19  }
0x94: {  	s2 =	sld [smem:$0x3FFC];
	_ =	sdelay $0x3  }
0x95: {  	_ =	strace s2  }
0x96: {  	s2 =	sld [smem:$0x3FFD];
	_ =	sdelay $0x3  }
0x97: {  	_ =	strace s2  }
0x98: {  	_ =	strace $0x8FFFFFFF  }
0x99: {  	s20 =	sld [smem:$0x3FDB];
	_ =	sdelay $0x1  }
0x9a: {  	s5 =	simm.s32 $_scs_section_size  }
0x9b: {  	s6 =	simm.s32 $_size__tile_overlayer_lowered;
	s7 =	simm.s32 $_tile_overlayer_lowered  }
0x9c: {  	s8 =	simm.s32 $0x1BFF;
	s21 =	sshll.u32 s7, $0x1;
	s5 =	sadd.s32 s5, s20  }
0x9d: {  	s22 =	simm.s32 $0x0;
	s6 =	sshll.u32 s6, $0x1;
	s7 =	sadd.s32 s21, s5  }
0x9e: {  	[timem:s22], [sflag:s8] =	dma.local [hbm:s7], s6  }
0x9f: {  	_ =	swait.ge [sflag:s8], s6  }
0xa0: {  	s6 =	ssub.s32 $0x0, s6;
	[sflag:s8] =	ssyncset.done $0x0  }
0xa1: {  	[sflag:s8] =	ssyncadd.s32 s6;
	_ =	sdelay $0x1  }
0xa2: {  	s23 =	simm.s32 $0x1B8B  }
0xa3: {  	_ =	swait.ge [sflag:s23], $0x1  }
0xa4: {  	[sflag:s23] =	ssyncset.done $0x0  }
0xa5: {  	[sflag:s23] =	ssyncadd.s32 $0xFFFFFFFF  }
0xa6: {  	s6 =	sld [smem:$0x0]  }
0xa7: {  	s7 =	sand.u32 $0xFFFFFFFE, s1  }
0xa8: {  	p0 =	sne.s32 s1, s7  }
0xa9: {  	s7 =	sshll.u32 @p0 s7, $0xE  }
0xaa: {  	s7 =	sadd.s32 @p0 $0x11B8D, s7;
	s8 =	sshll.u32 @p0 s6, $0x11  }
0xab: {  	s7 =	sor.u32 @p0 s8, s7  }
0xac: {  	[sflag:s7] =	ssyncadd.remote.s32 @p0 $0x1;
	_ =	sdelay $0x1  }
0xad: {  	s7 =	simm.s32 @p0 $0x1B8D  }
0xae: {  	_ =	swait.eq @p0 [sflag:s7], $0x1  }
0xaf: {  	[sflag:s7] =	ssyncadd.s32 @p0 $0xFFFFFFFF  }
0xb0: {  	s8 =	sshll.u32 @!p0 s1, $0xE  }
0xb1: {  	s8 =	sor.u32 @!p0 $0x4000, s8;
	s7 =	simm.s32 @!p0 $0x1B8D  }
0xb2: {  	s6 =	sshll.u32 @!p0 s6, $0x11;
	s8 =	sadd.s32 @!p0 $0x11B8D, s8;
	_ =	swait.eq @!p0 [sflag:s7], $0x1  }
0xb3: {  	s6 =	sor.u32 @!p0 s6, s8;
	[sflag:s7] =	ssyncadd.s32 @!p0 $0xFFFFFFFF  }
0xb4: {  	s25 =	simm.s32 $0x1B8E;
	s24 =	sld [smem:$0x3FFE];
	[sflag:s6] =	ssyncadd.remote.s32 @!p0 $0x1  }
0xb5: {  	s26 =	simm.s32 $execute0_lowered;
	[smem:$0x3FD2] =	sst s25  }
0xb6: {  	s7 =	sshll.u32 s26, $0x1;
	_ =	strace $0x80000049;
	[dreg:$0x1] =	wrdreg $0xFFFFFFFF  }
0xb7: {  	s28 =	simm.s32 $_size_execute0_lowered;
	s5 =	sadd.s32 s5, s7;
	[dreg:$0x0] =	wrdreg $0x0  }
0xb8: {  	s7 =	sshll.u32 s28, $0x1;
	[dreg:$0x2] =	wrdreg s5  }
0xb9: {  	[dreg:$0x3] =	wrdreg s7  }
0xba: {  	[dreg:$0x4] =	wrdreg $0xC0  }
0xbb: {  	_ =	task [dreg:s22], $0x5FFFF  }
0xbc: {  	[dreg:$0x1] =	wrdreg $0xFFFFFFFF  }
0xbd: {  	[dreg:$0x0] =	wrdreg $0x60  }
0xbe: {  	[dreg:$0x2] =	wrdreg s18  }
0xbf: {  	[dreg:$0x3] =	wrdreg s4  }
0xc0: {  	[dreg:$0x4] =	wrdreg s24  }
0xc1: {  	[dreg:$0x5] =	wrdreg $0xA  }
0xc2: {  	_ =	task.clear_ibuf [dreg:s22], $0x6FFFF;
	_ =	strace $0x90000049  }
0xc3: {  	s29 =	simm.s32 $0xA;
	_ =	strace $0x8000004B  }
0xc4: {  	_ =	swait.ge [sflag:s29], $0x1  }
0xc5: {  	[sflag:s29] =	ssyncadd.s32 $0xFFFFFFFF  }
0xc6: {  	_ =	strace $0x9000004B  }
0xc7: {  	_ =	sfence  }
0xc8: {  	s30 =	sld [smem:$0x0];
	_ =	sdelay $0x2  }
0xc9: {  	s31 =	sshll.u32 s1, $0xD;
	s1 =	sshrl.u32 s1, $0x2  }
0xca: {  	s4 =	sand.u32 $0x4000, s31;
	s1 =	sadd.s32 s1, s30  }
0xcb: {  	s0 =	sor.u32 s4, s0;
	s1 =	sshll.u32 s1, $0x11  }
0xcc: {  	s0 =	sor.u32 s1, s0  }
0xcd: {  	s0 =	sadd.s32 $0x8F2B, s0  }
0xce: {  	[sflag:s0] =	ssyncadd.remote.s32 $0x1  }
0xcf: {  	_ =	sfence.sel $0xFFFF  }
0xd0: {  	[dreg:$0x0] =	wrdreg $0xFFFFFFFF;
	(pc) =	sbr.abs _section_cstart, $3  }
0xd1: {  	[dreg:$0x1] =	wrdreg $0xFFFFFFFF  }
0xd2: {  	_ =	task.clear_ibuf [dreg:s22], $0x2FFFF;
	_ =	strace $0x9FFFFFFF  }
0xd3: {  	(tm) =	ssettm $0x7FFFFFFF  }
tec
execute0_lowered:
.L_overlay_start_1:
0x0: {  	(tag) =	ssettag $0x1  }
0x1: {  	s4 =	rddreg [dreg:$0x0]  }
0x2: {  	s1 =	rddreg [dreg:$0x1]  }
0x3: {  	s5 =	rddreg [dreg:$0x2]  }
0x4: {  	s0 =	rddreg [dreg:$0x3];
	s6 =	srdreg.scid  }
0x5: {  	s3 =	simm.s32 $0x0;
	s2 =	stileid.u32;
	s10 =	simm.s32 $0x7A1400  }
0x6: {  	s11 =	simm.s32 $0x80;
	s12 =	simm.s32 $0x2080;
	s13 =	simm.s32 $0x4080  }
0x7: {  	s14 =	simm.s32 $0x6080;
	s15 =	simm.s32 $0x2;
	s16 =	simm.s32 $0x3  }
0x8: {  	s17 =	simm.s32 $0x4;
	s18 =	simm.s32 $0x8080;
	s6 =	sand.u32 $0x1, s6  }
0x9: {  	s19 =	simm.s32 $0x0;
	s7 =	sshll.u32 s2, $0x8;
	s8 =	sshll.u32 s6, $0x7  }
0xa: {  	[smem:$0x7FF] =	sst s3;
	s6 =	ssub.s32 $0x2, s6;
	s7 =	sor.u32 s8, s7  }
0xb: {  	v0 =	vlaneseq.u32;
	_ =	strace $0x8000004A;
	s9 =	sshrl.u32 s6, $0x1;
	s8 =	sshll.u32 s7, $0x4  }
0xc: {  	v0 =	vmul.u32 $0x80, v0;
	s7 =	sshrl.u32 s7, $0x3;
	s6 =	ssub.s32 s6, s9;
	s9 =	simm.s32 $0x400  }
0xd: {  	s5 =	sadd.s32 s8, s5;
	s4 =	sadd.s32 s4, s7;
	s6 =	smax.u32 s6, $0x1  }
0xe: {  	v1 =	vor.u32 $0x800, v0;
	v2 =	vor.u32 $0x1000, v0;
	v3 =	vor.u32 $0x1800, v0;
	s7 =	simm.s32 $0x5;
	s8 =	simm.s32 $0x1;
	s5 =	sadd.s32 $0x41800, s5  }
.LBB2_1:
0xf: {  	[tilespmem:s3], [sflag:$0x5] =	stream.linear.gather [hbm4b:s4+s3], $0x80, $0x38;
	[tilespmem:$0xC080] =	vst v63  }
0x10: {  	_ =	swait.ge [sflag:s7], $0x80  }
0x11: {  	[sflag:s7] =	ssyncset.done $0x0  }
0x12: {  	[sflag:s7] =	ssyncadd.s32 $0xFFFFFF80  }
0x13: {  	v4 =	vld [tilespmem:$0x0];
	_ =	sdelay $0x4  }
0x14: {  	(v2sf) =	vpush v4, $0x0;
	_ =	sdelay $0x6  }
0x15: {  	(v2sf) =	vpush v4, $0x1;
	_ =	sdelay $0x7  }
0x16: {  	s20 =	spop (v2sf)  }
0x17: {  	(v2sf) =	vpush v4, $0x2;
	s21 =	sand.u32 $0x7F, s20  }
0x18: {  	s24 =	sshra.s32 s20, $0x1F;
	p1 =	slt.s32 s20, $0x1;
	p0 =	sne.s32 s21, $0x0  }
0x19: {  	s21 =	sshrl.u32 s24, $0x19;
	p0 =	por !p1, !p0  }
0x1a: {  	s20 =	sadd.s32 s21, s20;
	s21 =	simm.s32 $0x1;
	p0 =	por !p0, !p0  }
0x1b: {  	s20 =	sshrl.u32 s20, $0x7;
	s21 =	simm.s32 @!p0 $0x0  }
0x1c: {  	s20 =	ssub.s32 s20, s21  }
0x1d: {  	s25 =	spop (v2sf);
	s20 =	sshll.u32 s20, $0x7  }
0x1e: {  	s26 =	sand.u32 $0x7F, s25;
	s28 =	sshra.s32 s25, $0x1F;
	s20 =	sand.u32 $0x1FFFFF80, s20  }
0x1f: {  	p4 =	slt.s32 s25, $0x1;
	p3 =	sne.s32 s26, $0x0;
	s20 =	sadd.s32 s1, s20  }
0x20: {  	[tilespmem:s11], [sflag:$0x1] =	stream.strided.gather [hbm4b:s20+s9], $0x2000, s10, s9, $0x38;
	[tilespmem:$0xC080] =	vst v63  }
0x21: {  	p0 =	por !p4, !p3;
	s20 =	sshrl.u32 s28, $0x19  }
0x22: {  	p0 =	por !p0, !p0;
	s21 =	simm.s32 $0x1;
	s20 =	sadd.s32 s20, s25  }
0x23: {  	s21 =	simm.s32 @!p0 $0x0;
	s20 =	sshrl.u32 s20, $0x7  }
0x24: {  	s20 =	ssub.s32 s20, s21  }
0x25: {  	s20 =	sshll.u32 s20, $0x7  }
0x26: {  	s20 =	sand.u32 $0x1FFFFF80, s20;
	s29 =	spop (v2sf)  }
0x27: {  	s20 =	sadd.s32 s1, s20;
	s30 =	sand.u32 $0x7F, s29  }
0x28: {  	[tilespmem:s12], [sflag:$0x2] =	stream.strided.gather [hbm4b:s20+s9], $0x2000, s10, s9, $0x38;
	[tilespmem:$0xC080] =	vst v63  }
0x29: {  	s31 =	sshra.s32 s29, $0x1F;
	p6 =	slt.s32 s29, $0x1;
	p5 =	sne.s32 s30, $0x0  }
0x2a: {  	s21 =	sshrl.u32 s31, $0x19;
	p0 =	por !p6, !p5  }
0x2b: {  	s20 =	sadd.s32 s21, s29;
	s21 =	simm.s32 $0x1;
	p0 =	por !p0, !p0  }
0x2c: {  	s20 =	sshrl.u32 s20, $0x7;
	s21 =	simm.s32 @!p0 $0x0  }
0x2d: {  	s20 =	ssub.s32 s20, s21  }
0x2e: {  	s20 =	sshll.u32 s20, $0x7  }
0x2f: {  	s20 =	sand.u32 $0x1FFFFF80, s20  }
0x30: {  	s20 =	sadd.s32 s1, s20  }
0x31: {  	[tilespmem:s13], [sflag:$0x3] =	stream.strided.gather [hbm4b:s20+s9], $0x2000, s10, s9, $0x38;
	[tilespmem:$0xC080] =	vst v63  }
0x32: {  	s21 =	simm.s32 $0x0;
	s20 =	simm.s32 $0x8480  }
.LBB2_2:
0x33: {  	s22 =	sshra.s32 s21, $0x2  }
0x34: {  	v5 =	vld [tilespmem:s22+$0x0];
	_ =	sdelay $0x4  }
0x35: {  	(v2sf) =	vpush v5, $0x3;
	_ =	sdelay $0xe  }
0x36: {  	s23 =	spop (v2sf)  }
0x37: {  	s24 =	sshra.s32 s23, $0x1F  }
0x38: {  	s24 =	sshrl.u32 s24, $0x19  }
0x39: {  	s24 =	sadd.s32 s24, s23  }
0x3a: {  	s25 =	sand.u32 $0xFFFFFF80, s24  }
0x3b: {  	p0 =	slt.s32 s23, $0x1;
	p1 =	sne.s32 s23, s25  }
0x3c: {  	p0 =	por !p0, !p1  }
0x3d: {  	s25 =	simm.s32 $0x1;
	p0 =	por !p0, !p0  }
0x3e: {  	s24 =	sshrl.u32 s24, $0x7;
	s25 =	simm.s32 @!p0 $0x0  }
0x3f: {  	s24 =	ssub.s32 s24, s25  }
0x40: {  	s24 =	sshll.u32 s24, $0x7  }
0x41: {  	s24 =	sand.u32 $0x1FFFFF80, s24  }
0x42: {  	s31 =	sadd.s32 s1, s24  }
0x43: {  	v4 =	vld [tilespmem:s22+$0x10];
	[tilespmem:s14], [sflag:$0x4] =	stream.strided.gather [hbm4b:s31+s9], $0x2000, s10, s9, $0x38  }
0x44: {  	_ =	swait.ge [sflag:s8], $0x2000  }
0x45: {  	(v2sf) =	vpush v5, $0x0;
	_ =	sdelay $0xe  }
0x46: {  	s24 =	spop (v2sf)  }
0x47: {  	s25 =	sand.u32 $0x7F, s24  }
0x48: {  	v6 =	vor.u32 s25, v0  }
0x49: {  	(v2sf) =	vpush v5, $0x4;
	_ =	sdelay $0x1  }
0x4a: {  	[sflag:s8] =	ssyncset.done $0x0  }
0x4b: {  	[sflag:s8] =	ssyncadd.s32 $0xFFFFE000  }
0x4c: {  	v6 =	vld.idx.msk [tilespmem:v6+s11+$0x0], $0xffff  }
0x4d: {  	v7 =	vor.u32 s25, v1;
	_ =	sdelay $0x3  }
0x4e: {  	[tilespmem:s20+$0xFFFFFC00] =	vst v6  }
0x4f: {  	v6 =	vld.idx.msk [tilespmem:v7+s11+$0x0], $0xffff  }
0x50: {  	v12 =	vor.u32 s25, v2;
	_ =	sdelay $0x3  }
0x51: {  	s22 =	spop (v2sf);
	[tilespmem:s20+$0xFFFFFC10] =	vst v6  }
0x52: {  	s26 =	sshra.s32 s22, $0x1F;
	v6 =	vld.idx.msk [tilespmem:v12+s11+$0x0], $0xffff  }
0x53: {  	v13 =	vor.u32 s25, v3;
	s28 =	sshrl.u32 s26, $0x19  }
0x54: {  	s24 =	sadd.s32 s28, s22  }
0x55: {  	s29 =	sand.u32 $0xFFFFFF80, s24  }
0x56: {  	p1 =	slt.s32 s22, $0x1;
	p2 =	sne.s32 s22, s29  }
0x57: {  	p0 =	por !p1, !p2;
	[tilespmem:s20+$0xFFFFFC20] =	vst v6  }
0x58: {  	s25 =	simm.s32 $0x1;
	p0 =	por !p0, !p0;
	v6 =	vld.idx.msk [tilespmem:v13+s11+$0x0], $0xffff  }
0x59: {  	s24 =	sshrl.u32 s24, $0x7;
	s25 =	simm.s32 @!p0 $0x0  }
0x5a: {  	s24 =	ssub.s32 s24, s25  }
0x5b: {  	s24 =	sshll.u32 s24, $0x7  }
0x5c: {  	s24 =	sand.u32 $0x1FFFFF80, s24  }
0x5d: {  	s24 =	sadd.s32 s1, s24;
	[tilespmem:s20+$0xFFFFFC30] =	vst v6  }
0x5e: {  	[tilespmem:s11], [sflag:$0x1] =	stream.strided.gather [hbm4b:s24+s9], $0x2000, s10, s9, $0x38;
	[tilespmem:$0xC080] =	vst v63  }
0x5f: {  	_ =	swait.ge [sflag:s15], $0x2000  }
0x60: {  	(v2sf) =	vpush v5, $0x1;
	_ =	sdelay $0xe  }
0x61: {  	s30 =	spop (v2sf)  }
0x62: {  	s31 =	sand.u32 $0x7F, s30  }
0x63: {  	v14 =	vor.u32 s31, v0  }
0x64: {  	(v2sf) =	vpush v5, $0x5;
	_ =	sdelay $0x1  }
0x65: {  	[sflag:s15] =	ssyncset.done $0x0  }
0x66: {  	[sflag:s15] =	ssyncadd.s32 $0xFFFFE000  }
0x67: {  	v6 =	vld.idx.msk [tilespmem:v14+s12+$0x0], $0xffff  }
0x68: {  	v15 =	vor.u32 s31, v1;
	_ =	sdelay $0x3  }
0x69: {  	[tilespmem:s20+$0xFFFFFC80] =	vst v6  }
0x6a: {  	v6 =	vld.idx.msk [tilespmem:v15+s12+$0x0], $0xffff  }
0x6b: {  	v16 =	vor.u32 s31, v2;
	_ =	sdelay $0x3  }
0x6c: {  	s24 =	spop (v2sf);
	[tilespmem:s20+$0xFFFFFC90] =	vst v6  }
0x6d: {  	s26 =	sshra.s32 s24, $0x1F;
	v6 =	vld.idx.msk [tilespmem:v16+s12+$0x0], $0xffff  }
0x6e: {  	v17 =	vor.u32 s31, v3;
	s28 =	sshrl.u32 s26, $0x19  }
0x6f: {  	s25 =	sadd.s32 s28, s24  }
0x70: {  	s29 =	sand.u32 $0xFFFFFF80, s25  }
0x71: {  	p3 =	slt.s32 s24, $0x1;
	p4 =	sne.s32 s24, s29  }
0x72: {  	p0 =	por !p3, !p4;
	[tilespmem:s20+$0xFFFFFCA0] =	vst v6  }
0x73: {  	s26 =	simm.s32 $0x1;
	p0 =	por !p0, !p0;
	v6 =	vld.idx.msk [tilespmem:v17+s12+$0x0], $0xffff  }
0x74: {  	s25 =	sshrl.u32 s25, $0x7;
	s26 =	simm.s32 @!p0 $0x0  }
0x75: {  	s25 =	ssub.s32 s25, s26  }
0x76: {  	s25 =	sshll.u32 s25, $0x7  }
0x77: {  	s25 =	sand.u32 $0x1FFFFF80, s25  }
0x78: {  	s25 =	sadd.s32 s1, s25;
	[tilespmem:s20+$0xFFFFFCB0] =	vst v6  }
0x79: {  	[tilespmem:s12], [sflag:$0x2] =	stream.strided.gather [hbm4b:s25+s9], $0x2000, s10, s9, $0x38;
	[tilespmem:$0xC080] =	vst v63  }
0x7a: {  	_ =	swait.ge [sflag:s16], $0x2000  }
0x7b: {  	(v2sf) =	vpush v5, $0x2;
	_ =	sdelay $0xe  }
0x7c: {  	s30 =	spop (v2sf)  }
0x7d: {  	s31 =	sand.u32 $0x7F, s30  }
0x7e: {  	v18 =	vor.u32 s31, v0  }
0x7f: {  	(v2sf) =	vpush v5, $0x6;
	_ =	sdelay $0x1  }
0x80: {  	[sflag:s16] =	ssyncset.done $0x0  }
0x81: {  	[sflag:s16] =	ssyncadd.s32 $0xFFFFE000  }
0x82: {  	v6 =	vld.idx.msk [tilespmem:v18+s13+$0x0], $0xffff  }
0x83: {  	v19 =	vor.u32 s31, v1;
	_ =	sdelay $0x3  }
0x84: {  	[tilespmem:s20+$0xFFFFFD00] =	vst v6  }
0x85: {  	v6 =	vld.idx.msk [tilespmem:v19+s13+$0x0], $0xffff  }
0x86: {  	v20 =	vor.u32 s31, v2;
	_ =	sdelay $0x3  }
0x87: {  	s25 =	spop (v2sf);
	[tilespmem:s20+$0xFFFFFD10] =	vst v6  }
0x88: {  	s28 =	sshra.s32 s25, $0x1F;
	v6 =	vld.idx.msk [tilespmem:v20+s13+$0x0], $0xffff  }
0x89: {  	v21 =	vor.u32 s31, v3;
	s28 =	sshrl.u32 s28, $0x19  }
0x8a: {  	s26 =	sadd.s32 s28, s25  }
0x8b: {  	s29 =	sand.u32 $0xFFFFFF80, s26  }
0x8c: {  	p5 =	slt.s32 s25, $0x1;
	p6 =	sne.s32 s25, s29  }
0x8d: {  	p0 =	por !p5, !p6;
	[tilespmem:s20+$0xFFFFFD20] =	vst v6  }
0x8e: {  	s28 =	simm.s32 $0x1;
	p0 =	por !p0, !p0;
	v6 =	vld.idx.msk [tilespmem:v21+s13+$0x0], $0xffff  }
0x8f: {  	s26 =	sshrl.u32 s26, $0x7;
	s28 =	simm.s32 @!p0 $0x0  }
0x90: {  	s26 =	ssub.s32 s26, s28  }
0x91: {  	s26 =	sshll.u32 s26, $0x7  }
0x92: {  	s26 =	sand.u32 $0x1FFFFF80, s26  }
0x93: {  	s30 =	sand.u32 $0x7F, s23;
	s26 =	sadd.s32 s1, s26;
	[tilespmem:s20+$0xFFFFFD30] =	vst v6  }
0x94: {  	[tilespmem:s13], [sflag:$0x3] =	stream.strided.gather [hbm4b:s26+s9], $0x2000, s10, s9, $0x38;
	[tilespmem:$0xC080] =	vst v63  }
0x95: {  	v22 =	vor.u32 s30, v0;
	_ =	swait.ge [sflag:s17], $0x2000  }
0x96: {  	(v2sf) =	vpush v5, $0x7;
	_ =	sdelay $0x1  }
0x97: {  	[sflag:s17] =	ssyncset.done $0x0  }
0x98: {  	[sflag:s17] =	ssyncadd.s32 $0xFFFFE000  }
0x99: {  	v6 =	vld.idx.msk [tilespmem:v22+s14+$0x0], $0xffff  }
0x9a: {  	v23 =	vor.u32 s30, v1;
	_ =	sdelay $0x3  }
0x9b: {  	[tilespmem:s20+$0xFFFFFD80] =	vst v6  }
0x9c: {  	v6 =	vld.idx.msk [tilespmem:v23+s14+$0x0], $0xffff  }
0x9d: {  	v24 =	vor.u32 s30, v2;
	_ =	sdelay $0x3  }
0x9e: {  	[tilespmem:s20+$0xFFFFFD90] =	vst v6;
	s23 =	spop (v2sf)  }
0x9f: {  	v6 =	vld.idx.msk [tilespmem:v24+s14+$0x0], $0xffff;
	s31 =	sshra.s32 s23, $0x1F  }
0xa0: {  	v25 =	vor.u32 s30, v3;
	s28 =	sshrl.u32 s31, $0x19  }
0xa1: {  	s26 =	sadd.s32 s28, s23  }
0xa2: {  	s29 =	sand.u32 $0xFFFFFF80, s26  }
0xa3: {  	p1 =	slt.s32 s23, $0x1;
	p2 =	sne.s32 s23, s29  }
0xa4: {  	[tilespmem:s20+$0xFFFFFDA0] =	vst v6;
	p0 =	por !p1, !p2  }
0xa5: {  	s28 =	simm.s32 $0x1;
	v6 =	vld.idx.msk [tilespmem:v25+s14+$0x0], $0xffff;
	p0 =	por !p0, !p0  }
0xa6: {  	s26 =	sshrl.u32 s26, $0x7;
	s28 =	simm.s32 @!p0 $0x0  }
0xa7: {  	s26 =	ssub.s32 s26, s28  }
0xa8: {  	s26 =	sshll.u32 s26, $0x7  }
0xa9: {  	s26 =	sand.u32 $0x1FFFFF80, s26  }
0xaa: {  	s30 =	sand.u32 $0x7F, s22;
	[tilespmem:s20+$0xFFFFFDB0] =	vst v6;
	s26 =	sadd.s32 s1, s26  }
0xab: {  	[tilespmem:s14], [sflag:$0x4] =	stream.strided.gather [hbm4b:s26+s9], $0x2000, s10, s9, $0x38;
	[tilespmem:$0xC080] =	vst v63  }
0xac: {  	v26 =	vor.u32 s30, v0;
	_ =	swait.ge [sflag:s8], $0x2000  }
0xad: {  	(v2sf) =	vpush v5, $0x8;
	_ =	sdelay $0x1  }
0xae: {  	[sflag:s8] =	ssyncset.done $0x0  }
0xaf: {  	[sflag:s8] =	ssyncadd.s32 $0xFFFFE000  }
0xb0: {  	v6 =	vld.idx.msk [tilespmem:v26+s11+$0x0], $0xffff  }
0xb1: {  	v27 =	vor.u32 s30, v1;
	_ =	sdelay $0x3  }
0xb2: {  	[tilespmem:s20+$0xFFFFFE00] =	vst v6  }
0xb3: {  	v6 =	vld.idx.msk [tilespmem:v27+s11+$0x0], $0xffff  }
0xb4: {  	v28 =	vor.u32 s30, v2;
	_ =	sdelay $0x3  }
0xb5: {  	[tilespmem:s20+$0xFFFFFE10] =	vst v6;
	s22 =	spop (v2sf)  }
0xb6: {  	v6 =	vld.idx.msk [tilespmem:v28+s11+$0x0], $0xffff;
	s31 =	sshra.s32 s22, $0x1F  }
0xb7: {  	v29 =	vor.u32 s30, v3;
	s28 =	sshrl.u32 s31, $0x19  }
0xb8: {  	s26 =	sadd.s32 s28, s22  }
0xb9: {  	s29 =	sand.u32 $0xFFFFFF80, s26  }
0xba: {  	p3 =	slt.s32 s22, $0x1;
	p4 =	sne.s32 s22, s29  }
0xbb: {  	[tilespmem:s20+$0xFFFFFE20] =	vst v6;
	p0 =	por !p3, !p4  }
0xbc: {  	s28 =	simm.s32 $0x1;
	v6 =	vld.idx.msk [tilespmem:v29+s11+$0x0], $0xffff;
	p0 =	por !p0, !p0  }
0xbd: {  	s26 =	sshrl.u32 s26, $0x7;
	s28 =	simm.s32 @!p0 $0x0  }
0xbe: {  	s26 =	ssub.s32 s26, s28  }
0xbf: {  	s26 =	sshll.u32 s26, $0x7  }
0xc0: {  	s26 =	sand.u32 $0x1FFFFF80, s26  }
0xc1: {  	s30 =	sand.u32 $0x7F, s24;
	[tilespmem:s20+$0xFFFFFE30] =	vst v6;
	s26 =	sadd.s32 s1, s26  }
0xc2: {  	[tilespmem:s11], [sflag:$0x1] =	stream.strided.gather [hbm4b:s26+s9], $0x2000, s10, s9, $0x38;
	[tilespmem:$0xC080] =	vst v63  }
0xc3: {  	v30 =	vor.u32 s30, v0;
	_ =	swait.ge [sflag:s15], $0x2000  }
0xc4: {  	(v2sf) =	vpush v5, $0x9;
	_ =	sdelay $0x1  }
0xc5: {  	[sflag:s15] =	ssyncset.done $0x0  }
0xc6: {  	[sflag:s15] =	ssyncadd.s32 $0xFFFFE000  }
0xc7: {  	v6 =	vld.idx.msk [tilespmem:v30+s12+$0x0], $0xffff  }
0xc8: {  	v31 =	vor.u32 s30, v1;
	_ =	sdelay $0x3  }
0xc9: {  	[tilespmem:s20+$0xFFFFFE80] =	vst v6  }
0xca: {  	v6 =	vld.idx.msk [tilespmem:v31+s12+$0x0], $0xffff  }
0xcb: {  	v32 =	vor.u32 s30, v2;
	_ =	sdelay $0x3  }
0xcc: {  	[tilespmem:s20+$0xFFFFFE90] =	vst v6;
	s24 =	spop (v2sf)  }
0xcd: {  	v6 =	vld.idx.msk [tilespmem:v32+s12+$0x0], $0xffff;
	s31 =	sshra.s32 s24, $0x1F  }
0xce: {  	v33 =	vor.u32 s30, v3;
	s28 =	sshrl.u32 s31, $0x19  }
0xcf: {  	s26 =	sadd.s32 s28, s24  }
0xd0: {  	s29 =	sand.u32 $0xFFFFFF80, s26  }
0xd1: {  	p5 =	slt.s32 s24, $0x1;
	p6 =	sne.s32 s24, s29  }
0xd2: {  	[tilespmem:s20+$0xFFFFFEA0] =	vst v6;
	p0 =	por !p5, !p6  }
0xd3: {  	s28 =	simm.s32 $0x1;
	v6 =	vld.idx.msk [tilespmem:v33+s12+$0x0], $0xffff;
	p0 =	por !p0, !p0  }
0xd4: {  	s26 =	sshrl.u32 s26, $0x7;
	s28 =	simm.s32 @!p0 $0x0  }
0xd5: {  	s26 =	ssub.s32 s26, s28  }
0xd6: {  	s26 =	sshll.u32 s26, $0x7  }
0xd7: {  	s26 =	sand.u32 $0x1FFFFF80, s26  }
0xd8: {  	s30 =	sand.u32 $0x7F, s25;
	[tilespmem:s20+$0xFFFFFEB0] =	vst v6;
	s26 =	sadd.s32 s1, s26  }
0xd9: {  	[tilespmem:s12], [sflag:$0x2] =	stream.strided.gather [hbm4b:s26+s9], $0x2000, s10, s9, $0x38;
	[tilespmem:$0xC080] =	vst v63  }
0xda: {  	v34 =	vor.u32 s30, v0;
	_ =	swait.ge [sflag:s16], $0x2000  }
0xdb: {  	(v2sf) =	vpush v5, $0xA;
	_ =	sdelay $0x1  }
0xdc: {  	[sflag:s16] =	ssyncset.done $0x0  }
0xdd: {  	[sflag:s16] =	ssyncadd.s32 $0xFFFFE000  }
0xde: {  	v6 =	vld.idx.msk [tilespmem:v34+s13+$0x0], $0xffff  }
0xdf: {  	v35 =	vor.u32 s30, v1;
	_ =	sdelay $0x3  }
0xe0: {  	[tilespmem:s20+$0xFFFFFF00] =	vst v6  }
0xe1: {  	v6 =	vld.idx.msk [tilespmem:v35+s13+$0x0], $0xffff  }
0xe2: {  	v36 =	vor.u32 s30, v2;
	_ =	sdelay $0x3  }
0xe3: {  	[tilespmem:s20+$0xFFFFFF10] =	vst v6;
	s25 =	spop (v2sf)  }
0xe4: {  	v6 =	vld.idx.msk [tilespmem:v36+s13+$0x0], $0xffff;
	s31 =	sshra.s32 s25, $0x1F  }
0xe5: {  	v37 =	vor.u32 s30, v3;
	s28 =	sshrl.u32 s31, $0x19  }
0xe6: {  	s26 =	sadd.s32 s28, s25  }
0xe7: {  	s29 =	sand.u32 $0xFFFFFF80, s26  }
0xe8: {  	p1 =	slt.s32 s25, $0x1;
	p2 =	sne.s32 s25, s29  }
0xe9: {  	[tilespmem:s20+$0xFFFFFF20] =	vst v6;
	p0 =	por !p1, !p2  }
0xea: {  	s28 =	simm.s32 $0x1;
	v6 =	vld.idx.msk [tilespmem:v37+s13+$0x0], $0xffff;
	p0 =	por !p0, !p0  }
0xeb: {  	s26 =	sshrl.u32 s26, $0x7;
	s28 =	simm.s32 @!p0 $0x0  }
0xec: {  	s26 =	ssub.s32 s26, s28  }
0xed: {  	s26 =	sshll.u32 s26, $0x7  }
0xee: {  	s26 =	sand.u32 $0x1FFFFF80, s26  }
0xef: {  	s30 =	sand.u32 $0x7F, s23;
	[tilespmem:s20+$0xFFFFFF30] =	vst v6;
	s26 =	sadd.s32 s1, s26  }
0xf0: {  	[tilespmem:s13], [sflag:$0x3] =	stream.strided.gather [hbm4b:s26+s9], $0x2000, s10, s9, $0x38;
	[tilespmem:$0xC080] =	vst v63  }
0xf1: {  	v38 =	vor.u32 s30, v0;
	_ =	swait.ge [sflag:s17], $0x2000  }
0xf2: {  	(v2sf) =	vpush v5, $0xB;
	_ =	sdelay $0x1  }
0xf3: {  	[sflag:s17] =	ssyncset.done $0x0  }
0xf4: {  	[sflag:s17] =	ssyncadd.s32 $0xFFFFE000  }
0xf5: {  	v6 =	vld.idx.msk [tilespmem:v38+s14+$0x0], $0xffff  }
0xf6: {  	v39 =	vor.u32 s30, v1;
	_ =	sdelay $0x3  }
0xf7: {  	[tilespmem:s20+$0xFFFFFF80] =	vst v6  }
0xf8: {  	v6 =	vld.idx.msk [tilespmem:v39+s14+$0x0], $0xffff  }
0xf9: {  	v40 =	vor.u32 s30, v2;
	_ =	sdelay $0x3  }
0xfa: {  	[tilespmem:s20+$0xFFFFFF90] =	vst v6;
	s23 =	spop (v2sf)  }
0xfb: {  	v6 =	vld.idx.msk [tilespmem:v40+s14+$0x0], $0xffff;
	s31 =	sshra.s32 s23, $0x1F  }
0xfc: {  	v41 =	vor.u32 s30, v3;
	s28 =	sshrl.u32 s31, $0x19  }
0xfd: {  	s26 =	sadd.s32 s28, s23  }
0xfe: {  	s29 =	sand.u32 $0xFFFFFF80, s26  }
0xff: {  	p3 =	slt.s32 s23, $0x1;
	p4 =	sne.s32 s23, s29  }
0x100: {  	[tilespmem:s20+$0xFFFFFFA0] =	vst v6;
	p0 =	por !p3, !p4  }
0x101: {  	s28 =	simm.s32 $0x1;
	v6 =	vld.idx.msk [tilespmem:v41+s14+$0x0], $0xffff;
	p0 =	por !p0, !p0  }
0x102: {  	s26 =	sshrl.u32 s26, $0x7;
	s28 =	simm.s32 @!p0 $0x0  }
0x103: {  	s26 =	ssub.s32 s26, s28  }
0x104: {  	s26 =	sshll.u32 s26, $0x7  }
0x105: {  	s26 =	sand.u32 $0x1FFFFF80, s26  }
0x106: {  	s30 =	sand.u32 $0x7F, s22;
	[tilespmem:s20+$0xFFFFFFB0] =	vst v6;
	s26 =	sadd.s32 s1, s26  }
0x107: {  	[tilespmem:s14], [sflag:$0x4] =	stream.strided.gather [hbm4b:s26+s9], $0x2000, s10, s9, $0x38;
	[tilespmem:$0xC080] =	vst v63  }
0x108: {  	v42 =	vor.u32 s30, v0;
	_ =	swait.ge [sflag:s8], $0x2000  }
0x109: {  	(v2sf) =	vpush v5, $0xC;
	_ =	sdelay $0x1  }
0x10a: {  	[sflag:s8] =	ssyncset.done $0x0  }
0x10b: {  	[sflag:s8] =	ssyncadd.s32 $0xFFFFE000  }
0x10c: {  	v6 =	vld.idx.msk [tilespmem:v42+s11+$0x0], $0xffff  }
0x10d: {  	v43 =	vor.u32 s30, v1;
	_ =	sdelay $0x3  }
0x10e: {  	[tilespmem:s20+$0x0] =	vst v6  }
0x10f: {  	v6 =	vld.idx.msk [tilespmem:v43+s11+$0x0], $0xffff  }
0x110: {  	v44 =	vor.u32 s30, v2;
	_ =	sdelay $0x3  }
0x111: {  	[tilespmem:s20+$0x10] =	vst v6;
	s22 =	spop (v2sf)  }
0x112: {  	v6 =	vld.idx.msk [tilespmem:v44+s11+$0x0], $0xffff;
	s31 =	sshra.s32 s22, $0x1F  }
0x113: {  	v45 =	vor.u32 s30, v3;
	s28 =	sshrl.u32 s31, $0x19  }
0x114: {  	s26 =	sadd.s32 s28, s22  }
0x115: {  	s29 =	sand.u32 $0xFFFFFF80, s26  }
0x116: {  	p5 =	slt.s32 s22, $0x1;
	p6 =	sne.s32 s22, s29  }
0x117: {  	[tilespmem:s20+$0x20] =	vst v6;
	p0 =	por !p5, !p6  }
0x118: {  	s28 =	simm.s32 $0x1;
	v6 =	vld.idx.msk [tilespmem:v45+s11+$0x0], $0xffff;
	p0 =	por !p0, !p0  }
0x119: {  	s26 =	sshrl.u32 s26, $0x7;
	s28 =	simm.s32 @!p0 $0x0  }
0x11a: {  	s26 =	ssub.s32 s26, s28  }
0x11b: {  	s26 =	sshll.u32 s26, $0x7  }
0x11c: {  	s26 =	sand.u32 $0x1FFFFF80, s26  }
0x11d: {  	s30 =	sand.u32 $0x7F, s24;
	[tilespmem:s20+$0x30] =	vst v6;
	s26 =	sadd.s32 s1, s26  }
0x11e: {  	[tilespmem:s11], [sflag:$0x1] =	stream.strided.gather [hbm4b:s26+s9], $0x2000, s10, s9, $0x38;
	[tilespmem:$0xC080] =	vst v63  }
0x11f: {  	v46 =	vor.u32 s30, v0;
	_ =	swait.ge [sflag:s15], $0x2000  }
0x120: {  	(v2sf) =	vpush v5, $0xD;
	_ =	sdelay $0x1  }
0x121: {  	[sflag:s15] =	ssyncset.done $0x0  }
0x122: {  	[sflag:s15] =	ssyncadd.s32 $0xFFFFE000  }
0x123: {  	v6 =	vld.idx.msk [tilespmem:v46+s12+$0x0], $0xffff  }
0x124: {  	v47 =	vor.u32 s30, v1;
	_ =	sdelay $0x3  }
0x125: {  	[tilespmem:s20+$0x80] =	vst v6  }
0x126: {  	v6 =	vld.idx.msk [tilespmem:v47+s12+$0x0], $0xffff  }
0x127: {  	v48 =	vor.u32 s30, v2;
	_ =	sdelay $0x3  }
0x128: {  	[tilespmem:s20+$0x90] =	vst v6;
	s24 =	spop (v2sf)  }
0x129: {  	v6 =	vld.idx.msk [tilespmem:v48+s12+$0x0], $0xffff;
	s31 =	sshra.s32 s24, $0x1F  }
0x12a: {  	v49 =	vor.u32 s30, v3;
	s28 =	sshrl.u32 s31, $0x19  }
0x12b: {  	s26 =	sadd.s32 s28, s24  }
0x12c: {  	s29 =	sand.u32 $0xFFFFFF80, s26  }
0x12d: {  	p1 =	slt.s32 s24, $0x1;
	p2 =	sne.s32 s24, s29  }
0x12e: {  	[tilespmem:s20+$0xA0] =	vst v6;
	p0 =	por !p1, !p2  }
0x12f: {  	s28 =	simm.s32 $0x1;
	v6 =	vld.idx.msk [tilespmem:v49+s12+$0x0], $0xffff;
	p0 =	por !p0, !p0  }
0x130: {  	s26 =	sshrl.u32 s26, $0x7;
	s28 =	simm.s32 @!p0 $0x0  }
0x131: {  	s26 =	ssub.s32 s26, s28  }
0x132: {  	s26 =	sshll.u32 s26, $0x7  }
0x133: {  	s26 =	sand.u32 $0x1FFFFF80, s26  }
0x134: {  	s30 =	sand.u32 $0x7F, s25;
	[tilespmem:s20+$0xB0] =	vst v6;
	s26 =	sadd.s32 s1, s26  }
0x135: {  	[tilespmem:s12], [sflag:$0x2] =	stream.strided.gather [hbm4b:s26+s9], $0x2000, s10, s9, $0x38;
	[tilespmem:$0xC080] =	vst v63  }
0x136: {  	v50 =	vor.u32 s30, v0;
	_ =	swait.ge [sflag:s16], $0x2000  }
0x137: {  	(v2sf) =	vpush v5, $0xE;
	_ =	sdelay $0x1  }
0x138: {  	[sflag:s16] =	ssyncset.done $0x0  }
0x139: {  	[sflag:s16] =	ssyncadd.s32 $0xFFFFE000  }
0x13a: {  	v6 =	vld.idx.msk [tilespmem:v50+s13+$0x0], $0xffff  }
0x13b: {  	v51 =	vor.u32 s30, v1;
	_ =	sdelay $0x3  }
0x13c: {  	[tilespmem:s20+$0x100] =	vst v6  }
0x13d: {  	v6 =	vld.idx.msk [tilespmem:v51+s13+$0x0], $0xffff  }
0x13e: {  	v52 =	vor.u32 s30, v2;
	_ =	sdelay $0x3  }
0x13f: {  	[tilespmem:s20+$0x110] =	vst v6;
	s25 =	spop (v2sf)  }
0x140: {  	v6 =	vld.idx.msk [tilespmem:v52+s13+$0x0], $0xffff;
	s31 =	sshra.s32 s25, $0x1F  }
0x141: {  	v53 =	vor.u32 s30, v3;
	s29 =	sshrl.u32 s31, $0x19  }
0x142: {  	s26 =	sadd.s32 s29, s25  }
0x143: {  	s30 =	sand.u32 $0xFFFFFF80, s26  }
0x144: {  	p3 =	slt.s32 s25, $0x1;
	p4 =	sne.s32 s25, s30  }
0x145: {  	[tilespmem:s20+$0x120] =	vst v6;
	p0 =	por !p3, !p4  }
0x146: {  	s28 =	simm.s32 $0x1;
	v6 =	vld.idx.msk [tilespmem:v53+s13+$0x0], $0xffff;
	p0 =	por !p0, !p0  }
0x147: {  	s26 =	sshrl.u32 s26, $0x7;
	s28 =	simm.s32 @!p0 $0x0  }
0x148: {  	s26 =	ssub.s32 s26, s28  }
0x149: {  	s26 =	sshll.u32 s26, $0x7  }
0x14a: {  	s26 =	sand.u32 $0x1FFFFF80, s26  }
0x14b: {  	s31 =	sand.u32 $0x7F, s23;
	[tilespmem:s20+$0x130] =	vst v6;
	s26 =	sadd.s32 s1, s26  }
0x14c: {  	[tilespmem:s13], [sflag:$0x3] =	stream.strided.gather [hbm4b:s26+s9], $0x2000, s10, s9, $0x38;
	[tilespmem:$0xC080] =	vst v63  }
0x14d: {  	v54 =	vor.u32 s31, v0;
	_ =	swait.ge [sflag:s17], $0x2000  }
0x14e: {  	(v2sf) =	vpush v5, $0xF;
	_ =	sdelay $0x1  }
0x14f: {  	[sflag:s17] =	ssyncset.done $0x0  }
0x150: {  	[sflag:s17] =	ssyncadd.s32 $0xFFFFE000  }
0x151: {  	v5 =	vld.idx.msk [tilespmem:v54+s14+$0x0], $0xffff  }
0x152: {  	v55 =	vor.u32 s31, v1;
	_ =	sdelay $0x3  }
0x153: {  	[tilespmem:s20+$0x180] =	vst v5  }
0x154: {  	v5 =	vld.idx.msk [tilespmem:v55+s14+$0x0], $0xffff  }
0x155: {  	v56 =	vor.u32 s31, v2;
	_ =	sdelay $0x3  }
0x156: {  	[tilespmem:s20+$0x190] =	vst v5;
	s23 =	spop (v2sf)  }
0x157: {  	v5 =	vld.idx.msk [tilespmem:v56+s14+$0x0], $0xffff;
	s29 =	sshra.s32 s23, $0x1F  }
0x158: {  	v57 =	vor.u32 s31, v3;
	s30 =	sshrl.u32 s29, $0x19  }
0x159: {  	s26 =	sadd.s32 s30, s23  }
0x15a: {  	s31 =	sand.u32 $0xFFFFFF80, s26  }
0x15b: {  	p5 =	slt.s32 s23, $0x1;
	p6 =	sne.s32 s23, s31  }
0x15c: {  	[tilespmem:s20+$0x1A0] =	vst v5;
	p0 =	por !p5, !p6  }
0x15d: {  	s28 =	simm.s32 $0x1;
	v5 =	vld.idx.msk [tilespmem:v57+s14+$0x0], $0xffff;
	p0 =	por !p0, !p0  }
0x15e: {  	s26 =	sshrl.u32 s26, $0x7;
	s28 =	simm.s32 @!p0 $0x0  }
0x15f: {  	s26 =	ssub.s32 s26, s28  }
0x160: {  	s26 =	sshll.u32 s26, $0x7  }
0x161: {  	s22 =	sand.u32 $0x7F, s22;
	s26 =	sand.u32 $0x1FFFFF80, s26  }
0x162: {  	[tilespmem:s20+$0x1B0] =	vst v5;
	v5 =	vor.u32 s22, v0;
	s26 =	sadd.s32 s1, s26  }
0x163: {  	[tilespmem:s14], [sflag:$0x4] =	stream.strided.gather [hbm4b:s26+s9], $0x2000, s10, s9, $0x38;
	[tilespmem:$0xC080] =	vst v63  }
0x164: {  	_ =	swait.ge [sflag:s8], $0x2000  }
0x165: {  	[sflag:s8] =	ssyncset.done $0x0  }
0x166: {  	(v2sf) =	vpush v4, $0x0;
	[sflag:s8] =	ssyncadd.s32 $0xFFFFE000  }
0x167: {  	v5 =	vld.idx.msk [tilespmem:v5+s11+$0x0], $0xffff  }
0x168: {  	v58 =	vor.u32 s22, v1;
	_ =	sdelay $0x3  }
0x169: {  	[tilespmem:s20+$0x200] =	vst v5  }
0x16a: {  	v5 =	vld.idx.msk [tilespmem:v58+s11+$0x0], $0xffff  }
0x16b: {  	v59 =	vor.u32 s22, v2;
	_ =	sdelay $0x3  }
0x16c: {  	[tilespmem:s20+$0x210] =	vst v5  }
0x16d: {  	v5 =	vld.idx.msk [tilespmem:v59+s11+$0x0], $0xffff  }
0x16e: {  	v60 =	vor.u32 s22, v3  }
0x16f: {  	s22 =	spop (v2sf)  }
0x170: {  	s29 =	sand.u32 $0x7F, s22  }
0x171: {  	s30 =	sshra.s32 s22, $0x1F;
	p1 =	slt.s32 s22, $0x1;
	p2 =	sne.s32 s29, $0x0  }
0x172: {  	s31 =	sshrl.u32 s30, $0x19;
	p0 =	por !p1, !p2;
	[tilespmem:s20+$0x220] =	vst v5  }
0x173: {  	s26 =	simm.s32 $0x1;
	s22 =	sadd.s32 s31, s22;
	p0 =	por !p0, !p0;
	v5 =	vld.idx.msk [tilespmem:v60+s11+$0x0], $0xffff  }
0x174: {  	s22 =	sshrl.u32 s22, $0x7;
	s26 =	simm.s32 @!p0 $0x0  }
0x175: {  	s22 =	ssub.s32 s22, s26  }
0x176: {  	s22 =	sshll.u32 s22, $0x7  }
0x177: {  	s24 =	sand.u32 $0x7F, s24;
	s22 =	sand.u32 $0x1FFFFF80, s22  }
0x178: {  	s22 =	sadd.s32 s1, s22;
	[tilespmem:s20+$0x230] =	vst v5;
	v5 =	vor.u32 s24, v0  }
0x179: {  	[tilespmem:s11], [sflag:$0x1] =	stream.strided.gather [hbm4b:s22+s9], $0x2000, s10, s9, $0x38;
	[tilespmem:$0xC080] =	vst v63  }
0x17a: {  	_ =	swait.ge [sflag:s15], $0x2000  }
0x17b: {  	[sflag:s15] =	ssyncset.done $0x0  }
0x17c: {  	(v2sf) =	vpush v4, $0x1;
	[sflag:s15] =	ssyncadd.s32 $0xFFFFE000  }
0x17d: {  	v5 =	vld.idx.msk [tilespmem:v5+s12+$0x0], $0xffff  }
0x17e: {  	v61 =	vor.u32 s24, v1;
	_ =	sdelay $0x3  }
0x17f: {  	[tilespmem:s20+$0x280] =	vst v5  }
0x180: {  	v5 =	vld.idx.msk [tilespmem:v61+s12+$0x0], $0xffff  }
0x181: {  	v62 =	vor.u32 s24, v2;
	_ =	sdelay $0x3  }
0x182: {  	[tilespmem:s20+$0x290] =	vst v5  }
0x183: {  	v5 =	vld.idx.msk [tilespmem:v62+s12+$0x0], $0xffff  }
0x184: {  	v63 =	vor.u32 s24, v3  }
0x185: {  	s28 =	spop (v2sf)  }
0x186: {  	s29 =	sand.u32 $0x7F, s28  }
0x187: {  	s30 =	sshra.s32 s28, $0x1F;
	p3 =	slt.s32 s28, $0x1;
	p4 =	sne.s32 s29, $0x0  }
0x188: {  	s31 =	sshrl.u32 s30, $0x19;
	p0 =	por !p3, !p4;
	[tilespmem:s20+$0x2A0] =	vst v5  }
0x189: {  	s24 =	simm.s32 $0x1;
	s22 =	sadd.s32 s31, s28;
	p0 =	por !p0, !p0;
	v5 =	vld.idx.msk [tilespmem:v63+s12+$0x0], $0xffff  }
0x18a: {  	s22 =	sshrl.u32 s22, $0x7;
	s24 =	simm.s32 @!p0 $0x0  }
0x18b: {  	s22 =	ssub.s32 s22, s24  }
0x18c: {  	s22 =	sshll.u32 s22, $0x7  }
0x18d: {  	s26 =	sand.u32 $0x7F, s25;
	s22 =	sand.u32 $0x1FFFFF80, s22  }
0x18e: {  	s22 =	sadd.s32 s1, s22;
	[tilespmem:s20+$0x2B0] =	vst v5;
	v5 =	vor.u32 s26, v0  }
0x18f: {  	[tilespmem:s12], [sflag:$0x2] =	stream.strided.gather [hbm4b:s22+s9], $0x2000, s10, s9, $0x38;
	[tilespmem:$0xC080] =	vst v63  }
0x190: {  	_ =	swait.ge [sflag:s16], $0x2000  }
0x191: {  	[sflag:s16] =	ssyncset.done $0x0  }
0x192: {  	(v2sf) =	vpush v4, $0x2;
	[sflag:s16] =	ssyncadd.s32 $0xFFFFE000  }
0x193: {  	v4 =	vld.idx.msk [tilespmem:v5+s13+$0x0], $0xffff  }
0x194: {  	v5 =	vor.u32 s26, v1;
	_ =	sdelay $0x3  }
0x195: {  	[tilespmem:s20+$0x300] =	vst v4  }
0x196: {  	v4 =	vld.idx.msk [tilespmem:v5+s13+$0x0], $0xffff  }
0x197: {  	v5 =	vor.u32 s26, v2;
	_ =	sdelay $0x3  }
0x198: {  	[tilespmem:s20+$0x310] =	vst v4  }
0x199: {  	v4 =	vld.idx.msk [tilespmem:v5+s13+$0x0], $0xffff  }
0x19a: {  	v5 =	vor.u32 s26, v3  }
0x19b: {  	s28 =	spop (v2sf)  }
0x19c: {  	s29 =	sand.u32 $0x7F, s28  }
0x19d: {  	s30 =	sshra.s32 s28, $0x1F;
	p5 =	slt.s32 s28, $0x1;
	p6 =	sne.s32 s29, $0x0  }
0x19e: {  	s31 =	sshrl.u32 s30, $0x19;
	p0 =	por !p5, !p6;
	[tilespmem:s20+$0x320] =	vst v4  }
0x19f: {  	s24 =	simm.s32 $0x1;
	s22 =	sadd.s32 s31, s28;
	p0 =	por !p0, !p0;
	v4 =	vld.idx.msk [tilespmem:v5+s13+$0x0], $0xffff  }
0x1a0: {  	s22 =	sshrl.u32 s22, $0x7;
	s24 =	simm.s32 @!p0 $0x0  }
0x1a1: {  	s22 =	ssub.s32 s22, s24  }
0x1a2: {  	s22 =	sshll.u32 s22, $0x7  }
0x1a3: {  	s23 =	sand.u32 $0x7F, s23;
	s22 =	sand.u32 $0x1FFFFF80, s22  }
0x1a4: {  	s22 =	sadd.s32 s1, s22;
	[tilespmem:s20+$0x330] =	vst v4;
	v4 =	vor.u32 s23, v0  }
0x1a5: {  	[tilespmem:s13], [sflag:$0x3] =	stream.strided.gather [hbm4b:s22+s9], $0x2000, s10, s9, $0x38;
	[tilespmem:$0xC080] =	vst v63  }
0x1a6: {  	_ =	swait.ge [sflag:s17], $0x2000  }
0x1a7: {  	[sflag:s17] =	ssyncset.done $0x0  }
0x1a8: {  	[sflag:s17] =	ssyncadd.s32 $0xFFFFE000  }
0x1a9: {  	v4 =	vld.idx.msk [tilespmem:v4+s14+$0x0], $0xffff  }
0x1aa: {  	v5 =	vor.u32 s23, v1;
	_ =	sdelay $0x3  }
0x1ab: {  	[tilespmem:s20+$0x380] =	vst v4  }
0x1ac: {  	v4 =	vld.idx.msk [tilespmem:v5+s14+$0x0], $0xffff  }
0x1ad: {  	v5 =	vor.u32 s23, v2;
	_ =	sdelay $0x3  }
0x1ae: {  	[tilespmem:s20+$0x390] =	vst v4  }
0x1af: {  	v4 =	vld.idx.msk [tilespmem:v5+s14+$0x0], $0xffff  }
0x1b0: {  	v5 =	vor.u32 s23, v3;
	_ =	sdelay $0x3  }
0x1b1: {  	[tilespmem:s20+$0x3A0] =	vst v4  }
0x1b2: {  	p0 =	sne.s32 s21, $0x180;
	v4 =	vld.idx.msk [tilespmem:v5+s14+$0x0], $0xffff  }
.Ltmp0:
0x1b3: {  	_ = 	snop;
	(pc) =	sbr.rel @p0 .LBB2_2-.Ltmp0, $2  }
0x1b4: {  	_ =	sdelay $0x2  }
0x1b5: {  	s21 =	sadd.s32 $0x40, s21;
	[tilespmem:s20+$0x3B0] =	vst v4;
	s20 =	sadd.s32 $0x800, s20  }
0x1b6: {  	v4 =	vld [tilespmem:$0x70];
	_ =	sdelay $0x4  }
0x1b7: {  	(v2sf) =	vpush v4, $0x3;
	_ =	sdelay $0xe  }
0x1b8: {  	s22 =	spop (v2sf)  }
0x1b9: {  	s20 =	sshra.s32 s22, $0x1F  }
0x1ba: {  	s20 =	sshrl.u32 s20, $0x19  }
0x1bb: {  	s20 =	sadd.s32 s20, s22  }
0x1bc: {  	s21 =	sand.u32 $0xFFFFFF80, s20  }
0x1bd: {  	p0 =	slt.s32 s22, $0x1;
	p1 =	sne.s32 s22, s21  }
0x1be: {  	p0 =	por !p0, !p1  }
0x1bf: {  	s21 =	simm.s32 $0x1;
	p0 =	por !p0, !p0  }
0x1c0: {  	s20 =	sshrl.u32 s20, $0x7;
	s21 =	simm.s32 @!p0 $0x0  }
0x1c1: {  	s20 =	ssub.s32 s20, s21  }
0x1c2: {  	s20 =	sshll.u32 s20, $0x7  }
0x1c3: {  	s20 =	sand.u32 $0x1FFFFF80, s20  }
0x1c4: {  	s20 =	sadd.s32 s1, s20  }
0x1c5: {  	[tilespmem:s14], [sflag:$0x4] =	stream.strided.gather [hbm4b:s20+s9], $0x2000, s10, s9, $0x38;
	[tilespmem:$0xC080] =	vst v63  }
0x1c6: {  	_ =	swait.ge [sflag:s8], $0x2000  }
0x1c7: {  	(v2sf) =	vpush v4, $0x0;
	_ =	sdelay $0xe  }
0x1c8: {  	s30 =	spop (v2sf)  }
0x1c9: {  	s31 =	sand.u32 $0x7F, s30  }
0x1ca: {  	v5 =	vor.u32 s31, v0  }
0x1cb: {  	(v2sf) =	vpush v4, $0x4;
	_ =	sdelay $0x1  }
0x1cc: {  	[sflag:s8] =	ssyncset.done $0x0  }
0x1cd: {  	[sflag:s8] =	ssyncadd.s32 $0xFFFFE000  }
0x1ce: {  	v5 =	vld.idx.msk [tilespmem:v5+s11+$0x0], $0xffff  }
0x1cf: {  	v6 =	vor.u32 s31, v1;
	_ =	sdelay $0x3  }
0x1d0: {  	[tilespmem:$0xB880] =	vst v5  }
0x1d1: {  	v5 =	vld.idx.msk [tilespmem:v6+s11+$0x0], $0xffff  }
0x1d2: {  	v32 =	vor.u32 s31, v2;
	_ =	sdelay $0x3  }
0x1d3: {  	s20 =	spop (v2sf);
	[tilespmem:$0xB890] =	vst v5  }
0x1d4: {  	s23 =	sshra.s32 s20, $0x1F;
	v5 =	vld.idx.msk [tilespmem:v32+s11+$0x0], $0xffff  }
0x1d5: {  	v33 =	vor.u32 s31, v3;
	s23 =	sshrl.u32 s23, $0x19  }
0x1d6: {  	s21 =	sadd.s32 s23, s20  }
0x1d7: {  	s24 =	sand.u32 $0xFFFFFF80, s21  }
0x1d8: {  	p1 =	slt.s32 s20, $0x1;
	p2 =	sne.s32 s20, s24  }
0x1d9: {  	p0 =	por !p1, !p2;
	[tilespmem:$0xB8A0] =	vst v5  }
0x1da: {  	s23 =	simm.s32 $0x1;
	p0 =	por !p0, !p0;
	v5 =	vld.idx.msk [tilespmem:v33+s11+$0x0], $0xffff  }
0x1db: {  	s21 =	sshrl.u32 s21, $0x7;
	s23 =	simm.s32 @!p0 $0x0  }
0x1dc: {  	s21 =	ssub.s32 s21, s23  }
0x1dd: {  	s21 =	sshll.u32 s21, $0x7  }
0x1de: {  	s21 =	sand.u32 $0x1FFFFF80, s21  }
0x1df: {  	s21 =	sadd.s32 s1, s21;
	[tilespmem:$0xB8B0] =	vst v5  }
0x1e0: {  	[tilespmem:s11], [sflag:$0x1] =	stream.strided.gather [hbm4b:s21+s9], $0x2000, s10, s9, $0x38;
	[tilespmem:$0xC080] =	vst v63  }
0x1e1: {  	_ =	swait.ge [sflag:s15], $0x2000  }
0x1e2: {  	(v2sf) =	vpush v4, $0x1;
	_ =	sdelay $0xe  }
0x1e3: {  	s25 =	spop (v2sf)  }
0x1e4: {  	s26 =	sand.u32 $0x7F, s25  }
0x1e5: {  	v5 =	vor.u32 s26, v0  }
0x1e6: {  	(v2sf) =	vpush v4, $0x5;
	_ =	sdelay $0x1  }
0x1e7: {  	[sflag:s15] =	ssyncset.done $0x0  }
0x1e8: {  	[sflag:s15] =	ssyncadd.s32 $0xFFFFE000  }
0x1e9: {  	v5 =	vld.idx.msk [tilespmem:v5+s12+$0x0], $0xffff  }
0x1ea: {  	v34 =	vor.u32 s26, v1;
	_ =	sdelay $0x3  }
0x1eb: {  	[tilespmem:$0xB900] =	vst v5  }
0x1ec: {  	v5 =	vld.idx.msk [tilespmem:v34+s12+$0x0], $0xffff  }
0x1ed: {  	v35 =	vor.u32 s26, v2;
	_ =	sdelay $0x3  }
0x1ee: {  	s21 =	spop (v2sf);
	[tilespmem:$0xB910] =	vst v5  }
0x1ef: {  	s24 =	sshra.s32 s21, $0x1F;
	v5 =	vld.idx.msk [tilespmem:v35+s12+$0x0], $0xffff  }
0x1f0: {  	v36 =	vor.u32 s26, v3;
	s28 =	sshrl.u32 s24, $0x19  }
0x1f1: {  	s23 =	sadd.s32 s28, s21  }
0x1f2: {  	s29 =	sand.u32 $0xFFFFFF80, s23  }
0x1f3: {  	p3 =	slt.s32 s21, $0x1;
	p4 =	sne.s32 s21, s29  }
0x1f4: {  	p0 =	por !p3, !p4;
	[tilespmem:$0xB920] =	vst v5  }
0x1f5: {  	s24 =	simm.s32 $0x1;
	p0 =	por !p0, !p0;
	v5 =	vld.idx.msk [tilespmem:v36+s12+$0x0], $0xffff  }
0x1f6: {  	s23 =	sshrl.u32 s23, $0x7;
	s24 =	simm.s32 @!p0 $0x0  }
0x1f7: {  	s23 =	ssub.s32 s23, s24  }
0x1f8: {  	s23 =	sshll.u32 s23, $0x7  }
0x1f9: {  	s23 =	sand.u32 $0x1FFFFF80, s23  }
0x1fa: {  	s23 =	sadd.s32 s1, s23;
	[tilespmem:$0xB930] =	vst v5  }
0x1fb: {  	[tilespmem:s12], [sflag:$0x2] =	stream.strided.gather [hbm4b:s23+s9], $0x2000, s10, s9, $0x38;
	[tilespmem:$0xC080] =	vst v63  }
0x1fc: {  	_ =	swait.ge [sflag:s16], $0x2000  }
0x1fd: {  	(v2sf) =	vpush v4, $0x2;
	_ =	sdelay $0xe  }
0x1fe: {  	s30 =	spop (v2sf)  }
0x1ff: {  	s31 =	sand.u32 $0x7F, s30  }
0x200: {  	v5 =	vor.u32 s31, v0  }
0x201: {  	(v2sf) =	vpush v4, $0x6;
	_ =	sdelay $0x1  }
0x202: {  	[sflag:s16] =	ssyncset.done $0x0  }
0x203: {  	[sflag:s16] =	ssyncadd.s32 $0xFFFFE000  }
0x204: {  	v5 =	vld.idx.msk [tilespmem:v5+s13+$0x0], $0xffff  }
0x205: {  	v37 =	vor.u32 s31, v1;
	_ =	sdelay $0x3  }
0x206: {  	[tilespmem:$0xB980] =	vst v5  }
0x207: {  	v5 =	vld.idx.msk [tilespmem:v37+s13+$0x0], $0xffff  }
0x208: {  	v38 =	vor.u32 s31, v2;
	_ =	sdelay $0x3  }
0x209: {  	s23 =	spop (v2sf);
	[tilespmem:$0xB990] =	vst v5  }
0x20a: {  	s25 =	sshra.s32 s23, $0x1F;
	v5 =	vld.idx.msk [tilespmem:v38+s13+$0x0], $0xffff  }
0x20b: {  	v39 =	vor.u32 s31, v3;
	s25 =	sshrl.u32 s25, $0x19  }
0x20c: {  	s24 =	sadd.s32 s25, s23  }
0x20d: {  	s26 =	sand.u32 $0xFFFFFF80, s24  }
0x20e: {  	p5 =	slt.s32 s23, $0x1;
	p6 =	sne.s32 s23, s26  }
0x20f: {  	p0 =	por !p5, !p6;
	[tilespmem:$0xB9A0] =	vst v5  }
0x210: {  	s25 =	simm.s32 $0x1;
	p0 =	por !p0, !p0;
	v5 =	vld.idx.msk [tilespmem:v39+s13+$0x0], $0xffff  }
0x211: {  	s24 =	sshrl.u32 s24, $0x7;
	s25 =	simm.s32 @!p0 $0x0  }
0x212: {  	s24 =	ssub.s32 s24, s25  }
0x213: {  	s24 =	sshll.u32 s24, $0x7  }
0x214: {  	s24 =	sand.u32 $0x1FFFFF80, s24  }
0x215: {  	s28 =	sand.u32 $0x7F, s22;
	s24 =	sadd.s32 s1, s24;
	[tilespmem:$0xB9B0] =	vst v5  }
0x216: {  	[tilespmem:s13], [sflag:$0x3] =	stream.strided.gather [hbm4b:s24+s9], $0x2000, s10, s9, $0x38;
	[tilespmem:$0xC080] =	vst v63  }
0x217: {  	v5 =	vor.u32 s28, v0;
	_ =	swait.ge [sflag:s17], $0x2000  }
0x218: {  	(v2sf) =	vpush v4, $0x7;
	_ =	sdelay $0x1  }
0x219: {  	[sflag:s17] =	ssyncset.done $0x0  }
0x21a: {  	[sflag:s17] =	ssyncadd.s32 $0xFFFFE000  }
0x21b: {  	v5 =	vld.idx.msk [tilespmem:v5+s14+$0x0], $0xffff  }
0x21c: {  	v40 =	vor.u32 s28, v1;
	_ =	sdelay $0x3  }
0x21d: {  	[tilespmem:$0xBA00] =	vst v5  }
0x21e: {  	v5 =	vld.idx.msk [tilespmem:v40+s14+$0x0], $0xffff  }
0x21f: {  	v41 =	vor.u32 s28, v2;
	_ =	sdelay $0x3  }
0x220: {  	[tilespmem:$0xBA10] =	vst v5;
	s22 =	spop (v2sf)  }
0x221: {  	v5 =	vld.idx.msk [tilespmem:v41+s14+$0x0], $0xffff;
	s29 =	sshra.s32 s22, $0x1F  }
0x222: {  	v42 =	vor.u32 s28, v3;
	s30 =	sshrl.u32 s29, $0x19  }
0x223: {  	s24 =	sadd.s32 s30, s22  }
0x224: {  	s31 =	sand.u32 $0xFFFFFF80, s24  }
0x225: {  	p1 =	slt.s32 s22, $0x1;
	p2 =	sne.s32 s22, s31  }
0x226: {  	[tilespmem:$0xBA20] =	vst v5;
	p0 =	por !p1, !p2  }
0x227: {  	s25 =	simm.s32 $0x1;
	v5 =	vld.idx.msk [tilespmem:v42+s14+$0x0], $0xffff;
	p0 =	por !p0, !p0  }
0x228: {  	s24 =	sshrl.u32 s24, $0x7;
	s25 =	simm.s32 @!p0 $0x0  }
0x229: {  	s24 =	ssub.s32 s24, s25  }
0x22a: {  	s24 =	sshll.u32 s24, $0x7  }
0x22b: {  	s24 =	sand.u32 $0x1FFFFF80, s24  }
0x22c: {  	s25 =	sand.u32 $0x7F, s20;
	[tilespmem:$0xBA30] =	vst v5;
	s24 =	sadd.s32 s1, s24  }
0x22d: {  	[tilespmem:s14], [sflag:$0x4] =	stream.strided.gather [hbm4b:s24+s9], $0x2000, s10, s9, $0x38;
	[tilespmem:$0xC080] =	vst v63  }
0x22e: {  	v5 =	vor.u32 s25, v0;
	_ =	swait.ge [sflag:s8], $0x2000  }
0x22f: {  	(v2sf) =	vpush v4, $0x8;
	_ =	sdelay $0x1  }
0x230: {  	[sflag:s8] =	ssyncset.done $0x0  }
0x231: {  	[sflag:s8] =	ssyncadd.s32 $0xFFFFE000  }
0x232: {  	v5 =	vld.idx.msk [tilespmem:v5+s11+$0x0], $0xffff  }
0x233: {  	v43 =	vor.u32 s25, v1;
	_ =	sdelay $0x3  }
0x234: {  	[tilespmem:$0xBA80] =	vst v5  }
0x235: {  	v5 =	vld.idx.msk [tilespmem:v43+s11+$0x0], $0xffff  }
0x236: {  	v44 =	vor.u32 s25, v2;
	_ =	sdelay $0x3  }
0x237: {  	[tilespmem:$0xBA90] =	vst v5;
	s20 =	spop (v2sf)  }
0x238: {  	v5 =	vld.idx.msk [tilespmem:v44+s11+$0x0], $0xffff;
	s26 =	sshra.s32 s20, $0x1F  }
0x239: {  	v45 =	vor.u32 s25, v3;
	s28 =	sshrl.u32 s26, $0x19  }
0x23a: {  	s24 =	sadd.s32 s28, s20  }
0x23b: {  	s29 =	sand.u32 $0xFFFFFF80, s24  }
0x23c: {  	p3 =	slt.s32 s20, $0x1;
	p4 =	sne.s32 s20, s29  }
0x23d: {  	[tilespmem:$0xBAA0] =	vst v5;
	p0 =	por !p3, !p4  }
0x23e: {  	s25 =	simm.s32 $0x1;
	v5 =	vld.idx.msk [tilespmem:v45+s11+$0x0], $0xffff;
	p0 =	por !p0, !p0  }
0x23f: {  	s24 =	sshrl.u32 s24, $0x7;
	s25 =	simm.s32 @!p0 $0x0  }
0x240: {  	s24 =	ssub.s32 s24, s25  }
0x241: {  	s24 =	sshll.u32 s24, $0x7  }
0x242: {  	s24 =	sand.u32 $0x1FFFFF80, s24  }
0x243: {  	s30 =	sand.u32 $0x7F, s21;
	[tilespmem:$0xBAB0] =	vst v5;
	s24 =	sadd.s32 s1, s24  }
0x244: {  	[tilespmem:s11], [sflag:$0x1] =	stream.strided.gather [hbm4b:s24+s9], $0x2000, s10, s9, $0x38;
	[tilespmem:$0xC080] =	vst v63  }
0x245: {  	v5 =	vor.u32 s30, v0;
	_ =	swait.ge [sflag:s15], $0x2000  }
0x246: {  	(v2sf) =	vpush v4, $0x9;
	_ =	sdelay $0x1  }
0x247: {  	[sflag:s15] =	ssyncset.done $0x0  }
0x248: {  	[sflag:s15] =	ssyncadd.s32 $0xFFFFE000  }
0x249: {  	v5 =	vld.idx.msk [tilespmem:v5+s12+$0x0], $0xffff  }
0x24a: {  	v46 =	vor.u32 s30, v1;
	_ =	sdelay $0x3  }
0x24b: {  	[tilespmem:$0xBB00] =	vst v5  }
0x24c: {  	v5 =	vld.idx.msk [tilespmem:v46+s12+$0x0], $0xffff  }
0x24d: {  	v47 =	vor.u32 s30, v2;
	_ =	sdelay $0x3  }
0x24e: {  	[tilespmem:$0xBB10] =	vst v5;
	s21 =	spop (v2sf)  }
0x24f: {  	v5 =	vld.idx.msk [tilespmem:v47+s12+$0x0], $0xffff;
	s31 =	sshra.s32 s21, $0x1F  }
0x250: {  	v48 =	vor.u32 s30, v3;
	s25 =	sshrl.u32 s31, $0x19  }
0x251: {  	s24 =	sadd.s32 s25, s21  }
0x252: {  	s26 =	sand.u32 $0xFFFFFF80, s24  }
0x253: {  	p5 =	slt.s32 s21, $0x1;
	p6 =	sne.s32 s21, s26  }
0x254: {  	[tilespmem:$0xBB20] =	vst v5;
	p0 =	por !p5, !p6  }
0x255: {  	s25 =	simm.s32 $0x1;
	v5 =	vld.idx.msk [tilespmem:v48+s12+$0x0], $0xffff;
	p0 =	por !p0, !p0  }
0x256: {  	s24 =	sshrl.u32 s24, $0x7;
	s25 =	simm.s32 @!p0 $0x0  }
0x257: {  	s24 =	ssub.s32 s24, s25  }
0x258: {  	s24 =	sshll.u32 s24, $0x7  }
0x259: {  	s24 =	sand.u32 $0x1FFFFF80, s24  }
0x25a: {  	s28 =	sand.u32 $0x7F, s23;
	[tilespmem:$0xBB30] =	vst v5;
	s24 =	sadd.s32 s1, s24  }
0x25b: {  	[tilespmem:s12], [sflag:$0x2] =	stream.strided.gather [hbm4b:s24+s9], $0x2000, s10, s9, $0x38;
	[tilespmem:$0xC080] =	vst v63  }
0x25c: {  	v5 =	vor.u32 s28, v0;
	_ =	swait.ge [sflag:s16], $0x2000  }
0x25d: {  	(v2sf) =	vpush v4, $0xA;
	_ =	sdelay $0x1  }
0x25e: {  	[sflag:s16] =	ssyncset.done $0x0  }
0x25f: {  	[sflag:s16] =	ssyncadd.s32 $0xFFFFE000  }
0x260: {  	v5 =	vld.idx.msk [tilespmem:v5+s13+$0x0], $0xffff  }
0x261: {  	v49 =	vor.u32 s28, v1;
	_ =	sdelay $0x3  }
0x262: {  	[tilespmem:$0xBB80] =	vst v5  }
0x263: {  	v5 =	vld.idx.msk [tilespmem:v49+s13+$0x0], $0xffff  }
0x264: {  	v50 =	vor.u32 s28, v2;
	_ =	sdelay $0x3  }
0x265: {  	[tilespmem:$0xBB90] =	vst v5;
	s23 =	spop (v2sf)  }
0x266: {  	v5 =	vld.idx.msk [tilespmem:v50+s13+$0x0], $0xffff;
	s29 =	sshra.s32 s23, $0x1F  }
0x267: {  	v51 =	vor.u32 s28, v3;
	s30 =	sshrl.u32 s29, $0x19  }
0x268: {  	s24 =	sadd.s32 s30, s23  }
0x269: {  	s31 =	sand.u32 $0xFFFFFF80, s24  }
0x26a: {  	p1 =	slt.s32 s23, $0x1;
	p2 =	sne.s32 s23, s31  }
0x26b: {  	[tilespmem:$0xBBA0] =	vst v5;
	p0 =	por !p1, !p2  }
0x26c: {  	s25 =	simm.s32 $0x1;
	v5 =	vld.idx.msk [tilespmem:v51+s13+$0x0], $0xffff;
	p0 =	por !p0, !p0  }
0x26d: {  	s24 =	sshrl.u32 s24, $0x7;
	s25 =	simm.s32 @!p0 $0x0  }
0x26e: {  	s24 =	ssub.s32 s24, s25  }
0x26f: {  	s24 =	sshll.u32 s24, $0x7  }
0x270: {  	s24 =	sand.u32 $0x1FFFFF80, s24  }
0x271: {  	s25 =	sand.u32 $0x7F, s22;
	[tilespmem:$0xBBB0] =	vst v5;
	s24 =	sadd.s32 s1, s24  }
0x272: {  	[tilespmem:s13], [sflag:$0x3] =	stream.strided.gather [hbm4b:s24+s9], $0x2000, s10, s9, $0x38;
	[tilespmem:$0xC080] =	vst v63  }
0x273: {  	v5 =	vor.u32 s25, v0;
	_ =	swait.ge [sflag:s17], $0x2000  }
0x274: {  	(v2sf) =	vpush v4, $0xB;
	_ =	sdelay $0x1  }
0x275: {  	[sflag:s17] =	ssyncset.done $0x0  }
0x276: {  	[sflag:s17] =	ssyncadd.s32 $0xFFFFE000  }
0x277: {  	v5 =	vld.idx.msk [tilespmem:v5+s14+$0x0], $0xffff  }
0x278: {  	v52 =	vor.u32 s25, v1;
	_ =	sdelay $0x3  }
0x279: {  	[tilespmem:$0xBC00] =	vst v5  }
0x27a: {  	v5 =	vld.idx.msk [tilespmem:v52+s14+$0x0], $0xffff  }
0x27b: {  	v53 =	vor.u32 s25, v2;
	_ =	sdelay $0x3  }
0x27c: {  	[tilespmem:$0xBC10] =	vst v5;
	s22 =	spop (v2sf)  }
0x27d: {  	v5 =	vld.idx.msk [tilespmem:v53+s14+$0x0], $0xffff;
	s26 =	sshra.s32 s22, $0x1F  }
0x27e: {  	v54 =	vor.u32 s25, v3;
	s28 =	sshrl.u32 s26, $0x19  }
0x27f: {  	s24 =	sadd.s32 s28, s22  }
0x280: {  	s29 =	sand.u32 $0xFFFFFF80, s24  }
0x281: {  	p3 =	slt.s32 s22, $0x1;
	p4 =	sne.s32 s22, s29  }
0x282: {  	[tilespmem:$0xBC20] =	vst v5;
	p0 =	por !p3, !p4  }
0x283: {  	s25 =	simm.s32 $0x1;
	v5 =	vld.idx.msk [tilespmem:v54+s14+$0x0], $0xffff;
	p0 =	por !p0, !p0  }
0x284: {  	s24 =	sshrl.u32 s24, $0x7;
	s25 =	simm.s32 @!p0 $0x0  }
0x285: {  	s24 =	ssub.s32 s24, s25  }
0x286: {  	s24 =	sshll.u32 s24, $0x7  }
0x287: {  	s24 =	sand.u32 $0x1FFFFF80, s24  }
0x288: {  	s30 =	sand.u32 $0x7F, s20;
	[tilespmem:$0xBC30] =	vst v5;
	s24 =	sadd.s32 s1, s24  }
0x289: {  	[tilespmem:s14], [sflag:$0x4] =	stream.strided.gather [hbm4b:s24+s9], $0x2000, s10, s9, $0x38;
	[tilespmem:$0xC080] =	vst v63  }
0x28a: {  	v5 =	vor.u32 s30, v0;
	_ =	swait.ge [sflag:s8], $0x2000  }
0x28b: {  	(v2sf) =	vpush v4, $0xC;
	_ =	sdelay $0x1  }
0x28c: {  	[sflag:s8] =	ssyncset.done $0x0  }
0x28d: {  	[sflag:s8] =	ssyncadd.s32 $0xFFFFE000  }
0x28e: {  	v5 =	vld.idx.msk [tilespmem:v5+s11+$0x0], $0xffff  }
0x28f: {  	v55 =	vor.u32 s30, v1;
	_ =	sdelay $0x3  }
0x290: {  	[tilespmem:$0xBC80] =	vst v5  }
0x291: {  	v5 =	vld.idx.msk [tilespmem:v55+s11+$0x0], $0xffff  }
0x292: {  	v56 =	vor.u32 s30, v2;
	_ =	sdelay $0x3  }
0x293: {  	[tilespmem:$0xBC90] =	vst v5;
	s20 =	spop (v2sf)  }
0x294: {  	v5 =	vld.idx.msk [tilespmem:v56+s11+$0x0], $0xffff;
	s31 =	sshra.s32 s20, $0x1F  }
0x295: {  	v57 =	vor.u32 s30, v3;
	s25 =	sshrl.u32 s31, $0x19  }
0x296: {  	s24 =	sadd.s32 s25, s20  }
0x297: {  	s26 =	sand.u32 $0xFFFFFF80, s24  }
0x298: {  	p5 =	slt.s32 s20, $0x1;
	p6 =	sne.s32 s20, s26  }
0x299: {  	[tilespmem:$0xBCA0] =	vst v5;
	p0 =	por !p5, !p6  }
0x29a: {  	s25 =	simm.s32 $0x1;
	v5 =	vld.idx.msk [tilespmem:v57+s11+$0x0], $0xffff;
	p0 =	por !p0, !p0  }
0x29b: {  	s24 =	sshrl.u32 s24, $0x7;
	s25 =	simm.s32 @!p0 $0x0  }
0x29c: {  	s24 =	ssub.s32 s24, s25  }
0x29d: {  	s24 =	sshll.u32 s24, $0x7  }
0x29e: {  	s24 =	sand.u32 $0x1FFFFF80, s24  }
0x29f: {  	s28 =	sand.u32 $0x7F, s21;
	[tilespmem:$0xBCB0] =	vst v5;
	s24 =	sadd.s32 s1, s24  }
0x2a0: {  	[tilespmem:s11], [sflag:$0x1] =	stream.strided.gather [hbm4b:s24+s9], $0x2000, s10, s9, $0x38;
	[tilespmem:$0xC080] =	vst v63  }
0x2a1: {  	v5 =	vor.u32 s28, v0;
	_ =	swait.ge [sflag:s15], $0x2000  }
0x2a2: {  	(v2sf) =	vpush v4, $0xD;
	_ =	sdelay $0x1  }
0x2a3: {  	[sflag:s15] =	ssyncset.done $0x0  }
0x2a4: {  	[sflag:s15] =	ssyncadd.s32 $0xFFFFE000  }
0x2a5: {  	v5 =	vld.idx.msk [tilespmem:v5+s12+$0x0], $0xffff  }
0x2a6: {  	v58 =	vor.u32 s28, v1;
	_ =	sdelay $0x3  }
0x2a7: {  	[tilespmem:$0xBD00] =	vst v5  }
0x2a8: {  	v5 =	vld.idx.msk [tilespmem:v58+s12+$0x0], $0xffff  }
0x2a9: {  	v59 =	vor.u32 s28, v2;
	_ =	sdelay $0x3  }
0x2aa: {  	[tilespmem:$0xBD10] =	vst v5;
	s21 =	spop (v2sf)  }
0x2ab: {  	v5 =	vld.idx.msk [tilespmem:v59+s12+$0x0], $0xffff;
	s29 =	sshra.s32 s21, $0x1F  }
0x2ac: {  	v60 =	vor.u32 s28, v3;
	s30 =	sshrl.u32 s29, $0x19  }
0x2ad: {  	s24 =	sadd.s32 s30, s21  }
0x2ae: {  	s31 =	sand.u32 $0xFFFFFF80, s24  }
0x2af: {  	p1 =	slt.s32 s21, $0x1;
	p2 =	sne.s32 s21, s31  }
0x2b0: {  	[tilespmem:$0xBD20] =	vst v5;
	p0 =	por !p1, !p2  }
0x2b1: {  	s25 =	simm.s32 $0x1;
	v5 =	vld.idx.msk [tilespmem:v60+s12+$0x0], $0xffff;
	p0 =	por !p0, !p0  }
0x2b2: {  	s24 =	sshrl.u32 s24, $0x7;
	s25 =	simm.s32 @!p0 $0x0  }
0x2b3: {  	s24 =	ssub.s32 s24, s25  }
0x2b4: {  	s24 =	sshll.u32 s24, $0x7  }
0x2b5: {  	s24 =	sand.u32 $0x1FFFFF80, s24  }
0x2b6: {  	s25 =	sand.u32 $0x7F, s23;
	[tilespmem:$0xBD30] =	vst v5;
	s24 =	sadd.s32 s1, s24  }
0x2b7: {  	[tilespmem:s12], [sflag:$0x2] =	stream.strided.gather [hbm4b:s24+s9], $0x2000, s10, s9, $0x38;
	[tilespmem:$0xC080] =	vst v63  }
0x2b8: {  	v5 =	vor.u32 s25, v0;
	_ =	swait.ge [sflag:s16], $0x2000  }
0x2b9: {  	(v2sf) =	vpush v4, $0xE;
	_ =	sdelay $0x1  }
0x2ba: {  	[sflag:s16] =	ssyncset.done $0x0  }
0x2bb: {  	[sflag:s16] =	ssyncadd.s32 $0xFFFFE000  }
0x2bc: {  	v5 =	vld.idx.msk [tilespmem:v5+s13+$0x0], $0xffff  }
0x2bd: {  	v61 =	vor.u32 s25, v1;
	_ =	sdelay $0x3  }
0x2be: {  	[tilespmem:$0xBD80] =	vst v5  }
0x2bf: {  	v5 =	vld.idx.msk [tilespmem:v61+s13+$0x0], $0xffff  }
0x2c0: {  	v62 =	vor.u32 s25, v2;
	_ =	sdelay $0x3  }
0x2c1: {  	[tilespmem:$0xBD90] =	vst v5;
	s23 =	spop (v2sf)  }
0x2c2: {  	v5 =	vld.idx.msk [tilespmem:v62+s13+$0x0], $0xffff;
	s26 =	sshra.s32 s23, $0x1F  }
0x2c3: {  	v63 =	vor.u32 s25, v3;
	s28 =	sshrl.u32 s26, $0x19  }
0x2c4: {  	s24 =	sadd.s32 s28, s23  }
0x2c5: {  	s29 =	sand.u32 $0xFFFFFF80, s24  }
0x2c6: {  	p3 =	slt.s32 s23, $0x1;
	p4 =	sne.s32 s23, s29  }
0x2c7: {  	[tilespmem:$0xBDA0] =	vst v5;
	p0 =	por !p3, !p4  }
0x2c8: {  	s25 =	simm.s32 $0x1;
	v5 =	vld.idx.msk [tilespmem:v63+s13+$0x0], $0xffff;
	p0 =	por !p0, !p0  }
0x2c9: {  	s24 =	sshrl.u32 s24, $0x7;
	s25 =	simm.s32 @!p0 $0x0  }
0x2ca: {  	s24 =	ssub.s32 s24, s25  }
0x2cb: {  	s24 =	sshll.u32 s24, $0x7  }
0x2cc: {  	s24 =	sand.u32 $0x1FFFFF80, s24  }
0x2cd: {  	s30 =	sand.u32 $0x7F, s22;
	[tilespmem:$0xBDB0] =	vst v5;
	s24 =	sadd.s32 s1, s24  }
0x2ce: {  	[tilespmem:s13], [sflag:$0x3] =	stream.strided.gather [hbm4b:s24+s9], $0x2000, s10, s9, $0x38;
	[tilespmem:$0xC080] =	vst v63  }
0x2cf: {  	v5 =	vor.u32 s30, v0;
	_ =	swait.ge [sflag:s17], $0x2000  }
0x2d0: {  	(v2sf) =	vpush v4, $0xF;
	_ =	sdelay $0x1  }
0x2d1: {  	[sflag:s17] =	ssyncset.done $0x0  }
0x2d2: {  	[sflag:s17] =	ssyncadd.s32 $0xFFFFE000  }
0x2d3: {  	v4 =	vld.idx.msk [tilespmem:v5+s14+$0x0], $0xffff  }
0x2d4: {  	v5 =	vor.u32 s30, v1;
	_ =	sdelay $0x3  }
0x2d5: {  	[tilespmem:$0xBE00] =	vst v4  }
0x2d6: {  	v4 =	vld.idx.msk [tilespmem:v5+s14+$0x0], $0xffff  }
0x2d7: {  	v5 =	vor.u32 s30, v2;
	_ =	sdelay $0x3  }
0x2d8: {  	[tilespmem:$0xBE10] =	vst v4;
	s22 =	spop (v2sf)  }
0x2d9: {  	v4 =	vld.idx.msk [tilespmem:v5+s14+$0x0], $0xffff;
	s31 =	sshra.s32 s22, $0x1F  }
0x2da: {  	v5 =	vor.u32 s30, v3;
	s26 =	sshrl.u32 s31, $0x19  }
0x2db: {  	s24 =	sadd.s32 s26, s22  }
0x2dc: {  	s28 =	sand.u32 $0xFFFFFF80, s24  }
0x2dd: {  	p5 =	slt.s32 s22, $0x1;
	p6 =	sne.s32 s22, s28  }
0x2de: {  	[tilespmem:$0xBE20] =	vst v4;
	p0 =	por !p5, !p6  }
0x2df: {  	s25 =	simm.s32 $0x1;
	v4 =	vld.idx.msk [tilespmem:v5+s14+$0x0], $0xffff;
	p0 =	por !p0, !p0  }
0x2e0: {  	s24 =	sshrl.u32 s24, $0x7;
	s25 =	simm.s32 @!p0 $0x0  }
0x2e1: {  	s24 =	ssub.s32 s24, s25  }
0x2e2: {  	s24 =	sshll.u32 s24, $0x7  }
0x2e3: {  	s20 =	sand.u32 $0x7F, s20;
	s24 =	sand.u32 $0x1FFFFF80, s24  }
0x2e4: {  	[tilespmem:$0xBE30] =	vst v4;
	v4 =	vor.u32 s20, v0;
	s24 =	sadd.s32 s1, s24  }
0x2e5: {  	[tilespmem:s14], [sflag:$0x4] =	stream.strided.gather [hbm4b:s24+s9], $0x2000, s10, s9, $0x38;
	[tilespmem:$0xC080] =	vst v63  }
0x2e6: {  	_ =	swait.ge [sflag:s8], $0x2000  }
0x2e7: {  	[sflag:s8] =	ssyncset.done $0x0  }
0x2e8: {  	[sflag:s8] =	ssyncadd.s32 $0xFFFFE000  }
0x2e9: {  	v4 =	vld.idx.msk [tilespmem:v4+s11+$0x0], $0xffff  }
0x2ea: {  	v5 =	vor.u32 s20, v1;
	_ =	sdelay $0x3  }
0x2eb: {  	[tilespmem:$0xBE80] =	vst v4  }
0x2ec: {  	v4 =	vld.idx.msk [tilespmem:v5+s11+$0x0], $0xffff  }
0x2ed: {  	v5 =	vor.u32 s20, v2;
	_ =	sdelay $0x3  }
0x2ee: {  	[tilespmem:$0xBE90] =	vst v4  }
0x2ef: {  	v4 =	vld.idx.msk [tilespmem:v5+s11+$0x0], $0xffff  }
0x2f0: {  	v5 =	vor.u32 s20, v3;
	_ =	sdelay $0x3  }
0x2f1: {  	[tilespmem:$0xBEA0] =	vst v4  }
0x2f2: {  	v4 =	vld.idx.msk [tilespmem:v5+s11+$0x0], $0xffff;
	_ =	sdelay $0x2  }
0x2f3: {  	s29 =	sand.u32 $0x7F, s21  }
0x2f4: {  	v5 =	vor.u32 s29, v0  }
0x2f5: {  	[tilespmem:$0xBEB0] =	vst v4  }
0x2f6: {  	_ =	swait.ge [sflag:s15], $0x2000  }
0x2f7: {  	[sflag:s15] =	ssyncset.done $0x0  }
0x2f8: {  	[sflag:s15] =	ssyncadd.s32 $0xFFFFE000  }
0x2f9: {  	v4 =	vld.idx.msk [tilespmem:v5+s12+$0x0], $0xffff  }
0x2fa: {  	v5 =	vor.u32 s29, v1;
	_ =	sdelay $0x3  }
0x2fb: {  	[tilespmem:$0xBF00] =	vst v4  }
0x2fc: {  	v4 =	vld.idx.msk [tilespmem:v5+s12+$0x0], $0xffff  }
0x2fd: {  	v5 =	vor.u32 s29, v2;
	_ =	sdelay $0x3  }
0x2fe: {  	[tilespmem:$0xBF10] =	vst v4  }
0x2ff: {  	v4 =	vld.idx.msk [tilespmem:v5+s12+$0x0], $0xffff  }
0x300: {  	v5 =	vor.u32 s29, v3;
	_ =	sdelay $0x3  }
0x301: {  	[tilespmem:$0xBF20] =	vst v4  }
0x302: {  	v4 =	vld.idx.msk [tilespmem:v5+s12+$0x0], $0xffff;
	_ =	sdelay $0x2  }
0x303: {  	s30 =	sand.u32 $0x7F, s23  }
0x304: {  	v5 =	vor.u32 s30, v0  }
0x305: {  	[tilespmem:$0xBF30] =	vst v4  }
0x306: {  	_ =	swait.ge [sflag:s16], $0x2000  }
0x307: {  	[sflag:s16] =	ssyncset.done $0x0  }
0x308: {  	[sflag:s16] =	ssyncadd.s32 $0xFFFFE000  }
0x309: {  	v4 =	vld.idx.msk [tilespmem:v5+s13+$0x0], $0xffff  }
0x30a: {  	v5 =	vor.u32 s30, v1;
	_ =	sdelay $0x3  }
0x30b: {  	[tilespmem:$0xBF80] =	vst v4  }
0x30c: {  	v4 =	vld.idx.msk [tilespmem:v5+s13+$0x0], $0xffff  }
0x30d: {  	v5 =	vor.u32 s30, v2;
	_ =	sdelay $0x3  }
0x30e: {  	[tilespmem:$0xBF90] =	vst v4  }
0x30f: {  	v4 =	vld.idx.msk [tilespmem:v5+s13+$0x0], $0xffff  }
0x310: {  	v5 =	vor.u32 s30, v3;
	_ =	sdelay $0x3  }
0x311: {  	[tilespmem:$0xBFA0] =	vst v4  }
0x312: {  	v4 =	vld.idx.msk [tilespmem:v5+s13+$0x0], $0xffff;
	_ =	sdelay $0x2  }
0x313: {  	s31 =	sand.u32 $0x7F, s22  }
0x314: {  	v5 =	vor.u32 s31, v0  }
0x315: {  	[tilespmem:$0xBFB0] =	vst v4  }
0x316: {  	_ =	swait.ge [sflag:s17], $0x2000  }
0x317: {  	[sflag:s17] =	ssyncset.done $0x0  }
0x318: {  	[sflag:s17] =	ssyncadd.s32 $0xFFFFE000  }
0x319: {  	v4 =	vld.idx.msk [tilespmem:v5+s14+$0x0], $0xffff  }
0x31a: {  	v5 =	vor.u32 s31, v1;
	_ =	sdelay $0x3  }
0x31b: {  	[tilespmem:$0xC000] =	vst v4  }
0x31c: {  	v4 =	vld.idx.msk [tilespmem:v5+s14+$0x0], $0xffff  }
0x31d: {  	v5 =	vor.u32 s31, v2;
	_ =	sdelay $0x3  }
0x31e: {  	[tilespmem:$0xC010] =	vst v4  }
0x31f: {  	v4 =	vld.idx.msk [tilespmem:v5+s14+$0x0], $0xffff  }
0x320: {  	v5 =	vor.u32 s31, v3;
	_ =	sdelay $0x3  }
0x321: {  	[tilespmem:$0xC020] =	vst v4  }
0x322: {  	v4 =	vld.idx.msk [tilespmem:v5+s14+$0x0], $0xffff;
	_ =	sdelay $0x2  }
0x323: {  	s19 =	sadd.s32 $0x1, s19  }
0x324: {  	p0 =	sne.s32 s19, s6  }
.Ltmp1:
0x325: {  	[tilespmem:$0xC030] =	vst v4;
	(pc) =	sbr.rel @p0 .LBB2_1-.Ltmp1, $4  }
0x326: {  	[hbm4b:s5+s3] =	stream.linear.scatter [tilespmem:s18], [sflag:$0x5], $0x4000, $0x38;
	[tilespmem:$0xC080] =	vst v63  }
0x327: {  	_ =	swait.ge [sflag:s7], $0x4000  }
0x328: {  	[sflag:s7] =	ssyncset.done $0x0  }
0x329: {  	[sflag:s7] =	ssyncadd.s32 $0xFFFFC000  }
0x32a: {  	_ =	sfence.sel $0x180000  }
0x32b: {  	[bflag:$0x0] =	sbarrier.arrive $0xFFFF  }
0x32c: {  	p0 =	sne.s32 s2, $0x0;
	_ =	strace $0x9000004A  }
0x32d: {  	s0 =	sadd.s32 @!p0 $0x100000, s0;
	[bflag:$0x2] =	sbarrier.arrive $0xFFFF  }
0x32e: {  	[sflag:s0] =	ssyncadd.tile.s32 @!p0 $0x1;
	_ =	shalt  }
.Lfunc_end2:
_tile_overlayer_lowered:
.L_overlay_start_2:
0x32f: {  	(tag) =	ssettag $0x2  }
0x330: {  	s0 =	rddreg [dreg:$0x0];
	s2 =	stileid.u32  }
0x331: {  	s1 =	rddreg [dreg:$0x1];
	p0 =	sne.s32 s2, $0x0  }
0x332: {  	s3 =	rddreg [dreg:$0x2];
	[bflag:$0x3] =	sbarrier.arrive $0xFFFF;
	s2 =	simm.s32 @!p0 $0x1C05  }
0x333: {  	[timem:s3], [sflag:s2] =	dma.local @!p0 [hbm:s0], s1  }
0x334: {  	s0 =	simm.s32 @!p0 $0x5  }
0x335: {  	_ =	swait.ge @!p0 [sflag:s0], s1  }
0x336: {  	s1 =	ssub.s32 @!p0 $0x0, s1;
	[sflag:s0] =	ssyncset.done @!p0 $0x0  }
0x337: {  	[sflag:s0] =	ssyncadd.s32 @!p0 s1  }
0x338: {  	[bflag:$0x3] =	sbarrier.arrive $0xFFFF  }
0x339: {  	_ =	shalt  }

</sc_bundles>
